<compile_context>
chip_gen: v7x
topology: tpu7x:2x2x1
jax: 0.10.2.dev20260603
libtpu: 0.0.44.dev20260713+nightly
codegen_flags: <defaults>
</compile_context>

<pallas_src>
import functools

import jax
import jax.numpy as jnp
from jax import lax
from jax.experimental import pallas as pl
from jax.experimental.pallas import tpu as pltpu
from jax.experimental.pallas import tpu_sc as plsc

NB = 1024
PIX_T = 8192
WIN = 16384
NWORK = 32
LANES = 16



def _bucketize_body(logits_ref, labels_ref, out_ref):
    xt = logits_ref[...]
    c, nb, _ = xt.shape
    lab4 = labels_ref[...]
    cls = lax.broadcasted_iota(jnp.int32, (c, PIX_T), 0)
    lane = lax.broadcasted_iota(jnp.int32, (c, PIX_T), 1) & 15
    for b in range(nb):
        x = xt[:, b, :]
        e = jnp.exp(x)
        r = NB / jnp.sum(e, axis=0, keepdims=True)
        lab = lab4[b:b + 1, :]
        fg = lab == cls
        scaled = jnp.where(fg, NB - e * r, e * r)
        bk = jnp.minimum(scaled.astype(jnp.int32), NB - 1)
        code = bk + jnp.where(fg, NB, 0)
        out_ref[b] = (code << 4) + lane


def _bucketize(logits_t, labels, half, nhalf):
    C, B, N = logits_t.shape
    nt = nhalf // PIX_T
    return pl.pallas_call(
        _bucketize_body,
        grid=(nt,),
        in_specs=[
            pl.BlockSpec((C, B, PIX_T), lambda t, o=half * nt: (0, 0, t + o)),
            pl.BlockSpec((B, PIX_T), lambda t, o=half * nt: (0, t + o)),
        ],
        out_specs=pl.BlockSpec((B, C, PIX_T), lambda t: (0, 0, t)),
        out_shape=jax.ShapeDtypeStruct((B, C, nhalf), jnp.int32),
    )(logits_t, labels)



def _sc_hist_body(codes_hbm, out_hbm, hist_a, win0, win1, red, sem0,
                  sem1, sem_out, *, nclass, rows, n):
    nwin = n // WIN
    wid = lax.axis_index("s") * 2 + lax.axis_index("c")
    lanes = lax.iota(jnp.int32, 16)
    ones = jnp.full((16,), 1, jnp.int32)
    zeros = jnp.zeros((16,), jnp.int32)
    bufs = (win0, win1)
    sems = (sem0, sem1)

    def do_row(row):
        rb = row // nclass
        rc = row % nclass
        def zbody(i, carry):
            for u in range(16):
                hist_a[pl.ds((i * 16 + u) * 16, 16)] = zeros
            return carry
        lax.fori_loop(0, (2 * NB * 16) // 256, zbody, 0)

        for par in range(2):
            pltpu.make_async_copy(
                codes_hbm.at[rb, rc, pl.ds(par * WIN, WIN)], bufs[par],
                sems[par]
            ).start()

        def wbody(i, carry):
            for par in range(2):
                w = i * 2 + par
                buf = bufs[par]
                pltpu.make_async_copy(
                    codes_hbm.at[rb, rc, pl.ds(w * WIN, WIN)], buf, sems[par]
                ).wait()

                @plsc.parallel_loop(0, WIN // 16, unroll=16)
                def gbody(g):
                    addr = buf[pl.ds(g * 16, 16)]
                    plsc.addupdate_scatter(hist_a, [addr], ones)

                nxt = w + 2

                @pl.when(nxt < nwin)
                def _():
                    pltpu.make_async_copy(
                        codes_hbm.at[rb, rc, pl.ds(nxt * WIN, WIN)], buf,
                        sems[par]
                    ).start()
            return carry
        lax.fori_loop(0, nwin // 2, wbody, 0)

        def rbody(i, carry):
            j0 = i * 16
            acc = jnp.zeros((16,), jnp.int32)
            base = ((j0 + lanes) << 4)
            for l in range(16):
                idx = base + ((lanes + l) & 15)
                acc = acc + plsc.load_gather(hist_a, [idx])
            red[pl.ds(j0, 16)] = acc
            return carry
        lax.fori_loop(0, (2 * NB) // 16, rbody, 0)

        pltpu.make_async_copy(red, out_hbm.at[row], sem_out).start()
        pltpu.make_async_copy(red, out_hbm.at[row], sem_out).wait()

    for r in range((rows + NWORK - 1) // NWORK):
        row = wid + r * NWORK

        @pl.when(row < rows)
        def _():
            do_row(row)


def _sc_hist(codes):
    nb, nc, n = codes.shape
    rows = nb * nc
    mesh = plsc.VectorSubcoreMesh(core_axis_name="c", subcore_axis_name="s")
    return pl.kernel(
        functools.partial(_sc_hist_body, nclass=nc, rows=rows, n=n),
        out_type=jax.ShapeDtypeStruct((rows, 2 * NB), jnp.int32),
        mesh=mesh,
        scratch_types=[
            pltpu.VMEM((2 * NB * 16,), jnp.int32),
            pltpu.VMEM((WIN,), jnp.int32),
            pltpu.VMEM((WIN,), jnp.int32),
            pltpu.VMEM((2 * NB,), jnp.int32),
            pltpu.SemaphoreType.DMA,
            pltpu.SemaphoreType.DMA,
            pltpu.SemaphoreType.DMA,
        ],
        compiler_params=pltpu.CompilerParams(needs_layout_passes=False),
    )(codes)



def _combine_body(hist0_ref, hist1_ref, out_ref, *, npix):
    h = (hist0_ref[...] + hist1_ref[...]).astype(jnp.float32)
    q = h[:, :NB]
    m = h[:, NB:]
    ii = lax.broadcasted_iota(jnp.int32, (NB, NB), 0)
    jj = lax.broadcasted_iota(jnp.int32, (NB, NB), 1)
    tri = (ii <= jj).astype(jnp.float32)
    dot = functools.partial(
        jnp.dot, precision=lax.Precision.HIGHEST,
        preferred_element_type=jnp.float32)
    s = dot(m, tri)
    t = dot(q, tri)
    v = (lax.broadcasted_iota(jnp.int32, q.shape, 1).astype(jnp.float32)
         + 0.5) / NB
    den1 = npix - t
    den2 = den1 + q
    terms = v * (s / jnp.maximum(den1, 1.0) - (s - m) / jnp.maximum(den2, 1.0))
    loss = jnp.sum(terms, axis=1, keepdims=True)
    p_tot = s[:, NB - 1:NB]
    pres = (p_tot > 0).astype(jnp.float32)
    total = jnp.sum(loss * pres)
    cnt = jnp.sum(pres)
    val = jnp.where(cnt > 0, total / cnt, jnp.float32(0.0))
    out_ref[...] = jnp.full((1, 1), val, jnp.float32)


def _combine(hist0, hist1, npix):
    return pl.pallas_call(
        functools.partial(_combine_body, npix=float(npix)),
        out_shape=jax.ShapeDtypeStruct((1, 1), jnp.float32),
    )(hist0, hist1)


def kernel(logits, labels):
    B, C, N = logits.shape
    logits_t = jnp.transpose(logits, (1, 0, 2))
    codes0 = _bucketize(logits_t, labels, 0, N // 2)
    hist0 = _sc_hist(codes0)
    codes1 = _bucketize(logits_t, labels, 1, N // 2)
    hist1 = _sc_hist(codes1)
    return _combine(hist0, hist1, N)[0, 0]

# --- scband reference (transcript-rebuilt; emitter-appended) ---
"""Pipeline reference for scband-lovasz-softmax-loss-13314398617788 (READ-ONLY COPY).

The authoritative reference and input builder live on the scoring server;
editing this copy changes nothing except your own understanding.
"""

import jax, jax.numpy as jnp
import numpy as np


def setup_inputs(seed: int = 0) -> dict:
    key = jax.random.key(seed)
    k1, k2 = jax.random.split(key)
    logits = jax.random.normal(k1, (4, 21, 262144), dtype=jnp.float32)
    labels = jax.random.randint(k2, (4, 262144), 0, 21)
    return {"logits": logits, "labels": labels}


def _lovasz_grad(gt_sorted):
    gts = jnp.sum(gt_sorted)
    intersection = gts - jnp.cumsum(gt_sorted)
    union = gts + jnp.cumsum(1.0 - gt_sorted)
    jaccard = 1.0 - intersection / union
    # jaccard[1:] -= jaccard[:-1]
    jaccard = jnp.concatenate([jaccard[:1], jaccard[1:] - jaccard[:-1]])
    return jaccard


def _per_class_loss(prob_c, fg):
    # prob_c: [N] softmax prob of class c; fg: [N] binary foreground mask
    errors = jnp.abs(fg - prob_c)
    perm = jnp.argsort(-errors)  # descending sort of errors
    errors_sorted = errors[perm]
    fg_sorted = fg[perm]
    grad = _lovasz_grad(fg_sorted)
    return jnp.dot(errors_sorted, grad)


def reference(logits, labels):
    B, C, N = logits.shape
    probs = jax.nn.softmax(logits, axis=1)
    # fg[b, c, n] = 1.0 if labels[b, n] == c
    fg = (labels[:, None, :] == jnp.arange(C)[None, :, None]).astype(jnp.float32)
    # vmap over batch, then over class
    per_bc = jax.vmap(jax.vmap(_per_class_loss))
    losses = per_bc(probs, fg)  # [B, C]
    # classes='present': only average over classes present in each image
    present = (jnp.sum(fg, axis=2) > 0).astype(jnp.float32)  # [B, C]
    total = jnp.sum(losses * present)
    cnt = jnp.sum(present)
    return jnp.where(cnt > 0, total / cnt, jnp.float32(0.0))

if __name__ == "__main__":
    import jax
    _d = setup_inputs()
    print(jax.jit(kernel)(*tuple(_d.values())))

</pallas_src>

<mosaic_0001>
#map = affine_map<(d0, d1) -> (0, 0, 0)>
#map1 = affine_map<(d0, d1) -> (0, 0)>
module attributes {stable_mosaic.version = 14 : i64} {
  func.func @_sc_hist_body(%arg0: i32, %arg1: i32, %arg2: memref<4x21x131072xi32, #tpu.memory_space<hbm>>, %arg3: memref<84x2048xi32, #tpu.memory_space<hbm>>, %arg4: memref<32768xi32, #tpu.memory_space<vmem>>, %arg5: memref<16384xi32, #tpu.memory_space<vmem>>, %arg6: memref<16384xi32, #tpu.memory_space<vmem>>, %arg7: memref<2048xi32, #tpu.memory_space<vmem>>, %arg8: memref<!tpu.dma_semaphore, #tpu.memory_space<semaphore_mem>>, %arg9: memref<!tpu.dma_semaphore, #tpu.memory_space<semaphore_mem>>, %arg10: memref<!tpu.dma_semaphore, #tpu.memory_space<semaphore_mem>>) attributes {dimension_semantics = [#tpu.dimension_semantics<core_parallel>, #tpu.dimension_semantics<subcore_parallel>], iteration_bounds = array<i64: 2, 16>, scalar_prefetch = 0 : i64, scratch_operands = 7 : i64, tpu.core_type = #tpu.core_type<sc_vector_subcore>, window_params = [{transform_indices = #map}, {transform_indices = #map1}]} {
    %mul3A = arith.constant 2 : i32
    %mul3A_0 = arith.muli %arg1, %mul3A : i32
    %add3A = arith.addi %mul3A_0, %arg0 : i32
    %iota3A = tpu.iota {dimensions = array<i32: 0>} : vector<16xi32>
    %broadcast_in_dim3A = arith.constant 1 : i32
    %broadcast_in_dim3A_1 = vector.broadcast %broadcast_in_dim3A : i32 to vector<16xi32>
    %broadcast_in_dim3A_2 = arith.constant 0 : i32
    %broadcast_in_dim3A_3 = vector.broadcast %broadcast_in_dim3A_2 : i32 to vector<16xi32>
    %add3A_4 = arith.constant 0 : i32
    %add3A_5 = arith.addi %add3A, %add3A_4 : i32
    %lt3A = arith.constant 84 : i32
    %lt3A_6 = arith.cmpi slt, %add3A_5, %lt3A : i32
    %convert_element_type3A = arith.extui %lt3A_6 : i1 to i32
    %cond3A = arith.constant 0 : i32
    %cond3A_7 = arith.cmpi ne, %convert_element_type3A, %cond3A : i32
    scf.if %cond3A_7 {
      %jit3A = arith.constant 21 : i32
      %div3A = arith.divsi %add3A_5, %jit3A : i32
      %sign3A = arith.constant 0 : i32
      %sign3A_22 = arith.cmpi sgt, %add3A_5, %sign3A : i32
      %sign3A_23 = arith.extui %sign3A_22 : i1 to i32
      %sign3A_24 = arith.constant 0 : i32
      %sign3A_25 = arith.cmpi slt, %add3A_5, %sign3A_24 : i32
      %sign3A_26 = arith.extui %sign3A_25 : i1 to i32
      %sign3A_27 = arith.subi %sign3A_23, %sign3A_26 : i32
      %sign3A_28 = arith.constant 0 : i32
      %sign3A_29 = arith.cmpi sgt, %jit3A, %sign3A_28 : i32
      %sign3A_30 = arith.extui %sign3A_29 : i1 to i32
      %sign3A_31 = arith.constant 0 : i32
      %sign3A_32 = arith.cmpi slt, %jit3A, %sign3A_31 : i32
      %sign3A_33 = arith.extui %sign3A_32 : i1 to i32
      %sign3A_34 = arith.subi %sign3A_30, %sign3A_33 : i32
      %ne3A = arith.cmpi ne, %sign3A_27, %sign3A_34 : i32
      %rem3A = arith.remsi %add3A_5, %jit3A : i32
      %ne3A_35 = arith.constant 0 : i32
      %ne3A_36 = arith.cmpi ne, %rem3A, %ne3A_35 : i32
      %and3A = arith.andi %ne3A, %ne3A_36 : i1
      %sub3A = arith.constant 1 : i32
      %sub3A_37 = arith.subi %div3A, %sub3A : i32
      %select_n3A = arith.select %and3A, %sub3A_37, %div3A : i32
      %jit3A_38 = arith.constant 21 : i32
      %eq3A = arith.constant 0 : i32
      %eq3A_39 = arith.cmpi eq, %jit3A_38, %eq3A : i32
      %jit3A_40 = arith.constant 1 : i32
      %select_n3A_41 = arith.select %eq3A_39, %jit3A_40, %jit3A_38 : i32
      %rem3A_42 = arith.remsi %add3A_5, %select_n3A_41 : i32
      %ne3A_43 = arith.constant 0 : i32
      %ne3A_44 = arith.cmpi ne, %rem3A_42, %ne3A_43 : i32
      %lt3A_45 = arith.constant 0 : i32
      %lt3A_46 = arith.cmpi slt, %rem3A_42, %lt3A_45 : i32
      %lt3A_47 = arith.constant 0 : i32
      %lt3A_48 = arith.cmpi slt, %select_n3A_41, %lt3A_47 : i32
      %ne3A_49 = arith.xori %lt3A_46, %lt3A_48 : i1
      %and3A_50 = arith.andi %ne3A_49, %ne3A_44 : i1
      %add3A_51 = arith.addi %rem3A_42, %select_n3A_41 : i32
      %select_n3A_52 = arith.select %and3A_50, %add3A_51, %rem3A_42 : i32
      %scan3A = arith.constant 0 : i32
      %scan3A_53 = arith.constant 0 : i32
      %scan3A_54 = arith.constant 128 : i32
      %scan3A_55 = arith.addi %scan3A_53, %scan3A_54 : i32
      %scan3A_56 = arith.constant 1 : i32
      scf.for %scan3A_92 = %scan3A_53 to %scan3A_55 step %scan3A_56  : i32 {
        %mul3A_93 = arith.constant 16 : i32
        %mul3A_94 = arith.muli %scan3A_92, %mul3A_93 : i32
        %add3A_95 = arith.constant 0 : i32
        %add3A_96 = arith.addi %mul3A_94, %add3A_95 : i32
        %mul3A_97 = arith.constant 16 : i32
        %mul3A_98 = arith.muli %add3A_96, %mul3A_97 : i32
        %swap3A = arith.index_cast %mul3A_98 : i32 to index
        %swap3A_99 = tpu.vector_load %arg4[%swap3A] {strides = array<i32>} : memref<32768xi32, #tpu.memory_space<vmem>>, vector<16xi32>,
        tpu.vector_store %arg4[%swap3A], %broadcast_in_dim3A_3 {strides = array<i32>} : memref<32768xi32, #tpu.memory_space<vmem>>, vector<16xi32>,
        %mul3A_100 = arith.constant 16 : i32
        %mul3A_101 = arith.muli %scan3A_92, %mul3A_100 : i32
        %add3A_102 = arith.constant 1 : i32
        %add3A_103 = arith.addi %mul3A_101, %add3A_102 : i32
        %mul3A_104 = arith.constant 16 : i32
        %mul3A_105 = arith.muli %add3A_103, %mul3A_104 : i32
        %swap3A_106 = arith.index_cast %mul3A_105 : i32 to index
        %swap3A_107 = tpu.vector_load %arg4[%swap3A_106] {strides = array<i32>} : memref<32768xi32, #tpu.memory_space<vmem>>, vector<16xi32>,
        tpu.vector_store %arg4[%swap3A_106], %broadcast_in_dim3A_3 {strides = array<i32>} : memref<32768xi32, #tpu.memory_space<vmem>>, vector<16xi32>,
        %mul3A_108 = arith.constant 16 : i32
        %mul3A_109 = arith.muli %scan3A_92, %mul3A_108 : i32
        %add3A_110 = arith.constant 2 : i32
        %add3A_111 = arith.addi %mul3A_109, %add3A_110 : i32
        %mul3A_112 = arith.constant 16 : i32
        %mul3A_113 = arith.muli %add3A_111, %mul3A_112 : i32
        %swap3A_114 = arith.index_cast %mul3A_113 : i32 to index
        %swap3A_115 = tpu.vector_load %arg4[%swap3A_114] {strides = array<i32>} : memref<32768xi32, #tpu.memory_space<vmem>>, vector<16xi32>,
        tpu.vector_store %arg4[%swap3A_114], %broadcast_in_dim3A_3 {strides = array<i32>} : memref<32768xi32, #tpu.memory_space<vmem>>, vector<16xi32>,
        %mul3A_116 = arith.constant 16 : i32
        %mul3A_117 = arith.muli %scan3A_92, %mul3A_116 : i32
        %add3A_118 = arith.constant 3 : i32
        %add3A_119 = arith.addi %mul3A_117, %add3A_118 : i32
        %mul3A_120 = arith.constant 16 : i32
        %mul3A_121 = arith.muli %add3A_119, %mul3A_120 : i32
        %swap3A_122 = arith.index_cast %mul3A_121 : i32 to index
        %swap3A_123 = tpu.vector_load %arg4[%swap3A_122] {strides = array<i32>} : memref<32768xi32, #tpu.memory_space<vmem>>, vector<16xi32>,
        tpu.vector_store %arg4[%swap3A_122], %broadcast_in_dim3A_3 {strides = array<i32>} : memref<32768xi32, #tpu.memory_space<vmem>>, vector<16xi32>,
        %mul3A_124 = arith.constant 16 : i32
        %mul3A_125 = arith.muli %scan3A_92, %mul3A_124 : i32
        %add3A_126 = arith.constant 4 : i32
        %add3A_127 = arith.addi %mul3A_125, %add3A_126 : i32
        %mul3A_128 = arith.constant 16 : i32
        %mul3A_129 = arith.muli %add3A_127, %mul3A_128 : i32
        %swap3A_130 = arith.index_cast %mul3A_129 : i32 to index
        %swap3A_131 = tpu.vector_load %arg4[%swap3A_130] {strides = array<i32>} : memref<32768xi32, #tpu.memory_space<vmem>>, vector<16xi32>,
        tpu.vector_store %arg4[%swap3A_130], %broadcast_in_dim3A_3 {strides = array<i32>} : memref<32768xi32, #tpu.memory_space<vmem>>, vector<16xi32>,
        %mul3A_132 = arith.constant 16 : i32
        %mul3A_133 = arith.muli %scan3A_92, %mul3A_132 : i32
        %add3A_134 = arith.constant 5 : i32
        %add3A_135 = arith.addi %mul3A_133, %add3A_134 : i32
        %mul3A_136 = arith.constant 16 : i32
        %mul3A_137 = arith.muli %add3A_135, %mul3A_136 : i32
        %swap3A_138 = arith.index_cast %mul3A_137 : i32 to index
        %swap3A_139 = tpu.vector_load %arg4[%swap3A_138] {strides = array<i32>} : memref<32768xi32, #tpu.memory_space<vmem>>, vector<16xi32>,
        tpu.vector_store %arg4[%swap3A_138], %broadcast_in_dim3A_3 {strides = array<i32>} : memref<32768xi32, #tpu.memory_space<vmem>>, vector<16xi32>,
        %mul3A_140 = arith.constant 16 : i32
        %mul3A_141 = arith.muli %scan3A_92, %mul3A_140 : i32
        %add3A_142 = arith.constant 6 : i32
        %add3A_143 = arith.addi %mul3A_141, %add3A_142 : i32
        %mul3A_144 = arith.constant 16 : i32
        %mul3A_145 = arith.muli %add3A_143, %mul3A_144 : i32
        %swap3A_146 = arith.index_cast %mul3A_145 : i32 to index
        %swap3A_147 = tpu.vector_load %arg4[%swap3A_146] {strides = array<i32>} : memref<32768xi32, #tpu.memory_space<vmem>>, vector<16xi32>,
        tpu.vector_store %arg4[%swap3A_146], %broadcast_in_dim3A_3 {strides = array<i32>} : memref<32768xi32, #tpu.memory_space<vmem>>, vector<16xi32>,
        %mul3A_148 = arith.constant 16 : i32
        %mul3A_149 = arith.muli %scan3A_92, %mul3A_148 : i32
        %add3A_150 = arith.constant 7 : i32
        %add3A_151 = arith.addi %mul3A_149, %add3A_150 : i32
        %mul3A_152 = arith.constant 16 : i32
        %mul3A_153 = arith.muli %add3A_151, %mul3A_152 : i32
        %swap3A_154 = arith.index_cast %mul3A_153 : i32 to index
        %swap3A_155 = tpu.vector_load %arg4[%swap3A_154] {strides = array<i32>} : memref<32768xi32, #tpu.memory_space<vmem>>, vector<16xi32>,
        tpu.vector_store %arg4[%swap3A_154], %broadcast_in_dim3A_3 {strides = array<i32>} : memref<32768xi32, #tpu.memory_space<vmem>>, vector<16xi32>,
        %mul3A_156 = arith.constant 16 : i32
        %mul3A_157 = arith.muli %scan3A_92, %mul3A_156 : i32
        %add3A_158 = arith.constant 8 : i32
        %add3A_159 = arith.addi %mul3A_157, %add3A_158 : i32
        %mul3A_160 = arith.constant 16 : i32
        %mul3A_161 = arith.muli %add3A_159, %mul3A_160 : i32
        %swap3A_162 = arith.index_cast %mul3A_161 : i32 to index
        %swap3A_163 = tpu.vector_load %arg4[%swap3A_162] {strides = array<i32>} : memref<32768xi32, #tpu.memory_space<vmem>>, vector<16xi32>,
        tpu.vector_store %arg4[%swap3A_162], %broadcast_in_dim3A_3 {strides = array<i32>} : memref<32768xi32, #tpu.memory_space<vmem>>, vector<16xi32>,
        %mul3A_164 = arith.constant 16 : i32
        %mul3A_165 = arith.muli %scan3A_92, %mul3A_164 : i32
        %add3A_166 = arith.constant 9 : i32
        %add3A_167 = arith.addi %mul3A_165, %add3A_166 : i32
        %mul3A_168 = arith.constant 16 : i32
        %mul3A_169 = arith.muli %add3A_167, %mul3A_168 : i32
        %swap3A_170 = arith.index_cast %mul3A_169 : i32 to index
        %swap3A_171 = tpu.vector_load %arg4[%swap3A_170] {strides = array<i32>} : memref<32768xi32, #tpu.memory_space<vmem>>, vector<16xi32>,
        tpu.vector_store %arg4[%swap3A_170], %broadcast_in_dim3A_3 {strides = array<i32>} : memref<32768xi32, #tpu.memory_space<vmem>>, vector<16xi32>,
        %mul3A_172 = arith.constant 16 : i32
        %mul3A_173 = arith.muli %scan3A_92, %mul3A_172 : i32
        %add3A_174 = arith.constant 10 : i32
        %add3A_175 = arith.addi %mul3A_173, %add3A_174 : i32
        %mul3A_176 = arith.constant 16 : i32
        %mul3A_177 = arith.muli %add3A_175, %mul3A_176 : i32
        %swap3A_178 = arith.index_cast %mul3A_177 : i32 to index
        %swap3A_179 = tpu.vector_load %arg4[%swap3A_178] {strides = array<i32>} : memref<32768xi32, #tpu.memory_space<vmem>>, vector<16xi32>,
        tpu.vector_store %arg4[%swap3A_178], %broadcast_in_dim3A_3 {strides = array<i32>} : memref<32768xi32, #tpu.memory_space<vmem>>, vector<16xi32>,
        %mul3A_180 = arith.constant 16 : i32
        %mul3A_181 = arith.muli %scan3A_92, %mul3A_180 : i32
        %add3A_182 = arith.constant 11 : i32
        %add3A_183 = arith.addi %mul3A_181, %add3A_182 : i32
        %mul3A_184 = arith.constant 16 : i32
        %mul3A_185 = arith.muli %add3A_183, %mul3A_184 : i32
        %swap3A_186 = arith.index_cast %mul3A_185 : i32 to index
        %swap3A_187 = tpu.vector_load %arg4[%swap3A_186] {strides = array<i32>} : memref<32768xi32, #tpu.memory_space<vmem>>, vector<16xi32>,
        tpu.vector_store %arg4[%swap3A_186], %broadcast_in_dim3A_3 {strides = array<i32>} : memref<32768xi32, #tpu.memory_space<vmem>>, vector<16xi32>,
        %mul3A_188 = arith.constant 16 : i32
        %mul3A_189 = arith.muli %scan3A_92, %mul3A_188 : i32
        %add3A_190 = arith.constant 12 : i32
        %add3A_191 = arith.addi %mul3A_189, %add3A_190 : i32
        %mul3A_192 = arith.constant 16 : i32
        %mul3A_193 = arith.muli %add3A_191, %mul3A_192 : i32
        %swap3A_194 = arith.index_cast %mul3A_193 : i32 to index
        %swap3A_195 = tpu.vector_load %arg4[%swap3A_194] {strides = array<i32>} : memref<32768xi32, #tpu.memory_space<vmem>>, vector<16xi32>,
        tpu.vector_store %arg4[%swap3A_194], %broadcast_in_dim3A_3 {strides = array<i32>} : memref<32768xi32, #tpu.memory_space<vmem>>, vector<16xi32>,
        %mul3A_196 = arith.constant 16 : i32
        %mul3A_197 = arith.muli %scan3A_92, %mul3A_196 : i32
        %add3A_198 = arith.constant 13 : i32
        %add3A_199 = arith.addi %mul3A_197, %add3A_198 : i32
        %mul3A_200 = arith.constant 16 : i32
        %mul3A_201 = arith.muli %add3A_199, %mul3A_200 : i32
        %swap3A_202 = arith.index_cast %mul3A_201 : i32 to index
        %swap3A_203 = tpu.vector_load %arg4[%swap3A_202] {strides = array<i32>} : memref<32768xi32, #tpu.memory_space<vmem>>, vector<16xi32>,
        tpu.vector_store %arg4[%swap3A_202], %broadcast_in_dim3A_3 {strides = array<i32>} : memref<32768xi32, #tpu.memory_space<vmem>>, vector<16xi32>,
        %mul3A_204 = arith.constant 16 : i32
        %mul3A_205 = arith.muli %scan3A_92, %mul3A_204 : i32
        %add3A_206 = arith.constant 14 : i32
        %add3A_207 = arith.addi %mul3A_205, %add3A_206 : i32
        %mul3A_208 = arith.constant 16 : i32
        %mul3A_209 = arith.muli %add3A_207, %mul3A_208 : i32
        %swap3A_210 = arith.index_cast %mul3A_209 : i32 to index
        %swap3A_211 = tpu.vector_load %arg4[%swap3A_210] {strides = array<i32>} : memref<32768xi32, #tpu.memory_space<vmem>>, vector<16xi32>,
        tpu.vector_store %arg4[%swap3A_210], %broadcast_in_dim3A_3 {strides = array<i32>} : memref<32768xi32, #tpu.memory_space<vmem>>, vector<16xi32>,
        %mul3A_212 = arith.constant 16 : i32
        %mul3A_213 = arith.muli %scan3A_92, %mul3A_212 : i32
        %add3A_214 = arith.constant 15 : i32
        %add3A_215 = arith.addi %mul3A_213, %add3A_214 : i32
        %mul3A_216 = arith.constant 16 : i32
        %mul3A_217 = arith.muli %add3A_215, %mul3A_216 : i32
        %swap3A_218 = arith.index_cast %mul3A_217 : i32 to index
        %swap3A_219 = tpu.vector_load %arg4[%swap3A_218] {strides = array<i32>} : memref<32768xi32, #tpu.memory_space<vmem>>, vector<16xi32>,
        tpu.vector_store %arg4[%swap3A_218], %broadcast_in_dim3A_3 {strides = array<i32>} : memref<32768xi32, #tpu.memory_space<vmem>>, vector<16xi32>,
      }
      %scan3A_57 = arith.constant 128 : i32
      %dma_start3A = arith.constant 0 : i32
      %dma_start3A_58 = tpu.memref_slice %arg2[%select_n3A, %select_n3A_52, %dma_start3A] : memref<4x21x131072xi32, #tpu.memory_space<hbm>> -> memref<1x1x16384xi32, #tpu.memory_space<hbm>>
      %dma_start3A_59 = tpu.memref_squeeze %dma_start3A_58 : memref<1x1x16384xi32, #tpu.memory_space<hbm>> -> memref<16384xi32, #tpu.memory_space<hbm>>
      %dma_start3A_60 = arith.constant 0 : i32
      %dma_start3A_61 = tpu.memref_slice %arg2[%select_n3A, %select_n3A_52, %dma_start3A_60] : memref<4x21x131072xi32, #tpu.memory_space<hbm>> -> memref<1x1x16384xi32, #tpu.memory_space<hbm>>
      %dma_start3A_62 = tpu.memref_squeeze %dma_start3A_61 : memref<1x1x16384xi32, #tpu.memory_space<hbm>> -> memref<16384xi32, #tpu.memory_space<hbm>>
      tpu.enqueue_dma source(%dma_start3A_62 : memref<16384xi32, #tpu.memory_space<hbm>>) target(%arg5 : memref<16384xi32, #tpu.memory_space<vmem>>) target_semaphore(%arg8 : memref<!tpu.dma_semaphore, #tpu.memory_space<semaphore_mem>>)
      %dma_start3A_63 = arith.constant 16384 : i32
      %dma_start3A_64 = tpu.memref_slice %arg2[%select_n3A, %select_n3A_52, %dma_start3A_63] : memref<4x21x131072xi32, #tpu.memory_space<hbm>> -> memref<1x1x16384xi32, #tpu.memory_space<hbm>>
      %dma_start3A_65 = tpu.memref_squeeze %dma_start3A_64 : memref<1x1x16384xi32, #tpu.memory_space<hbm>> -> memref<16384xi32, #tpu.memory_space<hbm>>
      %dma_start3A_66 = arith.constant 16384 : i32
      %dma_start3A_67 = tpu.memref_slice %arg2[%select_n3A, %select_n3A_52, %dma_start3A_66] : memref<4x21x131072xi32, #tpu.memory_space<hbm>> -> memref<1x1x16384xi32, #tpu.memory_space<hbm>>
      %dma_start3A_68 = tpu.memref_squeeze %dma_start3A_67 : memref<1x1x16384xi32, #tpu.memory_space<hbm>> -> memref<16384xi32, #tpu.memory_space<hbm>>
      tpu.enqueue_dma source(%dma_start3A_68 : memref<16384xi32, #tpu.memory_space<hbm>>) target(%arg6 : memref<16384xi32, #tpu.memory_space<vmem>>) target_semaphore(%arg9 : memref<!tpu.dma_semaphore, #tpu.memory_space<semaphore_mem>>)
      %scan3A_69 = arith.constant 0 : i32
      %scan3A_70 = arith.constant 0 : i32
      %scan3A_71 = arith.constant 4 : i32
      %scan3A_72 = arith.addi %scan3A_70, %scan3A_71 : i32
      %scan3A_73 = arith.constant 1 : i32
      scf.for %scan3A_92 = %scan3A_70 to %scan3A_72 step %scan3A_73  : i32 {
        %mul3A_93 = arith.constant 2 : i32
        %mul3A_94 = arith.muli %scan3A_92, %mul3A_93 : i32
        %add3A_95 = arith.constant 0 : i32
        %add3A_96 = arith.addi %mul3A_94, %add3A_95 : i32
        %mul3A_97 = arith.constant 16384 : i32
        %mul3A_98 = arith.muli %add3A_96, %mul3A_97 : i32
        %dma_wait3A_99 = tpu.memref_slice %arg2[%select_n3A, %select_n3A_52, %mul3A_98] : memref<4x21x131072xi32, #tpu.memory_space<hbm>> -> memref<1x1x16384xi32, #tpu.memory_space<hbm>>
        %dma_wait3A_100 = tpu.memref_squeeze %dma_wait3A_99 : memref<1x1x16384xi32, #tpu.memory_space<hbm>> -> memref<16384xi32, #tpu.memory_space<hbm>>
        %dma_wait3A_101 = tpu.memref_slice %arg2[%select_n3A, %select_n3A_52, %mul3A_98] : memref<4x21x131072xi32, #tpu.memory_space<hbm>> -> memref<1x1x16384xi32, #tpu.memory_space<hbm>>
        %dma_wait3A_102 = tpu.memref_squeeze %dma_wait3A_101 : memref<1x1x16384xi32, #tpu.memory_space<hbm>> -> memref<16384xi32, #tpu.memory_space<hbm>>
        tpu.wait_dma2 semaphore(%arg8 : memref<!tpu.dma_semaphore, #tpu.memory_space<semaphore_mem>>) src(%dma_wait3A_102 : memref<16384xi32, #tpu.memory_space<hbm>>) dst(%arg5 : memref<16384xi32, #tpu.memory_space<vmem>>)
        %parallel_loop3A = arith.constant 0 : i32
        %parallel_loop3A_103 = arith.constant 1024 : i32
        %parallel_loop3A_104 = arith.constant 1 : i32
        scf.for %parallel_loop3A_132 = %parallel_loop3A to %parallel_loop3A_103 step %parallel_loop3A_104  : i32 {
          %parallel_loop3A_133 = arith.constant 16 : i32
          %parallel_loop3A_134 = arith.muli %parallel_loop3A_132, %parallel_loop3A_133 : i32
          %parallel_loop3A_135 = arith.index_cast %parallel_loop3A_134 : i32 to index
          %parallel_loop3A_136 = tpu.vector_load %arg5[%parallel_loop3A_135] {strides = array<i32>} : memref<16384xi32, #tpu.memory_space<vmem>>, vector<16xi32>,
          tpu.vector_store_idx %arg4[%parallel_loop3A_136], %broadcast_in_dim3A_1 {add = true} : memref<32768xi32, #tpu.memory_space<vmem>>[vector<16xi32>], vector<16xi32>,
        } {sc.loop_unroll_factor = 16 : i64, sc.parallel_access}
        %add3A_105 = arith.constant 2 : i32
        %add3A_106 = arith.addi %add3A_96, %add3A_105 : i32
        %lt3A_107 = arith.constant 8 : i32
        %lt3A_108 = arith.cmpi slt, %add3A_106, %lt3A_107 : i32
        %convert_element_type3A_109 = arith.extui %lt3A_108 : i1 to i32
        %cond3A_110 = arith.constant 0 : i32
        %cond3A_111 = arith.cmpi ne, %convert_element_type3A_109, %cond3A_110 : i32
        scf.if %cond3A_111 {
          %mul3A_132 = arith.constant 16384 : i32
          %mul3A_133 = arith.muli %add3A_106, %mul3A_132 : i32
          %dma_start3A_134 = tpu.memref_slice %arg2[%select_n3A, %select_n3A_52, %mul3A_133] : memref<4x21x131072xi32, #tpu.memory_space<hbm>> -> memref<1x1x16384xi32, #tpu.memory_space<hbm>>
          %dma_start3A_135 = tpu.memref_squeeze %dma_start3A_134 : memref<1x1x16384xi32, #tpu.memory_space<hbm>> -> memref<16384xi32, #tpu.memory_space<hbm>>
          %dma_start3A_136 = tpu.memref_slice %arg2[%select_n3A, %select_n3A_52, %mul3A_133] : memref<4x21x131072xi32, #tpu.memory_space<hbm>> -> memref<1x1x16384xi32, #tpu.memory_space<hbm>>
          %dma_start3A_137 = tpu.memref_squeeze %dma_start3A_136 : memref<1x1x16384xi32, #tpu.memory_space<hbm>> -> memref<16384xi32, #tpu.memory_space<hbm>>
          tpu.enqueue_dma source(%dma_start3A_137 : memref<16384xi32, #tpu.memory_space<hbm>>) target(%arg5 : memref<16384xi32, #tpu.memory_space<vmem>>) target_semaphore(%arg8 : memref<!tpu.dma_semaphore, #tpu.memory_space<semaphore_mem>>)
        } else {
        }
        %mul3A_112 = arith.constant 2 : i32
        %mul3A_113 = arith.muli %scan3A_92, %mul3A_112 : i32
        %add3A_114 = arith.constant 1 : i32
        %add3A_115 = arith.addi %mul3A_113, %add3A_114 : i32
        %mul3A_116 = arith.constant 16384 : i32
        %mul3A_117 = arith.muli %add3A_115, %mul3A_116 : i32
        %dma_wait3A_118 = tpu.memref_slice %arg2[%select_n3A, %select_n3A_52, %mul3A_117] : memref<4x21x131072xi32, #tpu.memory_space<hbm>> -> memref<1x1x16384xi32, #tpu.memory_space<hbm>>
        %dma_wait3A_119 = tpu.memref_squeeze %dma_wait3A_118 : memref<1x1x16384xi32, #tpu.memory_space<hbm>> -> memref<16384xi32, #tpu.memory_space<hbm>>
        %dma_wait3A_120 = tpu.memref_slice %arg2[%select_n3A, %select_n3A_52, %mul3A_117] : memref<4x21x131072xi32, #tpu.memory_space<hbm>> -> memref<1x1x16384xi32, #tpu.memory_space<hbm>>
        %dma_wait3A_121 = tpu.memref_squeeze %dma_wait3A_120 : memref<1x1x16384xi32, #tpu.memory_space<hbm>> -> memref<16384xi32, #tpu.memory_space<hbm>>
        tpu.wait_dma2 semaphore(%arg9 : memref<!tpu.dma_semaphore, #tpu.memory_space<semaphore_mem>>) src(%dma_wait3A_121 : memref<16384xi32, #tpu.memory_space<hbm>>) dst(%arg6 : memref<16384xi32, #tpu.memory_space<vmem>>)
        %parallel_loop3A_122 = arith.constant 0 : i32
        %parallel_loop3A_123 = arith.constant 1024 : i32
        %parallel_loop3A_124 = arith.constant 1 : i32
        scf.for %parallel_loop3A_132 = %parallel_loop3A_122 to %parallel_loop3A_123 step %parallel_loop3A_124  : i32 {
          %parallel_loop3A_133 = arith.constant 16 : i32
          %parallel_loop3A_134 = arith.muli %parallel_loop3A_132, %parallel_loop3A_133 : i32
          %parallel_loop3A_135 = arith.index_cast %parallel_loop3A_134 : i32 to index
          %parallel_loop3A_136 = tpu.vector_load %arg6[%parallel_loop3A_135] {strides = array<i32>} : memref<16384xi32, #tpu.memory_space<vmem>>, vector<16xi32>,
          tpu.vector_store_idx %arg4[%parallel_loop3A_136], %broadcast_in_dim3A_1 {add = true} : memref<32768xi32, #tpu.memory_space<vmem>>[vector<16xi32>], vector<16xi32>,
        } {sc.loop_unroll_factor = 16 : i64, sc.parallel_access}
        %add3A_125 = arith.constant 2 : i32
        %add3A_126 = arith.addi %add3A_115, %add3A_125 : i32
        %lt3A_127 = arith.constant 8 : i32
        %lt3A_128 = arith.cmpi slt, %add3A_126, %lt3A_127 : i32
        %convert_element_type3A_129 = arith.extui %lt3A_128 : i1 to i32
        %cond3A_130 = arith.constant 0 : i32
        %cond3A_131 = arith.cmpi ne, %convert_element_type3A_129, %cond3A_130 : i32
        scf.if %cond3A_131 {
          %mul3A_132 = arith.constant 16384 : i32
          %mul3A_133 = arith.muli %add3A_126, %mul3A_132 : i32
          %dma_start3A_134 = tpu.memref_slice %arg2[%select_n3A, %select_n3A_52, %mul3A_133] : memref<4x21x131072xi32, #tpu.memory_space<hbm>> -> memref<1x1x16384xi32, #tpu.memory_space<hbm>>
          %dma_start3A_135 = tpu.memref_squeeze %dma_start3A_134 : memref<1x1x16384xi32, #tpu.memory_space<hbm>> -> memref<16384xi32, #tpu.memory_space<hbm>>
          %dma_start3A_136 = tpu.memref_slice %arg2[%select_n3A, %select_n3A_52, %mul3A_133] : memref<4x21x131072xi32, #tpu.memory_space<hbm>> -> memref<1x1x16384xi32, #tpu.memory_space<hbm>>
          %dma_start3A_137 = tpu.memref_squeeze %dma_start3A_136 : memref<1x1x16384xi32, #tpu.memory_space<hbm>> -> memref<16384xi32, #tpu.memory_space<hbm>>
          tpu.enqueue_dma source(%dma_start3A_137 : memref<16384xi32, #tpu.memory_space<hbm>>) target(%arg6 : memref<16384xi32, #tpu.memory_space<vmem>>) target_semaphore(%arg9 : memref<!tpu.dma_semaphore, #tpu.memory_space<semaphore_mem>>)
        } else {
        }
      }
      %scan3A_74 = arith.constant 4 : i32
      %scan3A_75 = arith.constant 0 : i32
      %scan3A_76 = arith.constant 0 : i32
      %scan3A_77 = arith.constant 128 : i32
      %scan3A_78 = arith.addi %scan3A_76, %scan3A_77 : i32
      %scan3A_79 = arith.constant 1 : i32
      scf.for %scan3A_92 = %scan3A_76 to %scan3A_78 step %scan3A_79  : i32 {
        %mul3A_93 = arith.constant 16 : i32
        %mul3A_94 = arith.muli %scan3A_92, %mul3A_93 : i32
        %broadcast_in_dim3A_95 = arith.constant 0 : i32
        %broadcast_in_dim3A_96 = vector.broadcast %broadcast_in_dim3A_95 : i32 to vector<16xi32>
        %add3A_97 = vector.broadcast %mul3A_94 : i32 to vector<16xi32>
        %add3A_98 = arith.addi %add3A_97, %iota3A : vector<16xi32>
        %shift_left3A = arith.constant 4 : i32
        %shift_left3A_99 = vector.broadcast %shift_left3A : i32 to vector<16xi32>
        %shift_left3A_100 = arith.shli %add3A_98, %shift_left3A_99 : vector<16xi32>
        %add3A_101 = arith.constant 0 : i32
        %add3A_102 = vector.broadcast %add3A_101 : i32 to vector<16xi32>
        %add3A_103 = arith.addi %iota3A, %add3A_102 : vector<16xi32>
        %and3A_104 = arith.constant 15 : i32
        %and3A_105 = vector.broadcast %and3A_104 : i32 to vector<16xi32>
        %and3A_106 = arith.andi %add3A_103, %and3A_105 : vector<16xi32>
        %add3A_107 = arith.addi %shift_left3A_100, %and3A_106 : vector<16xi32>
        %gather3A = tpu.vector_load_idx %arg4[%add3A_107] : memref<32768xi32, #tpu.memory_space<vmem>>[vector<16xi32>], vector<16xi32>,
        %add3A_108 = arith.addi %broadcast_in_dim3A_96, %gather3A : vector<16xi32>
        %add3A_109 = arith.constant 1 : i32
        %add3A_110 = vector.broadcast %add3A_109 : i32 to vector<16xi32>
        %add3A_111 = arith.addi %iota3A, %add3A_110 : vector<16xi32>
        %and3A_112 = arith.constant 15 : i32
        %and3A_113 = vector.broadcast %and3A_112 : i32 to vector<16xi32>
        %and3A_114 = arith.andi %add3A_111, %and3A_113 : vector<16xi32>
        %add3A_115 = arith.addi %shift_left3A_100, %and3A_114 : vector<16xi32>
        %gather3A_116 = tpu.vector_load_idx %arg4[%add3A_115] : memref<32768xi32, #tpu.memory_space<vmem>>[vector<16xi32>], vector<16xi32>,
        %add3A_117 = arith.addi %add3A_108, %gather3A_116 : vector<16xi32>
        %add3A_118 = arith.constant 2 : i32
        %add3A_119 = vector.broadcast %add3A_118 : i32 to vector<16xi32>
        %add3A_120 = arith.addi %iota3A, %add3A_119 : vector<16xi32>
        %and3A_121 = arith.constant 15 : i32
        %and3A_122 = vector.broadcast %and3A_121 : i32 to vector<16xi32>
        %and3A_123 = arith.andi %add3A_120, %and3A_122 : vector<16xi32>
        %add3A_124 = arith.addi %shift_left3A_100, %and3A_123 : vector<16xi32>
        %gather3A_125 = tpu.vector_load_idx %arg4[%add3A_124] : memref<32768xi32, #tpu.memory_space<vmem>>[vector<16xi32>], vector<16xi32>,
        %add3A_126 = arith.addi %add3A_117, %gather3A_125 : vector<16xi32>
        %add3A_127 = arith.constant 3 : i32
        %add3A_128 = vector.broadcast %add3A_127 : i32 to vector<16xi32>
        %add3A_129 = arith.addi %iota3A, %add3A_128 : vector<16xi32>
        %and3A_130 = arith.constant 15 : i32
        %and3A_131 = vector.broadcast %and3A_130 : i32 to vector<16xi32>
        %and3A_132 = arith.andi %add3A_129, %and3A_131 : vector<16xi32>
        %add3A_133 = arith.addi %shift_left3A_100, %and3A_132 : vector<16xi32>
        %gather3A_134 = tpu.vector_load_idx %arg4[%add3A_133] : memref<32768xi32, #tpu.memory_space<vmem>>[vector<16xi32>], vector<16xi32>,
        %add3A_135 = arith.addi %add3A_126, %gather3A_134 : vector<16xi32>
        %add3A_136 = arith.constant 4 : i32
        %add3A_137 = vector.broadcast %add3A_136 : i32 to vector<16xi32>
        %add3A_138 = arith.addi %iota3A, %add3A_137 : vector<16xi32>
        %and3A_139 = arith.constant 15 : i32
        %and3A_140 = vector.broadcast %and3A_139 : i32 to vector<16xi32>
        %and3A_141 = arith.andi %add3A_138, %and3A_140 : vector<16xi32>
        %add3A_142 = arith.addi %shift_left3A_100, %and3A_141 : vector<16xi32>
        %gather3A_143 = tpu.vector_load_idx %arg4[%add3A_142] : memref<32768xi32, #tpu.memory_space<vmem>>[vector<16xi32>], vector<16xi32>,
        %add3A_144 = arith.addi %add3A_135, %gather3A_143 : vector<16xi32>
        %add3A_145 = arith.constant 5 : i32
        %add3A_146 = vector.broadcast %add3A_145 : i32 to vector<16xi32>
        %add3A_147 = arith.addi %iota3A, %add3A_146 : vector<16xi32>
        %and3A_148 = arith.constant 15 : i32
        %and3A_149 = vector.broadcast %and3A_148 : i32 to vector<16xi32>
        %and3A_150 = arith.andi %add3A_147, %and3A_149 : vector<16xi32>
        %add3A_151 = arith.addi %shift_left3A_100, %and3A_150 : vector<16xi32>
        %gather3A_152 = tpu.vector_load_idx %arg4[%add3A_151] : memref<32768xi32, #tpu.memory_space<vmem>>[vector<16xi32>], vector<16xi32>,
        %add3A_153 = arith.addi %add3A_144, %gather3A_152 : vector<16xi32>
        %add3A_154 = arith.constant 6 : i32
        %add3A_155 = vector.broadcast %add3A_154 : i32 to vector<16xi32>
        %add3A_156 = arith.addi %iota3A, %add3A_155 : vector<16xi32>
        %and3A_157 = arith.constant 15 : i32
        %and3A_158 = vector.broadcast %and3A_157 : i32 to vector<16xi32>
        %and3A_159 = arith.andi %add3A_156, %and3A_158 : vector<16xi32>
        %add3A_160 = arith.addi %shift_left3A_100, %and3A_159 : vector<16xi32>
        %gather3A_161 = tpu.vector_load_idx %arg4[%add3A_160] : memref<32768xi32, #tpu.memory_space<vmem>>[vector<16xi32>], vector<16xi32>,
        %add3A_162 = arith.addi %add3A_153, %gather3A_161 : vector<16xi32>
        %add3A_163 = arith.constant 7 : i32
        %add3A_164 = vector.broadcast %add3A_163 : i32 to vector<16xi32>
        %add3A_165 = arith.addi %iota3A, %add3A_164 : vector<16xi32>
        %and3A_166 = arith.constant 15 : i32
        %and3A_167 = vector.broadcast %and3A_166 : i32 to vector<16xi32>
        %and3A_168 = arith.andi %add3A_165, %and3A_167 : vector<16xi32>
        %add3A_169 = arith.addi %shift_left3A_100, %and3A_168 : vector<16xi32>
        %gather3A_170 = tpu.vector_load_idx %arg4[%add3A_169] : memref<32768xi32, #tpu.memory_space<vmem>>[vector<16xi32>], vector<16xi32>,
        %add3A_171 = arith.addi %add3A_162, %gather3A_170 : vector<16xi32>
        %add3A_172 = arith.constant 8 : i32
        %add3A_173 = vector.broadcast %add3A_172 : i32 to vector<16xi32>
        %add3A_174 = arith.addi %iota3A, %add3A_173 : vector<16xi32>
        %and3A_175 = arith.constant 15 : i32
        %and3A_176 = vector.broadcast %and3A_175 : i32 to vector<16xi32>
        %and3A_177 = arith.andi %add3A_174, %and3A_176 : vector<16xi32>
        %add3A_178 = arith.addi %shift_left3A_100, %and3A_177 : vector<16xi32>
        %gather3A_179 = tpu.vector_load_idx %arg4[%add3A_178] : memref<32768xi32, #tpu.memory_space<vmem>>[vector<16xi32>], vector<16xi32>,
        %add3A_180 = arith.addi %add3A_171, %gather3A_179 : vector<16xi32>
        %add3A_181 = arith.constant 9 : i32
        %add3A_182 = vector.broadcast %add3A_181 : i32 to vector<16xi32>
        %add3A_183 = arith.addi %iota3A, %add3A_182 : vector<16xi32>
        %and3A_184 = arith.constant 15 : i32
        %and3A_185 = vector.broadcast %and3A_184 : i32 to vector<16xi32>
        %and3A_186 = arith.andi %add3A_183, %and3A_185 : vector<16xi32>
        %add3A_187 = arith.addi %shift_left3A_100, %and3A_186 : vector<16xi32>
        %gather3A_188 = tpu.vector_load_idx %arg4[%add3A_187] : memref<32768xi32, #tpu.memory_space<vmem>>[vector<16xi32>], vector<16xi32>,
        %add3A_189 = arith.addi %add3A_180, %gather3A_188 : vector<16xi32>
        %add3A_190 = arith.constant 10 : i32
        %add3A_191 = vector.broadcast %add3A_190 : i32 to vector<16xi32>
        %add3A_192 = arith.addi %iota3A, %add3A_191 : vector<16xi32>
        %and3A_193 = arith.constant 15 : i32
        %and3A_194 = vector.broadcast %and3A_193 : i32 to vector<16xi32>
        %and3A_195 = arith.andi %add3A_192, %and3A_194 : vector<16xi32>
        %add3A_196 = arith.addi %shift_left3A_100, %and3A_195 : vector<16xi32>
        %gather3A_197 = tpu.vector_load_idx %arg4[%add3A_196] : memref<32768xi32, #tpu.memory_space<vmem>>[vector<16xi32>], vector<16xi32>,
        %add3A_198 = arith.addi %add3A_189, %gather3A_197 : vector<16xi32>
        %add3A_199 = arith.constant 11 : i32
        %add3A_200 = vector.broadcast %add3A_199 : i32 to vector<16xi32>
        %add3A_201 = arith.addi %iota3A, %add3A_200 : vector<16xi32>
        %and3A_202 = arith.constant 15 : i32
        %and3A_203 = vector.broadcast %and3A_202 : i32 to vector<16xi32>
        %and3A_204 = arith.andi %add3A_201, %and3A_203 : vector<16xi32>
        %add3A_205 = arith.addi %shift_left3A_100, %and3A_204 : vector<16xi32>
        %gather3A_206 = tpu.vector_load_idx %arg4[%add3A_205] : memref<32768xi32, #tpu.memory_space<vmem>>[vector<16xi32>], vector<16xi32>,
        %add3A_207 = arith.addi %add3A_198, %gather3A_206 : vector<16xi32>
        %add3A_208 = arith.constant 12 : i32
        %add3A_209 = vector.broadcast %add3A_208 : i32 to vector<16xi32>
        %add3A_210 = arith.addi %iota3A, %add3A_209 : vector<16xi32>
        %and3A_211 = arith.constant 15 : i32
        %and3A_212 = vector.broadcast %and3A_211 : i32 to vector<16xi32>
        %and3A_213 = arith.andi %add3A_210, %and3A_212 : vector<16xi32>
        %add3A_214 = arith.addi %shift_left3A_100, %and3A_213 : vector<16xi32>
        %gather3A_215 = tpu.vector_load_idx %arg4[%add3A_214] : memref<32768xi32, #tpu.memory_space<vmem>>[vector<16xi32>], vector<16xi32>,
        %add3A_216 = arith.addi %add3A_207, %gather3A_215 : vector<16xi32>
        %add3A_217 = arith.constant 13 : i32
        %add3A_218 = vector.broadcast %add3A_217 : i32 to vector<16xi32>
        %add3A_219 = arith.addi %iota3A, %add3A_218 : vector<16xi32>
        %and3A_220 = arith.constant 15 : i32
        %and3A_221 = vector.broadcast %and3A_220 : i32 to vector<16xi32>
        %and3A_222 = arith.andi %add3A_219, %and3A_221 : vector<16xi32>
        %add3A_223 = arith.addi %shift_left3A_100, %and3A_222 : vector<16xi32>
        %gather3A_224 = tpu.vector_load_idx %arg4[%add3A_223] : memref<32768xi32, #tpu.memory_space<vmem>>[vector<16xi32>], vector<16xi32>,
        %add3A_225 = arith.addi %add3A_216, %gather3A_224 : vector<16xi32>
        %add3A_226 = arith.constant 14 : i32
        %add3A_227 = vector.broadcast %add3A_226 : i32 to vector<16xi32>
        %add3A_228 = arith.addi %iota3A, %add3A_227 : vector<16xi32>
        %and3A_229 = arith.constant 15 : i32
        %and3A_230 = vector.broadcast %and3A_229 : i32 to vector<16xi32>
        %and3A_231 = arith.andi %add3A_228, %and3A_230 : vector<16xi32>
        %add3A_232 = arith.addi %shift_left3A_100, %and3A_231 : vector<16xi32>
        %gather3A_233 = tpu.vector_load_idx %arg4[%add3A_232] : memref<32768xi32, #tpu.memory_space<vmem>>[vector<16xi32>], vector<16xi32>,
        %add3A_234 = arith.addi %add3A_225, %gather3A_233 : vector<16xi32>
        %add3A_235 = arith.constant 15 : i32
        %add3A_236 = vector.broadcast %add3A_235 : i32 to vector<16xi32>
        %add3A_237 = arith.addi %iota3A, %add3A_236 : vector<16xi32>
        %and3A_238 = arith.constant 15 : i32
        %and3A_239 = vector.broadcast %and3A_238 : i32 to vector<16xi32>
        %and3A_240 = arith.andi %add3A_237, %and3A_239 : vector<16xi32>
        %add3A_241 = arith.addi %shift_left3A_100, %and3A_240 : vector<16xi32>
        %gather3A_242 = tpu.vector_load_idx %arg4[%add3A_241] : memref<32768xi32, #tpu.memory_space<vmem>>[vector<16xi32>], vector<16xi32>,
        %add3A_243 = arith.addi %add3A_234, %gather3A_242 : vector<16xi32>
        %swap3A = arith.index_cast %mul3A_94 : i32 to index
        %swap3A_244 = tpu.vector_load %arg7[%swap3A] {strides = array<i32>} : memref<2048xi32, #tpu.memory_space<vmem>>, vector<16xi32>,
        tpu.vector_store %arg7[%swap3A], %add3A_243 {strides = array<i32>} : memref<2048xi32, #tpu.memory_space<vmem>>, vector<16xi32>,
      }
      %scan3A_80 = arith.constant 128 : i32
      %dma_start3A_81 = arith.constant 0 : i32
      %dma_start3A_82 = tpu.memref_slice %arg3[%add3A_5, %dma_start3A_81] : memref<84x2048xi32, #tpu.memory_space<hbm>> -> memref<1x2048xi32, #tpu.memory_space<hbm>>
      %dma_start3A_83 = tpu.memref_squeeze %dma_start3A_82 : memref<1x2048xi32, #tpu.memory_space<hbm>> -> memref<2048xi32, #tpu.memory_space<hbm>>
      %dma_start3A_84 = arith.constant 0 : i32
      %dma_start3A_85 = tpu.memref_slice %arg3[%add3A_5, %dma_start3A_84] : memref<84x2048xi32, #tpu.memory_space<hbm>> -> memref<1x2048xi32, #tpu.memory_space<hbm>>
      %dma_start3A_86 = tpu.memref_squeeze %dma_start3A_85 : memref<1x2048xi32, #tpu.memory_space<hbm>> -> memref<2048xi32, #tpu.memory_space<hbm>>
      tpu.enqueue_dma source(%arg7 : memref<2048xi32, #tpu.memory_space<vmem>>) target(%dma_start3A_86 : memref<2048xi32, #tpu.memory_space<hbm>>) target_semaphore(%arg10 : memref<!tpu.dma_semaphore, #tpu.memory_space<semaphore_mem>>)
      %dma_wait3A = arith.constant 0 : i32
      %dma_wait3A_87 = tpu.memref_slice %arg3[%add3A_5, %dma_wait3A] : memref<84x2048xi32, #tpu.memory_space<hbm>> -> memref<1x2048xi32, #tpu.memory_space<hbm>>
      %dma_wait3A_88 = tpu.memref_squeeze %dma_wait3A_87 : memref<1x2048xi32, #tpu.memory_space<hbm>> -> memref<2048xi32, #tpu.memory_space<hbm>>
      %dma_wait3A_89 = arith.constant 0 : i32
      %dma_wait3A_90 = tpu.memref_slice %arg3[%add3A_5, %dma_wait3A_89] : memref<84x2048xi32, #tpu.memory_space<hbm>> -> memref<1x2048xi32, #tpu.memory_space<hbm>>
      %dma_wait3A_91 = tpu.memref_squeeze %dma_wait3A_90 : memref<1x2048xi32, #tpu.memory_space<hbm>> -> memref<2048xi32, #tpu.memory_space<hbm>>
      tpu.wait_dma2 semaphore(%arg10 : memref<!tpu.dma_semaphore, #tpu.memory_space<semaphore_mem>>) src(%arg7 : memref<2048xi32, #tpu.memory_space<vmem>>) dst(%dma_wait3A_91 : memref<2048xi32, #tpu.memory_space<hbm>>)
    } else {
    }
    %add3A_8 = arith.constant 32 : i32
    %add3A_9 = arith.addi %add3A, %add3A_8 : i32
    %lt3A_10 = arith.constant 84 : i32
    %lt3A_11 = arith.cmpi slt, %add3A_9, %lt3A_10 : i32
    %convert_element_type3A_12 = arith.extui %lt3A_11 : i1 to i32
    %cond3A_13 = arith.constant 0 : i32
    %cond3A_14 = arith.cmpi ne, %convert_element_type3A_12, %cond3A_13 : i32
    scf.if %cond3A_14 {
      %jit3A = arith.constant 21 : i32
      %div3A = arith.divsi %add3A_9, %jit3A : i32
      %sign3A = arith.constant 0 : i32
      %sign3A_22 = arith.cmpi sgt, %add3A_9, %sign3A : i32
      %sign3A_23 = arith.extui %sign3A_22 : i1 to i32
      %sign3A_24 = arith.constant 0 : i32
      %sign3A_25 = arith.cmpi slt, %add3A_9, %sign3A_24 : i32
      %sign3A_26 = arith.extui %sign3A_25 : i1 to i32
      %sign3A_27 = arith.subi %sign3A_23, %sign3A_26 : i32
      %sign3A_28 = arith.constant 0 : i32
      %sign3A_29 = arith.cmpi sgt, %jit3A, %sign3A_28 : i32
      %sign3A_30 = arith.extui %sign3A_29 : i1 to i32
      %sign3A_31 = arith.constant 0 : i32
      %sign3A_32 = arith.cmpi slt, %jit3A, %sign3A_31 : i32
      %sign3A_33 = arith.extui %sign3A_32 : i1 to i32
      %sign3A_34 = arith.subi %sign3A_30, %sign3A_33 : i32
      %ne3A = arith.cmpi ne, %sign3A_27, %sign3A_34 : i32
      %rem3A = arith.remsi %add3A_9, %jit3A : i32
      %ne3A_35 = arith.constant 0 : i32
      %ne3A_36 = arith.cmpi ne, %rem3A, %ne3A_35 : i32
      %and3A = arith.andi %ne3A, %ne3A_36 : i1
      %sub3A = arith.constant 1 : i32
      %sub3A_37 = arith.subi %div3A, %sub3A : i32
      %select_n3A = arith.select %and3A, %sub3A_37, %div3A : i32
      %jit3A_38 = arith.constant 21 : i32
      %eq3A = arith.constant 0 : i32
      %eq3A_39 = arith.cmpi eq, %jit3A_38, %eq3A : i32
      %jit3A_40 = arith.constant 1 : i32
      %select_n3A_41 = arith.select %eq3A_39, %jit3A_40, %jit3A_38 : i32
      %rem3A_42 = arith.remsi %add3A_9, %select_n3A_41 : i32
      %ne3A_43 = arith.constant 0 : i32
      %ne3A_44 = arith.cmpi ne, %rem3A_42, %ne3A_43 : i32
      %lt3A_45 = arith.constant 0 : i32
      %lt3A_46 = arith.cmpi slt, %rem3A_42, %lt3A_45 : i32
      %lt3A_47 = arith.constant 0 : i32
      %lt3A_48 = arith.cmpi slt, %select_n3A_41, %lt3A_47 : i32
      %ne3A_49 = arith.xori %lt3A_46, %lt3A_48 : i1
      %and3A_50 = arith.andi %ne3A_49, %ne3A_44 : i1
      %add3A_51 = arith.addi %rem3A_42, %select_n3A_41 : i32
      %select_n3A_52 = arith.select %and3A_50, %add3A_51, %rem3A_42 : i32
      %scan3A = arith.constant 0 : i32
      %scan3A_53 = arith.constant 0 : i32
      %scan3A_54 = arith.constant 128 : i32
      %scan3A_55 = arith.addi %scan3A_53, %scan3A_54 : i32
      %scan3A_56 = arith.constant 1 : i32
      scf.for %scan3A_92 = %scan3A_53 to %scan3A_55 step %scan3A_56  : i32 {
        %mul3A_93 = arith.constant 16 : i32
        %mul3A_94 = arith.muli %scan3A_92, %mul3A_93 : i32
        %add3A_95 = arith.constant 0 : i32
        %add3A_96 = arith.addi %mul3A_94, %add3A_95 : i32
        %mul3A_97 = arith.constant 16 : i32
        %mul3A_98 = arith.muli %add3A_96, %mul3A_97 : i32
        %swap3A = arith.index_cast %mul3A_98 : i32 to index
        %swap3A_99 = tpu.vector_load %arg4[%swap3A] {strides = array<i32>} : memref<32768xi32, #tpu.memory_space<vmem>>, vector<16xi32>,
        tpu.vector_store %arg4[%swap3A], %broadcast_in_dim3A_3 {strides = array<i32>} : memref<32768xi32, #tpu.memory_space<vmem>>, vector<16xi32>,
        %mul3A_100 = arith.constant 16 : i32
        %mul3A_101 = arith.muli %scan3A_92, %mul3A_100 : i32
        %add3A_102 = arith.constant 1 : i32
        %add3A_103 = arith.addi %mul3A_101, %add3A_102 : i32
        %mul3A_104 = arith.constant 16 : i32
        %mul3A_105 = arith.muli %add3A_103, %mul3A_104 : i32
        %swap3A_106 = arith.index_cast %mul3A_105 : i32 to index
        %swap3A_107 = tpu.vector_load %arg4[%swap3A_106] {strides = array<i32>} : memref<32768xi32, #tpu.memory_space<vmem>>, vector<16xi32>,
        tpu.vector_store %arg4[%swap3A_106], %broadcast_in_dim3A_3 {strides = array<i32>} : memref<32768xi32, #tpu.memory_space<vmem>>, vector<16xi32>,
        %mul3A_108 = arith.constant 16 : i32
        %mul3A_109 = arith.muli %scan3A_92, %mul3A_108 : i32
        %add3A_110 = arith.constant 2 : i32
        %add3A_111 = arith.addi %mul3A_109, %add3A_110 : i32
        %mul3A_112 = arith.constant 16 : i32
        %mul3A_113 = arith.muli %add3A_111, %mul3A_112 : i32
        %swap3A_114 = arith.index_cast %mul3A_113 : i32 to index
        %swap3A_115 = tpu.vector_load %arg4[%swap3A_114] {strides = array<i32>} : memref<32768xi32, #tpu.memory_space<vmem>>, vector<16xi32>,
        tpu.vector_store %arg4[%swap3A_114], %broadcast_in_dim3A_3 {strides = array<i32>} : memref<32768xi32, #tpu.memory_space<vmem>>, vector<16xi32>,
        %mul3A_116 = arith.constant 16 : i32
        %mul3A_117 = arith.muli %scan3A_92, %mul3A_116 : i32
        %add3A_118 = arith.constant 3 : i32
        %add3A_119 = arith.addi %mul3A_117, %add3A_118 : i32
        %mul3A_120 = arith.constant 16 : i32
        %mul3A_121 = arith.muli %add3A_119, %mul3A_120 : i32
        %swap3A_122 = arith.index_cast %mul3A_121 : i32 to index
        %swap3A_123 = tpu.vector_load %arg4[%swap3A_122] {strides = array<i32>} : memref<32768xi32, #tpu.memory_space<vmem>>, vector<16xi32>,
        tpu.vector_store %arg4[%swap3A_122], %broadcast_in_dim3A_3 {strides = array<i32>} : memref<32768xi32, #tpu.memory_space<vmem>>, vector<16xi32>,
        %mul3A_124 = arith.constant 16 : i32
        %mul3A_125 = arith.muli %scan3A_92, %mul3A_124 : i32
        %add3A_126 = arith.constant 4 : i32
        %add3A_127 = arith.addi %mul3A_125, %add3A_126 : i32
        %mul3A_128 = arith.constant 16 : i32
        %mul3A_129 = arith.muli %add3A_127, %mul3A_128 : i32
        %swap3A_130 = arith.index_cast %mul3A_129 : i32 to index
        %swap3A_131 = tpu.vector_load %arg4[%swap3A_130] {strides = array<i32>} : memref<32768xi32, #tpu.memory_space<vmem>>, vector<16xi32>,
        tpu.vector_store %arg4[%swap3A_130], %broadcast_in_dim3A_3 {strides = array<i32>} : memref<32768xi32, #tpu.memory_space<vmem>>, vector<16xi32>,
        %mul3A_132 = arith.constant 16 : i32
        %mul3A_133 = arith.muli %scan3A_92, %mul3A_132 : i32
        %add3A_134 = arith.constant 5 : i32
        %add3A_135 = arith.addi %mul3A_133, %add3A_134 : i32
        %mul3A_136 = arith.constant 16 : i32
        %mul3A_137 = arith.muli %add3A_135, %mul3A_136 : i32
        %swap3A_138 = arith.index_cast %mul3A_137 : i32 to index
        %swap3A_139 = tpu.vector_load %arg4[%swap3A_138] {strides = array<i32>} : memref<32768xi32, #tpu.memory_space<vmem>>, vector<16xi32>,
        tpu.vector_store %arg4[%swap3A_138], %broadcast_in_dim3A_3 {strides = array<i32>} : memref<32768xi32, #tpu.memory_space<vmem>>, vector<16xi32>,
        %mul3A_140 = arith.constant 16 : i32
        %mul3A_141 = arith.muli %scan3A_92, %mul3A_140 : i32
        %add3A_142 = arith.constant 6 : i32
        %add3A_143 = arith.addi %mul3A_141, %add3A_142 : i32
        %mul3A_144 = arith.constant 16 : i32
        %mul3A_145 = arith.muli %add3A_143, %mul3A_144 : i32
        %swap3A_146 = arith.index_cast %mul3A_145 : i32 to index
        %swap3A_147 = tpu.vector_load %arg4[%swap3A_146] {strides = array<i32>} : memref<32768xi32, #tpu.memory_space<vmem>>, vector<16xi32>,
        tpu.vector_store %arg4[%swap3A_146], %broadcast_in_dim3A_3 {strides = array<i32>} : memref<32768xi32, #tpu.memory_space<vmem>>, vector<16xi32>,
        %mul3A_148 = arith.constant 16 : i32
        %mul3A_149 = arith.muli %scan3A_92, %mul3A_148 : i32
        %add3A_150 = arith.constant 7 : i32
        %add3A_151 = arith.addi %mul3A_149, %add3A_150 : i32
        %mul3A_152 = arith.constant 16 : i32
        %mul3A_153 = arith.muli %add3A_151, %mul3A_152 : i32
        %swap3A_154 = arith.index_cast %mul3A_153 : i32 to index
        %swap3A_155 = tpu.vector_load %arg4[%swap3A_154] {strides = array<i32>} : memref<32768xi32, #tpu.memory_space<vmem>>, vector<16xi32>,
        tpu.vector_store %arg4[%swap3A_154], %broadcast_in_dim3A_3 {strides = array<i32>} : memref<32768xi32, #tpu.memory_space<vmem>>, vector<16xi32>,
        %mul3A_156 = arith.constant 16 : i32
        %mul3A_157 = arith.muli %scan3A_92, %mul3A_156 : i32
        %add3A_158 = arith.constant 8 : i32
        %add3A_159 = arith.addi %mul3A_157, %add3A_158 : i32
        %mul3A_160 = arith.constant 16 : i32
        %mul3A_161 = arith.muli %add3A_159, %mul3A_160 : i32
        %swap3A_162 = arith.index_cast %mul3A_161 : i32 to index
        %swap3A_163 = tpu.vector_load %arg4[%swap3A_162] {strides = array<i32>} : memref<32768xi32, #tpu.memory_space<vmem>>, vector<16xi32>,
        tpu.vector_store %arg4[%swap3A_162], %broadcast_in_dim3A_3 {strides = array<i32>} : memref<32768xi32, #tpu.memory_space<vmem>>, vector<16xi32>,
        %mul3A_164 = arith.constant 16 : i32
        %mul3A_165 = arith.muli %scan3A_92, %mul3A_164 : i32
        %add3A_166 = arith.constant 9 : i32
        %add3A_167 = arith.addi %mul3A_165, %add3A_166 : i32
        %mul3A_168 = arith.constant 16 : i32
        %mul3A_169 = arith.muli %add3A_167, %mul3A_168 : i32
        %swap3A_170 = arith.index_cast %mul3A_169 : i32 to index
        %swap3A_171 = tpu.vector_load %arg4[%swap3A_170] {strides = array<i32>} : memref<32768xi32, #tpu.memory_space<vmem>>, vector<16xi32>,
        tpu.vector_store %arg4[%swap3A_170], %broadcast_in_dim3A_3 {strides = array<i32>} : memref<32768xi32, #tpu.memory_space<vmem>>, vector<16xi32>,
        %mul3A_172 = arith.constant 16 : i32
        %mul3A_173 = arith.muli %scan3A_92, %mul3A_172 : i32
        %add3A_174 = arith.constant 10 : i32
        %add3A_175 = arith.addi %mul3A_173, %add3A_174 : i32
        %mul3A_176 = arith.constant 16 : i32
        %mul3A_177 = arith.muli %add3A_175, %mul3A_176 : i32
        %swap3A_178 = arith.index_cast %mul3A_177 : i32 to index
        %swap3A_179 = tpu.vector_load %arg4[%swap3A_178] {strides = array<i32>} : memref<32768xi32, #tpu.memory_space<vmem>>, vector<16xi32>,
        tpu.vector_store %arg4[%swap3A_178], %broadcast_in_dim3A_3 {strides = array<i32>} : memref<32768xi32, #tpu.memory_space<vmem>>, vector<16xi32>,
        %mul3A_180 = arith.constant 16 : i32
        %mul3A_181 = arith.muli %scan3A_92, %mul3A_180 : i32
        %add3A_182 = arith.constant 11 : i32
        %add3A_183 = arith.addi %mul3A_181, %add3A_182 : i32
        %mul3A_184 = arith.constant 16 : i32
        %mul3A_185 = arith.muli %add3A_183, %mul3A_184 : i32
        %swap3A_186 = arith.index_cast %mul3A_185 : i32 to index
        %swap3A_187 = tpu.vector_load %arg4[%swap3A_186] {strides = array<i32>} : memref<32768xi32, #tpu.memory_space<vmem>>, vector<16xi32>,
        tpu.vector_store %arg4[%swap3A_186], %broadcast_in_dim3A_3 {strides = array<i32>} : memref<32768xi32, #tpu.memory_space<vmem>>, vector<16xi32>,
        %mul3A_188 = arith.constant 16 : i32
        %mul3A_189 = arith.muli %scan3A_92, %mul3A_188 : i32
        %add3A_190 = arith.constant 12 : i32
        %add3A_191 = arith.addi %mul3A_189, %add3A_190 : i32
        %mul3A_192 = arith.constant 16 : i32
        %mul3A_193 = arith.muli %add3A_191, %mul3A_192 : i32
        %swap3A_194 = arith.index_cast %mul3A_193 : i32 to index
        %swap3A_195 = tpu.vector_load %arg4[%swap3A_194] {strides = array<i32>} : memref<32768xi32, #tpu.memory_space<vmem>>, vector<16xi32>,
        tpu.vector_store %arg4[%swap3A_194], %broadcast_in_dim3A_3 {strides = array<i32>} : memref<32768xi32, #tpu.memory_space<vmem>>, vector<16xi32>,
        %mul3A_196 = arith.constant 16 : i32
        %mul3A_197 = arith.muli %scan3A_92, %mul3A_196 : i32
        %add3A_198 = arith.constant 13 : i32
        %add3A_199 = arith.addi %mul3A_197, %add3A_198 : i32
        %mul3A_200 = arith.constant 16 : i32
        %mul3A_201 = arith.muli %add3A_199, %mul3A_200 : i32
        %swap3A_202 = arith.index_cast %mul3A_201 : i32 to index
        %swap3A_203 = tpu.vector_load %arg4[%swap3A_202] {strides = array<i32>} : memref<32768xi32, #tpu.memory_space<vmem>>, vector<16xi32>,
        tpu.vector_store %arg4[%swap3A_202], %broadcast_in_dim3A_3 {strides = array<i32>} : memref<32768xi32, #tpu.memory_space<vmem>>, vector<16xi32>,
        %mul3A_204 = arith.constant 16 : i32
        %mul3A_205 = arith.muli %scan3A_92, %mul3A_204 : i32
        %add3A_206 = arith.constant 14 : i32
        %add3A_207 = arith.addi %mul3A_205, %add3A_206 : i32
        %mul3A_208 = arith.constant 16 : i32
        %mul3A_209 = arith.muli %add3A_207, %mul3A_208 : i32
        %swap3A_210 = arith.index_cast %mul3A_209 : i32 to index
        %swap3A_211 = tpu.vector_load %arg4[%swap3A_210] {strides = array<i32>} : memref<32768xi32, #tpu.memory_space<vmem>>, vector<16xi32>,
        tpu.vector_store %arg4[%swap3A_210], %broadcast_in_dim3A_3 {strides = array<i32>} : memref<32768xi32, #tpu.memory_space<vmem>>, vector<16xi32>,
        %mul3A_212 = arith.constant 16 : i32
        %mul3A_213 = arith.muli %scan3A_92, %mul3A_212 : i32
        %add3A_214 = arith.constant 15 : i32
        %add3A_215 = arith.addi %mul3A_213, %add3A_214 : i32
        %mul3A_216 = arith.constant 16 : i32
        %mul3A_217 = arith.muli %add3A_215, %mul3A_216 : i32
        %swap3A_218 = arith.index_cast %mul3A_217 : i32 to index
        %swap3A_219 = tpu.vector_load %arg4[%swap3A_218] {strides = array<i32>} : memref<32768xi32, #tpu.memory_space<vmem>>, vector<16xi32>,
        tpu.vector_store %arg4[%swap3A_218], %broadcast_in_dim3A_3 {strides = array<i32>} : memref<32768xi32, #tpu.memory_space<vmem>>, vector<16xi32>,
      }
      %scan3A_57 = arith.constant 128 : i32
      %dma_start3A = arith.constant 0 : i32
      %dma_start3A_58 = tpu.memref_slice %arg2[%select_n3A, %select_n3A_52, %dma_start3A] : memref<4x21x131072xi32, #tpu.memory_space<hbm>> -> memref<1x1x16384xi32, #tpu.memory_space<hbm>>
      %dma_start3A_59 = tpu.memref_squeeze %dma_start3A_58 : memref<1x1x16384xi32, #tpu.memory_space<hbm>> -> memref<16384xi32, #tpu.memory_space<hbm>>
      %dma_start3A_60 = arith.constant 0 : i32
      %dma_start3A_61 = tpu.memref_slice %arg2[%select_n3A, %select_n3A_52, %dma_start3A_60] : memref<4x21x131072xi32, #tpu.memory_space<hbm>> -> memref<1x1x16384xi32, #tpu.memory_space<hbm>>
      %dma_start3A_62 = tpu.memref_squeeze %dma_start3A_61 : memref<1x1x16384xi32, #tpu.memory_space<hbm>> -> memref<16384xi32, #tpu.memory_space<hbm>>
      tpu.enqueue_dma source(%dma_start3A_62 : memref<16384xi32, #tpu.memory_space<hbm>>) target(%arg5 : memref<16384xi32, #tpu.memory_space<vmem>>) target_semaphore(%arg8 : memref<!tpu.dma_semaphore, #tpu.memory_space<semaphore_mem>>)
      %dma_start3A_63 = arith.constant 16384 : i32
      %dma_start3A_64 = tpu.memref_slice %arg2[%select_n3A, %select_n3A_52, %dma_start3A_63] : memref<4x21x131072xi32, #tpu.memory_space<hbm>> -> memref<1x1x16384xi32, #tpu.memory_space<hbm>>
      %dma_start3A_65 = tpu.memref_squeeze %dma_start3A_64 : memref<1x1x16384xi32, #tpu.memory_space<hbm>> -> memref<16384xi32, #tpu.memory_space<hbm>>
      %dma_start3A_66 = arith.constant 16384 : i32
      %dma_start3A_67 = tpu.memref_slice %arg2[%select_n3A, %select_n3A_52, %dma_start3A_66] : memref<4x21x131072xi32, #tpu.memory_space<hbm>> -> memref<1x1x16384xi32, #tpu.memory_space<hbm>>
      %dma_start3A_68 = tpu.memref_squeeze %dma_start3A_67 : memref<1x1x16384xi32, #tpu.memory_space<hbm>> -> memref<16384xi32, #tpu.memory_space<hbm>>
      tpu.enqueue_dma source(%dma_start3A_68 : memref<16384xi32, #tpu.memory_space<hbm>>) target(%arg6 : memref<16384xi32, #tpu.memory_space<vmem>>) target_semaphore(%arg9 : memref<!tpu.dma_semaphore, #tpu.memory_space<semaphore_mem>>)
      %scan3A_69 = arith.constant 0 : i32
      %scan3A_70 = arith.constant 0 : i32
      %scan3A_71 = arith.constant 4 : i32
      %scan3A_72 = arith.addi %scan3A_70, %scan3A_71 : i32
      %scan3A_73 = arith.constant 1 : i32
      scf.for %scan3A_92 = %scan3A_70 to %scan3A_72 step %scan3A_73  : i32 {
        %mul3A_93 = arith.constant 2 : i32
        %mul3A_94 = arith.muli %scan3A_92, %mul3A_93 : i32
        %add3A_95 = arith.constant 0 : i32
        %add3A_96 = arith.addi %mul3A_94, %add3A_95 : i32
        %mul3A_97 = arith.constant 16384 : i32
        %mul3A_98 = arith.muli %add3A_96, %mul3A_97 : i32
        %dma_wait3A_99 = tpu.memref_slice %arg2[%select_n3A, %select_n3A_52, %mul3A_98] : memref<4x21x131072xi32, #tpu.memory_space<hbm>> -> memref<1x1x16384xi32, #tpu.memory_space<hbm>>
        %dma_wait3A_100 = tpu.memref_squeeze %dma_wait3A_99 : memref<1x1x16384xi32, #tpu.memory_space<hbm>> -> memref<16384xi32, #tpu.memory_space<hbm>>
        %dma_wait3A_101 = tpu.memref_slice %arg2[%select_n3A, %select_n3A_52, %mul3A_98] : memref<4x21x131072xi32, #tpu.memory_space<hbm>> -> memref<1x1x16384xi32, #tpu.memory_space<hbm>>
        %dma_wait3A_102 = tpu.memref_squeeze %dma_wait3A_101 : memref<1x1x16384xi32, #tpu.memory_space<hbm>> -> memref<16384xi32, #tpu.memory_space<hbm>>
        tpu.wait_dma2 semaphore(%arg8 : memref<!tpu.dma_semaphore, #tpu.memory_space<semaphore_mem>>) src(%dma_wait3A_102 : memref<16384xi32, #tpu.memory_space<hbm>>) dst(%arg5 : memref<16384xi32, #tpu.memory_space<vmem>>)
        %parallel_loop3A = arith.constant 0 : i32
        %parallel_loop3A_103 = arith.constant 1024 : i32
        %parallel_loop3A_104 = arith.constant 1 : i32
        scf.for %parallel_loop3A_132 = %parallel_loop3A to %parallel_loop3A_103 step %parallel_loop3A_104  : i32 {
          %parallel_loop3A_133 = arith.constant 16 : i32
          %parallel_loop3A_134 = arith.muli %parallel_loop3A_132, %parallel_loop3A_133 : i32
          %parallel_loop3A_135 = arith.index_cast %parallel_loop3A_134 : i32 to index
          %parallel_loop3A_136 = tpu.vector_load %arg5[%parallel_loop3A_135] {strides = array<i32>} : memref<16384xi32, #tpu.memory_space<vmem>>, vector<16xi32>,
          tpu.vector_store_idx %arg4[%parallel_loop3A_136], %broadcast_in_dim3A_1 {add = true} : memref<32768xi32, #tpu.memory_space<vmem>>[vector<16xi32>], vector<16xi32>,
        } {sc.loop_unroll_factor = 16 : i64, sc.parallel_access}
        %add3A_105 = arith.constant 2 : i32
        %add3A_106 = arith.addi %add3A_96, %add3A_105 : i32
        %lt3A_107 = arith.constant 8 : i32
        %lt3A_108 = arith.cmpi slt, %add3A_106, %lt3A_107 : i32
        %convert_element_type3A_109 = arith.extui %lt3A_108 : i1 to i32
        %cond3A_110 = arith.constant 0 : i32
        %cond3A_111 = arith.cmpi ne, %convert_element_type3A_109, %cond3A_110 : i32
        scf.if %cond3A_111 {
          %mul3A_132 = arith.constant 16384 : i32
          %mul3A_133 = arith.muli %add3A_106, %mul3A_132 : i32
          %dma_start3A_134 = tpu.memref_slice %arg2[%select_n3A, %select_n3A_52, %mul3A_133] : memref<4x21x131072xi32, #tpu.memory_space<hbm>> -> memref<1x1x16384xi32, #tpu.memory_space<hbm>>
          %dma_start3A_135 = tpu.memref_squeeze %dma_start3A_134 : memref<1x1x16384xi32, #tpu.memory_space<hbm>> -> memref<16384xi32, #tpu.memory_space<hbm>>
          %dma_start3A_136 = tpu.memref_slice %arg2[%select_n3A, %select_n3A_52, %mul3A_133] : memref<4x21x131072xi32, #tpu.memory_space<hbm>> -> memref<1x1x16384xi32, #tpu.memory_space<hbm>>
          %dma_start3A_137 = tpu.memref_squeeze %dma_start3A_136 : memref<1x1x16384xi32, #tpu.memory_space<hbm>> -> memref<16384xi32, #tpu.memory_space<hbm>>
          tpu.enqueue_dma source(%dma_start3A_137 : memref<16384xi32, #tpu.memory_space<hbm>>) target(%arg5 : memref<16384xi32, #tpu.memory_space<vmem>>) target_semaphore(%arg8 : memref<!tpu.dma_semaphore, #tpu.memory_space<semaphore_mem>>)
        } else {
        }
        %mul3A_112 = arith.constant 2 : i32
        %mul3A_113 = arith.muli %scan3A_92, %mul3A_112 : i32
        %add3A_114 = arith.constant 1 : i32
        %add3A_115 = arith.addi %mul3A_113, %add3A_114 : i32
        %mul3A_116 = arith.constant 16384 : i32
        %mul3A_117 = arith.muli %add3A_115, %mul3A_116 : i32
        %dma_wait3A_118 = tpu.memref_slice %arg2[%select_n3A, %select_n3A_52, %mul3A_117] : memref<4x21x131072xi32, #tpu.memory_space<hbm>> -> memref<1x1x16384xi32, #tpu.memory_space<hbm>>
        %dma_wait3A_119 = tpu.memref_squeeze %dma_wait3A_118 : memref<1x1x16384xi32, #tpu.memory_space<hbm>> -> memref<16384xi32, #tpu.memory_space<hbm>>
        %dma_wait3A_120 = tpu.memref_slice %arg2[%select_n3A, %select_n3A_52, %mul3A_117] : memref<4x21x131072xi32, #tpu.memory_space<hbm>> -> memref<1x1x16384xi32, #tpu.memory_space<hbm>>
        %dma_wait3A_121 = tpu.memref_squeeze %dma_wait3A_120 : memref<1x1x16384xi32, #tpu.memory_space<hbm>> -> memref<16384xi32, #tpu.memory_space<hbm>>
        tpu.wait_dma2 semaphore(%arg9 : memref<!tpu.dma_semaphore, #tpu.memory_space<semaphore_mem>>) src(%dma_wait3A_121 : memref<16384xi32, #tpu.memory_space<hbm>>) dst(%arg6 : memref<16384xi32, #tpu.memory_space<vmem>>)
        %parallel_loop3A_122 = arith.constant 0 : i32
        %parallel_loop3A_123 = arith.constant 1024 : i32
        %parallel_loop3A_124 = arith.constant 1 : i32
        scf.for %parallel_loop3A_132 = %parallel_loop3A_122 to %parallel_loop3A_123 step %parallel_loop3A_124  : i32 {
          %parallel_loop3A_133 = arith.constant 16 : i32
          %parallel_loop3A_134 = arith.muli %parallel_loop3A_132, %parallel_loop3A_133 : i32
          %parallel_loop3A_135 = arith.index_cast %parallel_loop3A_134 : i32 to index
          %parallel_loop3A_136 = tpu.vector_load %arg6[%parallel_loop3A_135] {strides = array<i32>} : memref<16384xi32, #tpu.memory_space<vmem>>, vector<16xi32>,
          tpu.vector_store_idx %arg4[%parallel_loop3A_136], %broadcast_in_dim3A_1 {add = true} : memref<32768xi32, #tpu.memory_space<vmem>>[vector<16xi32>], vector<16xi32>,
        } {sc.loop_unroll_factor = 16 : i64, sc.parallel_access}
        %add3A_125 = arith.constant 2 : i32
        %add3A_126 = arith.addi %add3A_115, %add3A_125 : i32
        %lt3A_127 = arith.constant 8 : i32
        %lt3A_128 = arith.cmpi slt, %add3A_126, %lt3A_127 : i32
        %convert_element_type3A_129 = arith.extui %lt3A_128 : i1 to i32
        %cond3A_130 = arith.constant 0 : i32
        %cond3A_131 = arith.cmpi ne, %convert_element_type3A_129, %cond3A_130 : i32
        scf.if %cond3A_131 {
          %mul3A_132 = arith.constant 16384 : i32
          %mul3A_133 = arith.muli %add3A_126, %mul3A_132 : i32
          %dma_start3A_134 = tpu.memref_slice %arg2[%select_n3A, %select_n3A_52, %mul3A_133] : memref<4x21x131072xi32, #tpu.memory_space<hbm>> -> memref<1x1x16384xi32, #tpu.memory_space<hbm>>
          %dma_start3A_135 = tpu.memref_squeeze %dma_start3A_134 : memref<1x1x16384xi32, #tpu.memory_space<hbm>> -> memref<16384xi32, #tpu.memory_space<hbm>>
          %dma_start3A_136 = tpu.memref_slice %arg2[%select_n3A, %select_n3A_52, %mul3A_133] : memref<4x21x131072xi32, #tpu.memory_space<hbm>> -> memref<1x1x16384xi32, #tpu.memory_space<hbm>>
          %dma_start3A_137 = tpu.memref_squeeze %dma_start3A_136 : memref<1x1x16384xi32, #tpu.memory_space<hbm>> -> memref<16384xi32, #tpu.memory_space<hbm>>
          tpu.enqueue_dma source(%dma_start3A_137 : memref<16384xi32, #tpu.memory_space<hbm>>) target(%arg6 : memref<16384xi32, #tpu.memory_space<vmem>>) target_semaphore(%arg9 : memref<!tpu.dma_semaphore, #tpu.memory_space<semaphore_mem>>)
        } else {
        }
      }
      %scan3A_74 = arith.constant 4 : i32
      %scan3A_75 = arith.constant 0 : i32
      %scan3A_76 = arith.constant 0 : i32
      %scan3A_77 = arith.constant 128 : i32
      %scan3A_78 = arith.addi %scan3A_76, %scan3A_77 : i32
      %scan3A_79 = arith.constant 1 : i32
      scf.for %scan3A_92 = %scan3A_76 to %scan3A_78 step %scan3A_79  : i32 {
        %mul3A_93 = arith.constant 16 : i32
        %mul3A_94 = arith.muli %scan3A_92, %mul3A_93 : i32
        %broadcast_in_dim3A_95 = arith.constant 0 : i32
        %broadcast_in_dim3A_96 = vector.broadcast %broadcast_in_dim3A_95 : i32 to vector<16xi32>
        %add3A_97 = vector.broadcast %mul3A_94 : i32 to vector<16xi32>
        %add3A_98 = arith.addi %add3A_97, %iota3A : vector<16xi32>
        %shift_left3A = arith.constant 4 : i32
        %shift_left3A_99 = vector.broadcast %shift_left3A : i32 to vector<16xi32>
        %shift_left3A_100 = arith.shli %add3A_98, %shift_left3A_99 : vector<16xi32>
        %add3A_101 = arith.constant 0 : i32
        %add3A_102 = vector.broadcast %add3A_101 : i32 to vector<16xi32>
        %add3A_103 = arith.addi %iota3A, %add3A_102 : vector<16xi32>
        %and3A_104 = arith.constant 15 : i32
        %and3A_105 = vector.broadcast %and3A_104 : i32 to vector<16xi32>
        %and3A_106 = arith.andi %add3A_103, %and3A_105 : vector<16xi32>
        %add3A_107 = arith.addi %shift_left3A_100, %and3A_106 : vector<16xi32>
        %gather3A = tpu.vector_load_idx %arg4[%add3A_107] : memref<32768xi32, #tpu.memory_space<vmem>>[vector<16xi32>], vector<16xi32>,
        %add3A_108 = arith.addi %broadcast_in_dim3A_96, %gather3A : vector<16xi32>
        %add3A_109 = arith.constant 1 : i32
        %add3A_110 = vector.broadcast %add3A_109 : i32 to vector<16xi32>
        %add3A_111 = arith.addi %iota3A, %add3A_110 : vector<16xi32>
        %and3A_112 = arith.constant 15 : i32
        %and3A_113 = vector.broadcast %and3A_112 : i32 to vector<16xi32>
        %and3A_114 = arith.andi %add3A_111, %and3A_113 : vector<16xi32>
        %add3A_115 = arith.addi %shift_left3A_100, %and3A_114 : vector<16xi32>
        %gather3A_116 = tpu.vector_load_idx %arg4[%add3A_115] : memref<32768xi32, #tpu.memory_space<vmem>>[vector<16xi32>], vector<16xi32>,
        %add3A_117 = arith.addi %add3A_108, %gather3A_116 : vector<16xi32>
        %add3A_118 = arith.constant 2 : i32
        %add3A_119 = vector.broadcast %add3A_118 : i32 to vector<16xi32>
        %add3A_120 = arith.addi %iota3A, %add3A_119 : vector<16xi32>
        %and3A_121 = arith.constant 15 : i32
        %and3A_122 = vector.broadcast %and3A_121 : i32 to vector<16xi32>
        %and3A_123 = arith.andi %add3A_120, %and3A_122 : vector<16xi32>
        %add3A_124 = arith.addi %shift_left3A_100, %and3A_123 : vector<16xi32>
        %gather3A_125 = tpu.vector_load_idx %arg4[%add3A_124] : memref<32768xi32, #tpu.memory_space<vmem>>[vector<16xi32>], vector<16xi32>,
        %add3A_126 = arith.addi %add3A_117, %gather3A_125 : vector<16xi32>
        %add3A_127 = arith.constant 3 : i32
        %add3A_128 = vector.broadcast %add3A_127 : i32 to vector<16xi32>
        %add3A_129 = arith.addi %iota3A, %add3A_128 : vector<16xi32>
        %and3A_130 = arith.constant 15 : i32
        %and3A_131 = vector.broadcast %and3A_130 : i32 to vector<16xi32>
        %and3A_132 = arith.andi %add3A_129, %and3A_131 : vector<16xi32>
        %add3A_133 = arith.addi %shift_left3A_100, %and3A_132 : vector<16xi32>
        %gather3A_134 = tpu.vector_load_idx %arg4[%add3A_133] : memref<32768xi32, #tpu.memory_space<vmem>>[vector<16xi32>], vector<16xi32>,
        %add3A_135 = arith.addi %add3A_126, %gather3A_134 : vector<16xi32>
        %add3A_136 = arith.constant 4 : i32
        %add3A_137 = vector.broadcast %add3A_136 : i32 to vector<16xi32>
        %add3A_138 = arith.addi %iota3A, %add3A_137 : vector<16xi32>
        %and3A_139 = arith.constant 15 : i32
        %and3A_140 = vector.broadcast %and3A_139 : i32 to vector<16xi32>
        %and3A_141 = arith.andi %add3A_138, %and3A_140 : vector<16xi32>
        %add3A_142 = arith.addi %shift_left3A_100, %and3A_141 : vector<16xi32>
        %gather3A_143 = tpu.vector_load_idx %arg4[%add3A_142] : memref<32768xi32, #tpu.memory_space<vmem>>[vector<16xi32>], vector<16xi32>,
        %add3A_144 = arith.addi %add3A_135, %gather3A_143 : vector<16xi32>
        %add3A_145 = arith.constant 5 : i32
        %add3A_146 = vector.broadcast %add3A_145 : i32 to vector<16xi32>
        %add3A_147 = arith.addi %iota3A, %add3A_146 : vector<16xi32>
        %and3A_148 = arith.constant 15 : i32
        %and3A_149 = vector.broadcast %and3A_148 : i32 to vector<16xi32>
        %and3A_150 = arith.andi %add3A_147, %and3A_149 : vector<16xi32>
        %add3A_151 = arith.addi %shift_left3A_100, %and3A_150 : vector<16xi32>
        %gather3A_152 = tpu.vector_load_idx %arg4[%add3A_151] : memref<32768xi32, #tpu.memory_space<vmem>>[vector<16xi32>], vector<16xi32>,
        %add3A_153 = arith.addi %add3A_144, %gather3A_152 : vector<16xi32>
        %add3A_154 = arith.constant 6 : i32
        %add3A_155 = vector.broadcast %add3A_154 : i32 to vector<16xi32>
        %add3A_156 = arith.addi %iota3A, %add3A_155 : vector<16xi32>
        %and3A_157 = arith.constant 15 : i32
        %and3A_158 = vector.broadcast %and3A_157 : i32 to vector<16xi32>
        %and3A_159 = arith.andi %add3A_156, %and3A_158 : vector<16xi32>
        %add3A_160 = arith.addi %shift_left3A_100, %and3A_159 : vector<16xi32>
        %gather3A_161 = tpu.vector_load_idx %arg4[%add3A_160] : memref<32768xi32, #tpu.memory_space<vmem>>[vector<16xi32>], vector<16xi32>,
        %add3A_162 = arith.addi %add3A_153, %gather3A_161 : vector<16xi32>
        %add3A_163 = arith.constant 7 : i32
        %add3A_164 = vector.broadcast %add3A_163 : i32 to vector<16xi32>
        %add3A_165 = arith.addi %iota3A, %add3A_164 : vector<16xi32>
        %and3A_166 = arith.constant 15 : i32
        %and3A_167 = vector.broadcast %and3A_166 : i32 to vector<16xi32>
        %and3A_168 = arith.andi %add3A_165, %and3A_167 : vector<16xi32>
        %add3A_169 = arith.addi %shift_left3A_100, %and3A_168 : vector<16xi32>
        %gather3A_170 = tpu.vector_load_idx %arg4[%add3A_169] : memref<32768xi32, #tpu.memory_space<vmem>>[vector<16xi32>], vector<16xi32>,
        %add3A_171 = arith.addi %add3A_162, %gather3A_170 : vector<16xi32>
        %add3A_172 = arith.constant 8 : i32
        %add3A_173 = vector.broadcast %add3A_172 : i32 to vector<16xi32>
        %add3A_174 = arith.addi %iota3A, %add3A_173 : vector<16xi32>
        %and3A_175 = arith.constant 15 : i32
        %and3A_176 = vector.broadcast %and3A_175 : i32 to vector<16xi32>
        %and3A_177 = arith.andi %add3A_174, %and3A_176 : vector<16xi32>
        %add3A_178 = arith.addi %shift_left3A_100, %and3A_177 : vector<16xi32>
        %gather3A_179 = tpu.vector_load_idx %arg4[%add3A_178] : memref<32768xi32, #tpu.memory_space<vmem>>[vector<16xi32>], vector<16xi32>,
        %add3A_180 = arith.addi %add3A_171, %gather3A_179 : vector<16xi32>
        %add3A_181 = arith.constant 9 : i32
        %add3A_182 = vector.broadcast %add3A_181 : i32 to vector<16xi32>
        %add3A_183 = arith.addi %iota3A, %add3A_182 : vector<16xi32>
        %and3A_184 = arith.constant 15 : i32
        %and3A_185 = vector.broadcast %and3A_184 : i32 to vector<16xi32>
        %and3A_186 = arith.andi %add3A_183, %and3A_185 : vector<16xi32>
        %add3A_187 = arith.addi %shift_left3A_100, %and3A_186 : vector<16xi32>
        %gather3A_188 = tpu.vector_load_idx %arg4[%add3A_187] : memref<32768xi32, #tpu.memory_space<vmem>>[vector<16xi32>], vector<16xi32>,
        %add3A_189 = arith.addi %add3A_180, %gather3A_188 : vector<16xi32>
        %add3A_190 = arith.constant 10 : i32
        %add3A_191 = vector.broadcast %add3A_190 : i32 to vector<16xi32>
        %add3A_192 = arith.addi %iota3A, %add3A_191 : vector<16xi32>
        %and3A_193 = arith.constant 15 : i32
        %and3A_194 = vector.broadcast %and3A_193 : i32 to vector<16xi32>
        %and3A_195 = arith.andi %add3A_192, %and3A_194 : vector<16xi32>
        %add3A_196 = arith.addi %shift_left3A_100, %and3A_195 : vector<16xi32>
        %gather3A_197 = tpu.vector_load_idx %arg4[%add3A_196] : memref<32768xi32, #tpu.memory_space<vmem>>[vector<16xi32>], vector<16xi32>,
        %add3A_198 = arith.addi %add3A_189, %gather3A_197 : vector<16xi32>
        %add3A_199 = arith.constant 11 : i32
        %add3A_200 = vector.broadcast %add3A_199 : i32 to vector<16xi32>
        %add3A_201 = arith.addi %iota3A, %add3A_200 : vector<16xi32>
        %and3A_202 = arith.constant 15 : i32
        %and3A_203 = vector.broadcast %and3A_202 : i32 to vector<16xi32>
        %and3A_204 = arith.andi %add3A_201, %and3A_203 : vector<16xi32>
        %add3A_205 = arith.addi %shift_left3A_100, %and3A_204 : vector<16xi32>
        %gather3A_206 = tpu.vector_load_idx %arg4[%add3A_205] : memref<32768xi32, #tpu.memory_space<vmem>>[vector<16xi32>], vector<16xi32>,
        %add3A_207 = arith.addi %add3A_198, %gather3A_206 : vector<16xi32>
        %add3A_208 = arith.constant 12 : i32
        %add3A_209 = vector.broadcast %add3A_208 : i32 to vector<16xi32>
        %add3A_210 = arith.addi %iota3A, %add3A_209 : vector<16xi32>
        %and3A_211 = arith.constant 15 : i32
        %and3A_212 = vector.broadcast %and3A_211 : i32 to vector<16xi32>
        %and3A_213 = arith.andi %add3A_210, %and3A_212 : vector<16xi32>
        %add3A_214 = arith.addi %shift_left3A_100, %and3A_213 : vector<16xi32>
        %gather3A_215 = tpu.vector_load_idx %arg4[%add3A_214] : memref<32768xi32, #tpu.memory_space<vmem>>[vector<16xi32>], vector<16xi32>,
        %add3A_216 = arith.addi %add3A_207, %gather3A_215 : vector<16xi32>
        %add3A_217 = arith.constant 13 : i32
        %add3A_218 = vector.broadcast %add3A_217 : i32 to vector<16xi32>
        %add3A_219 = arith.addi %iota3A, %add3A_218 : vector<16xi32>
        %and3A_220 = arith.constant 15 : i32
        %and3A_221 = vector.broadcast %and3A_220 : i32 to vector<16xi32>
        %and3A_222 = arith.andi %add3A_219, %and3A_221 : vector<16xi32>
        %add3A_223 = arith.addi %shift_left3A_100, %and3A_222 : vector<16xi32>
        %gather3A_224 = tpu.vector_load_idx %arg4[%add3A_223] : memref<32768xi32, #tpu.memory_space<vmem>>[vector<16xi32>], vector<16xi32>,
        %add3A_225 = arith.addi %add3A_216, %gather3A_224 : vector<16xi32>
        %add3A_226 = arith.constant 14 : i32
        %add3A_227 = vector.broadcast %add3A_226 : i32 to vector<16xi32>
        %add3A_228 = arith.addi %iota3A, %add3A_227 : vector<16xi32>
        %and3A_229 = arith.constant 15 : i32
        %and3A_230 = vector.broadcast %and3A_229 : i32 to vector<16xi32>
        %and3A_231 = arith.andi %add3A_228, %and3A_230 : vector<16xi32>
        %add3A_232 = arith.addi %shift_left3A_100, %and3A_231 : vector<16xi32>
        %gather3A_233 = tpu.vector_load_idx %arg4[%add3A_232] : memref<32768xi32, #tpu.memory_space<vmem>>[vector<16xi32>], vector<16xi32>,
        %add3A_234 = arith.addi %add3A_225, %gather3A_233 : vector<16xi32>
        %add3A_235 = arith.constant 15 : i32
        %add3A_236 = vector.broadcast %add3A_235 : i32 to vector<16xi32>
        %add3A_237 = arith.addi %iota3A, %add3A_236 : vector<16xi32>
        %and3A_238 = arith.constant 15 : i32
        %and3A_239 = vector.broadcast %and3A_238 : i32 to vector<16xi32>
        %and3A_240 = arith.andi %add3A_237, %and3A_239 : vector<16xi32>
        %add3A_241 = arith.addi %shift_left3A_100, %and3A_240 : vector<16xi32>
        %gather3A_242 = tpu.vector_load_idx %arg4[%add3A_241] : memref<32768xi32, #tpu.memory_space<vmem>>[vector<16xi32>], vector<16xi32>,
        %add3A_243 = arith.addi %add3A_234, %gather3A_242 : vector<16xi32>
        %swap3A = arith.index_cast %mul3A_94 : i32 to index
        %swap3A_244 = tpu.vector_load %arg7[%swap3A] {strides = array<i32>} : memref<2048xi32, #tpu.memory_space<vmem>>, vector<16xi32>,
        tpu.vector_store %arg7[%swap3A], %add3A_243 {strides = array<i32>} : memref<2048xi32, #tpu.memory_space<vmem>>, vector<16xi32>,
      }
      %scan3A_80 = arith.constant 128 : i32
      %dma_start3A_81 = arith.constant 0 : i32
      %dma_start3A_82 = tpu.memref_slice %arg3[%add3A_9, %dma_start3A_81] : memref<84x2048xi32, #tpu.memory_space<hbm>> -> memref<1x2048xi32, #tpu.memory_space<hbm>>
      %dma_start3A_83 = tpu.memref_squeeze %dma_start3A_82 : memref<1x2048xi32, #tpu.memory_space<hbm>> -> memref<2048xi32, #tpu.memory_space<hbm>>
      %dma_start3A_84 = arith.constant 0 : i32
      %dma_start3A_85 = tpu.memref_slice %arg3[%add3A_9, %dma_start3A_84] : memref<84x2048xi32, #tpu.memory_space<hbm>> -> memref<1x2048xi32, #tpu.memory_space<hbm>>
      %dma_start3A_86 = tpu.memref_squeeze %dma_start3A_85 : memref<1x2048xi32, #tpu.memory_space<hbm>> -> memref<2048xi32, #tpu.memory_space<hbm>>
      tpu.enqueue_dma source(%arg7 : memref<2048xi32, #tpu.memory_space<vmem>>) target(%dma_start3A_86 : memref<2048xi32, #tpu.memory_space<hbm>>) target_semaphore(%arg10 : memref<!tpu.dma_semaphore, #tpu.memory_space<semaphore_mem>>)
      %dma_wait3A = arith.constant 0 : i32
      %dma_wait3A_87 = tpu.memref_slice %arg3[%add3A_9, %dma_wait3A] : memref<84x2048xi32, #tpu.memory_space<hbm>> -> memref<1x2048xi32, #tpu.memory_space<hbm>>
      %dma_wait3A_88 = tpu.memref_squeeze %dma_wait3A_87 : memref<1x2048xi32, #tpu.memory_space<hbm>> -> memref<2048xi32, #tpu.memory_space<hbm>>
      %dma_wait3A_89 = arith.constant 0 : i32
      %dma_wait3A_90 = tpu.memref_slice %arg3[%add3A_9, %dma_wait3A_89] : memref<84x2048xi32, #tpu.memory_space<hbm>> -> memref<1x2048xi32, #tpu.memory_space<hbm>>
      %dma_wait3A_91 = tpu.memref_squeeze %dma_wait3A_90 : memref<1x2048xi32, #tpu.memory_space<hbm>> -> memref<2048xi32, #tpu.memory_space<hbm>>
      tpu.wait_dma2 semaphore(%arg10 : memref<!tpu.dma_semaphore, #tpu.memory_space<semaphore_mem>>) src(%arg7 : memref<2048xi32, #tpu.memory_space<vmem>>) dst(%dma_wait3A_91 : memref<2048xi32, #tpu.memory_space<hbm>>)
    } else {
    }
    %add3A_15 = arith.constant 64 : i32
    %add3A_16 = arith.addi %add3A, %add3A_15 : i32
    %lt3A_17 = arith.constant 84 : i32
    %lt3A_18 = arith.cmpi slt, %add3A_16, %lt3A_17 : i32
    %convert_element_type3A_19 = arith.extui %lt3A_18 : i1 to i32
    %cond3A_20 = arith.constant 0 : i32
    %cond3A_21 = arith.cmpi ne, %convert_element_type3A_19, %cond3A_20 : i32
    scf.if %cond3A_21 {
      %jit3A = arith.constant 21 : i32
      %div3A = arith.divsi %add3A_16, %jit3A : i32
      %sign3A = arith.constant 0 : i32
      %sign3A_22 = arith.cmpi sgt, %add3A_16, %sign3A : i32
      %sign3A_23 = arith.extui %sign3A_22 : i1 to i32
      %sign3A_24 = arith.constant 0 : i32
      %sign3A_25 = arith.cmpi slt, %add3A_16, %sign3A_24 : i32
      %sign3A_26 = arith.extui %sign3A_25 : i1 to i32
      %sign3A_27 = arith.subi %sign3A_23, %sign3A_26 : i32
      %sign3A_28 = arith.constant 0 : i32
      %sign3A_29 = arith.cmpi sgt, %jit3A, %sign3A_28 : i32
      %sign3A_30 = arith.extui %sign3A_29 : i1 to i32
      %sign3A_31 = arith.constant 0 : i32
      %sign3A_32 = arith.cmpi slt, %jit3A, %sign3A_31 : i32
      %sign3A_33 = arith.extui %sign3A_32 : i1 to i32
      %sign3A_34 = arith.subi %sign3A_30, %sign3A_33 : i32
      %ne3A = arith.cmpi ne, %sign3A_27, %sign3A_34 : i32
      %rem3A = arith.remsi %add3A_16, %jit3A : i32
      %ne3A_35 = arith.constant 0 : i32
      %ne3A_36 = arith.cmpi ne, %rem3A, %ne3A_35 : i32
      %and3A = arith.andi %ne3A, %ne3A_36 : i1
      %sub3A = arith.constant 1 : i32
      %sub3A_37 = arith.subi %div3A, %sub3A : i32
      %select_n3A = arith.select %and3A, %sub3A_37, %div3A : i32
      %jit3A_38 = arith.constant 21 : i32
      %eq3A = arith.constant 0 : i32
      %eq3A_39 = arith.cmpi eq, %jit3A_38, %eq3A : i32
      %jit3A_40 = arith.constant 1 : i32
      %select_n3A_41 = arith.select %eq3A_39, %jit3A_40, %jit3A_38 : i32
      %rem3A_42 = arith.remsi %add3A_16, %select_n3A_41 : i32
      %ne3A_43 = arith.constant 0 : i32
      %ne3A_44 = arith.cmpi ne, %rem3A_42, %ne3A_43 : i32
      %lt3A_45 = arith.constant 0 : i32
      %lt3A_46 = arith.cmpi slt, %rem3A_42, %lt3A_45 : i32
      %lt3A_47 = arith.constant 0 : i32
      %lt3A_48 = arith.cmpi slt, %select_n3A_41, %lt3A_47 : i32
      %ne3A_49 = arith.xori %lt3A_46, %lt3A_48 : i1
      %and3A_50 = arith.andi %ne3A_49, %ne3A_44 : i1
      %add3A_51 = arith.addi %rem3A_42, %select_n3A_41 : i32
      %select_n3A_52 = arith.select %and3A_50, %add3A_51, %rem3A_42 : i32
      %scan3A = arith.constant 0 : i32
      %scan3A_53 = arith.constant 0 : i32
      %scan3A_54 = arith.constant 128 : i32
      %scan3A_55 = arith.addi %scan3A_53, %scan3A_54 : i32
      %scan3A_56 = arith.constant 1 : i32
      scf.for %scan3A_92 = %scan3A_53 to %scan3A_55 step %scan3A_56  : i32 {
        %mul3A_93 = arith.constant 16 : i32
        %mul3A_94 = arith.muli %scan3A_92, %mul3A_93 : i32
        %add3A_95 = arith.constant 0 : i32
        %add3A_96 = arith.addi %mul3A_94, %add3A_95 : i32
        %mul3A_97 = arith.constant 16 : i32
        %mul3A_98 = arith.muli %add3A_96, %mul3A_97 : i32
        %swap3A = arith.index_cast %mul3A_98 : i32 to index
        %swap3A_99 = tpu.vector_load %arg4[%swap3A] {strides = array<i32>} : memref<32768xi32, #tpu.memory_space<vmem>>, vector<16xi32>,
        tpu.vector_store %arg4[%swap3A], %broadcast_in_dim3A_3 {strides = array<i32>} : memref<32768xi32, #tpu.memory_space<vmem>>, vector<16xi32>,
        %mul3A_100 = arith.constant 16 : i32
        %mul3A_101 = arith.muli %scan3A_92, %mul3A_100 : i32
        %add3A_102 = arith.constant 1 : i32
        %add3A_103 = arith.addi %mul3A_101, %add3A_102 : i32
        %mul3A_104 = arith.constant 16 : i32
        %mul3A_105 = arith.muli %add3A_103, %mul3A_104 : i32
        %swap3A_106 = arith.index_cast %mul3A_105 : i32 to index
        %swap3A_107 = tpu.vector_load %arg4[%swap3A_106] {strides = array<i32>} : memref<32768xi32, #tpu.memory_space<vmem>>, vector<16xi32>,
        tpu.vector_store %arg4[%swap3A_106], %broadcast_in_dim3A_3 {strides = array<i32>} : memref<32768xi32, #tpu.memory_space<vmem>>, vector<16xi32>,
        %mul3A_108 = arith.constant 16 : i32
        %mul3A_109 = arith.muli %scan3A_92, %mul3A_108 : i32
        %add3A_110 = arith.constant 2 : i32
        %add3A_111 = arith.addi %mul3A_109, %add3A_110 : i32
        %mul3A_112 = arith.constant 16 : i32
        %mul3A_113 = arith.muli %add3A_111, %mul3A_112 : i32
        %swap3A_114 = arith.index_cast %mul3A_113 : i32 to index
        %swap3A_115 = tpu.vector_load %arg4[%swap3A_114] {strides = array<i32>} : memref<32768xi32, #tpu.memory_space<vmem>>, vector<16xi32>,
        tpu.vector_store %arg4[%swap3A_114], %broadcast_in_dim3A_3 {strides = array<i32>} : memref<32768xi32, #tpu.memory_space<vmem>>, vector<16xi32>,
        %mul3A_116 = arith.constant 16 : i32
        %mul3A_117 = arith.muli %scan3A_92, %mul3A_116 : i32
        %add3A_118 = arith.constant 3 : i32
        %add3A_119 = arith.addi %mul3A_117, %add3A_118 : i32
        %mul3A_120 = arith.constant 16 : i32
        %mul3A_121 = arith.muli %add3A_119, %mul3A_120 : i32
        %swap3A_122 = arith.index_cast %mul3A_121 : i32 to index
        %swap3A_123 = tpu.vector_load %arg4[%swap3A_122] {strides = array<i32>} : memref<32768xi32, #tpu.memory_space<vmem>>, vector<16xi32>,
        tpu.vector_store %arg4[%swap3A_122], %broadcast_in_dim3A_3 {strides = array<i32>} : memref<32768xi32, #tpu.memory_space<vmem>>, vector<16xi32>,
        %mul3A_124 = arith.constant 16 : i32
        %mul3A_125 = arith.muli %scan3A_92, %mul3A_124 : i32
        %add3A_126 = arith.constant 4 : i32
        %add3A_127 = arith.addi %mul3A_125, %add3A_126 : i32
        %mul3A_128 = arith.constant 16 : i32
        %mul3A_129 = arith.muli %add3A_127, %mul3A_128 : i32
        %swap3A_130 = arith.index_cast %mul3A_129 : i32 to index
        %swap3A_131 = tpu.vector_load %arg4[%swap3A_130] {strides = array<i32>} : memref<32768xi32, #tpu.memory_space<vmem>>, vector<16xi32>,
        tpu.vector_store %arg4[%swap3A_130], %broadcast_in_dim3A_3 {strides = array<i32>} : memref<32768xi32, #tpu.memory_space<vmem>>, vector<16xi32>,
        %mul3A_132 = arith.constant 16 : i32
        %mul3A_133 = arith.muli %scan3A_92, %mul3A_132 : i32
        %add3A_134 = arith.constant 5 : i32
        %add3A_135 = arith.addi %mul3A_133, %add3A_134 : i32
        %mul3A_136 = arith.constant 16 : i32
        %mul3A_137 = arith.muli %add3A_135, %mul3A_136 : i32
        %swap3A_138 = arith.index_cast %mul3A_137 : i32 to index
        %swap3A_139 = tpu.vector_load %arg4[%swap3A_138] {strides = array<i32>} : memref<32768xi32, #tpu.memory_space<vmem>>, vector<16xi32>,
        tpu.vector_store %arg4[%swap3A_138], %broadcast_in_dim3A_3 {strides = array<i32>} : memref<32768xi32, #tpu.memory_space<vmem>>, vector<16xi32>,
        %mul3A_140 = arith.constant 16 : i32
        %mul3A_141 = arith.muli %scan3A_92, %mul3A_140 : i32
        %add3A_142 = arith.constant 6 : i32
        %add3A_143 = arith.addi %mul3A_141, %add3A_142 : i32
        %mul3A_144 = arith.constant 16 : i32
        %mul3A_145 = arith.muli %add3A_143, %mul3A_144 : i32
        %swap3A_146 = arith.index_cast %mul3A_145 : i32 to index
        %swap3A_147 = tpu.vector_load %arg4[%swap3A_146] {strides = array<i32>} : memref<32768xi32, #tpu.memory_space<vmem>>, vector<16xi32>,
        tpu.vector_store %arg4[%swap3A_146], %broadcast_in_dim3A_3 {strides = array<i32>} : memref<32768xi32, #tpu.memory_space<vmem>>, vector<16xi32>,
        %mul3A_148 = arith.constant 16 : i32
        %mul3A_149 = arith.muli %scan3A_92, %mul3A_148 : i32
        %add3A_150 = arith.constant 7 : i32
        %add3A_151 = arith.addi %mul3A_149, %add3A_150 : i32
        %mul3A_152 = arith.constant 16 : i32
        %mul3A_153 = arith.muli %add3A_151, %mul3A_152 : i32
        %swap3A_154 = arith.index_cast %mul3A_153 : i32 to index
        %swap3A_155 = tpu.vector_load %arg4[%swap3A_154] {strides = array<i32>} : memref<32768xi32, #tpu.memory_space<vmem>>, vector<16xi32>,
        tpu.vector_store %arg4[%swap3A_154], %broadcast_in_dim3A_3 {strides = array<i32>} : memref<32768xi32, #tpu.memory_space<vmem>>, vector<16xi32>,
        %mul3A_156 = arith.constant 16 : i32
        %mul3A_157 = arith.muli %scan3A_92, %mul3A_156 : i32
        %add3A_158 = arith.constant 8 : i32
        %add3A_159 = arith.addi %mul3A_157, %add3A_158 : i32
        %mul3A_160 = arith.constant 16 : i32
        %mul3A_161 = arith.muli %add3A_159, %mul3A_160 : i32
        %swap3A_162 = arith.index_cast %mul3A_161 : i32 to index
        %swap3A_163 = tpu.vector_load %arg4[%swap3A_162] {strides = array<i32>} : memref<32768xi32, #tpu.memory_space<vmem>>, vector<16xi32>,
        tpu.vector_store %arg4[%swap3A_162], %broadcast_in_dim3A_3 {strides = array<i32>} : memref<32768xi32, #tpu.memory_space<vmem>>, vector<16xi32>,
        %mul3A_164 = arith.constant 16 : i32
        %mul3A_165 = arith.muli %scan3A_92, %mul3A_164 : i32
        %add3A_166 = arith.constant 9 : i32
        %add3A_167 = arith.addi %mul3A_165, %add3A_166 : i32
        %mul3A_168 = arith.constant 16 : i32
        %mul3A_169 = arith.muli %add3A_167, %mul3A_168 : i32
        %swap3A_170 = arith.index_cast %mul3A_169 : i32 to index
        %swap3A_171 = tpu.vector_load %arg4[%swap3A_170] {strides = array<i32>} : memref<32768xi32, #tpu.memory_space<vmem>>, vector<16xi32>,
        tpu.vector_store %arg4[%swap3A_170], %broadcast_in_dim3A_3 {strides = array<i32>} : memref<32768xi32, #tpu.memory_space<vmem>>, vector<16xi32>,
        %mul3A_172 = arith.constant 16 : i32
        %mul3A_173 = arith.muli %scan3A_92, %mul3A_172 : i32
        %add3A_174 = arith.constant 10 : i32
        %add3A_175 = arith.addi %mul3A_173, %add3A_174 : i32
        %mul3A_176 = arith.constant 16 : i32
        %mul3A_177 = arith.muli %add3A_175, %mul3A_176 : i32
        %swap3A_178 = arith.index_cast %mul3A_177 : i32 to index
        %swap3A_179 = tpu.vector_load %arg4[%swap3A_178] {strides = array<i32>} : memref<32768xi32, #tpu.memory_space<vmem>>, vector<16xi32>,
        tpu.vector_store %arg4[%swap3A_178], %broadcast_in_dim3A_3 {strides = array<i32>} : memref<32768xi32, #tpu.memory_space<vmem>>, vector<16xi32>,
        %mul3A_180 = arith.constant 16 : i32
        %mul3A_181 = arith.muli %scan3A_92, %mul3A_180 : i32
        %add3A_182 = arith.constant 11 : i32
        %add3A_183 = arith.addi %mul3A_181, %add3A_182 : i32
        %mul3A_184 = arith.constant 16 : i32
        %mul3A_185 = arith.muli %add3A_183, %mul3A_184 : i32
        %swap3A_186 = arith.index_cast %mul3A_185 : i32 to index
        %swap3A_187 = tpu.vector_load %arg4[%swap3A_186] {strides = array<i32>} : memref<32768xi32, #tpu.memory_space<vmem>>, vector<16xi32>,
        tpu.vector_store %arg4[%swap3A_186], %broadcast_in_dim3A_3 {strides = array<i32>} : memref<32768xi32, #tpu.memory_space<vmem>>, vector<16xi32>,
        %mul3A_188 = arith.constant 16 : i32
        %mul3A_189 = arith.muli %scan3A_92, %mul3A_188 : i32
        %add3A_190 = arith.constant 12 : i32
        %add3A_191 = arith.addi %mul3A_189, %add3A_190 : i32
        %mul3A_192 = arith.constant 16 : i32
        %mul3A_193 = arith.muli %add3A_191, %mul3A_192 : i32
        %swap3A_194 = arith.index_cast %mul3A_193 : i32 to index
        %swap3A_195 = tpu.vector_load %arg4[%swap3A_194] {strides = array<i32>} : memref<32768xi32, #tpu.memory_space<vmem>>, vector<16xi32>,
        tpu.vector_store %arg4[%swap3A_194], %broadcast_in_dim3A_3 {strides = array<i32>} : memref<32768xi32, #tpu.memory_space<vmem>>, vector<16xi32>,
        %mul3A_196 = arith.constant 16 : i32
        %mul3A_197 = arith.muli %scan3A_92, %mul3A_196 : i32
        %add3A_198 = arith.constant 13 : i32
        %add3A_199 = arith.addi %mul3A_197, %add3A_198 : i32
        %mul3A_200 = arith.constant 16 : i32
        %mul3A_201 = arith.muli %add3A_199, %mul3A_200 : i32
        %swap3A_202 = arith.index_cast %mul3A_201 : i32 to index
        %swap3A_203 = tpu.vector_load %arg4[%swap3A_202] {strides = array<i32>} : memref<32768xi32, #tpu.memory_space<vmem>>, vector<16xi32>,
        tpu.vector_store %arg4[%swap3A_202], %broadcast_in_dim3A_3 {strides = array<i32>} : memref<32768xi32, #tpu.memory_space<vmem>>, vector<16xi32>,
        %mul3A_204 = arith.constant 16 : i32
        %mul3A_205 = arith.muli %scan3A_92, %mul3A_204 : i32
        %add3A_206 = arith.constant 14 : i32
        %add3A_207 = arith.addi %mul3A_205, %add3A_206 : i32
        %mul3A_208 = arith.constant 16 : i32
        %mul3A_209 = arith.muli %add3A_207, %mul3A_208 : i32
        %swap3A_210 = arith.index_cast %mul3A_209 : i32 to index
        %swap3A_211 = tpu.vector_load %arg4[%swap3A_210] {strides = array<i32>} : memref<32768xi32, #tpu.memory_space<vmem>>, vector<16xi32>,
        tpu.vector_store %arg4[%swap3A_210], %broadcast_in_dim3A_3 {strides = array<i32>} : memref<32768xi32, #tpu.memory_space<vmem>>, vector<16xi32>,
        %mul3A_212 = arith.constant 16 : i32
        %mul3A_213 = arith.muli %scan3A_92, %mul3A_212 : i32
        %add3A_214 = arith.constant 15 : i32
        %add3A_215 = arith.addi %mul3A_213, %add3A_214 : i32
        %mul3A_216 = arith.constant 16 : i32
        %mul3A_217 = arith.muli %add3A_215, %mul3A_216 : i32
        %swap3A_218 = arith.index_cast %mul3A_217 : i32 to index
        %swap3A_219 = tpu.vector_load %arg4[%swap3A_218] {strides = array<i32>} : memref<32768xi32, #tpu.memory_space<vmem>>, vector<16xi32>,
        tpu.vector_store %arg4[%swap3A_218], %broadcast_in_dim3A_3 {strides = array<i32>} : memref<32768xi32, #tpu.memory_space<vmem>>, vector<16xi32>,
      }
      %scan3A_57 = arith.constant 128 : i32
      %dma_start3A = arith.constant 0 : i32
      %dma_start3A_58 = tpu.memref_slice %arg2[%select_n3A, %select_n3A_52, %dma_start3A] : memref<4x21x131072xi32, #tpu.memory_space<hbm>> -> memref<1x1x16384xi32, #tpu.memory_space<hbm>>
      %dma_start3A_59 = tpu.memref_squeeze %dma_start3A_58 : memref<1x1x16384xi32, #tpu.memory_space<hbm>> -> memref<16384xi32, #tpu.memory_space<hbm>>
      %dma_start3A_60 = arith.constant 0 : i32
      %dma_start3A_61 = tpu.memref_slice %arg2[%select_n3A, %select_n3A_52, %dma_start3A_60] : memref<4x21x131072xi32, #tpu.memory_space<hbm>> -> memref<1x1x16384xi32, #tpu.memory_space<hbm>>
      %dma_start3A_62 = tpu.memref_squeeze %dma_start3A_61 : memref<1x1x16384xi32, #tpu.memory_space<hbm>> -> memref<16384xi32, #tpu.memory_space<hbm>>
      tpu.enqueue_dma source(%dma_start3A_62 : memref<16384xi32, #tpu.memory_space<hbm>>) target(%arg5 : memref<16384xi32, #tpu.memory_space<vmem>>) target_semaphore(%arg8 : memref<!tpu.dma_semaphore, #tpu.memory_space<semaphore_mem>>)
      %dma_start3A_63 = arith.constant 16384 : i32
      %dma_start3A_64 = tpu.memref_slice %arg2[%select_n3A, %select_n3A_52, %dma_start3A_63] : memref<4x21x131072xi32, #tpu.memory_space<hbm>> -> memref<1x1x16384xi32, #tpu.memory_space<hbm>>
      %dma_start3A_65 = tpu.memref_squeeze %dma_start3A_64 : memref<1x1x16384xi32, #tpu.memory_space<hbm>> -> memref<16384xi32, #tpu.memory_space<hbm>>
      %dma_start3A_66 = arith.constant 16384 : i32
      %dma_start3A_67 = tpu.memref_slice %arg2[%select_n3A, %select_n3A_52, %dma_start3A_66] : memref<4x21x131072xi32, #tpu.memory_space<hbm>> -> memref<1x1x16384xi32, #tpu.memory_space<hbm>>
      %dma_start3A_68 = tpu.memref_squeeze %dma_start3A_67 : memref<1x1x16384xi32, #tpu.memory_space<hbm>> -> memref<16384xi32, #tpu.memory_space<hbm>>
      tpu.enqueue_dma source(%dma_start3A_68 : memref<16384xi32, #tpu.memory_space<hbm>>) target(%arg6 : memref<16384xi32, #tpu.memory_space<vmem>>) target_semaphore(%arg9 : memref<!tpu.dma_semaphore, #tpu.memory_space<semaphore_mem>>)
      %scan3A_69 = arith.constant 0 : i32
      %scan3A_70 = arith.constant 0 : i32
      %scan3A_71 = arith.constant 4 : i32
      %scan3A_72 = arith.addi %scan3A_70, %scan3A_71 : i32
      %scan3A_73 = arith.constant 1 : i32
      scf.for %scan3A_92 = %scan3A_70 to %scan3A_72 step %scan3A_73  : i32 {
        %mul3A_93 = arith.constant 2 : i32
        %mul3A_94 = arith.muli %scan3A_92, %mul3A_93 : i32
        %add3A_95 = arith.constant 0 : i32
        %add3A_96 = arith.addi %mul3A_94, %add3A_95 : i32
        %mul3A_97 = arith.constant 16384 : i32
        %mul3A_98 = arith.muli %add3A_96, %mul3A_97 : i32
        %dma_wait3A_99 = tpu.memref_slice %arg2[%select_n3A, %select_n3A_52, %mul3A_98] : memref<4x21x131072xi32, #tpu.memory_space<hbm>> -> memref<1x1x16384xi32, #tpu.memory_space<hbm>>
        %dma_wait3A_100 = tpu.memref_squeeze %dma_wait3A_99 : memref<1x1x16384xi32, #tpu.memory_space<hbm>> -> memref<16384xi32, #tpu.memory_space<hbm>>
        %dma_wait3A_101 = tpu.memref_slice %arg2[%select_n3A, %select_n3A_52, %mul3A_98] : memref<4x21x131072xi32, #tpu.memory_space<hbm>> -> memref<1x1x16384xi32, #tpu.memory_space<hbm>>
        %dma_wait3A_102 = tpu.memref_squeeze %dma_wait3A_101 : memref<1x1x16384xi32, #tpu.memory_space<hbm>> -> memref<16384xi32, #tpu.memory_space<hbm>>
        tpu.wait_dma2 semaphore(%arg8 : memref<!tpu.dma_semaphore, #tpu.memory_space<semaphore_mem>>) src(%dma_wait3A_102 : memref<16384xi32, #tpu.memory_space<hbm>>) dst(%arg5 : memref<16384xi32, #tpu.memory_space<vmem>>)
        %parallel_loop3A = arith.constant 0 : i32
        %parallel_loop3A_103 = arith.constant 1024 : i32
        %parallel_loop3A_104 = arith.constant 1 : i32
        scf.for %parallel_loop3A_132 = %parallel_loop3A to %parallel_loop3A_103 step %parallel_loop3A_104  : i32 {
          %parallel_loop3A_133 = arith.constant 16 : i32
          %parallel_loop3A_134 = arith.muli %parallel_loop3A_132, %parallel_loop3A_133 : i32
          %parallel_loop3A_135 = arith.index_cast %parallel_loop3A_134 : i32 to index
          %parallel_loop3A_136 = tpu.vector_load %arg5[%parallel_loop3A_135] {strides = array<i32>} : memref<16384xi32, #tpu.memory_space<vmem>>, vector<16xi32>,
          tpu.vector_store_idx %arg4[%parallel_loop3A_136], %broadcast_in_dim3A_1 {add = true} : memref<32768xi32, #tpu.memory_space<vmem>>[vector<16xi32>], vector<16xi32>,
        } {sc.loop_unroll_factor = 16 : i64, sc.parallel_access}
        %add3A_105 = arith.constant 2 : i32
        %add3A_106 = arith.addi %add3A_96, %add3A_105 : i32
        %lt3A_107 = arith.constant 8 : i32
        %lt3A_108 = arith.cmpi slt, %add3A_106, %lt3A_107 : i32
        %convert_element_type3A_109 = arith.extui %lt3A_108 : i1 to i32
        %cond3A_110 = arith.constant 0 : i32
        %cond3A_111 = arith.cmpi ne, %convert_element_type3A_109, %cond3A_110 : i32
        scf.if %cond3A_111 {
          %mul3A_132 = arith.constant 16384 : i32
          %mul3A_133 = arith.muli %add3A_106, %mul3A_132 : i32
          %dma_start3A_134 = tpu.memref_slice %arg2[%select_n3A, %select_n3A_52, %mul3A_133] : memref<4x21x131072xi32, #tpu.memory_space<hbm>> -> memref<1x1x16384xi32, #tpu.memory_space<hbm>>
          %dma_start3A_135 = tpu.memref_squeeze %dma_start3A_134 : memref<1x1x16384xi32, #tpu.memory_space<hbm>> -> memref<16384xi32, #tpu.memory_space<hbm>>
          %dma_start3A_136 = tpu.memref_slice %arg2[%select_n3A, %select_n3A_52, %mul3A_133] : memref<4x21x131072xi32, #tpu.memory_space<hbm>> -> memref<1x1x16384xi32, #tpu.memory_space<hbm>>
          %dma_start3A_137 = tpu.memref_squeeze %dma_start3A_136 : memref<1x1x16384xi32, #tpu.memory_space<hbm>> -> memref<16384xi32, #tpu.memory_space<hbm>>
          tpu.enqueue_dma source(%dma_start3A_137 : memref<16384xi32, #tpu.memory_space<hbm>>) target(%arg5 : memref<16384xi32, #tpu.memory_space<vmem>>) target_semaphore(%arg8 : memref<!tpu.dma_semaphore, #tpu.memory_space<semaphore_mem>>)
        } else {
        }
        %mul3A_112 = arith.constant 2 : i32
        %mul3A_113 = arith.muli %scan3A_92, %mul3A_112 : i32
        %add3A_114 = arith.constant 1 : i32
        %add3A_115 = arith.addi %mul3A_113, %add3A_114 : i32
        %mul3A_116 = arith.constant 16384 : i32
        %mul3A_117 = arith.muli %add3A_115, %mul3A_116 : i32
        %dma_wait3A_118 = tpu.memref_slice %arg2[%select_n3A, %select_n3A_52, %mul3A_117] : memref<4x21x131072xi32, #tpu.memory_space<hbm>> -> memref<1x1x16384xi32, #tpu.memory_space<hbm>>
        %dma_wait3A_119 = tpu.memref_squeeze %dma_wait3A_118 : memref<1x1x16384xi32, #tpu.memory_space<hbm>> -> memref<16384xi32, #tpu.memory_space<hbm>>
        %dma_wait3A_120 = tpu.memref_slice %arg2[%select_n3A, %select_n3A_52, %mul3A_117] : memref<4x21x131072xi32, #tpu.memory_space<hbm>> -> memref<1x1x16384xi32, #tpu.memory_space<hbm>>
        %dma_wait3A_121 = tpu.memref_squeeze %dma_wait3A_120 : memref<1x1x16384xi32, #tpu.memory_space<hbm>> -> memref<16384xi32, #tpu.memory_space<hbm>>
        tpu.wait_dma2 semaphore(%arg9 : memref<!tpu.dma_semaphore, #tpu.memory_space<semaphore_mem>>) src(%dma_wait3A_121 : memref<16384xi32, #tpu.memory_space<hbm>>) dst(%arg6 : memref<16384xi32, #tpu.memory_space<vmem>>)
        %parallel_loop3A_122 = arith.constant 0 : i32
        %parallel_loop3A_123 = arith.constant 1024 : i32
        %parallel_loop3A_124 = arith.constant 1 : i32
        scf.for %parallel_loop3A_132 = %parallel_loop3A_122 to %parallel_loop3A_123 step %parallel_loop3A_124  : i32 {
          %parallel_loop3A_133 = arith.constant 16 : i32
          %parallel_loop3A_134 = arith.muli %parallel_loop3A_132, %parallel_loop3A_133 : i32
          %parallel_loop3A_135 = arith.index_cast %parallel_loop3A_134 : i32 to index
          %parallel_loop3A_136 = tpu.vector_load %arg6[%parallel_loop3A_135] {strides = array<i32>} : memref<16384xi32, #tpu.memory_space<vmem>>, vector<16xi32>,
          tpu.vector_store_idx %arg4[%parallel_loop3A_136], %broadcast_in_dim3A_1 {add = true} : memref<32768xi32, #tpu.memory_space<vmem>>[vector<16xi32>], vector<16xi32>,
        } {sc.loop_unroll_factor = 16 : i64, sc.parallel_access}
        %add3A_125 = arith.constant 2 : i32
        %add3A_126 = arith.addi %add3A_115, %add3A_125 : i32
        %lt3A_127 = arith.constant 8 : i32
        %lt3A_128 = arith.cmpi slt, %add3A_126, %lt3A_127 : i32
        %convert_element_type3A_129 = arith.extui %lt3A_128 : i1 to i32
        %cond3A_130 = arith.constant 0 : i32
        %cond3A_131 = arith.cmpi ne, %convert_element_type3A_129, %cond3A_130 : i32
        scf.if %cond3A_131 {
          %mul3A_132 = arith.constant 16384 : i32
          %mul3A_133 = arith.muli %add3A_126, %mul3A_132 : i32
          %dma_start3A_134 = tpu.memref_slice %arg2[%select_n3A, %select_n3A_52, %mul3A_133] : memref<4x21x131072xi32, #tpu.memory_space<hbm>> -> memref<1x1x16384xi32, #tpu.memory_space<hbm>>
          %dma_start3A_135 = tpu.memref_squeeze %dma_start3A_134 : memref<1x1x16384xi32, #tpu.memory_space<hbm>> -> memref<16384xi32, #tpu.memory_space<hbm>>
          %dma_start3A_136 = tpu.memref_slice %arg2[%select_n3A, %select_n3A_52, %mul3A_133] : memref<4x21x131072xi32, #tpu.memory_space<hbm>> -> memref<1x1x16384xi32, #tpu.memory_space<hbm>>
          %dma_start3A_137 = tpu.memref_squeeze %dma_start3A_136 : memref<1x1x16384xi32, #tpu.memory_space<hbm>> -> memref<16384xi32, #tpu.memory_space<hbm>>
          tpu.enqueue_dma source(%dma_start3A_137 : memref<16384xi32, #tpu.memory_space<hbm>>) target(%arg6 : memref<16384xi32, #tpu.memory_space<vmem>>) target_semaphore(%arg9 : memref<!tpu.dma_semaphore, #tpu.memory_space<semaphore_mem>>)
        } else {
        }
      }
      %scan3A_74 = arith.constant 4 : i32
      %scan3A_75 = arith.constant 0 : i32
      %scan3A_76 = arith.constant 0 : i32
      %scan3A_77 = arith.constant 128 : i32
      %scan3A_78 = arith.addi %scan3A_76, %scan3A_77 : i32
      %scan3A_79 = arith.constant 1 : i32
      scf.for %scan3A_92 = %scan3A_76 to %scan3A_78 step %scan3A_79  : i32 {
        %mul3A_93 = arith.constant 16 : i32
        %mul3A_94 = arith.muli %scan3A_92, %mul3A_93 : i32
        %broadcast_in_dim3A_95 = arith.constant 0 : i32
        %broadcast_in_dim3A_96 = vector.broadcast %broadcast_in_dim3A_95 : i32 to vector<16xi32>
        %add3A_97 = vector.broadcast %mul3A_94 : i32 to vector<16xi32>
        %add3A_98 = arith.addi %add3A_97, %iota3A : vector<16xi32>
        %shift_left3A = arith.constant 4 : i32
        %shift_left3A_99 = vector.broadcast %shift_left3A : i32 to vector<16xi32>
        %shift_left3A_100 = arith.shli %add3A_98, %shift_left3A_99 : vector<16xi32>
        %add3A_101 = arith.constant 0 : i32
        %add3A_102 = vector.broadcast %add3A_101 : i32 to vector<16xi32>
        %add3A_103 = arith.addi %iota3A, %add3A_102 : vector<16xi32>
        %and3A_104 = arith.constant 15 : i32
        %and3A_105 = vector.broadcast %and3A_104 : i32 to vector<16xi32>
        %and3A_106 = arith.andi %add3A_103, %and3A_105 : vector<16xi32>
        %add3A_107 = arith.addi %shift_left3A_100, %and3A_106 : vector<16xi32>
        %gather3A = tpu.vector_load_idx %arg4[%add3A_107] : memref<32768xi32, #tpu.memory_space<vmem>>[vector<16xi32>], vector<16xi32>,
        %add3A_108 = arith.addi %broadcast_in_dim3A_96, %gather3A : vector<16xi32>
        %add3A_109 = arith.constant 1 : i32
        %add3A_110 = vector.broadcast %add3A_109 : i32 to vector<16xi32>
        %add3A_111 = arith.addi %iota3A, %add3A_110 : vector<16xi32>
        %and3A_112 = arith.constant 15 : i32
        %and3A_113 = vector.broadcast %and3A_112 : i32 to vector<16xi32>
        %and3A_114 = arith.andi %add3A_111, %and3A_113 : vector<16xi32>
        %add3A_115 = arith.addi %shift_left3A_100, %and3A_114 : vector<16xi32>
        %gather3A_116 = tpu.vector_load_idx %arg4[%add3A_115] : memref<32768xi32, #tpu.memory_space<vmem>>[vector<16xi32>], vector<16xi32>,
        %add3A_117 = arith.addi %add3A_108, %gather3A_116 : vector<16xi32>
        %add3A_118 = arith.constant 2 : i32
        %add3A_119 = vector.broadcast %add3A_118 : i32 to vector<16xi32>
        %add3A_120 = arith.addi %iota3A, %add3A_119 : vector<16xi32>
        %and3A_121 = arith.constant 15 : i32
        %and3A_122 = vector.broadcast %and3A_121 : i32 to vector<16xi32>
        %and3A_123 = arith.andi %add3A_120, %and3A_122 : vector<16xi32>
        %add3A_124 = arith.addi %shift_left3A_100, %and3A_123 : vector<16xi32>
        %gather3A_125 = tpu.vector_load_idx %arg4[%add3A_124] : memref<32768xi32, #tpu.memory_space<vmem>>[vector<16xi32>], vector<16xi32>,
        %add3A_126 = arith.addi %add3A_117, %gather3A_125 : vector<16xi32>
        %add3A_127 = arith.constant 3 : i32
        %add3A_128 = vector.broadcast %add3A_127 : i32 to vector<16xi32>
        %add3A_129 = arith.addi %iota3A, %add3A_128 : vector<16xi32>
        %and3A_130 = arith.constant 15 : i32
        %and3A_131 = vector.broadcast %and3A_130 : i32 to vector<16xi32>
        %and3A_132 = arith.andi %add3A_129, %and3A_131 : vector<16xi32>
        %add3A_133 = arith.addi %shift_left3A_100, %and3A_132 : vector<16xi32>
        %gather3A_134 = tpu.vector_load_idx %arg4[%add3A_133] : memref<32768xi32, #tpu.memory_space<vmem>>[vector<16xi32>], vector<16xi32>,
        %add3A_135 = arith.addi %add3A_126, %gather3A_134 : vector<16xi32>
        %add3A_136 = arith.constant 4 : i32
        %add3A_137 = vector.broadcast %add3A_136 : i32 to vector<16xi32>
        %add3A_138 = arith.addi %iota3A, %add3A_137 : vector<16xi32>
        %and3A_139 = arith.constant 15 : i32
        %and3A_140 = vector.broadcast %and3A_139 : i32 to vector<16xi32>
        %and3A_141 = arith.andi %add3A_138, %and3A_140 : vector<16xi32>
        %add3A_142 = arith.addi %shift_left3A_100, %and3A_141 : vector<16xi32>
        %gather3A_143 = tpu.vector_load_idx %arg4[%add3A_142] : memref<32768xi32, #tpu.memory_space<vmem>>[vector<16xi32>], vector<16xi32>,
        %add3A_144 = arith.addi %add3A_135, %gather3A_143 : vector<16xi32>
        %add3A_145 = arith.constant 5 : i32
        %add3A_146 = vector.broadcast %add3A_145 : i32 to vector<16xi32>
        %add3A_147 = arith.addi %iota3A, %add3A_146 : vector<16xi32>
        %and3A_148 = arith.constant 15 : i32
        %and3A_149 = vector.broadcast %and3A_148 : i32 to vector<16xi32>
        %and3A_150 = arith.andi %add3A_147, %and3A_149 : vector<16xi32>
        %add3A_151 = arith.addi %shift_left3A_100, %and3A_150 : vector<16xi32>
        %gather3A_152 = tpu.vector_load_idx %arg4[%add3A_151] : memref<32768xi32, #tpu.memory_space<vmem>>[vector<16xi32>], vector<16xi32>,
        %add3A_153 = arith.addi %add3A_144, %gather3A_152 : vector<16xi32>
        %add3A_154 = arith.constant 6 : i32
        %add3A_155 = vector.broadcast %add3A_154 : i32 to vector<16xi32>
        %add3A_156 = arith.addi %iota3A, %add3A_155 : vector<16xi32>
        %and3A_157 = arith.constant 15 : i32
        %and3A_158 = vector.broadcast %and3A_157 : i32 to vector<16xi32>
        %and3A_159 = arith.andi %add3A_156, %and3A_158 : vector<16xi32>
        %add3A_160 = arith.addi %shift_left3A_100, %and3A_159 : vector<16xi32>
        %gather3A_161 = tpu.vector_load_idx %arg4[%add3A_160] : memref<32768xi32, #tpu.memory_space<vmem>>[vector<16xi32>], vector<16xi32>,
        %add3A_162 = arith.addi %add3A_153, %gather3A_161 : vector<16xi32>
        %add3A_163 = arith.constant 7 : i32
        %add3A_164 = vector.broadcast %add3A_163 : i32 to vector<16xi32>
        %add3A_165 = arith.addi %iota3A, %add3A_164 : vector<16xi32>
        %and3A_166 = arith.constant 15 : i32
        %and3A_167 = vector.broadcast %and3A_166 : i32 to vector<16xi32>
        %and3A_168 = arith.andi %add3A_165, %and3A_167 : vector<16xi32>
        %add3A_169 = arith.addi %shift_left3A_100, %and3A_168 : vector<16xi32>
        %gather3A_170 = tpu.vector_load_idx %arg4[%add3A_169] : memref<32768xi32, #tpu.memory_space<vmem>>[vector<16xi32>], vector<16xi32>,
        %add3A_171 = arith.addi %add3A_162, %gather3A_170 : vector<16xi32>
        %add3A_172 = arith.constant 8 : i32
        %add3A_173 = vector.broadcast %add3A_172 : i32 to vector<16xi32>
        %add3A_174 = arith.addi %iota3A, %add3A_173 : vector<16xi32>
        %and3A_175 = arith.constant 15 : i32
        %and3A_176 = vector.broadcast %and3A_175 : i32 to vector<16xi32>
        %and3A_177 = arith.andi %add3A_174, %and3A_176 : vector<16xi32>
        %add3A_178 = arith.addi %shift_left3A_100, %and3A_177 : vector<16xi32>
        %gather3A_179 = tpu.vector_load_idx %arg4[%add3A_178] : memref<32768xi32, #tpu.memory_space<vmem>>[vector<16xi32>], vector<16xi32>,
        %add3A_180 = arith.addi %add3A_171, %gather3A_179 : vector<16xi32>
        %add3A_181 = arith.constant 9 : i32
        %add3A_182 = vector.broadcast %add3A_181 : i32 to vector<16xi32>
        %add3A_183 = arith.addi %iota3A, %add3A_182 : vector<16xi32>
        %and3A_184 = arith.constant 15 : i32
        %and3A_185 = vector.broadcast %and3A_184 : i32 to vector<16xi32>
        %and3A_186 = arith.andi %add3A_183, %and3A_185 : vector<16xi32>
        %add3A_187 = arith.addi %shift_left3A_100, %and3A_186 : vector<16xi32>
        %gather3A_188 = tpu.vector_load_idx %arg4[%add3A_187] : memref<32768xi32, #tpu.memory_space<vmem>>[vector<16xi32>], vector<16xi32>,
        %add3A_189 = arith.addi %add3A_180, %gather3A_188 : vector<16xi32>
        %add3A_190 = arith.constant 10 : i32
        %add3A_191 = vector.broadcast %add3A_190 : i32 to vector<16xi32>
        %add3A_192 = arith.addi %iota3A, %add3A_191 : vector<16xi32>
        %and3A_193 = arith.constant 15 : i32
        %and3A_194 = vector.broadcast %and3A_193 : i32 to vector<16xi32>
        %and3A_195 = arith.andi %add3A_192, %and3A_194 : vector<16xi32>
        %add3A_196 = arith.addi %shift_left3A_100, %and3A_195 : vector<16xi32>
        %gather3A_197 = tpu.vector_load_idx %arg4[%add3A_196] : memref<32768xi32, #tpu.memory_space<vmem>>[vector<16xi32>], vector<16xi32>,
        %add3A_198 = arith.addi %add3A_189, %gather3A_197 : vector<16xi32>
        %add3A_199 = arith.constant 11 : i32
        %add3A_200 = vector.broadcast %add3A_199 : i32 to vector<16xi32>
        %add3A_201 = arith.addi %iota3A, %add3A_200 : vector<16xi32>
        %and3A_202 = arith.constant 15 : i32
        %and3A_203 = vector.broadcast %and3A_202 : i32 to vector<16xi32>
        %and3A_204 = arith.andi %add3A_201, %and3A_203 : vector<16xi32>
        %add3A_205 = arith.addi %shift_left3A_100, %and3A_204 : vector<16xi32>
        %gather3A_206 = tpu.vector_load_idx %arg4[%add3A_205] : memref<32768xi32, #tpu.memory_space<vmem>>[vector<16xi32>], vector<16xi32>,
        %add3A_207 = arith.addi %add3A_198, %gather3A_206 : vector<16xi32>
        %add3A_208 = arith.constant 12 : i32
        %add3A_209 = vector.broadcast %add3A_208 : i32 to vector<16xi32>
        %add3A_210 = arith.addi %iota3A, %add3A_209 : vector<16xi32>
        %and3A_211 = arith.constant 15 : i32
        %and3A_212 = vector.broadcast %and3A_211 : i32 to vector<16xi32>
        %and3A_213 = arith.andi %add3A_210, %and3A_212 : vector<16xi32>
        %add3A_214 = arith.addi %shift_left3A_100, %and3A_213 : vector<16xi32>
        %gather3A_215 = tpu.vector_load_idx %arg4[%add3A_214] : memref<32768xi32, #tpu.memory_space<vmem>>[vector<16xi32>], vector<16xi32>,
        %add3A_216 = arith.addi %add3A_207, %gather3A_215 : vector<16xi32>
        %add3A_217 = arith.constant 13 : i32
        %add3A_218 = vector.broadcast %add3A_217 : i32 to vector<16xi32>
        %add3A_219 = arith.addi %iota3A, %add3A_218 : vector<16xi32>
        %and3A_220 = arith.constant 15 : i32
        %and3A_221 = vector.broadcast %and3A_220 : i32 to vector<16xi32>
        %and3A_222 = arith.andi %add3A_219, %and3A_221 : vector<16xi32>
        %add3A_223 = arith.addi %shift_left3A_100, %and3A_222 : vector<16xi32>
        %gather3A_224 = tpu.vector_load_idx %arg4[%add3A_223] : memref<32768xi32, #tpu.memory_space<vmem>>[vector<16xi32>], vector<16xi32>,
        %add3A_225 = arith.addi %add3A_216, %gather3A_224 : vector<16xi32>
        %add3A_226 = arith.constant 14 : i32
        %add3A_227 = vector.broadcast %add3A_226 : i32 to vector<16xi32>
        %add3A_228 = arith.addi %iota3A, %add3A_227 : vector<16xi32>
        %and3A_229 = arith.constant 15 : i32
        %and3A_230 = vector.broadcast %and3A_229 : i32 to vector<16xi32>
        %and3A_231 = arith.andi %add3A_228, %and3A_230 : vector<16xi32>
        %add3A_232 = arith.addi %shift_left3A_100, %and3A_231 : vector<16xi32>
        %gather3A_233 = tpu.vector_load_idx %arg4[%add3A_232] : memref<32768xi32, #tpu.memory_space<vmem>>[vector<16xi32>], vector<16xi32>,
        %add3A_234 = arith.addi %add3A_225, %gather3A_233 : vector<16xi32>
        %add3A_235 = arith.constant 15 : i32
        %add3A_236 = vector.broadcast %add3A_235 : i32 to vector<16xi32>
        %add3A_237 = arith.addi %iota3A, %add3A_236 : vector<16xi32>
        %and3A_238 = arith.constant 15 : i32
        %and3A_239 = vector.broadcast %and3A_238 : i32 to vector<16xi32>
        %and3A_240 = arith.andi %add3A_237, %and3A_239 : vector<16xi32>
        %add3A_241 = arith.addi %shift_left3A_100, %and3A_240 : vector<16xi32>
        %gather3A_242 = tpu.vector_load_idx %arg4[%add3A_241] : memref<32768xi32, #tpu.memory_space<vmem>>[vector<16xi32>], vector<16xi32>,
        %add3A_243 = arith.addi %add3A_234, %gather3A_242 : vector<16xi32>
        %swap3A = arith.index_cast %mul3A_94 : i32 to index
        %swap3A_244 = tpu.vector_load %arg7[%swap3A] {strides = array<i32>} : memref<2048xi32, #tpu.memory_space<vmem>>, vector<16xi32>,
        tpu.vector_store %arg7[%swap3A], %add3A_243 {strides = array<i32>} : memref<2048xi32, #tpu.memory_space<vmem>>, vector<16xi32>,
      }
      %scan3A_80 = arith.constant 128 : i32
      %dma_start3A_81 = arith.constant 0 : i32
      %dma_start3A_82 = tpu.memref_slice %arg3[%add3A_16, %dma_start3A_81] : memref<84x2048xi32, #tpu.memory_space<hbm>> -> memref<1x2048xi32, #tpu.memory_space<hbm>>
      %dma_start3A_83 = tpu.memref_squeeze %dma_start3A_82 : memref<1x2048xi32, #tpu.memory_space<hbm>> -> memref<2048xi32, #tpu.memory_space<hbm>>
      %dma_start3A_84 = arith.constant 0 : i32
      %dma_start3A_85 = tpu.memref_slice %arg3[%add3A_16, %dma_start3A_84] : memref<84x2048xi32, #tpu.memory_space<hbm>> -> memref<1x2048xi32, #tpu.memory_space<hbm>>
      %dma_start3A_86 = tpu.memref_squeeze %dma_start3A_85 : memref<1x2048xi32, #tpu.memory_space<hbm>> -> memref<2048xi32, #tpu.memory_space<hbm>>
      tpu.enqueue_dma source(%arg7 : memref<2048xi32, #tpu.memory_space<vmem>>) target(%dma_start3A_86 : memref<2048xi32, #tpu.memory_space<hbm>>) target_semaphore(%arg10 : memref<!tpu.dma_semaphore, #tpu.memory_space<semaphore_mem>>)
      %dma_wait3A = arith.constant 0 : i32
      %dma_wait3A_87 = tpu.memref_slice %arg3[%add3A_16, %dma_wait3A] : memref<84x2048xi32, #tpu.memory_space<hbm>> -> memref<1x2048xi32, #tpu.memory_space<hbm>>
      %dma_wait3A_88 = tpu.memref_squeeze %dma_wait3A_87 : memref<1x2048xi32, #tpu.memory_space<hbm>> -> memref<2048xi32, #tpu.memory_space<hbm>>
      %dma_wait3A_89 = arith.constant 0 : i32
      %dma_wait3A_90 = tpu.memref_slice %arg3[%add3A_16, %dma_wait3A_89] : memref<84x2048xi32, #tpu.memory_space<hbm>> -> memref<1x2048xi32, #tpu.memory_space<hbm>>
      %dma_wait3A_91 = tpu.memref_squeeze %dma_wait3A_90 : memref<1x2048xi32, #tpu.memory_space<hbm>> -> memref<2048xi32, #tpu.memory_space<hbm>>
      tpu.wait_dma2 semaphore(%arg10 : memref<!tpu.dma_semaphore, #tpu.memory_space<semaphore_mem>>) src(%arg7 : memref<2048xi32, #tpu.memory_space<vmem>>) dst(%dma_wait3A_91 : memref<2048xi32, #tpu.memory_space<hbm>>)
    } else {
    }
    return
  }
}

#map = affine_map<(d0, d1) -> (0, 0, 0)>
#map1 = affine_map<(d0, d1) -> (0, 0)>
module attributes {stable_mosaic.version = 14 : i64} {
  func.func @_sc_hist_body(%arg0: i32, %arg1: i32, %arg2: memref<4x21x131072xi32, #tpu.memory_space<hbm>>, %arg3: memref<84x2048xi32, #tpu.memory_space<hbm>>, %arg4: memref<32768xi32, #tpu.memory_space<vmem>>, %arg5: memref<16384xi32, #tpu.memory_space<vmem>>, %arg6: memref<16384xi32, #tpu.memory_space<vmem>>, %arg7: memref<2048xi32, #tpu.memory_space<vmem>>, %arg8: memref<!tpu.dma_semaphore, #tpu.memory_space<semaphore_mem>>, %arg9: memref<!tpu.dma_semaphore, #tpu.memory_space<semaphore_mem>>, %arg10: memref<!tpu.dma_semaphore, #tpu.memory_space<semaphore_mem>>) attributes {dimension_semantics = [#tpu.dimension_semantics<core_parallel>, #tpu.dimension_semantics<subcore_parallel>], iteration_bounds = array<i64: 2, 16>, scalar_prefetch = 0 : i64, scratch_operands = 7 : i64, tpu.core_type = #tpu.core_type<sc_vector_subcore>, window_params = [{transform_indices = #map}, {transform_indices = #map1}]} {
    %mul3A = arith.constant 2 : i32
    %mul3A_0 = arith.muli %arg1, %mul3A : i32
    %add3A = arith.addi %mul3A_0, %arg0 : i32
    %iota3A = tpu.iota {dimensions = array<i32: 0>} : vector<16xi32>
    %broadcast_in_dim3A = arith.constant 1 : i32
    %broadcast_in_dim3A_1 = vector.broadcast %broadcast_in_dim3A : i32 to vector<16xi32>
    %broadcast_in_dim3A_2 = arith.constant 0 : i32
    %broadcast_in_dim3A_3 = vector.broadcast %broadcast_in_dim3A_2 : i32 to vector<16xi32>
    %add3A_4 = arith.constant 0 : i32
    %add3A_5 = arith.addi %add3A, %add3A_4 : i32
    %lt3A = arith.constant 84 : i32
    %lt3A_6 = arith.cmpi slt, %add3A_5, %lt3A : i32
    %convert_element_type3A = arith.extui %lt3A_6 : i1 to i32
    %cond3A = arith.constant 0 : i32
    %cond3A_7 = arith.cmpi ne, %convert_element_type3A, %cond3A : i32
    scf.if %cond3A_7 {
      %jit3A = arith.constant 21 : i32
      %div3A = arith.divsi %add3A_5, %jit3A : i32
      %sign3A = arith.constant 0 : i32
      %sign3A_22 = arith.cmpi sgt, %add3A_5, %sign3A : i32
      %sign3A_23 = arith.extui %sign3A_22 : i1 to i32
      %sign3A_24 = arith.constant 0 : i32
      %sign3A_25 = arith.cmpi slt, %add3A_5, %sign3A_24 : i32
      %sign3A_26 = arith.extui %sign3A_25 : i1 to i32
      %sign3A_27 = arith.subi %sign3A_23, %sign3A_26 : i32
      %sign3A_28 = arith.constant 0 : i32
      %sign3A_29 = arith.cmpi sgt, %jit3A, %sign3A_28 : i32
      %sign3A_30 = arith.extui %sign3A_29 : i1 to i32
      %sign3A_31 = arith.constant 0 : i32
      %sign3A_32 = arith.cmpi slt, %jit3A, %sign3A_31 : i32
      %sign3A_33 = arith.extui %sign3A_32 : i1 to i32
      %sign3A_34 = arith.subi %sign3A_30, %sign3A_33 : i32
      %ne3A = arith.cmpi ne, %sign3A_27, %sign3A_34 : i32
      %rem3A = arith.remsi %add3A_5, %jit3A : i32
      %ne3A_35 = arith.constant 0 : i32
      %ne3A_36 = arith.cmpi ne, %rem3A, %ne3A_35 : i32
      %and3A = arith.andi %ne3A, %ne3A_36 : i1
      %sub3A = arith.constant 1 : i32
      %sub3A_37 = arith.subi %div3A, %sub3A : i32
      %select_n3A = arith.select %and3A, %sub3A_37, %div3A : i32
      %jit3A_38 = arith.constant 21 : i32
      %eq3A = arith.constant 0 : i32
      %eq3A_39 = arith.cmpi eq, %jit3A_38, %eq3A : i32
      %jit3A_40 = arith.constant 1 : i32
      %select_n3A_41 = arith.select %eq3A_39, %jit3A_40, %jit3A_38 : i32
      %rem3A_42 = arith.remsi %add3A_5, %select_n3A_41 : i32
      %ne3A_43 = arith.constant 0 : i32
      %ne3A_44 = arith.cmpi ne, %rem3A_42, %ne3A_43 : i32
      %lt3A_45 = arith.constant 0 : i32
      %lt3A_46 = arith.cmpi slt, %rem3A_42, %lt3A_45 : i32
      %lt3A_47 = arith.constant 0 : i32
      %lt3A_48 = arith.cmpi slt, %select_n3A_41, %lt3A_47 : i32
      %ne3A_49 = arith.xori %lt3A_46, %lt3A_48 : i1
      %and3A_50 = arith.andi %ne3A_49, %ne3A_44 : i1
      %add3A_51 = arith.addi %rem3A_42, %select_n3A_41 : i32
      %select_n3A_52 = arith.select %and3A_50, %add3A_51, %rem3A_42 : i32
      %scan3A = arith.constant 0 : i32
      %scan3A_53 = arith.constant 0 : i32
      %scan3A_54 = arith.constant 128 : i32
      %scan3A_55 = arith.addi %scan3A_53, %scan3A_54 : i32
      %scan3A_56 = arith.constant 1 : i32
      scf.for %scan3A_92 = %scan3A_53 to %scan3A_55 step %scan3A_56  : i32 {
        %mul3A_93 = arith.constant 16 : i32
        %mul3A_94 = arith.muli %scan3A_92, %mul3A_93 : i32
        %add3A_95 = arith.constant 0 : i32
        %add3A_96 = arith.addi %mul3A_94, %add3A_95 : i32
        %mul3A_97 = arith.constant 16 : i32
        %mul3A_98 = arith.muli %add3A_96, %mul3A_97 : i32
        %swap3A = arith.index_cast %mul3A_98 : i32 to index
        %swap3A_99 = tpu.vector_load %arg4[%swap3A] {strides = array<i32>} : memref<32768xi32, #tpu.memory_space<vmem>>, vector<16xi32>,
        tpu.vector_store %arg4[%swap3A], %broadcast_in_dim3A_3 {strides = array<i32>} : memref<32768xi32, #tpu.memory_space<vmem>>, vector<16xi32>,
        %mul3A_100 = arith.constant 16 : i32
        %mul3A_101 = arith.muli %scan3A_92, %mul3A_100 : i32
        %add3A_102 = arith.constant 1 : i32
        %add3A_103 = arith.addi %mul3A_101, %add3A_102 : i32
        %mul3A_104 = arith.constant 16 : i32
        %mul3A_105 = arith.muli %add3A_103, %mul3A_104 : i32
        %swap3A_106 = arith.index_cast %mul3A_105 : i32 to index
        %swap3A_107 = tpu.vector_load %arg4[%swap3A_106] {strides = array<i32>} : memref<32768xi32, #tpu.memory_space<vmem>>, vector<16xi32>,
        tpu.vector_store %arg4[%swap3A_106], %broadcast_in_dim3A_3 {strides = array<i32>} : memref<32768xi32, #tpu.memory_space<vmem>>, vector<16xi32>,
        %mul3A_108 = arith.constant 16 : i32
        %mul3A_109 = arith.muli %scan3A_92, %mul3A_108 : i32
        %add3A_110 = arith.constant 2 : i32
        %add3A_111 = arith.addi %mul3A_109, %add3A_110 : i32
        %mul3A_112 = arith.constant 16 : i32
        %mul3A_113 = arith.muli %add3A_111, %mul3A_112 : i32
        %swap3A_114 = arith.index_cast %mul3A_113 : i32 to index
        %swap3A_115 = tpu.vector_load %arg4[%swap3A_114] {strides = array<i32>} : memref<32768xi32, #tpu.memory_space<vmem>>, vector<16xi32>,
        tpu.vector_store %arg4[%swap3A_114], %broadcast_in_dim3A_3 {strides = array<i32>} : memref<32768xi32, #tpu.memory_space<vmem>>, vector<16xi32>,
        %mul3A_116 = arith.constant 16 : i32
        %mul3A_117 = arith.muli %scan3A_92, %mul3A_116 : i32
        %add3A_118 = arith.constant 3 : i32
        %add3A_119 = arith.addi %mul3A_117, %add3A_118 : i32
        %mul3A_120 = arith.constant 16 : i32
        %mul3A_121 = arith.muli %add3A_119, %mul3A_120 : i32
        %swap3A_122 = arith.index_cast %mul3A_121 : i32 to index
        %swap3A_123 = tpu.vector_load %arg4[%swap3A_122] {strides = array<i32>} : memref<32768xi32, #tpu.memory_space<vmem>>, vector<16xi32>,
        tpu.vector_store %arg4[%swap3A_122], %broadcast_in_dim3A_3 {strides = array<i32>} : memref<32768xi32, #tpu.memory_space<vmem>>, vector<16xi32>,
        %mul3A_124 = arith.constant 16 : i32
        %mul3A_125 = arith.muli %scan3A_92, %mul3A_124 : i32
        %add3A_126 = arith.constant 4 : i32
        %add3A_127 = arith.addi %mul3A_125, %add3A_126 : i32
        %mul3A_128 = arith.constant 16 : i32
        %mul3A_129 = arith.muli %add3A_127, %mul3A_128 : i32
        %swap3A_130 = arith.index_cast %mul3A_129 : i32 to index
        %swap3A_131 = tpu.vector_load %arg4[%swap3A_130] {strides = array<i32>} : memref<32768xi32, #tpu.memory_space<vmem>>, vector<16xi32>,
        tpu.vector_store %arg4[%swap3A_130], %broadcast_in_dim3A_3 {strides = array<i32>} : memref<32768xi32, #tpu.memory_space<vmem>>, vector<16xi32>,
        %mul3A_132 = arith.constant 16 : i32
        %mul3A_133 = arith.muli %scan3A_92, %mul3A_132 : i32
        %add3A_134 = arith.constant 5 : i32
        %add3A_135 = arith.addi %mul3A_133, %add3A_134 : i32
        %mul3A_136 = arith.constant 16 : i32
        %mul3A_137 = arith.muli %add3A_135, %mul3A_136 : i32
        %swap3A_138 = arith.index_cast %mul3A_137 : i32 to index
        %swap3A_139 = tpu.vector_load %arg4[%swap3A_138] {strides = array<i32>} : memref<32768xi32, #tpu.memory_space<vmem>>, vector<16xi32>,
        tpu.vector_store %arg4[%swap3A_138], %broadcast_in_dim3A_3 {strides = array<i32>} : memref<32768xi32, #tpu.memory_space<vmem>>, vector<16xi32>,
        %mul3A_140 = arith.constant 16 : i32
        %mul3A_141 = arith.muli %scan3A_92, %mul3A_140 : i32
        %add3A_142 = arith.constant 6 : i32
        %add3A_143 = arith.addi %mul3A_141, %add3A_142 : i32
        %mul3A_144 = arith.constant 16 : i32
        %mul3A_145 = arith.muli %add3A_143, %mul3A_144 : i32
        %swap3A_146 = arith.index_cast %mul3A_145 : i32 to index
        %swap3A_147 = tpu.vector_load %arg4[%swap3A_146] {strides = array<i32>} : memref<32768xi32, #tpu.memory_space<vmem>>, vector<16xi32>,
        tpu.vector_store %arg4[%swap3A_146], %broadcast_in_dim3A_3 {strides = array<i32>} : memref<32768xi32, #tpu.memory_space<vmem>>, vector<16xi32>,
        %mul3A_148 = arith.constant 16 : i32
        %mul3A_149 = arith.muli %scan3A_92, %mul3A_148 : i32
        %add3A_150 = arith.constant 7 : i32
        %add3A_151 = arith.addi %mul3A_149, %add3A_150 : i32
        %mul3A_152 = arith.constant 16 : i32
        %mul3A_153 = arith.muli %add3A_151, %mul3A_152 : i32
        %swap3A_154 = arith.index_cast %mul3A_153 : i32 to index
        %swap3A_155 = tpu.vector_load %arg4[%swap3A_154] {strides = array<i32>} : memref<32768xi32, #tpu.memory_space<vmem>>, vector<16xi32>,
        tpu.vector_store %arg4[%swap3A_154], %broadcast_in_dim3A_3 {strides = array<i32>} : memref<32768xi32, #tpu.memory_space<vmem>>, vector<16xi32>,
        %mul3A_156 = arith.constant 16 : i32
        %mul3A_157 = arith.muli %scan3A_92, %mul3A_156 : i32
        %add3A_158 = arith.constant 8 : i32
        %add3A_159 = arith.addi %mul3A_157, %add3A_158 : i32
        %mul3A_160 = arith.constant 16 : i32
        %mul3A_161 = arith.muli %add3A_159, %mul3A_160 : i32
        %swap3A_162 = arith.index_cast %mul3A_161 : i32 to index
        %swap3A_163 = tpu.vector_load %arg4[%swap3A_162] {strides = array<i32>} : memref<32768xi32, #tpu.memory_space<vmem>>, vector<16xi32>,
        tpu.vector_store %arg4[%swap3A_162], %broadcast_in_dim3A_3 {strides = array<i32>} : memref<32768xi32, #tpu.memory_space<vmem>>, vector<16xi32>,
        %mul3A_164 = arith.constant 16 : i32
        %mul3A_165 = arith.muli %scan3A_92, %mul3A_164 : i32
        %add3A_166 = arith.constant 9 : i32
        %add3A_167 = arith.addi %mul3A_165, %add3A_166 : i32
        %mul3A_168 = arith.constant 16 : i32
        %mul3A_169 = arith.muli %add3A_167, %mul3A_168 : i32
        %swap3A_170 = arith.index_cast %mul3A_169 : i32 to index
        %swap3A_171 = tpu.vector_load %arg4[%swap3A_170] {strides = array<i32>} : memref<32768xi32, #tpu.memory_space<vmem>>, vector<16xi32>,
        tpu.vector_store %arg4[%swap3A_170], %broadcast_in_dim3A_3 {strides = array<i32>} : memref<32768xi32, #tpu.memory_space<vmem>>, vector<16xi32>,
        %mul3A_172 = arith.constant 16 : i32
        %mul3A_173 = arith.muli %scan3A_92, %mul3A_172 : i32
        %add3A_174 = arith.constant 10 : i32
        %add3A_175 = arith.addi %mul3A_173, %add3A_174 : i32
        %mul3A_176 = arith.constant 16 : i32
        %mul3A_177 = arith.muli %add3A_175, %mul3A_176 : i32
        %swap3A_178 = arith.index_cast %mul3A_177 : i32 to index
        %swap3A_179 = tpu.vector_load %arg4[%swap3A_178] {strides = array<i32>} : memref<32768xi32, #tpu.memory_space<vmem>>, vector<16xi32>,
        tpu.vector_store %arg4[%swap3A_178], %broadcast_in_dim3A_3 {strides = array<i32>} : memref<32768xi32, #tpu.memory_space<vmem>>, vector<16xi32>,
        %mul3A_180 = arith.constant 16 : i32
        %mul3A_181 = arith.muli %scan3A_92, %mul3A_180 : i32
        %add3A_182 = arith.constant 11 : i32
        %add3A_183 = arith.addi %mul3A_181, %add3A_182 : i32
        %mul3A_184 = arith.constant 16 : i32
        %mul3A_185 = arith.muli %add3A_183, %mul3A_184 : i32
        %swap3A_186 = arith.index_cast %mul3A_185 : i32 to index
        %swap3A_187 = tpu.vector_load %arg4[%swap3A_186] {strides = array<i32>} : memref<32768xi32, #tpu.memory_space<vmem>>, vector<16xi32>,
        tpu.vector_store %arg4[%swap3A_186], %broadcast_in_dim3A_3 {strides = array<i32>} : memref<32768xi32, #tpu.memory_space<vmem>>, vector<16xi32>,
        %mul3A_188 = arith.constant 16 : i32
        %mul3A_189 = arith.muli %scan3A_92, %mul3A_188 : i32
        %add3A_190 = arith.constant 12 : i32
        %add3A_191 = arith.addi %mul3A_189, %add3A_190 : i32
        %mul3A_192 = arith.constant 16 : i32
        %mul3A_193 = arith.muli %add3A_191, %mul3A_192 : i32
        %swap3A_194 = arith.index_cast %mul3A_193 : i32 to index
        %swap3A_195 = tpu.vector_load %arg4[%swap3A_194] {strides = array<i32>} : memref<32768xi32, #tpu.memory_space<vmem>>, vector<16xi32>,
        tpu.vector_store %arg4[%swap3A_194], %broadcast_in_dim3A_3 {strides = array<i32>} : memref<32768xi32, #tpu.memory_space<vmem>>, vector<16xi32>,
        %mul3A_196 = arith.constant 16 : i32
        %mul3A_197 = arith.muli %scan3A_92, %mul3A_196 : i32
        %add3A_198 = arith.constant 13 : i32
        %add3A_199 = arith.addi %mul3A_197, %add3A_198 : i32
        %mul3A_200 = arith.constant 16 : i32
        %mul3A_201 = arith.muli %add3A_199, %mul3A_200 : i32
        %swap3A_202 = arith.index_cast %mul3A_201 : i32 to index
        %swap3A_203 = tpu.vector_load %arg4[%swap3A_202] {strides = array<i32>} : memref<32768xi32, #tpu.memory_space<vmem>>, vector<16xi32>,
        tpu.vector_store %arg4[%swap3A_202], %broadcast_in_dim3A_3 {strides = array<i32>} : memref<32768xi32, #tpu.memory_space<vmem>>, vector<16xi32>,
        %mul3A_204 = arith.constant 16 : i32
        %mul3A_205 = arith.muli %scan3A_92, %mul3A_204 : i32
        %add3A_206 = arith.constant 14 : i32
        %add3A_207 = arith.addi %mul3A_205, %add3A_206 : i32
        %mul3A_208 = arith.constant 16 : i32
        %mul3A_209 = arith.muli %add3A_207, %mul3A_208 : i32
        %swap3A_210 = arith.index_cast %mul3A_209 : i32 to index
        %swap3A_211 = tpu.vector_load %arg4[%swap3A_210] {strides = array<i32>} : memref<32768xi32, #tpu.memory_space<vmem>>, vector<16xi32>,
        tpu.vector_store %arg4[%swap3A_210], %broadcast_in_dim3A_3 {strides = array<i32>} : memref<32768xi32, #tpu.memory_space<vmem>>, vector<16xi32>,
        %mul3A_212 = arith.constant 16 : i32
        %mul3A_213 = arith.muli %scan3A_92, %mul3A_212 : i32
        %add3A_214 = arith.constant 15 : i32
        %add3A_215 = arith.addi %mul3A_213, %add3A_214 : i32
        %mul3A_216 = arith.constant 16 : i32
        %mul3A_217 = arith.muli %add3A_215, %mul3A_216 : i32
        %swap3A_218 = arith.index_cast %mul3A_217 : i32 to index
        %swap3A_219 = tpu.vector_load %arg4[%swap3A_218] {strides = array<i32>} : memref<32768xi32, #tpu.memory_space<vmem>>, vector<16xi32>,
        tpu.vector_store %arg4[%swap3A_218], %broadcast_in_dim3A_3 {strides = array<i32>} : memref<32768xi32, #tpu.memory_space<vmem>>, vector<16xi32>,
      }
      %scan3A_57 = arith.constant 128 : i32
      %dma_start3A = arith.constant 0 : i32
      %dma_start3A_58 = tpu.memref_slice %arg2[%select_n3A, %select_n3A_52, %dma_start3A] : memref<4x21x131072xi32, #tpu.memory_space<hbm>> -> memref<1x1x16384xi32, #tpu.memory_space<hbm>>
      %dma_start3A_59 = tpu.memref_squeeze %dma_start3A_58 : memref<1x1x16384xi32, #tpu.memory_space<hbm>> -> memref<16384xi32, #tpu.memory_space<hbm>>
      %dma_start3A_60 = arith.constant 0 : i32
      %dma_start3A_61 = tpu.memref_slice %arg2[%select_n3A, %select_n3A_52, %dma_start3A_60] : memref<4x21x131072xi32, #tpu.memory_space<hbm>> -> memref<1x1x16384xi32, #tpu.memory_space<hbm>>
      %dma_start3A_62 = tpu.memref_squeeze %dma_start3A_61 : memref<1x1x16384xi32, #tpu.memory_space<hbm>> -> memref<16384xi32, #tpu.memory_space<hbm>>
      tpu.enqueue_dma source(%dma_start3A_62 : memref<16384xi32, #tpu.memory_space<hbm>>) target(%arg5 : memref<16384xi32, #tpu.memory_space<vmem>>) target_semaphore(%arg8 : memref<!tpu.dma_semaphore, #tpu.memory_space<semaphore_mem>>)
      %dma_start3A_63 = arith.constant 16384 : i32
      %dma_start3A_64 = tpu.memref_slice %arg2[%select_n3A, %select_n3A_52, %dma_start3A_63] : memref<4x21x131072xi32, #tpu.memory_space<hbm>> -> memref<1x1x16384xi32, #tpu.memory_space<hbm>>
      %dma_start3A_65 = tpu.memref_squeeze %dma_start3A_64 : memref<1x1x16384xi32, #tpu.memory_space<hbm>> -> memref<16384xi32, #tpu.memory_space<hbm>>
      %dma_start3A_66 = arith.constant 16384 : i32
      %dma_start3A_67 = tpu.memref_slice %arg2[%select_n3A, %select_n3A_52, %dma_start3A_66] : memref<4x21x131072xi32, #tpu.memory_space<hbm>> -> memref<1x1x16384xi32, #tpu.memory_space<hbm>>
      %dma_start3A_68 = tpu.memref_squeeze %dma_start3A_67 : memref<1x1x16384xi32, #tpu.memory_space<hbm>> -> memref<16384xi32, #tpu.memory_space<hbm>>
      tpu.enqueue_dma source(%dma_start3A_68 : memref<16384xi32, #tpu.memory_space<hbm>>) target(%arg6 : memref<16384xi32, #tpu.memory_space<vmem>>) target_semaphore(%arg9 : memref<!tpu.dma_semaphore, #tpu.memory_space<semaphore_mem>>)
      %scan3A_69 = arith.constant 0 : i32
      %scan3A_70 = arith.constant 0 : i32
      %scan3A_71 = arith.constant 4 : i32
      %scan3A_72 = arith.addi %scan3A_70, %scan3A_71 : i32
      %scan3A_73 = arith.constant 1 : i32
      scf.for %scan3A_92 = %scan3A_70 to %scan3A_72 step %scan3A_73  : i32 {
        %mul3A_93 = arith.constant 2 : i32
        %mul3A_94 = arith.muli %scan3A_92, %mul3A_93 : i32
        %add3A_95 = arith.constant 0 : i32
        %add3A_96 = arith.addi %mul3A_94, %add3A_95 : i32
        %mul3A_97 = arith.constant 16384 : i32
        %mul3A_98 = arith.muli %add3A_96, %mul3A_97 : i32
        %dma_wait3A_99 = tpu.memref_slice %arg2[%select_n3A, %select_n3A_52, %mul3A_98] : memref<4x21x131072xi32, #tpu.memory_space<hbm>> -> memref<1x1x16384xi32, #tpu.memory_space<hbm>>
        %dma_wait3A_100 = tpu.memref_squeeze %dma_wait3A_99 : memref<1x1x16384xi32, #tpu.memory_space<hbm>> -> memref<16384xi32, #tpu.memory_space<hbm>>
        %dma_wait3A_101 = tpu.memref_slice %arg2[%select_n3A, %select_n3A_52, %mul3A_98] : memref<4x21x131072xi32, #tpu.memory_space<hbm>> -> memref<1x1x16384xi32, #tpu.memory_space<hbm>>
        %dma_wait3A_102 = tpu.memref_squeeze %dma_wait3A_101 : memref<1x1x16384xi32, #tpu.memory_space<hbm>> -> memref<16384xi32, #tpu.memory_space<hbm>>
        tpu.wait_dma2 semaphore(%arg8 : memref<!tpu.dma_semaphore, #tpu.memory_space<semaphore_mem>>) src(%dma_wait3A_102 : memref<16384xi32, #tpu.memory_space<hbm>>) dst(%arg5 : memref<16384xi32, #tpu.memory_space<vmem>>)
        %parallel_loop3A = arith.constant 0 : i32
        %parallel_loop3A_103 = arith.constant 1024 : i32
        %parallel_loop3A_104 = arith.constant 1 : i32
        scf.for %parallel_loop3A_132 = %parallel_loop3A to %parallel_loop3A_103 step %parallel_loop3A_104  : i32 {
          %parallel_loop3A_133 = arith.constant 16 : i32
          %parallel_loop3A_134 = arith.muli %parallel_loop3A_132, %parallel_loop3A_133 : i32
          %parallel_loop3A_135 = arith.index_cast %parallel_loop3A_134 : i32 to index
          %parallel_loop3A_136 = tpu.vector_load %arg5[%parallel_loop3A_135] {strides = array<i32>} : memref<16384xi32, #tpu.memory_space<vmem>>, vector<16xi32>,
          tpu.vector_store_idx %arg4[%parallel_loop3A_136], %broadcast_in_dim3A_1 {add = true} : memref<32768xi32, #tpu.memory_space<vmem>>[vector<16xi32>], vector<16xi32>,
        } {sc.loop_unroll_factor = 16 : i64, sc.parallel_access}
        %add3A_105 = arith.constant 2 : i32
        %add3A_106 = arith.addi %add3A_96, %add3A_105 : i32
        %lt3A_107 = arith.constant 8 : i32
        %lt3A_108 = arith.cmpi slt, %add3A_106, %lt3A_107 : i32
        %convert_element_type3A_109 = arith.extui %lt3A_108 : i1 to i32
        %cond3A_110 = arith.constant 0 : i32
        %cond3A_111 = arith.cmpi ne, %convert_element_type3A_109, %cond3A_110 : i32
        scf.if %cond3A_111 {
          %mul3A_132 = arith.constant 16384 : i32
          %mul3A_133 = arith.muli %add3A_106, %mul3A_132 : i32
          %dma_start3A_134 = tpu.memref_slice %arg2[%select_n3A, %select_n3A_52, %mul3A_133] : memref<4x21x131072xi32, #tpu.memory_space<hbm>> -> memref<1x1x16384xi32, #tpu.memory_space<hbm>>
          %dma_start3A_135 = tpu.memref_squeeze %dma_start3A_134 : memref<1x1x16384xi32, #tpu.memory_space<hbm>> -> memref<16384xi32, #tpu.memory_space<hbm>>
          %dma_start3A_136 = tpu.memref_slice %arg2[%select_n3A, %select_n3A_52, %mul3A_133] : memref<4x21x131072xi32, #tpu.memory_space<hbm>> -> memref<1x1x16384xi32, #tpu.memory_space<hbm>>
          %dma_start3A_137 = tpu.memref_squeeze %dma_start3A_136 : memref<1x1x16384xi32, #tpu.memory_space<hbm>> -> memref<16384xi32, #tpu.memory_space<hbm>>
          tpu.enqueue_dma source(%dma_start3A_137 : memref<16384xi32, #tpu.memory_space<hbm>>) target(%arg5 : memref<16384xi32, #tpu.memory_space<vmem>>) target_semaphore(%arg8 : memref<!tpu.dma_semaphore, #tpu.memory_space<semaphore_mem>>)
        } else {
        }
        %mul3A_112 = arith.constant 2 : i32
        %mul3A_113 = arith.muli %scan3A_92, %mul3A_112 : i32
        %add3A_114 = arith.constant 1 : i32
        %add3A_115 = arith.addi %mul3A_113, %add3A_114 : i32
        %mul3A_116 = arith.constant 16384 : i32
        %mul3A_117 = arith.muli %add3A_115, %mul3A_116 : i32
        %dma_wait3A_118 = tpu.memref_slice %arg2[%select_n3A, %select_n3A_52, %mul3A_117] : memref<4x21x131072xi32, #tpu.memory_space<hbm>> -> memref<1x1x16384xi32, #tpu.memory_space<hbm>>
        %dma_wait3A_119 = tpu.memref_squeeze %dma_wait3A_118 : memref<1x1x16384xi32, #tpu.memory_space<hbm>> -> memref<16384xi32, #tpu.memory_space<hbm>>
        %dma_wait3A_120 = tpu.memref_slice %arg2[%select_n3A, %select_n3A_52, %mul3A_117] : memref<4x21x131072xi32, #tpu.memory_space<hbm>> -> memref<1x1x16384xi32, #tpu.memory_space<hbm>>
        %dma_wait3A_121 = tpu.memref_squeeze %dma_wait3A_120 : memref<1x1x16384xi32, #tpu.memory_space<hbm>> -> memref<16384xi32, #tpu.memory_space<hbm>>
        tpu.wait_dma2 semaphore(%arg9 : memref<!tpu.dma_semaphore, #tpu.memory_space<semaphore_mem>>) src(%dma_wait3A_121 : memref<16384xi32, #tpu.memory_space<hbm>>) dst(%arg6 : memref<16384xi32, #tpu.memory_space<vmem>>)
        %parallel_loop3A_122 = arith.constant 0 : i32
        %parallel_loop3A_123 = arith.constant 1024 : i32
        %parallel_loop3A_124 = arith.constant 1 : i32
        scf.for %parallel_loop3A_132 = %parallel_loop3A_122 to %parallel_loop3A_123 step %parallel_loop3A_124  : i32 {
          %parallel_loop3A_133 = arith.constant 16 : i32
          %parallel_loop3A_134 = arith.muli %parallel_loop3A_132, %parallel_loop3A_133 : i32
          %parallel_loop3A_135 = arith.index_cast %parallel_loop3A_134 : i32 to index
          %parallel_loop3A_136 = tpu.vector_load %arg6[%parallel_loop3A_135] {strides = array<i32>} : memref<16384xi32, #tpu.memory_space<vmem>>, vector<16xi32>,
          tpu.vector_store_idx %arg4[%parallel_loop3A_136], %broadcast_in_dim3A_1 {add = true} : memref<32768xi32, #tpu.memory_space<vmem>>[vector<16xi32>], vector<16xi32>,
        } {sc.loop_unroll_factor = 16 : i64, sc.parallel_access}
        %add3A_125 = arith.constant 2 : i32
        %add3A_126 = arith.addi %add3A_115, %add3A_125 : i32
        %lt3A_127 = arith.constant 8 : i32
        %lt3A_128 = arith.cmpi slt, %add3A_126, %lt3A_127 : i32
        %convert_element_type3A_129 = arith.extui %lt3A_128 : i1 to i32
        %cond3A_130 = arith.constant 0 : i32
        %cond3A_131 = arith.cmpi ne, %convert_element_type3A_129, %cond3A_130 : i32
        scf.if %cond3A_131 {
          %mul3A_132 = arith.constant 16384 : i32
          %mul3A_133 = arith.muli %add3A_126, %mul3A_132 : i32
          %dma_start3A_134 = tpu.memref_slice %arg2[%select_n3A, %select_n3A_52, %mul3A_133] : memref<4x21x131072xi32, #tpu.memory_space<hbm>> -> memref<1x1x16384xi32, #tpu.memory_space<hbm>>
          %dma_start3A_135 = tpu.memref_squeeze %dma_start3A_134 : memref<1x1x16384xi32, #tpu.memory_space<hbm>> -> memref<16384xi32, #tpu.memory_space<hbm>>
          %dma_start3A_136 = tpu.memref_slice %arg2[%select_n3A, %select_n3A_52, %mul3A_133] : memref<4x21x131072xi32, #tpu.memory_space<hbm>> -> memref<1x1x16384xi32, #tpu.memory_space<hbm>>
          %dma_start3A_137 = tpu.memref_squeeze %dma_start3A_136 : memref<1x1x16384xi32, #tpu.memory_space<hbm>> -> memref<16384xi32, #tpu.memory_space<hbm>>
          tpu.enqueue_dma source(%dma_start3A_137 : memref<16384xi32, #tpu.memory_space<hbm>>) target(%arg6 : memref<16384xi32, #tpu.memory_space<vmem>>) target_semaphore(%arg9 : memref<!tpu.dma_semaphore, #tpu.memory_space<semaphore_mem>>)
        } else {
        }
      }
      %scan3A_74 = arith.constant 4 : i32
      %scan3A_75 = arith.constant 0 : i32
      %scan3A_76 = arith.constant 0 : i32
      %scan3A_77 = arith.constant 128 : i32
      %scan3A_78 = arith.addi %scan3A_76, %scan3A_77 : i32
      %scan3A_79 = arith.constant 1 : i32
      scf.for %scan3A_92 = %scan3A_76 to %scan3A_78 step %scan3A_79  : i32 {
        %mul3A_93 = arith.constant 16 : i32
        %mul3A_94 = arith.muli %scan3A_92, %mul3A_93 : i32
        %broadcast_in_dim3A_95 = arith.constant 0 : i32
        %broadcast_in_dim3A_96 = vector.broadcast %broadcast_in_dim3A_95 : i32 to vector<16xi32>
        %add3A_97 = vector.broadcast %mul3A_94 : i32 to vector<16xi32>
        %add3A_98 = arith.addi %add3A_97, %iota3A : vector<16xi32>
        %shift_left3A = arith.constant 4 : i32
        %shift_left3A_99 = vector.broadcast %shift_left3A : i32 to vector<16xi32>
        %shift_left3A_100 = arith.shli %add3A_98, %shift_left3A_99 : vector<16xi32>
        %add3A_101 = arith.constant 0 : i32
        %add3A_102 = vector.broadcast %add3A_101 : i32 to vector<16xi32>
        %add3A_103 = arith.addi %iota3A, %add3A_102 : vector<16xi32>
        %and3A_104 = arith.constant 15 : i32
        %and3A_105 = vector.broadcast %and3A_104 : i32 to vector<16xi32>
        %and3A_106 = arith.andi %add3A_103, %and3A_105 : vector<16xi32>
        %add3A_107 = arith.addi %shift_left3A_100, %and3A_106 : vector<16xi32>
        %gather3A = tpu.vector_load_idx %arg4[%add3A_107] : memref<32768xi32, #tpu.memory_space<vmem>>[vector<16xi32>], vector<16xi32>,
        %add3A_108 = arith.addi %broadcast_in_dim3A_96, %gather3A : vector<16xi32>
        %add3A_109 = arith.constant 1 : i32
        %add3A_110 = vector.broadcast %add3A_109 : i32 to vector<16xi32>
        %add3A_111 = arith.addi %iota3A, %add3A_110 : vector<16xi32>
        %and3A_112 = arith.constant 15 : i32
        %and3A_113 = vector.broadcast %and3A_112 : i32 to vector<16xi32>
        %and3A_114 = arith.andi %add3A_111, %and3A_113 : vector<16xi32>
        %add3A_115 = arith.addi %shift_left3A_100, %and3A_114 : vector<16xi32>
        %gather3A_116 = tpu.vector_load_idx %arg4[%add3A_115] : memref<32768xi32, #tpu.memory_space<vmem>>[vector<16xi32>], vector<16xi32>,
        %add3A_117 = arith.addi %add3A_108, %gather3A_116 : vector<16xi32>
        %add3A_118 = arith.constant 2 : i32
        %add3A_119 = vector.broadcast %add3A_118 : i32 to vector<16xi32>
        %add3A_120 = arith.addi %iota3A, %add3A_119 : vector<16xi32>
        %and3A_121 = arith.constant 15 : i32
        %and3A_122 = vector.broadcast %and3A_121 : i32 to vector<16xi32>
        %and3A_123 = arith.andi %add3A_120, %and3A_122 : vector<16xi32>
        %add3A_124 = arith.addi %shift_left3A_100, %and3A_123 : vector<16xi32>
        %gather3A_125 = tpu.vector_load_idx %arg4[%add3A_124] : memref<32768xi32, #tpu.memory_space<vmem>>[vector<16xi32>], vector<16xi32>,
        %add3A_126 = arith.addi %add3A_117, %gather3A_125 : vector<16xi32>
        %add3A_127 = arith.constant 3 : i32
        %add3A_128 = vector.broadcast %add3A_127 : i32 to vector<16xi32>
        %add3A_129 = arith.addi %iota3A, %add3A_128 : vector<16xi32>
        %and3A_130 = arith.constant 15 : i32
        %and3A_131 = vector.broadcast %and3A_130 : i32 to vector<16xi32>
        %and3A_132 = arith.andi %add3A_129, %and3A_131 : vector<16xi32>
        %add3A_133 = arith.addi %shift_left3A_100, %and3A_132 : vector<16xi32>
        %gather3A_134 = tpu.vector_load_idx %arg4[%add3A_133] : memref<32768xi32, #tpu.memory_space<vmem>>[vector<16xi32>], vector<16xi32>,
        %add3A_135 = arith.addi %add3A_126, %gather3A_134 : vector<16xi32>
        %add3A_136 = arith.constant 4 : i32
        %add3A_137 = vector.broadcast %add3A_136 : i32 to vector<16xi32>
        %add3A_138 = arith.addi %iota3A, %add3A_137 : vector<16xi32>
        %and3A_139 = arith.constant 15 : i32
        %and3A_140 = vector.broadcast %and3A_139 : i32 to vector<16xi32>
        %and3A_141 = arith.andi %add3A_138, %and3A_140 : vector<16xi32>
        %add3A_142 = arith.addi %shift_left3A_100, %and3A_141 : vector<16xi32>
        %gather3A_143 = tpu.vector_load_idx %arg4[%add3A_142] : memref<32768xi32, #tpu.memory_space<vmem>>[vector<16xi32>], vector<16xi32>,
        %add3A_144 = arith.addi %add3A_135, %gather3A_143 : vector<16xi32>
        %add3A_145 = arith.constant 5 : i32
        %add3A_146 = vector.broadcast %add3A_145 : i32 to vector<16xi32>
        %add3A_147 = arith.addi %iota3A, %add3A_146 : vector<16xi32>
        %and3A_148 = arith.constant 15 : i32
        %and3A_149 = vector.broadcast %and3A_148 : i32 to vector<16xi32>
        %and3A_150 = arith.andi %add3A_147, %and3A_149 : vector<16xi32>
        %add3A_151 = arith.addi %shift_left3A_100, %and3A_150 : vector<16xi32>
        %gather3A_152 = tpu.vector_load_idx %arg4[%add3A_151] : memref<32768xi32, #tpu.memory_space<vmem>>[vector<16xi32>], vector<16xi32>,
        %add3A_153 = arith.addi %add3A_144, %gather3A_152 : vector<16xi32>
        %add3A_154 = arith.constant 6 : i32
        %add3A_155 = vector.broadcast %add3A_154 : i32 to vector<16xi32>
        %add3A_156 = arith.addi %iota3A, %add3A_155 : vector<16xi32>
        %and3A_157 = arith.constant 15 : i32
        %and3A_158 = vector.broadcast %and3A_157 : i32 to vector<16xi32>
        %and3A_159 = arith.andi %add3A_156, %and3A_158 : vector<16xi32>
        %add3A_160 = arith.addi %shift_left3A_100, %and3A_159 : vector<16xi32>
        %gather3A_161 = tpu.vector_load_idx %arg4[%add3A_160] : memref<32768xi32, #tpu.memory_space<vmem>>[vector<16xi32>], vector<16xi32>,
        %add3A_162 = arith.addi %add3A_153, %gather3A_161 : vector<16xi32>
        %add3A_163 = arith.constant 7 : i32
        %add3A_164 = vector.broadcast %add3A_163 : i32 to vector<16xi32>
        %add3A_165 = arith.addi %iota3A, %add3A_164 : vector<16xi32>
        %and3A_166 = arith.constant 15 : i32
        %and3A_167 = vector.broadcast %and3A_166 : i32 to vector<16xi32>
        %and3A_168 = arith.andi %add3A_165, %and3A_167 : vector<16xi32>
        %add3A_169 = arith.addi %shift_left3A_100, %and3A_168 : vector<16xi32>
        %gather3A_170 = tpu.vector_load_idx %arg4[%add3A_169] : memref<32768xi32, #tpu.memory_space<vmem>>[vector<16xi32>], vector<16xi32>,
        %add3A_171 = arith.addi %add3A_162, %gather3A_170 : vector<16xi32>
        %add3A_172 = arith.constant 8 : i32
        %add3A_173 = vector.broadcast %add3A_172 : i32 to vector<16xi32>
        %add3A_174 = arith.addi %iota3A, %add3A_173 : vector<16xi32>
        %and3A_175 = arith.constant 15 : i32
        %and3A_176 = vector.broadcast %and3A_175 : i32 to vector<16xi32>
        %and3A_177 = arith.andi %add3A_174, %and3A_176 : vector<16xi32>
        %add3A_178 = arith.addi %shift_left3A_100, %and3A_177 : vector<16xi32>
        %gather3A_179 = tpu.vector_load_idx %arg4[%add3A_178] : memref<32768xi32, #tpu.memory_space<vmem>>[vector<16xi32>], vector<16xi32>,
        %add3A_180 = arith.addi %add3A_171, %gather3A_179 : vector<16xi32>
        %add3A_181 = arith.constant 9 : i32
        %add3A_182 = vector.broadcast %add3A_181 : i32 to vector<16xi32>
        %add3A_183 = arith.addi %iota3A, %add3A_182 : vector<16xi32>
        %and3A_184 = arith.constant 15 : i32
        %and3A_185 = vector.broadcast %and3A_184 : i32 to vector<16xi32>
        %and3A_186 = arith.andi %add3A_183, %and3A_185 : vector<16xi32>
        %add3A_187 = arith.addi %shift_left3A_100, %and3A_186 : vector<16xi32>
        %gather3A_188 = tpu.vector_load_idx %arg4[%add3A_187] : memref<32768xi32, #tpu.memory_space<vmem>>[vector<16xi32>], vector<16xi32>,
        %add3A_189 = arith.addi %add3A_180, %gather3A_188 : vector<16xi32>
        %add3A_190 = arith.constant 10 : i32
        %add3A_191 = vector.broadcast %add3A_190 : i32 to vector<16xi32>
        %add3A_192 = arith.addi %iota3A, %add3A_191 : vector<16xi32>
        %and3A_193 = arith.constant 15 : i32
        %and3A_194 = vector.broadcast %and3A_193 : i32 to vector<16xi32>
        %and3A_195 = arith.andi %add3A_192, %and3A_194 : vector<16xi32>
        %add3A_196 = arith.addi %shift_left3A_100, %and3A_195 : vector<16xi32>
        %gather3A_197 = tpu.vector_load_idx %arg4[%add3A_196] : memref<32768xi32, #tpu.memory_space<vmem>>[vector<16xi32>], vector<16xi32>,
        %add3A_198 = arith.addi %add3A_189, %gather3A_197 : vector<16xi32>
        %add3A_199 = arith.constant 11 : i32
        %add3A_200 = vector.broadcast %add3A_199 : i32 to vector<16xi32>
        %add3A_201 = arith.addi %iota3A, %add3A_200 : vector<16xi32>
        %and3A_202 = arith.constant 15 : i32
        %and3A_203 = vector.broadcast %and3A_202 : i32 to vector<16xi32>
        %and3A_204 = arith.andi %add3A_201, %and3A_203 : vector<16xi32>
        %add3A_205 = arith.addi %shift_left3A_100, %and3A_204 : vector<16xi32>
        %gather3A_206 = tpu.vector_load_idx %arg4[%add3A_205] : memref<32768xi32, #tpu.memory_space<vmem>>[vector<16xi32>], vector<16xi32>,
        %add3A_207 = arith.addi %add3A_198, %gather3A_206 : vector<16xi32>
        %add3A_208 = arith.constant 12 : i32
        %add3A_209 = vector.broadcast %add3A_208 : i32 to vector<16xi32>
        %add3A_210 = arith.addi %iota3A, %add3A_209 : vector<16xi32>
        %and3A_211 = arith.constant 15 : i32
        %and3A_212 = vector.broadcast %and3A_211 : i32 to vector<16xi32>
        %and3A_213 = arith.andi %add3A_210, %and3A_212 : vector<16xi32>
        %add3A_214 = arith.addi %shift_left3A_100, %and3A_213 : vector<16xi32>
        %gather3A_215 = tpu.vector_load_idx %arg4[%add3A_214] : memref<32768xi32, #tpu.memory_space<vmem>>[vector<16xi32>], vector<16xi32>,
        %add3A_216 = arith.addi %add3A_207, %gather3A_215 : vector<16xi32>
        %add3A_217 = arith.constant 13 : i32
        %add3A_218 = vector.broadcast %add3A_217 : i32 to vector<16xi32>
        %add3A_219 = arith.addi %iota3A, %add3A_218 : vector<16xi32>
        %and3A_220 = arith.constant 15 : i32
        %and3A_221 = vector.broadcast %and3A_220 : i32 to vector<16xi32>
        %and3A_222 = arith.andi %add3A_219, %and3A_221 : vector<16xi32>
        %add3A_223 = arith.addi %shift_left3A_100, %and3A_222 : vector<16xi32>
        %gather3A_224 = tpu.vector_load_idx %arg4[%add3A_223] : memref<32768xi32, #tpu.memory_space<vmem>>[vector<16xi32>], vector<16xi32>,
        %add3A_225 = arith.addi %add3A_216, %gather3A_224 : vector<16xi32>
        %add3A_226 = arith.constant 14 : i32
        %add3A_227 = vector.broadcast %add3A_226 : i32 to vector<16xi32>
        %add3A_228 = arith.addi %iota3A, %add3A_227 : vector<16xi32>
        %and3A_229 = arith.constant 15 : i32
        %and3A_230 = vector.broadcast %and3A_229 : i32 to vector<16xi32>
        %and3A_231 = arith.andi %add3A_228, %and3A_230 : vector<16xi32>
        %add3A_232 = arith.addi %shift_left3A_100, %and3A_231 : vector<16xi32>
        %gather3A_233 = tpu.vector_load_idx %arg4[%add3A_232] : memref<32768xi32, #tpu.memory_space<vmem>>[vector<16xi32>], vector<16xi32>,
        %add3A_234 = arith.addi %add3A_225, %gather3A_233 : vector<16xi32>
        %add3A_235 = arith.constant 15 : i32
        %add3A_236 = vector.broadcast %add3A_235 : i32 to vector<16xi32>
        %add3A_237 = arith.addi %iota3A, %add3A_236 : vector<16xi32>
        %and3A_238 = arith.constant 15 : i32
        %and3A_239 = vector.broadcast %and3A_238 : i32 to vector<16xi32>
        %and3A_240 = arith.andi %add3A_237, %and3A_239 : vector<16xi32>
        %add3A_241 = arith.addi %shift_left3A_100, %and3A_240 : vector<16xi32>
        %gather3A_242 = tpu.vector_load_idx %arg4[%add3A_241] : memref<32768xi32, #tpu.memory_space<vmem>>[vector<16xi32>], vector<16xi32>,
        %add3A_243 = arith.addi %add3A_234, %gather3A_242 : vector<16xi32>
        %swap3A = arith.index_cast %mul3A_94 : i32 to index
        %swap3A_244 = tpu.vector_load %arg7[%swap3A] {strides = array<i32>} : memref<2048xi32, #tpu.memory_space<vmem>>, vector<16xi32>,
        tpu.vector_store %arg7[%swap3A], %add3A_243 {strides = array<i32>} : memref<2048xi32, #tpu.memory_space<vmem>>, vector<16xi32>,
      }
      %scan3A_80 = arith.constant 128 : i32
      %dma_start3A_81 = arith.constant 0 : i32
      %dma_start3A_82 = tpu.memref_slice %arg3[%add3A_5, %dma_start3A_81] : memref<84x2048xi32, #tpu.memory_space<hbm>> -> memref<1x2048xi32, #tpu.memory_space<hbm>>
      %dma_start3A_83 = tpu.memref_squeeze %dma_start3A_82 : memref<1x2048xi32, #tpu.memory_space<hbm>> -> memref<2048xi32, #tpu.memory_space<hbm>>
      %dma_start3A_84 = arith.constant 0 : i32
      %dma_start3A_85 = tpu.memref_slice %arg3[%add3A_5, %dma_start3A_84] : memref<84x2048xi32, #tpu.memory_space<hbm>> -> memref<1x2048xi32, #tpu.memory_space<hbm>>
      %dma_start3A_86 = tpu.memref_squeeze %dma_start3A_85 : memref<1x2048xi32, #tpu.memory_space<hbm>> -> memref<2048xi32, #tpu.memory_space<hbm>>
      tpu.enqueue_dma source(%arg7 : memref<2048xi32, #tpu.memory_space<vmem>>) target(%dma_start3A_86 : memref<2048xi32, #tpu.memory_space<hbm>>) target_semaphore(%arg10 : memref<!tpu.dma_semaphore, #tpu.memory_space<semaphore_mem>>)
      %dma_wait3A = arith.constant 0 : i32
      %dma_wait3A_87 = tpu.memref_slice %arg3[%add3A_5, %dma_wait3A] : memref<84x2048xi32, #tpu.memory_space<hbm>> -> memref<1x2048xi32, #tpu.memory_space<hbm>>
      %dma_wait3A_88 = tpu.memref_squeeze %dma_wait3A_87 : memref<1x2048xi32, #tpu.memory_space<hbm>> -> memref<2048xi32, #tpu.memory_space<hbm>>
      %dma_wait3A_89 = arith.constant 0 : i32
      %dma_wait3A_90 = tpu.memref_slice %arg3[%add3A_5, %dma_wait3A_89] : memref<84x2048xi32, #tpu.memory_space<hbm>> -> memref<1x2048xi32, #tpu.memory_space<hbm>>
      %dma_wait3A_91 = tpu.memref_squeeze %dma_wait3A_90 : memref<1x2048xi32, #tpu.memory_space<hbm>> -> memref<2048xi32, #tpu.memory_space<hbm>>
      tpu.wait_dma2 semaphore(%arg10 : memref<!tpu.dma_semaphore, #tpu.memory_space<semaphore_mem>>) src(%arg7 : memref<2048xi32, #tpu.memory_space<vmem>>) dst(%dma_wait3A_91 : memref<2048xi32, #tpu.memory_space<hbm>>)
    } else {
    }
    %add3A_8 = arith.constant 32 : i32
    %add3A_9 = arith.addi %add3A, %add3A_8 : i32
    %lt3A_10 = arith.constant 84 : i32
    %lt3A_11 = arith.cmpi slt, %add3A_9, %lt3A_10 : i32
    %convert_element_type3A_12 = arith.extui %lt3A_11 : i1 to i32
    %cond3A_13 = arith.constant 0 : i32
    %cond3A_14 = arith.cmpi ne, %convert_element_type3A_12, %cond3A_13 : i32
    scf.if %cond3A_14 {
      %jit3A = arith.constant 21 : i32
      %div3A = arith.divsi %add3A_9, %jit3A : i32
      %sign3A = arith.constant 0 : i32
      %sign3A_22 = arith.cmpi sgt, %add3A_9, %sign3A : i32
      %sign3A_23 = arith.extui %sign3A_22 : i1 to i32
      %sign3A_24 = arith.constant 0 : i32
      %sign3A_25 = arith.cmpi slt, %add3A_9, %sign3A_24 : i32
      %sign3A_26 = arith.extui %sign3A_25 : i1 to i32
      %sign3A_27 = arith.subi %sign3A_23, %sign3A_26 : i32
      %sign3A_28 = arith.constant 0 : i32
      %sign3A_29 = arith.cmpi sgt, %jit3A, %sign3A_28 : i32
      %sign3A_30 = arith.extui %sign3A_29 : i1 to i32
      %sign3A_31 = arith.constant 0 : i32
      %sign3A_32 = arith.cmpi slt, %jit3A, %sign3A_31 : i32
      %sign3A_33 = arith.extui %sign3A_32 : i1 to i32
      %sign3A_34 = arith.subi %sign3A_30, %sign3A_33 : i32
      %ne3A = arith.cmpi ne, %sign3A_27, %sign3A_34 : i32
      %rem3A = arith.remsi %add3A_9, %jit3A : i32
      %ne3A_35 = arith.constant 0 : i32
      %ne3A_36 = arith.cmpi ne, %rem3A, %ne3A_35 : i32
      %and3A = arith.andi %ne3A, %ne3A_36 : i1
      %sub3A = arith.constant 1 : i32
      %sub3A_37 = arith.subi %div3A, %sub3A : i32
      %select_n3A = arith.select %and3A, %sub3A_37, %div3A : i32
      %jit3A_38 = arith.constant 21 : i32
      %eq3A = arith.constant 0 : i32
      %eq3A_39 = arith.cmpi eq, %jit3A_38, %eq3A : i32
      %jit3A_40 = arith.constant 1 : i32
      %select_n3A_41 = arith.select %eq3A_39, %jit3A_40, %jit3A_38 : i32
      %rem3A_42 = arith.remsi %add3A_9, %select_n3A_41 : i32
      %ne3A_43 = arith.constant 0 : i32
      %ne3A_44 = arith.cmpi ne, %rem3A_42, %ne3A_43 : i32
      %lt3A_45 = arith.constant 0 : i32
      %lt3A_46 = arith.cmpi slt, %rem3A_42, %lt3A_45 : i32
      %lt3A_47 = arith.constant 0 : i32
      %lt3A_48 = arith.cmpi slt, %select_n3A_41, %lt3A_47 : i32
      %ne3A_49 = arith.xori %lt3A_46, %lt3A_48 : i1
      %and3A_50 = arith.andi %ne3A_49, %ne3A_44 : i1
      %add3A_51 = arith.addi %rem3A_42, %select_n3A_41 : i32
      %select_n3A_52 = arith.select %and3A_50, %add3A_51, %rem3A_42 : i32
      %scan3A = arith.constant 0 : i32
      %scan3A_53 = arith.constant 0 : i32
      %scan3A_54 = arith.constant 128 : i32
      %scan3A_55 = arith.addi %scan3A_53, %scan3A_54 : i32
      %scan3A_56 = arith.constant 1 : i32
      scf.for %scan3A_92 = %scan3A_53 to %scan3A_55 step %scan3A_56  : i32 {
        %mul3A_93 = arith.constant 16 : i32
        %mul3A_94 = arith.muli %scan3A_92, %mul3A_93 : i32
        %add3A_95 = arith.constant 0 : i32
        %add3A_96 = arith.addi %mul3A_94, %add3A_95 : i32
        %mul3A_97 = arith.constant 16 : i32
        %mul3A_98 = arith.muli %add3A_96, %mul3A_97 : i32
        %swap3A = arith.index_cast %mul3A_98 : i32 to index
        %swap3A_99 = tpu.vector_load %arg4[%swap3A] {strides = array<i32>} : memref<32768xi32, #tpu.memory_space<vmem>>, vector<16xi32>,
        tpu.vector_store %arg4[%swap3A], %broadcast_in_dim3A_3 {strides = array<i32>} : memref<32768xi32, #tpu.memory_space<vmem>>, vector<16xi32>,
        %mul3A_100 = arith.constant 16 : i32
        %mul3A_101 = arith.muli %scan3A_92, %mul3A_100 : i32
        %add3A_102 = arith.constant 1 : i32
        %add3A_103 = arith.addi %mul3A_101, %add3A_102 : i32
        %mul3A_104 = arith.constant 16 : i32
        %mul3A_105 = arith.muli %add3A_103, %mul3A_104 : i32
        %swap3A_106 = arith.index_cast %mul3A_105 : i32 to index
        %swap3A_107 = tpu.vector_load %arg4[%swap3A_106] {strides = array<i32>} : memref<32768xi32, #tpu.memory_space<vmem>>, vector<16xi32>,
        tpu.vector_store %arg4[%swap3A_106], %broadcast_in_dim3A_3 {strides = array<i32>} : memref<32768xi32, #tpu.memory_space<vmem>>, vector<16xi32>,
        %mul3A_108 = arith.constant 16 : i32
        %mul3A_109 = arith.muli %scan3A_92, %mul3A_108 : i32
        %add3A_110 = arith.constant 2 : i32
        %add3A_111 = arith.addi %mul3A_109, %add3A_110 : i32
        %mul3A_112 = arith.constant 16 : i32
        %mul3A_113 = arith.muli %add3A_111, %mul3A_112 : i32
        %swap3A_114 = arith.index_cast %mul3A_113 : i32 to index
        %swap3A_115 = tpu.vector_load %arg4[%swap3A_114] {strides = array<i32>} : memref<32768xi32, #tpu.memory_space<vmem>>, vector<16xi32>,
        tpu.vector_store %arg4[%swap3A_114], %broadcast_in_dim3A_3 {strides = array<i32>} : memref<32768xi32, #tpu.memory_space<vmem>>, vector<16xi32>,
        %mul3A_116 = arith.constant 16 : i32
        %mul3A_117 = arith.muli %scan3A_92, %mul3A_116 : i32
        %add3A_118 = arith.constant 3 : i32
        %add3A_119 = arith.addi %mul3A_117, %add3A_118 : i32
        %mul3A_120 = arith.constant 16 : i32
        %mul3A_121 = arith.muli %add3A_119, %mul3A_120 : i32
        %swap3A_122 = arith.index_cast %mul3A_121 : i32 to index
        %swap3A_123 = tpu.vector_load %arg4[%swap3A_122] {strides = array<i32>} : memref<32768xi32, #tpu.memory_space<vmem>>, vector<16xi32>,
        tpu.vector_store %arg4[%swap3A_122], %broadcast_in_dim3A_3 {strides = array<i32>} : memref<32768xi32, #tpu.memory_space<vmem>>, vector<16xi32>,
        %mul3A_124 = arith.constant 16 : i32
        %mul3A_125 = arith.muli %scan3A_92, %mul3A_124 : i32
        %add3A_126 = arith.constant 4 : i32
        %add3A_127 = arith.addi %mul3A_125, %add3A_126 : i32
        %mul3A_128 = arith.constant 16 : i32
        %mul3A_129 = arith.muli %add3A_127, %mul3A_128 : i32
        %swap3A_130 = arith.index_cast %mul3A_129 : i32 to index
        %swap3A_131 = tpu.vector_load %arg4[%swap3A_130] {strides = array<i32>} : memref<32768xi32, #tpu.memory_space<vmem>>, vector<16xi32>,
        tpu.vector_store %arg4[%swap3A_130], %broadcast_in_dim3A_3 {strides = array<i32>} : memref<32768xi32, #tpu.memory_space<vmem>>, vector<16xi32>,
        %mul3A_132 = arith.constant 16 : i32
        %mul3A_133 = arith.muli %scan3A_92, %mul3A_132 : i32
        %add3A_134 = arith.constant 5 : i32
        %add3A_135 = arith.addi %mul3A_133, %add3A_134 : i32
        %mul3A_136 = arith.constant 16 : i32
        %mul3A_137 = arith.muli %add3A_135, %mul3A_136 : i32
        %swap3A_138 = arith.index_cast %mul3A_137 : i32 to index
        %swap3A_139 = tpu.vector_load %arg4[%swap3A_138] {strides = array<i32>} : memref<32768xi32, #tpu.memory_space<vmem>>, vector<16xi32>,
        tpu.vector_store %arg4[%swap3A_138], %broadcast_in_dim3A_3 {strides = array<i32>} : memref<32768xi32, #tpu.memory_space<vmem>>, vector<16xi32>,
        %mul3A_140 = arith.constant 16 : i32
        %mul3A_141 = arith.muli %scan3A_92, %mul3A_140 : i32
        %add3A_142 = arith.constant 6 : i32
        %add3A_143 = arith.addi %mul3A_141, %add3A_142 : i32
        %mul3A_144 = arith.constant 16 : i32
        %mul3A_145 = arith.muli %add3A_143, %mul3A_144 : i32
        %swap3A_146 = arith.index_cast %mul3A_145 : i32 to index
        %swap3A_147 = tpu.vector_load %arg4[%swap3A_146] {strides = array<i32>} : memref<32768xi32, #tpu.memory_space<vmem>>, vector<16xi32>,
        tpu.vector_store %arg4[%swap3A_146], %broadcast_in_dim3A_3 {strides = array<i32>} : memref<32768xi32, #tpu.memory_space<vmem>>, vector<16xi32>,
        %mul3A_148 = arith.constant 16 : i32
        %mul3A_149 = arith.muli %scan3A_92, %mul3A_148 : i32
        %add3A_150 = arith.constant 7 : i32
        %add3A_151 = arith.addi %mul3A_149, %add3A_150 : i32
        %mul3A_152 = arith.constant 16 : i32
        %mul3A_153 = arith.muli %add3A_151, %mul3A_152 : i32
        %swap3A_154 = arith.index_cast %mul3A_153 : i32 to index
        %swap3A_155 = tpu.vector_load %arg4[%swap3A_154] {strides = array<i32>} : memref<32768xi32, #tpu.memory_space<vmem>>, vector<16xi32>,
        tpu.vector_store %arg4[%swap3A_154], %broadcast_in_dim3A_3 {strides = array<i32>} : memref<32768xi32, #tpu.memory_space<vmem>>, vector<16xi32>,
        %mul3A_156 = arith.constant 16 : i32
        %mul3A_157 = arith.muli %scan3A_92, %mul3A_156 : i32
        %add3A_158 = arith.constant 8 : i32
        %add3A_159 = arith.addi %mul3A_157, %add3A_158 : i32
        %mul3A_160 = arith.constant 16 : i32
        %mul3A_161 = arith.muli %add3A_159, %mul3A_160 : i32
        %swap3A_162 = arith.index_cast %mul3A_161 : i32 to index
        %swap3A_163 = tpu.vector_load %arg4[%swap3A_162] {strides = array<i32>} : memref<32768xi32, #tpu.memory_space<vmem>>, vector<16xi32>,
        tpu.vector_store %arg4[%swap3A_162], %broadcast_in_dim3A_3 {strides = array<i32>} : memref<32768xi32, #tpu.memory_space<vmem>>, vector<16xi32>,
        %mul3A_164 = arith.constant 16 : i32
        %mul3A_165 = arith.muli %scan3A_92, %mul3A_164 : i32
        %add3A_166 = arith.constant 9 : i32
        %add3A_167 = arith.addi %mul3A_165, %add3A_166 : i32
        %mul3A_168 = arith.constant 16 : i32
        %mul3A_169 = arith.muli %add3A_167, %mul3A_168 : i32
        %swap3A_170 = arith.index_cast %mul3A_169 : i32 to index
        %swap3A_171 = tpu.vector_load %arg4[%swap3A_170] {strides = array<i32>} : memref<32768xi32, #tpu.memory_space<vmem>>, vector<16xi32>,
        tpu.vector_store %arg4[%swap3A_170], %broadcast_in_dim3A_3 {strides = array<i32>} : memref<32768xi32, #tpu.memory_space<vmem>>, vector<16xi32>,
        %mul3A_172 = arith.constant 16 : i32
        %mul3A_173 = arith.muli %scan3A_92, %mul3A_172 : i32
        %add3A_174 = arith.constant 10 : i32
        %add3A_175 = arith.addi %mul3A_173, %add3A_174 : i32
        %mul3A_176 = arith.constant 16 : i32
        %mul3A_177 = arith.muli %add3A_175, %mul3A_176 : i32
        %swap3A_178 = arith.index_cast %mul3A_177 : i32 to index
        %swap3A_179 = tpu.vector_load %arg4[%swap3A_178] {strides = array<i32>} : memref<32768xi32, #tpu.memory_space<vmem>>, vector<16xi32>,
        tpu.vector_store %arg4[%swap3A_178], %broadcast_in_dim3A_3 {strides = array<i32>} : memref<32768xi32, #tpu.memory_space<vmem>>, vector<16xi32>,
        %mul3A_180 = arith.constant 16 : i32
        %mul3A_181 = arith.muli %scan3A_92, %mul3A_180 : i32
        %add3A_182 = arith.constant 11 : i32
        %add3A_183 = arith.addi %mul3A_181, %add3A_182 : i32
        %mul3A_184 = arith.constant 16 : i32
        %mul3A_185 = arith.muli %add3A_183, %mul3A_184 : i32
        %swap3A_186 = arith.index_cast %mul3A_185 : i32 to index
        %swap3A_187 = tpu.vector_load %arg4[%swap3A_186] {strides = array<i32>} : memref<32768xi32, #tpu.memory_space<vmem>>, vector<16xi32>,
        tpu.vector_store %arg4[%swap3A_186], %broadcast_in_dim3A_3 {strides = array<i32>} : memref<32768xi32, #tpu.memory_space<vmem>>, vector<16xi32>,
        %mul3A_188 = arith.constant 16 : i32
        %mul3A_189 = arith.muli %scan3A_92, %mul3A_188 : i32
        %add3A_190 = arith.constant 12 : i32
        %add3A_191 = arith.addi %mul3A_189, %add3A_190 : i32
        %mul3A_192 = arith.constant 16 : i32
        %mul3A_193 = arith.muli %add3A_191, %mul3A_192 : i32
        %swap3A_194 = arith.index_cast %mul3A_193 : i32 to index
        %swap3A_195 = tpu.vector_load %arg4[%swap3A_194] {strides = array<i32>} : memref<32768xi32, #tpu.memory_space<vmem>>, vector<16xi32>,
        tpu.vector_store %arg4[%swap3A_194], %broadcast_in_dim3A_3 {strides = array<i32>} : memref<32768xi32, #tpu.memory_space<vmem>>, vector<16xi32>,
        %mul3A_196 = arith.constant 16 : i32
        %mul3A_197 = arith.muli %scan3A_92, %mul3A_196 : i32
        %add3A_198 = arith.constant 13 : i32
        %add3A_199 = arith.addi %mul3A_197, %add3A_198 : i32
        %mul3A_200 = arith.constant 16 : i32
        %mul3A_201 = arith.muli %add3A_199, %mul3A_200 : i32
        %swap3A_202 = arith.index_cast %mul3A_201 : i32 to index
        %swap3A_203 = tpu.vector_load %arg4[%swap3A_202] {strides = array<i32>} : memref<32768xi32, #tpu.memory_space<vmem>>, vector<16xi32>,
        tpu.vector_store %arg4[%swap3A_202], %broadcast_in_dim3A_3 {strides = array<i32>} : memref<32768xi32, #tpu.memory_space<vmem>>, vector<16xi32>,
        %mul3A_204 = arith.constant 16 : i32
        %mul3A_205 = arith.muli %scan3A_92, %mul3A_204 : i32
        %add3A_206 = arith.constant 14 : i32
        %add3A_207 = arith.addi %mul3A_205, %add3A_206 : i32
        %mul3A_208 = arith.constant 16 : i32
        %mul3A_209 = arith.muli %add3A_207, %mul3A_208 : i32
        %swap3A_210 = arith.index_cast %mul3A_209 : i32 to index
        %swap3A_211 = tpu.vector_load %arg4[%swap3A_210] {strides = array<i32>} : memref<32768xi32, #tpu.memory_space<vmem>>, vector<16xi32>,
        tpu.vector_store %arg4[%swap3A_210], %broadcast_in_dim3A_3 {strides = array<i32>} : memref<32768xi32, #tpu.memory_space<vmem>>, vector<16xi32>,
        %mul3A_212 = arith.constant 16 : i32
        %mul3A_213 = arith.muli %scan3A_92, %mul3A_212 : i32
        %add3A_214 = arith.constant 15 : i32
        %add3A_215 = arith.addi %mul3A_213, %add3A_214 : i32
        %mul3A_216 = arith.constant 16 : i32
        %mul3A_217 = arith.muli %add3A_215, %mul3A_216 : i32
        %swap3A_218 = arith.index_cast %mul3A_217 : i32 to index
        %swap3A_219 = tpu.vector_load %arg4[%swap3A_218] {strides = array<i32>} : memref<32768xi32, #tpu.memory_space<vmem>>, vector<16xi32>,
        tpu.vector_store %arg4[%swap3A_218], %broadcast_in_dim3A_3 {strides = array<i32>} : memref<32768xi32, #tpu.memory_space<vmem>>, vector<16xi32>,
      }
      %scan3A_57 = arith.constant 128 : i32
      %dma_start3A = arith.constant 0 : i32
      %dma_start3A_58 = tpu.memref_slice %arg2[%select_n3A, %select_n3A_52, %dma_start3A] : memref<4x21x131072xi32, #tpu.memory_space<hbm>> -> memref<1x1x16384xi32, #tpu.memory_space<hbm>>
      %dma_start3A_59 = tpu.memref_squeeze %dma_start3A_58 : memref<1x1x16384xi32, #tpu.memory_space<hbm>> -> memref<16384xi32, #tpu.memory_space<hbm>>
      %dma_start3A_60 = arith.constant 0 : i32
      %dma_start3A_61 = tpu.memref_slice %arg2[%select_n3A, %select_n3A_52, %dma_start3A_60] : memref<4x21x131072xi32, #tpu.memory_space<hbm>> -> memref<1x1x16384xi32, #tpu.memory_space<hbm>>
      %dma_start3A_62 = tpu.memref_squeeze %dma_start3A_61 : memref<1x1x16384xi32, #tpu.memory_space<hbm>> -> memref<16384xi32, #tpu.memory_space<hbm>>
      tpu.enqueue_dma source(%dma_start3A_62 : memref<16384xi32, #tpu.memory_space<hbm>>) target(%arg5 : memref<16384xi32, #tpu.memory_space<vmem>>) target_semaphore(%arg8 : memref<!tpu.dma_semaphore, #tpu.memory_space<semaphore_mem>>)
      %dma_start3A_63 = arith.constant 16384 : i32
      %dma_start3A_64 = tpu.memref_slice %arg2[%select_n3A, %select_n3A_52, %dma_start3A_63] : memref<4x21x131072xi32, #tpu.memory_space<hbm>> -> memref<1x1x16384xi32, #tpu.memory_space<hbm>>
      %dma_start3A_65 = tpu.memref_squeeze %dma_start3A_64 : memref<1x1x16384xi32, #tpu.memory_space<hbm>> -> memref<16384xi32, #tpu.memory_space<hbm>>
      %dma_start3A_66 = arith.constant 16384 : i32
      %dma_start3A_67 = tpu.memref_slice %arg2[%select_n3A, %select_n3A_52, %dma_start3A_66] : memref<4x21x131072xi32, #tpu.memory_space<hbm>> -> memref<1x1x16384xi32, #tpu.memory_space<hbm>>
      %dma_start3A_68 = tpu.memref_squeeze %dma_start3A_67 : memref<1x1x16384xi32, #tpu.memory_space<hbm>> -> memref<16384xi32, #tpu.memory_space<hbm>>
      tpu.enqueue_dma source(%dma_start3A_68 : memref<16384xi32, #tpu.memory_space<hbm>>) target(%arg6 : memref<16384xi32, #tpu.memory_space<vmem>>) target_semaphore(%arg9 : memref<!tpu.dma_semaphore, #tpu.memory_space<semaphore_mem>>)
      %scan3A_69 = arith.constant 0 : i32
      %scan3A_70 = arith.constant 0 : i32
      %scan3A_71 = arith.constant 4 : i32
      %scan3A_72 = arith.addi %scan3A_70, %scan3A_71 : i32
      %scan3A_73 = arith.constant 1 : i32
      scf.for %scan3A_92 = %scan3A_70 to %scan3A_72 step %scan3A_73  : i32 {
        %mul3A_93 = arith.constant 2 : i32
        %mul3A_94 = arith.muli %scan3A_92, %mul3A_93 : i32
        %add3A_95 = arith.constant 0 : i32
        %add3A_96 = arith.addi %mul3A_94, %add3A_95 : i32
        %mul3A_97 = arith.constant 16384 : i32
        %mul3A_98 = arith.muli %add3A_96, %mul3A_97 : i32
        %dma_wait3A_99 = tpu.memref_slice %arg2[%select_n3A, %select_n3A_52, %mul3A_98] : memref<4x21x131072xi32, #tpu.memory_space<hbm>> -> memref<1x1x16384xi32, #tpu.memory_space<hbm>>
        %dma_wait3A_100 = tpu.memref_squeeze %dma_wait3A_99 : memref<1x1x16384xi32, #tpu.memory_space<hbm>> -> memref<16384xi32, #tpu.memory_space<hbm>>
        %dma_wait3A_101 = tpu.memref_slice %arg2[%select_n3A, %select_n3A_52, %mul3A_98] : memref<4x21x131072xi32, #tpu.memory_space<hbm>> -> memref<1x1x16384xi32, #tpu.memory_space<hbm>>
        %dma_wait3A_102 = tpu.memref_squeeze %dma_wait3A_101 : memref<1x1x16384xi32, #tpu.memory_space<hbm>> -> memref<16384xi32, #tpu.memory_space<hbm>>
        tpu.wait_dma2 semaphore(%arg8 : memref<!tpu.dma_semaphore, #tpu.memory_space<semaphore_mem>>) src(%dma_wait3A_102 : memref<16384xi32, #tpu.memory_space<hbm>>) dst(%arg5 : memref<16384xi32, #tpu.memory_space<vmem>>)
        %parallel_loop3A = arith.constant 0 : i32
        %parallel_loop3A_103 = arith.constant 1024 : i32
        %parallel_loop3A_104 = arith.constant 1 : i32
        scf.for %parallel_loop3A_132 = %parallel_loop3A to %parallel_loop3A_103 step %parallel_loop3A_104  : i32 {
          %parallel_loop3A_133 = arith.constant 16 : i32
          %parallel_loop3A_134 = arith.muli %parallel_loop3A_132, %parallel_loop3A_133 : i32
          %parallel_loop3A_135 = arith.index_cast %parallel_loop3A_134 : i32 to index
          %parallel_loop3A_136 = tpu.vector_load %arg5[%parallel_loop3A_135] {strides = array<i32>} : memref<16384xi32, #tpu.memory_space<vmem>>, vector<16xi32>,
          tpu.vector_store_idx %arg4[%parallel_loop3A_136], %broadcast_in_dim3A_1 {add = true} : memref<32768xi32, #tpu.memory_space<vmem>>[vector<16xi32>], vector<16xi32>,
        } {sc.loop_unroll_factor = 16 : i64, sc.parallel_access}
        %add3A_105 = arith.constant 2 : i32
        %add3A_106 = arith.addi %add3A_96, %add3A_105 : i32
        %lt3A_107 = arith.constant 8 : i32
        %lt3A_108 = arith.cmpi slt, %add3A_106, %lt3A_107 : i32
        %convert_element_type3A_109 = arith.extui %lt3A_108 : i1 to i32
        %cond3A_110 = arith.constant 0 : i32
        %cond3A_111 = arith.cmpi ne, %convert_element_type3A_109, %cond3A_110 : i32
        scf.if %cond3A_111 {
          %mul3A_132 = arith.constant 16384 : i32
          %mul3A_133 = arith.muli %add3A_106, %mul3A_132 : i32
          %dma_start3A_134 = tpu.memref_slice %arg2[%select_n3A, %select_n3A_52, %mul3A_133] : memref<4x21x131072xi32, #tpu.memory_space<hbm>> -> memref<1x1x16384xi32, #tpu.memory_space<hbm>>
          %dma_start3A_135 = tpu.memref_squeeze %dma_start3A_134 : memref<1x1x16384xi32, #tpu.memory_space<hbm>> -> memref<16384xi32, #tpu.memory_space<hbm>>
          %dma_start3A_136 = tpu.memref_slice %arg2[%select_n3A, %select_n3A_52, %mul3A_133] : memref<4x21x131072xi32, #tpu.memory_space<hbm>> -> memref<1x1x16384xi32, #tpu.memory_space<hbm>>
          %dma_start3A_137 = tpu.memref_squeeze %dma_start3A_136 : memref<1x1x16384xi32, #tpu.memory_space<hbm>> -> memref<16384xi32, #tpu.memory_space<hbm>>
          tpu.enqueue_dma source(%dma_start3A_137 : memref<16384xi32, #tpu.memory_space<hbm>>) target(%arg5 : memref<16384xi32, #tpu.memory_space<vmem>>) target_semaphore(%arg8 : memref<!tpu.dma_semaphore, #tpu.memory_space<semaphore_mem>>)
        } else {
        }
        %mul3A_112 = arith.constant 2 : i32
        %mul3A_113 = arith.muli %scan3A_92, %mul3A_112 : i32
        %add3A_114 = arith.constant 1 : i32
        %add3A_115 = arith.addi %mul3A_113, %add3A_114 : i32
        %mul3A_116 = arith.constant 16384 : i32
        %mul3A_117 = arith.muli %add3A_115, %mul3A_116 : i32
        %dma_wait3A_118 = tpu.memref_slice %arg2[%select_n3A, %select_n3A_52, %mul3A_117] : memref<4x21x131072xi32, #tpu.memory_space<hbm>> -> memref<1x1x16384xi32, #tpu.memory_space<hbm>>
        %dma_wait3A_119 = tpu.memref_squeeze %dma_wait3A_118 : memref<1x1x16384xi32, #tpu.memory_space<hbm>> -> memref<16384xi32, #tpu.memory_space<hbm>>
        %dma_wait3A_120 = tpu.memref_slice %arg2[%select_n3A, %select_n3A_52, %mul3A_117] : memref<4x21x131072xi32, #tpu.memory_space<hbm>> -> memref<1x1x16384xi32, #tpu.memory_space<hbm>>
        %dma_wait3A_121 = tpu.memref_squeeze %dma_wait3A_120 : memref<1x1x16384xi32, #tpu.memory_space<hbm>> -> memref<16384xi32, #tpu.memory_space<hbm>>
        tpu.wait_dma2 semaphore(%arg9 : memref<!tpu.dma_semaphore, #tpu.memory_space<semaphore_mem>>) src(%dma_wait3A_121 : memref<16384xi32, #tpu.memory_space<hbm>>) dst(%arg6 : memref<16384xi32, #tpu.memory_space<vmem>>)
        %parallel_loop3A_122 = arith.constant 0 : i32
        %parallel_loop3A_123 = arith.constant 1024 : i32
        %parallel_loop3A_124 = arith.constant 1 : i32
        scf.for %parallel_loop3A_132 = %parallel_loop3A_122 to %parallel_loop3A_123 step %parallel_loop3A_124  : i32 {
          %parallel_loop3A_133 = arith.constant 16 : i32
          %parallel_loop3A_134 = arith.muli %parallel_loop3A_132, %parallel_loop3A_133 : i32
          %parallel_loop3A_135 = arith.index_cast %parallel_loop3A_134 : i32 to index
          %parallel_loop3A_136 = tpu.vector_load %arg6[%parallel_loop3A_135] {strides = array<i32>} : memref<16384xi32, #tpu.memory_space<vmem>>, vector<16xi32>,
          tpu.vector_store_idx %arg4[%parallel_loop3A_136], %broadcast_in_dim3A_1 {add = true} : memref<32768xi32, #tpu.memory_space<vmem>>[vector<16xi32>], vector<16xi32>,
        } {sc.loop_unroll_factor = 16 : i64, sc.parallel_access}
        %add3A_125 = arith.constant 2 : i32
        %add3A_126 = arith.addi %add3A_115, %add3A_125 : i32
        %lt3A_127 = arith.constant 8 : i32
        %lt3A_128 = arith.cmpi slt, %add3A_126, %lt3A_127 : i32
        %convert_element_type3A_129 = arith.extui %lt3A_128 : i1 to i32
        %cond3A_130 = arith.constant 0 : i32
        %cond3A_131 = arith.cmpi ne, %convert_element_type3A_129, %cond3A_130 : i32
        scf.if %cond3A_131 {
          %mul3A_132 = arith.constant 16384 : i32
          %mul3A_133 = arith.muli %add3A_126, %mul3A_132 : i32
          %dma_start3A_134 = tpu.memref_slice %arg2[%select_n3A, %select_n3A_52, %mul3A_133] : memref<4x21x131072xi32, #tpu.memory_space<hbm>> -> memref<1x1x16384xi32, #tpu.memory_space<hbm>>
          %dma_start3A_135 = tpu.memref_squeeze %dma_start3A_134 : memref<1x1x16384xi32, #tpu.memory_space<hbm>> -> memref<16384xi32, #tpu.memory_space<hbm>>
          %dma_start3A_136 = tpu.memref_slice %arg2[%select_n3A, %select_n3A_52, %mul3A_133] : memref<4x21x131072xi32, #tpu.memory_space<hbm>> -> memref<1x1x16384xi32, #tpu.memory_space<hbm>>
          %dma_start3A_137 = tpu.memref_squeeze %dma_start3A_136 : memref<1x1x16384xi32, #tpu.memory_space<hbm>> -> memref<16384xi32, #tpu.memory_space<hbm>>
          tpu.enqueue_dma source(%dma_start3A_137 : memref<16384xi32, #tpu.memory_space<hbm>>) target(%arg6 : memref<16384xi32, #tpu.memory_space<vmem>>) target_semaphore(%arg9 : memref<!tpu.dma_semaphore, #tpu.memory_space<semaphore_mem>>)
        } else {
        }
      }
      %scan3A_74 = arith.constant 4 : i32
      %scan3A_75 = arith.constant 0 : i32
      %scan3A_76 = arith.constant 0 : i32
      %scan3A_77 = arith.constant 128 : i32
      %scan3A_78 = arith.addi %scan3A_76, %scan3A_77 : i32
      %scan3A_79 = arith.constant 1 : i32
      scf.for %scan3A_92 = %scan3A_76 to %scan3A_78 step %scan3A_79  : i32 {
        %mul3A_93 = arith.constant 16 : i32
        %mul3A_94 = arith.muli %scan3A_92, %mul3A_93 : i32
        %broadcast_in_dim3A_95 = arith.constant 0 : i32
        %broadcast_in_dim3A_96 = vector.broadcast %broadcast_in_dim3A_95 : i32 to vector<16xi32>
        %add3A_97 = vector.broadcast %mul3A_94 : i32 to vector<16xi32>
        %add3A_98 = arith.addi %add3A_97, %iota3A : vector<16xi32>
        %shift_left3A = arith.constant 4 : i32
        %shift_left3A_99 = vector.broadcast %shift_left3A : i32 to vector<16xi32>
        %shift_left3A_100 = arith.shli %add3A_98, %shift_left3A_99 : vector<16xi32>
        %add3A_101 = arith.constant 0 : i32
        %add3A_102 = vector.broadcast %add3A_101 : i32 to vector<16xi32>
        %add3A_103 = arith.addi %iota3A, %add3A_102 : vector<16xi32>
        %and3A_104 = arith.constant 15 : i32
        %and3A_105 = vector.broadcast %and3A_104 : i32 to vector<16xi32>
        %and3A_106 = arith.andi %add3A_103, %and3A_105 : vector<16xi32>
        %add3A_107 = arith.addi %shift_left3A_100, %and3A_106 : vector<16xi32>
        %gather3A = tpu.vector_load_idx %arg4[%add3A_107] : memref<32768xi32, #tpu.memory_space<vmem>>[vector<16xi32>], vector<16xi32>,
        %add3A_108 = arith.addi %broadcast_in_dim3A_96, %gather3A : vector<16xi32>
        %add3A_109 = arith.constant 1 : i32
        %add3A_110 = vector.broadcast %add3A_109 : i32 to vector<16xi32>
        %add3A_111 = arith.addi %iota3A, %add3A_110 : vector<16xi32>
        %and3A_112 = arith.constant 15 : i32
        %and3A_113 = vector.broadcast %and3A_112 : i32 to vector<16xi32>
        %and3A_114 = arith.andi %add3A_111, %and3A_113 : vector<16xi32>
        %add3A_115 = arith.addi %shift_left3A_100, %and3A_114 : vector<16xi32>
        %gather3A_116 = tpu.vector_load_idx %arg4[%add3A_115] : memref<32768xi32, #tpu.memory_space<vmem>>[vector<16xi32>], vector<16xi32>,
        %add3A_117 = arith.addi %add3A_108, %gather3A_116 : vector<16xi32>
        %add3A_118 = arith.constant 2 : i32
        %add3A_119 = vector.broadcast %add3A_118 : i32 to vector<16xi32>
        %add3A_120 = arith.addi %iota3A, %add3A_119 : vector<16xi32>
        %and3A_121 = arith.constant 15 : i32
        %and3A_122 = vector.broadcast %and3A_121 : i32 to vector<16xi32>
        %and3A_123 = arith.andi %add3A_120, %and3A_122 : vector<16xi32>
        %add3A_124 = arith.addi %shift_left3A_100, %and3A_123 : vector<16xi32>
        %gather3A_125 = tpu.vector_load_idx %arg4[%add3A_124] : memref<32768xi32, #tpu.memory_space<vmem>>[vector<16xi32>], vector<16xi32>,
        %add3A_126 = arith.addi %add3A_117, %gather3A_125 : vector<16xi32>
        %add3A_127 = arith.constant 3 : i32
        %add3A_128 = vector.broadcast %add3A_127 : i32 to vector<16xi32>
        %add3A_129 = arith.addi %iota3A, %add3A_128 : vector<16xi32>
        %and3A_130 = arith.constant 15 : i32
        %and3A_131 = vector.broadcast %and3A_130 : i32 to vector<16xi32>
        %and3A_132 = arith.andi %add3A_129, %and3A_131 : vector<16xi32>
        %add3A_133 = arith.addi %shift_left3A_100, %and3A_132 : vector<16xi32>
        %gather3A_134 = tpu.vector_load_idx %arg4[%add3A_133] : memref<32768xi32, #tpu.memory_space<vmem>>[vector<16xi32>], vector<16xi32>,
        %add3A_135 = arith.addi %add3A_126, %gather3A_134 : vector<16xi32>
        %add3A_136 = arith.constant 4 : i32
        %add3A_137 = vector.broadcast %add3A_136 : i32 to vector<16xi32>
        %add3A_138 = arith.addi %iota3A, %add3A_137 : vector<16xi32>
        %and3A_139 = arith.constant 15 : i32
        %and3A_140 = vector.broadcast %and3A_139 : i32 to vector<16xi32>
        %and3A_141 = arith.andi %add3A_138, %and3A_140 : vector<16xi32>
        %add3A_142 = arith.addi %shift_left3A_100, %and3A_141 : vector<16xi32>
        %gather3A_143 = tpu.vector_load_idx %arg4[%add3A_142] : memref<32768xi32, #tpu.memory_space<vmem>>[vector<16xi32>], vector<16xi32>,
        %add3A_144 = arith.addi %add3A_135, %gather3A_143 : vector<16xi32>
        %add3A_145 = arith.constant 5 : i32
        %add3A_146 = vector.broadcast %add3A_145 : i32 to vector<16xi32>
        %add3A_147 = arith.addi %iota3A, %add3A_146 : vector<16xi32>
        %and3A_148 = arith.constant 15 : i32
        %and3A_149 = vector.broadcast %and3A_148 : i32 to vector<16xi32>
        %and3A_150 = arith.andi %add3A_147, %and3A_149 : vector<16xi32>
        %add3A_151 = arith.addi %shift_left3A_100, %and3A_150 : vector<16xi32>
        %gather3A_152 = tpu.vector_load_idx %arg4[%add3A_151] : memref<32768xi32, #tpu.memory_space<vmem>>[vector<16xi32>], vector<16xi32>,
        %add3A_153 = arith.addi %add3A_144, %gather3A_152 : vector<16xi32>
        %add3A_154 = arith.constant 6 : i32
        %add3A_155 = vector.broadcast %add3A_154 : i32 to vector<16xi32>
        %add3A_156 = arith.addi %iota3A, %add3A_155 : vector<16xi32>
        %and3A_157 = arith.constant 15 : i32
        %and3A_158 = vector.broadcast %and3A_157 : i32 to vector<16xi32>
        %and3A_159 = arith.andi %add3A_156, %and3A_158 : vector<16xi32>
        %add3A_160 = arith.addi %shift_left3A_100, %and3A_159 : vector<16xi32>
        %gather3A_161 = tpu.vector_load_idx %arg4[%add3A_160] : memref<32768xi32, #tpu.memory_space<vmem>>[vector<16xi32>], vector<16xi32>,
        %add3A_162 = arith.addi %add3A_153, %gather3A_161 : vector<16xi32>
        %add3A_163 = arith.constant 7 : i32
        %add3A_164 = vector.broadcast %add3A_163 : i32 to vector<16xi32>
        %add3A_165 = arith.addi %iota3A, %add3A_164 : vector<16xi32>
        %and3A_166 = arith.constant 15 : i32
        %and3A_167 = vector.broadcast %and3A_166 : i32 to vector<16xi32>
        %and3A_168 = arith.andi %add3A_165, %and3A_167 : vector<16xi32>
        %add3A_169 = arith.addi %shift_left3A_100, %and3A_168 : vector<16xi32>
        %gather3A_170 = tpu.vector_load_idx %arg4[%add3A_169] : memref<32768xi32, #tpu.memory_space<vmem>>[vector<16xi32>], vector<16xi32>,
        %add3A_171 = arith.addi %add3A_162, %gather3A_170 : vector<16xi32>
        %add3A_172 = arith.constant 8 : i32
        %add3A_173 = vector.broadcast %add3A_172 : i32 to vector<16xi32>
        %add3A_174 = arith.addi %iota3A, %add3A_173 : vector<16xi32>
        %and3A_175 = arith.constant 15 : i32
        %and3A_176 = vector.broadcast %and3A_175 : i32 to vector<16xi32>
        %and3A_177 = arith.andi %add3A_174, %and3A_176 : vector<16xi32>
        %add3A_178 = arith.addi %shift_left3A_100, %and3A_177 : vector<16xi32>
        %gather3A_179 = tpu.vector_load_idx %arg4[%add3A_178] : memref<32768xi32, #tpu.memory_space<vmem>>[vector<16xi32>], vector<16xi32>,
        %add3A_180 = arith.addi %add3A_171, %gather3A_179 : vector<16xi32>
        %add3A_181 = arith.constant 9 : i32
        %add3A_182 = vector.broadcast %add3A_181 : i32 to vector<16xi32>
        %add3A_183 = arith.addi %iota3A, %add3A_182 : vector<16xi32>
        %and3A_184 = arith.constant 15 : i32
        %and3A_185 = vector.broadcast %and3A_184 : i32 to vector<16xi32>
        %and3A_186 = arith.andi %add3A_183, %and3A_185 : vector<16xi32>
        %add3A_187 = arith.addi %shift_left3A_100, %and3A_186 : vector<16xi32>
        %gather3A_188 = tpu.vector_load_idx %arg4[%add3A_187] : memref<32768xi32, #tpu.memory_space<vmem>>[vector<16xi32>], vector<16xi32>,
        %add3A_189 = arith.addi %add3A_180, %gather3A_188 : vector<16xi32>
        %add3A_190 = arith.constant 10 : i32
        %add3A_191 = vector.broadcast %add3A_190 : i32 to vector<16xi32>
        %add3A_192 = arith.addi %iota3A, %add3A_191 : vector<16xi32>
        %and3A_193 = arith.constant 15 : i32
        %and3A_194 = vector.broadcast %and3A_193 : i32 to vector<16xi32>
        %and3A_195 = arith.andi %add3A_192, %and3A_194 : vector<16xi32>
        %add3A_196 = arith.addi %shift_left3A_100, %and3A_195 : vector<16xi32>
        %gather3A_197 = tpu.vector_load_idx %arg4[%add3A_196] : memref<32768xi32, #tpu.memory_space<vmem>>[vector<16xi32>], vector<16xi32>,
        %add3A_198 = arith.addi %add3A_189, %gather3A_197 : vector<16xi32>
        %add3A_199 = arith.constant 11 : i32
        %add3A_200 = vector.broadcast %add3A_199 : i32 to vector<16xi32>
        %add3A_201 = arith.addi %iota3A, %add3A_200 : vector<16xi32>
        %and3A_202 = arith.constant 15 : i32
        %and3A_203 = vector.broadcast %and3A_202 : i32 to vector<16xi32>
        %and3A_204 = arith.andi %add3A_201, %and3A_203 : vector<16xi32>
        %add3A_205 = arith.addi %shift_left3A_100, %and3A_204 : vector<16xi32>
        %gather3A_206 = tpu.vector_load_idx %arg4[%add3A_205] : memref<32768xi32, #tpu.memory_space<vmem>>[vector<16xi32>], vector<16xi32>,
        %add3A_207 = arith.addi %add3A_198, %gather3A_206 : vector<16xi32>
        %add3A_208 = arith.constant 12 : i32
        %add3A_209 = vector.broadcast %add3A_208 : i32 to vector<16xi32>
        %add3A_210 = arith.addi %iota3A, %add3A_209 : vector<16xi32>
        %and3A_211 = arith.constant 15 : i32
        %and3A_212 = vector.broadcast %and3A_211 : i32 to vector<16xi32>
        %and3A_213 = arith.andi %add3A_210, %and3A_212 : vector<16xi32>
        %add3A_214 = arith.addi %shift_left3A_100, %and3A_213 : vector<16xi32>
        %gather3A_215 = tpu.vector_load_idx %arg4[%add3A_214] : memref<32768xi32, #tpu.memory_space<vmem>>[vector<16xi32>], vector<16xi32>,
        %add3A_216 = arith.addi %add3A_207, %gather3A_215 : vector<16xi32>
        %add3A_217 = arith.constant 13 : i32
        %add3A_218 = vector.broadcast %add3A_217 : i32 to vector<16xi32>
        %add3A_219 = arith.addi %iota3A, %add3A_218 : vector<16xi32>
        %and3A_220 = arith.constant 15 : i32
        %and3A_221 = vector.broadcast %and3A_220 : i32 to vector<16xi32>
        %and3A_222 = arith.andi %add3A_219, %and3A_221 : vector<16xi32>
        %add3A_223 = arith.addi %shift_left3A_100, %and3A_222 : vector<16xi32>
        %gather3A_224 = tpu.vector_load_idx %arg4[%add3A_223] : memref<32768xi32, #tpu.memory_space<vmem>>[vector<16xi32>], vector<16xi32>,
        %add3A_225 = arith.addi %add3A_216, %gather3A_224 : vector<16xi32>
        %add3A_226 = arith.constant 14 : i32
        %add3A_227 = vector.broadcast %add3A_226 : i32 to vector<16xi32>
        %add3A_228 = arith.addi %iota3A, %add3A_227 : vector<16xi32>
        %and3A_229 = arith.constant 15 : i32
        %and3A_230 = vector.broadcast %and3A_229 : i32 to vector<16xi32>
        %and3A_231 = arith.andi %add3A_228, %and3A_230 : vector<16xi32>
        %add3A_232 = arith.addi %shift_left3A_100, %and3A_231 : vector<16xi32>
        %gather3A_233 = tpu.vector_load_idx %arg4[%add3A_232] : memref<32768xi32, #tpu.memory_space<vmem>>[vector<16xi32>], vector<16xi32>,
        %add3A_234 = arith.addi %add3A_225, %gather3A_233 : vector<16xi32>
        %add3A_235 = arith.constant 15 : i32
        %add3A_236 = vector.broadcast %add3A_235 : i32 to vector<16xi32>
        %add3A_237 = arith.addi %iota3A, %add3A_236 : vector<16xi32>
        %and3A_238 = arith.constant 15 : i32
        %and3A_239 = vector.broadcast %and3A_238 : i32 to vector<16xi32>
        %and3A_240 = arith.andi %add3A_237, %and3A_239 : vector<16xi32>
        %add3A_241 = arith.addi %shift_left3A_100, %and3A_240 : vector<16xi32>
        %gather3A_242 = tpu.vector_load_idx %arg4[%add3A_241] : memref<32768xi32, #tpu.memory_space<vmem>>[vector<16xi32>], vector<16xi32>,
        %add3A_243 = arith.addi %add3A_234, %gather3A_242 : vector<16xi32>
        %swap3A = arith.index_cast %mul3A_94 : i32 to index
        %swap3A_244 = tpu.vector_load %arg7[%swap3A] {strides = array<i32>} : memref<2048xi32, #tpu.memory_space<vmem>>, vector<16xi32>,
        tpu.vector_store %arg7[%swap3A], %add3A_243 {strides = array<i32>} : memref<2048xi32, #tpu.memory_space<vmem>>, vector<16xi32>,
      }
      %scan3A_80 = arith.constant 128 : i32
      %dma_start3A_81 = arith.constant 0 : i32
      %dma_start3A_82 = tpu.memref_slice %arg3[%add3A_9, %dma_start3A_81] : memref<84x2048xi32, #tpu.memory_space<hbm>> -> memref<1x2048xi32, #tpu.memory_space<hbm>>
      %dma_start3A_83 = tpu.memref_squeeze %dma_start3A_82 : memref<1x2048xi32, #tpu.memory_space<hbm>> -> memref<2048xi32, #tpu.memory_space<hbm>>
      %dma_start3A_84 = arith.constant 0 : i32
      %dma_start3A_85 = tpu.memref_slice %arg3[%add3A_9, %dma_start3A_84] : memref<84x2048xi32, #tpu.memory_space<hbm>> -> memref<1x2048xi32, #tpu.memory_space<hbm>>
      %dma_start3A_86 = tpu.memref_squeeze %dma_start3A_85 : memref<1x2048xi32, #tpu.memory_space<hbm>> -> memref<2048xi32, #tpu.memory_space<hbm>>
      tpu.enqueue_dma source(%arg7 : memref<2048xi32, #tpu.memory_space<vmem>>) target(%dma_start3A_86 : memref<2048xi32, #tpu.memory_space<hbm>>) target_semaphore(%arg10 : memref<!tpu.dma_semaphore, #tpu.memory_space<semaphore_mem>>)
      %dma_wait3A = arith.constant 0 : i32
      %dma_wait3A_87 = tpu.memref_slice %arg3[%add3A_9, %dma_wait3A] : memref<84x2048xi32, #tpu.memory_space<hbm>> -> memref<1x2048xi32, #tpu.memory_space<hbm>>
      %dma_wait3A_88 = tpu.memref_squeeze %dma_wait3A_87 : memref<1x2048xi32, #tpu.memory_space<hbm>> -> memref<2048xi32, #tpu.memory_space<hbm>>
      %dma_wait3A_89 = arith.constant 0 : i32
      %dma_wait3A_90 = tpu.memref_slice %arg3[%add3A_9, %dma_wait3A_89] : memref<84x2048xi32, #tpu.memory_space<hbm>> -> memref<1x2048xi32, #tpu.memory_space<hbm>>
      %dma_wait3A_91 = tpu.memref_squeeze %dma_wait3A_90 : memref<1x2048xi32, #tpu.memory_space<hbm>> -> memref<2048xi32, #tpu.memory_space<hbm>>
      tpu.wait_dma2 semaphore(%arg10 : memref<!tpu.dma_semaphore, #tpu.memory_space<semaphore_mem>>) src(%arg7 : memref<2048xi32, #tpu.memory_space<vmem>>) dst(%dma_wait3A_91 : memref<2048xi32, #tpu.memory_space<hbm>>)
    } else {
    }
    %add3A_15 = arith.constant 64 : i32
    %add3A_16 = arith.addi %add3A, %add3A_15 : i32
    %lt3A_17 = arith.constant 84 : i32
    %lt3A_18 = arith.cmpi slt, %add3A_16, %lt3A_17 : i32
    %convert_element_type3A_19 = arith.extui %lt3A_18 : i1 to i32
    %cond3A_20 = arith.constant 0 : i32
    %cond3A_21 = arith.cmpi ne, %convert_element_type3A_19, %cond3A_20 : i32
    scf.if %cond3A_21 {
      %jit3A = arith.constant 21 : i32
      %div3A = arith.divsi %add3A_16, %jit3A : i32
      %sign3A = arith.constant 0 : i32
      %sign3A_22 = arith.cmpi sgt, %add3A_16, %sign3A : i32
      %sign3A_23 = arith.extui %sign3A_22 : i1 to i32
      %sign3A_24 = arith.constant 0 : i32
      %sign3A_25 = arith.cmpi slt, %add3A_16, %sign3A_24 : i32
      %sign3A_26 = arith.extui %sign3A_25 : i1 to i32
      %sign3A_27 = arith.subi %sign3A_23, %sign3A_26 : i32
      %sign3A_28 = arith.constant 0 : i32
      %sign3A_29 = arith.cmpi sgt, %jit3A, %sign3A_28 : i32
      %sign3A_30 = arith.extui %sign3A_29 : i1 to i32
      %sign3A_31 = arith.constant 0 : i32
      %sign3A_32 = arith.cmpi slt, %jit3A, %sign3A_31 : i32
      %sign3A_33 = arith.extui %sign3A_32 : i1 to i32
      %sign3A_34 = arith.subi %sign3A_30, %sign3A_33 : i32
      %ne3A = arith.cmpi ne, %sign3A_27, %sign3A_34 : i32
      %rem3A = arith.remsi %add3A_16, %jit3A : i32
      %ne3A_35 = arith.constant 0 : i32
      %ne3A_36 = arith.cmpi ne, %rem3A, %ne3A_35 : i32
      %and3A = arith.andi %ne3A, %ne3A_36 : i1
      %sub3A = arith.constant 1 : i32
      %sub3A_37 = arith.subi %div3A, %sub3A : i32
      %select_n3A = arith.select %and3A, %sub3A_37, %div3A : i32
      %jit3A_38 = arith.constant 21 : i32
      %eq3A = arith.constant 0 : i32
      %eq3A_39 = arith.cmpi eq, %jit3A_38, %eq3A : i32
      %jit3A_40 = arith.constant 1 : i32
      %select_n3A_41 = arith.select %eq3A_39, %jit3A_40, %jit3A_38 : i32
      %rem3A_42 = arith.remsi %add3A_16, %select_n3A_41 : i32
      %ne3A_43 = arith.constant 0 : i32
      %ne3A_44 = arith.cmpi ne, %rem3A_42, %ne3A_43 : i32
      %lt3A_45 = arith.constant 0 : i32
      %lt3A_46 = arith.cmpi slt, %rem3A_42, %lt3A_45 : i32
      %lt3A_47 = arith.constant 0 : i32
      %lt3A_48 = arith.cmpi slt, %select_n3A_41, %lt3A_47 : i32
      %ne3A_49 = arith.xori %lt3A_46, %lt3A_48 : i1
      %and3A_50 = arith.andi %ne3A_49, %ne3A_44 : i1
      %add3A_51 = arith.addi %rem3A_42, %select_n3A_41 : i32
      %select_n3A_52 = arith.select %and3A_50, %add3A_51, %rem3A_42 : i32
      %scan3A = arith.constant 0 : i32
      %scan3A_53 = arith.constant 0 : i32
      %scan3A_54 = arith.constant 128 : i32
      %scan3A_55 = arith.addi %scan3A_53, %scan3A_54 : i32
      %scan3A_56 = arith.constant 1 : i32
      scf.for %scan3A_92 = %scan3A_53 to %scan3A_55 step %scan3A_56  : i32 {
        %mul3A_93 = arith.constant 16 : i32
        %mul3A_94 = arith.muli %scan3A_92, %mul3A_93 : i32
        %add3A_95 = arith.constant 0 : i32
        %add3A_96 = arith.addi %mul3A_94, %add3A_95 : i32
        %mul3A_97 = arith.constant 16 : i32
        %mul3A_98 = arith.muli %add3A_96, %mul3A_97 : i32
        %swap3A = arith.index_cast %mul3A_98 : i32 to index
        %swap3A_99 = tpu.vector_load %arg4[%swap3A] {strides = array<i32>} : memref<32768xi32, #tpu.memory_space<vmem>>, vector<16xi32>,
        tpu.vector_store %arg4[%swap3A], %broadcast_in_dim3A_3 {strides = array<i32>} : memref<32768xi32, #tpu.memory_space<vmem>>, vector<16xi32>,
        %mul3A_100 = arith.constant 16 : i32
        %mul3A_101 = arith.muli %scan3A_92, %mul3A_100 : i32
        %add3A_102 = arith.constant 1 : i32
        %add3A_103 = arith.addi %mul3A_101, %add3A_102 : i32
        %mul3A_104 = arith.constant 16 : i32
        %mul3A_105 = arith.muli %add3A_103, %mul3A_104 : i32
        %swap3A_106 = arith.index_cast %mul3A_105 : i32 to index
        %swap3A_107 = tpu.vector_load %arg4[%swap3A_106] {strides = array<i32>} : memref<32768xi32, #tpu.memory_space<vmem>>, vector<16xi32>,
        tpu.vector_store %arg4[%swap3A_106], %broadcast_in_dim3A_3 {strides = array<i32>} : memref<32768xi32, #tpu.memory_space<vmem>>, vector<16xi32>,
        %mul3A_108 = arith.constant 16 : i32
        %mul3A_109 = arith.muli %scan3A_92, %mul3A_108 : i32
        %add3A_110 = arith.constant 2 : i32
        %add3A_111 = arith.addi %mul3A_109, %add3A_110 : i32
        %mul3A_112 = arith.constant 16 : i32
        %mul3A_113 = arith.muli %add3A_111, %mul3A_112 : i32
        %swap3A_114 = arith.index_cast %mul3A_113 : i32 to index
        %swap3A_115 = tpu.vector_load %arg4[%swap3A_114] {strides = array<i32>} : memref<32768xi32, #tpu.memory_space<vmem>>, vector<16xi32>,
        tpu.vector_store %arg4[%swap3A_114], %broadcast_in_dim3A_3 {strides = array<i32>} : memref<32768xi32, #tpu.memory_space<vmem>>, vector<16xi32>,
        %mul3A_116 = arith.constant 16 : i32
        %mul3A_117 = arith.muli %scan3A_92, %mul3A_116 : i32
        %add3A_118 = arith.constant 3 : i32
        %add3A_119 = arith.addi %mul3A_117, %add3A_118 : i32
        %mul3A_120 = arith.constant 16 : i32
        %mul3A_121 = arith.muli %add3A_119, %mul3A_120 : i32
        %swap3A_122 = arith.index_cast %mul3A_121 : i32 to index
        %swap3A_123 = tpu.vector_load %arg4[%swap3A_122] {strides = array<i32>} : memref<32768xi32, #tpu.memory_space<vmem>>, vector<16xi32>,
        tpu.vector_store %arg4[%swap3A_122], %broadcast_in_dim3A_3 {strides = array<i32>} : memref<32768xi32, #tpu.memory_space<vmem>>, vector<16xi32>,
        %mul3A_124 = arith.constant 16 : i32
        %mul3A_125 = arith.muli %scan3A_92, %mul3A_124 : i32
        %add3A_126 = arith.constant 4 : i32
        %add3A_127 = arith.addi %mul3A_125, %add3A_126 : i32
        %mul3A_128 = arith.constant 16 : i32
        %mul3A_129 = arith.muli %add3A_127, %mul3A_128 : i32
        %swap3A_130 = arith.index_cast %mul3A_129 : i32 to index
        %swap3A_131 = tpu.vector_load %arg4[%swap3A_130] {strides = array<i32>} : memref<32768xi32, #tpu.memory_space<vmem>>, vector<16xi32>,
        tpu.vector_store %arg4[%swap3A_130], %broadcast_in_dim3A_3 {strides = array<i32>} : memref<32768xi32, #tpu.memory_space<vmem>>, vector<16xi32>,
        %mul3A_132 = arith.constant 16 : i32
        %mul3A_133 = arith.muli %scan3A_92, %mul3A_132 : i32
        %add3A_134 = arith.constant 5 : i32
        %add3A_135 = arith.addi %mul3A_133, %add3A_134 : i32
        %mul3A_136 = arith.constant 16 : i32
        %mul3A_137 = arith.muli %add3A_135, %mul3A_136 : i32
        %swap3A_138 = arith.index_cast %mul3A_137 : i32 to index
        %swap3A_139 = tpu.vector_load %arg4[%swap3A_138] {strides = array<i32>} : memref<32768xi32, #tpu.memory_space<vmem>>, vector<16xi32>,
        tpu.vector_store %arg4[%swap3A_138], %broadcast_in_dim3A_3 {strides = array<i32>} : memref<32768xi32, #tpu.memory_space<vmem>>, vector<16xi32>,
        %mul3A_140 = arith.constant 16 : i32
        %mul3A_141 = arith.muli %scan3A_92, %mul3A_140 : i32
        %add3A_142 = arith.constant 6 : i32
        %add3A_143 = arith.addi %mul3A_141, %add3A_142 : i32
        %mul3A_144 = arith.constant 16 : i32
        %mul3A_145 = arith.muli %add3A_143, %mul3A_144 : i32
        %swap3A_146 = arith.index_cast %mul3A_145 : i32 to index
        %swap3A_147 = tpu.vector_load %arg4[%swap3A_146] {strides = array<i32>} : memref<32768xi32, #tpu.memory_space<vmem>>, vector<16xi32>,
        tpu.vector_store %arg4[%swap3A_146], %broadcast_in_dim3A_3 {strides = array<i32>} : memref<32768xi32, #tpu.memory_space<vmem>>, vector<16xi32>,
        %mul3A_148 = arith.constant 16 : i32
        %mul3A_149 = arith.muli %scan3A_92, %mul3A_148 : i32
        %add3A_150 = arith.constant 7 : i32
        %add3A_151 = arith.addi %mul3A_149, %add3A_150 : i32
        %mul3A_152 = arith.constant 16 : i32
        %mul3A_153 = arith.muli %add3A_151, %mul3A_152 : i32
        %swap3A_154 = arith.index_cast %mul3A_153 : i32 to index
        %swap3A_155 = tpu.vector_load %arg4[%swap3A_154] {strides = array<i32>} : memref<32768xi32, #tpu.memory_space<vmem>>, vector<16xi32>,
        tpu.vector_store %arg4[%swap3A_154], %broadcast_in_dim3A_3 {strides = array<i32>} : memref<32768xi32, #tpu.memory_space<vmem>>, vector<16xi32>,
        %mul3A_156 = arith.constant 16 : i32
        %mul3A_157 = arith.muli %scan3A_92, %mul3A_156 : i32
        %add3A_158 = arith.constant 8 : i32
        %add3A_159 = arith.addi %mul3A_157, %add3A_158 : i32
        %mul3A_160 = arith.constant 16 : i32
        %mul3A_161 = arith.muli %add3A_159, %mul3A_160 : i32
        %swap3A_162 = arith.index_cast %mul3A_161 : i32 to index
        %swap3A_163 = tpu.vector_load %arg4[%swap3A_162] {strides = array<i32>} : memref<32768xi32, #tpu.memory_space<vmem>>, vector<16xi32>,
        tpu.vector_store %arg4[%swap3A_162], %broadcast_in_dim3A_3 {strides = array<i32>} : memref<32768xi32, #tpu.memory_space<vmem>>, vector<16xi32>,
        %mul3A_164 = arith.constant 16 : i32
        %mul3A_165 = arith.muli %scan3A_92, %mul3A_164 : i32
        %add3A_166 = arith.constant 9 : i32
        %add3A_167 = arith.addi %mul3A_165, %add3A_166 : i32
        %mul3A_168 = arith.constant 16 : i32
        %mul3A_169 = arith.muli %add3A_167, %mul3A_168 : i32
        %swap3A_170 = arith.index_cast %mul3A_169 : i32 to index
        %swap3A_171 = tpu.vector_load %arg4[%swap3A_170] {strides = array<i32>} : memref<32768xi32, #tpu.memory_space<vmem>>, vector<16xi32>,
        tpu.vector_store %arg4[%swap3A_170], %broadcast_in_dim3A_3 {strides = array<i32>} : memref<32768xi32, #tpu.memory_space<vmem>>, vector<16xi32>,
        %mul3A_172 = arith.constant 16 : i32
        %mul3A_173 = arith.muli %scan3A_92, %mul3A_172 : i32
        %add3A_174 = arith.constant 10 : i32
        %add3A_175 = arith.addi %mul3A_173, %add3A_174 : i32
        %mul3A_176 = arith.constant 16 : i32
        %mul3A_177 = arith.muli %add3A_175, %mul3A_176 : i32
        %swap3A_178 = arith.index_cast %mul3A_177 : i32 to index
        %swap3A_179 = tpu.vector_load %arg4[%swap3A_178] {strides = array<i32>} : memref<32768xi32, #tpu.memory_space<vmem>>, vector<16xi32>,
        tpu.vector_store %arg4[%swap3A_178], %broadcast_in_dim3A_3 {strides = array<i32>} : memref<32768xi32, #tpu.memory_space<vmem>>, vector<16xi32>,
        %mul3A_180 = arith.constant 16 : i32
        %mul3A_181 = arith.muli %scan3A_92, %mul3A_180 : i32
        %add3A_182 = arith.constant 11 : i32
        %add3A_183 = arith.addi %mul3A_181, %add3A_182 : i32
        %mul3A_184 = arith.constant 16 : i32
        %mul3A_185 = arith.muli %add3A_183, %mul3A_184 : i32
        %swap3A_186 = arith.index_cast %mul3A_185 : i32 to index
        %swap3A_187 = tpu.vector_load %arg4[%swap3A_186] {strides = array<i32>} : memref<32768xi32, #tpu.memory_space<vmem>>, vector<16xi32>,
        tpu.vector_store %arg4[%swap3A_186], %broadcast_in_dim3A_3 {strides = array<i32>} : memref<32768xi32, #tpu.memory_space<vmem>>, vector<16xi32>,
        %mul3A_188 = arith.constant 16 : i32
        %mul3A_189 = arith.muli %scan3A_92, %mul3A_188 : i32
        %add3A_190 = arith.constant 12 : i32
        %add3A_191 = arith.addi %mul3A_189, %add3A_190 : i32
        %mul3A_192 = arith.constant 16 : i32
        %mul3A_193 = arith.muli %add3A_191, %mul3A_192 : i32
        %swap3A_194 = arith.index_cast %mul3A_193 : i32 to index
        %swap3A_195 = tpu.vector_load %arg4[%swap3A_194] {strides = array<i32>} : memref<32768xi32, #tpu.memory_space<vmem>>, vector<16xi32>,
        tpu.vector_store %arg4[%swap3A_194], %broadcast_in_dim3A_3 {strides = array<i32>} : memref<32768xi32, #tpu.memory_space<vmem>>, vector<16xi32>,
        %mul3A_196 = arith.constant 16 : i32
        %mul3A_197 = arith.muli %scan3A_92, %mul3A_196 : i32
        %add3A_198 = arith.constant 13 : i32
        %add3A_199 = arith.addi %mul3A_197, %add3A_198 : i32
        %mul3A_200 = arith.constant 16 : i32
        %mul3A_201 = arith.muli %add3A_199, %mul3A_200 : i32
        %swap3A_202 = arith.index_cast %mul3A_201 : i32 to index
        %swap3A_203 = tpu.vector_load %arg4[%swap3A_202] {strides = array<i32>} : memref<32768xi32, #tpu.memory_space<vmem>>, vector<16xi32>,
        tpu.vector_store %arg4[%swap3A_202], %broadcast_in_dim3A_3 {strides = array<i32>} : memref<32768xi32, #tpu.memory_space<vmem>>, vector<16xi32>,
        %mul3A_204 = arith.constant 16 : i32
        %mul3A_205 = arith.muli %scan3A_92, %mul3A_204 : i32
        %add3A_206 = arith.constant 14 : i32
        %add3A_207 = arith.addi %mul3A_205, %add3A_206 : i32
        %mul3A_208 = arith.constant 16 : i32
        %mul3A_209 = arith.muli %add3A_207, %mul3A_208 : i32
        %swap3A_210 = arith.index_cast %mul3A_209 : i32 to index
        %swap3A_211 = tpu.vector_load %arg4[%swap3A_210] {strides = array<i32>} : memref<32768xi32, #tpu.memory_space<vmem>>, vector<16xi32>,
        tpu.vector_store %arg4[%swap3A_210], %broadcast_in_dim3A_3 {strides = array<i32>} : memref<32768xi32, #tpu.memory_space<vmem>>, vector<16xi32>,
        %mul3A_212 = arith.constant 16 : i32
        %mul3A_213 = arith.muli %scan3A_92, %mul3A_212 : i32
        %add3A_214 = arith.constant 15 : i32
        %add3A_215 = arith.addi %mul3A_213, %add3A_214 : i32
        %mul3A_216 = arith.constant 16 : i32
        %mul3A_217 = arith.muli %add3A_215, %mul3A_216 : i32
        %swap3A_218 = arith.index_cast %mul3A_217 : i32 to index
        %swap3A_219 = tpu.vector_load %arg4[%swap3A_218] {strides = array<i32>} : memref<32768xi32, #tpu.memory_space<vmem>>, vector<16xi32>,
        tpu.vector_store %arg4[%swap3A_218], %broadcast_in_dim3A_3 {strides = array<i32>} : memref<32768xi32, #tpu.memory_space<vmem>>, vector<16xi32>,
      }
      %scan3A_57 = arith.constant 128 : i32
      %dma_start3A = arith.constant 0 : i32
      %dma_start3A_58 = tpu.memref_slice %arg2[%select_n3A, %select_n3A_52, %dma_start3A] : memref<4x21x131072xi32, #tpu.memory_space<hbm>> -> memref<1x1x16384xi32, #tpu.memory_space<hbm>>
      %dma_start3A_59 = tpu.memref_squeeze %dma_start3A_58 : memref<1x1x16384xi32, #tpu.memory_space<hbm>> -> memref<16384xi32, #tpu.memory_space<hbm>>
      %dma_start3A_60 = arith.constant 0 : i32
      %dma_start3A_61 = tpu.memref_slice %arg2[%select_n3A, %select_n3A_52, %dma_start3A_60] : memref<4x21x131072xi32, #tpu.memory_space<hbm>> -> memref<1x1x16384xi32, #tpu.memory_space<hbm>>
      %dma_start3A_62 = tpu.memref_squeeze %dma_start3A_61 : memref<1x1x16384xi32, #tpu.memory_space<hbm>> -> memref<16384xi32, #tpu.memory_space<hbm>>
      tpu.enqueue_dma source(%dma_start3A_62 : memref<16384xi32, #tpu.memory_space<hbm>>) target(%arg5 : memref<16384xi32, #tpu.memory_space<vmem>>) target_semaphore(%arg8 : memref<!tpu.dma_semaphore, #tpu.memory_space<semaphore_mem>>)
      %dma_start3A_63 = arith.constant 16384 : i32
      %dma_start3A_64 = tpu.memref_slice %arg2[%select_n3A, %select_n3A_52, %dma_start3A_63] : memref<4x21x131072xi32, #tpu.memory_space<hbm>> -> memref<1x1x16384xi32, #tpu.memory_space<hbm>>
      %dma_start3A_65 = tpu.memref_squeeze %dma_start3A_64 : memref<1x1x16384xi32, #tpu.memory_space<hbm>> -> memref<16384xi32, #tpu.memory_space<hbm>>
      %dma_start3A_66 = arith.constant 16384 : i32
      %dma_start3A_67 = tpu.memref_slice %arg2[%select_n3A, %select_n3A_52, %dma_start3A_66] : memref<4x21x131072xi32, #tpu.memory_space<hbm>> -> memref<1x1x16384xi32, #tpu.memory_space<hbm>>
      %dma_start3A_68 = tpu.memref_squeeze %dma_start3A_67 : memref<1x1x16384xi32, #tpu.memory_space<hbm>> -> memref<16384xi32, #tpu.memory_space<hbm>>
      tpu.enqueue_dma source(%dma_start3A_68 : memref<16384xi32, #tpu.memory_space<hbm>>) target(%arg6 : memref<16384xi32, #tpu.memory_space<vmem>>) target_semaphore(%arg9 : memref<!tpu.dma_semaphore, #tpu.memory_space<semaphore_mem>>)
      %scan3A_69 = arith.constant 0 : i32
      %scan3A_70 = arith.constant 0 : i32
      %scan3A_71 = arith.constant 4 : i32
      %scan3A_72 = arith.addi %scan3A_70, %scan3A_71 : i32
      %scan3A_73 = arith.constant 1 : i32
      scf.for %scan3A_92 = %scan3A_70 to %scan3A_72 step %scan3A_73  : i32 {
        %mul3A_93 = arith.constant 2 : i32
        %mul3A_94 = arith.muli %scan3A_92, %mul3A_93 : i32
        %add3A_95 = arith.constant 0 : i32
        %add3A_96 = arith.addi %mul3A_94, %add3A_95 : i32
        %mul3A_97 = arith.constant 16384 : i32
        %mul3A_98 = arith.muli %add3A_96, %mul3A_97 : i32
        %dma_wait3A_99 = tpu.memref_slice %arg2[%select_n3A, %select_n3A_52, %mul3A_98] : memref<4x21x131072xi32, #tpu.memory_space<hbm>> -> memref<1x1x16384xi32, #tpu.memory_space<hbm>>
        %dma_wait3A_100 = tpu.memref_squeeze %dma_wait3A_99 : memref<1x1x16384xi32, #tpu.memory_space<hbm>> -> memref<16384xi32, #tpu.memory_space<hbm>>
        %dma_wait3A_101 = tpu.memref_slice %arg2[%select_n3A, %select_n3A_52, %mul3A_98] : memref<4x21x131072xi32, #tpu.memory_space<hbm>> -> memref<1x1x16384xi32, #tpu.memory_space<hbm>>
        %dma_wait3A_102 = tpu.memref_squeeze %dma_wait3A_101 : memref<1x1x16384xi32, #tpu.memory_space<hbm>> -> memref<16384xi32, #tpu.memory_space<hbm>>
        tpu.wait_dma2 semaphore(%arg8 : memref<!tpu.dma_semaphore, #tpu.memory_space<semaphore_mem>>) src(%dma_wait3A_102 : memref<16384xi32, #tpu.memory_space<hbm>>) dst(%arg5 : memref<16384xi32, #tpu.memory_space<vmem>>)
        %parallel_loop3A = arith.constant 0 : i32
        %parallel_loop3A_103 = arith.constant 1024 : i32
        %parallel_loop3A_104 = arith.constant 1 : i32
        scf.for %parallel_loop3A_132 = %parallel_loop3A to %parallel_loop3A_103 step %parallel_loop3A_104  : i32 {
          %parallel_loop3A_133 = arith.constant 16 : i32
          %parallel_loop3A_134 = arith.muli %parallel_loop3A_132, %parallel_loop3A_133 : i32
          %parallel_loop3A_135 = arith.index_cast %parallel_loop3A_134 : i32 to index
          %parallel_loop3A_136 = tpu.vector_load %arg5[%parallel_loop3A_135] {strides = array<i32>} : memref<16384xi32, #tpu.memory_space<vmem>>, vector<16xi32>,
          tpu.vector_store_idx %arg4[%parallel_loop3A_136], %broadcast_in_dim3A_1 {add = true} : memref<32768xi32, #tpu.memory_space<vmem>>[vector<16xi32>], vector<16xi32>,
        } {sc.loop_unroll_factor = 16 : i64, sc.parallel_access}
        %add3A_105 = arith.constant 2 : i32
        %add3A_106 = arith.addi %add3A_96, %add3A_105 : i32
        %lt3A_107 = arith.constant 8 : i32
        %lt3A_108 = arith.cmpi slt, %add3A_106, %lt3A_107 : i32
        %convert_element_type3A_109 = arith.extui %lt3A_108 : i1 to i32
        %cond3A_110 = arith.constant 0 : i32
        %cond3A_111 = arith.cmpi ne, %convert_element_type3A_109, %cond3A_110 : i32
        scf.if %cond3A_111 {
          %mul3A_132 = arith.constant 16384 : i32
          %mul3A_133 = arith.muli %add3A_106, %mul3A_132 : i32
          %dma_start3A_134 = tpu.memref_slice %arg2[%select_n3A, %select_n3A_52, %mul3A_133] : memref<4x21x131072xi32, #tpu.memory_space<hbm>> -> memref<1x1x16384xi32, #tpu.memory_space<hbm>>
          %dma_start3A_135 = tpu.memref_squeeze %dma_start3A_134 : memref<1x1x16384xi32, #tpu.memory_space<hbm>> -> memref<16384xi32, #tpu.memory_space<hbm>>
          %dma_start3A_136 = tpu.memref_slice %arg2[%select_n3A, %select_n3A_52, %mul3A_133] : memref<4x21x131072xi32, #tpu.memory_space<hbm>> -> memref<1x1x16384xi32, #tpu.memory_space<hbm>>
          %dma_start3A_137 = tpu.memref_squeeze %dma_start3A_136 : memref<1x1x16384xi32, #tpu.memory_space<hbm>> -> memref<16384xi32, #tpu.memory_space<hbm>>
          tpu.enqueue_dma source(%dma_start3A_137 : memref<16384xi32, #tpu.memory_space<hbm>>) target(%arg5 : memref<16384xi32, #tpu.memory_space<vmem>>) target_semaphore(%arg8 : memref<!tpu.dma_semaphore, #tpu.memory_space<semaphore_mem>>)
        } else {
        }
        %mul3A_112 = arith.constant 2 : i32
        %mul3A_113 = arith.muli %scan3A_92, %mul3A_112 : i32
        %add3A_114 = arith.constant 1 : i32
        %add3A_115 = arith.addi %mul3A_113, %add3A_114 : i32
        %mul3A_116 = arith.constant 16384 : i32
        %mul3A_117 = arith.muli %add3A_115, %mul3A_116 : i32
        %dma_wait3A_118 = tpu.memref_slice %arg2[%select_n3A, %select_n3A_52, %mul3A_117] : memref<4x21x131072xi32, #tpu.memory_space<hbm>> -> memref<1x1x16384xi32, #tpu.memory_space<hbm>>
        %dma_wait3A_119 = tpu.memref_squeeze %dma_wait3A_118 : memref<1x1x16384xi32, #tpu.memory_space<hbm>> -> memref<16384xi32, #tpu.memory_space<hbm>>
        %dma_wait3A_120 = tpu.memref_slice %arg2[%select_n3A, %select_n3A_52, %mul3A_117] : memref<4x21x131072xi32, #tpu.memory_space<hbm>> -> memref<1x1x16384xi32, #tpu.memory_space<hbm>>
        %dma_wait3A_121 = tpu.memref_squeeze %dma_wait3A_120 : memref<1x1x16384xi32, #tpu.memory_space<hbm>> -> memref<16384xi32, #tpu.memory_space<hbm>>
        tpu.wait_dma2 semaphore(%arg9 : memref<!tpu.dma_semaphore, #tpu.memory_space<semaphore_mem>>) src(%dma_wait3A_121 : memref<16384xi32, #tpu.memory_space<hbm>>) dst(%arg6 : memref<16384xi32, #tpu.memory_space<vmem>>)
        %parallel_loop3A_122 = arith.constant 0 : i32
        %parallel_loop3A_123 = arith.constant 1024 : i32
        %parallel_loop3A_124 = arith.constant 1 : i32
        scf.for %parallel_loop3A_132 = %parallel_loop3A_122 to %parallel_loop3A_123 step %parallel_loop3A_124  : i32 {
          %parallel_loop3A_133 = arith.constant 16 : i32
          %parallel_loop3A_134 = arith.muli %parallel_loop3A_132, %parallel_loop3A_133 : i32
          %parallel_loop3A_135 = arith.index_cast %parallel_loop3A_134 : i32 to index
          %parallel_loop3A_136 = tpu.vector_load %arg6[%parallel_loop3A_135] {strides = array<i32>} : memref<16384xi32, #tpu.memory_space<vmem>>, vector<16xi32>,
          tpu.vector_store_idx %arg4[%parallel_loop3A_136], %broadcast_in_dim3A_1 {add = true} : memref<32768xi32, #tpu.memory_space<vmem>>[vector<16xi32>], vector<16xi32>,
        } {sc.loop_unroll_factor = 16 : i64, sc.parallel_access}
        %add3A_125 = arith.constant 2 : i32
        %add3A_126 = arith.addi %add3A_115, %add3A_125 : i32
        %lt3A_127 = arith.constant 8 : i32
        %lt3A_128 = arith.cmpi slt, %add3A_126, %lt3A_127 : i32
        %convert_element_type3A_129 = arith.extui %lt3A_128 : i1 to i32
        %cond3A_130 = arith.constant 0 : i32
        %cond3A_131 = arith.cmpi ne, %convert_element_type3A_129, %cond3A_130 : i32
        scf.if %cond3A_131 {
          %mul3A_132 = arith.constant 16384 : i32
          %mul3A_133 = arith.muli %add3A_126, %mul3A_132 : i32
          %dma_start3A_134 = tpu.memref_slice %arg2[%select_n3A, %select_n3A_52, %mul3A_133] : memref<4x21x131072xi32, #tpu.memory_space<hbm>> -> memref<1x1x16384xi32, #tpu.memory_space<hbm>>
          %dma_start3A_135 = tpu.memref_squeeze %dma_start3A_134 : memref<1x1x16384xi32, #tpu.memory_space<hbm>> -> memref<16384xi32, #tpu.memory_space<hbm>>
          %dma_start3A_136 = tpu.memref_slice %arg2[%select_n3A, %select_n3A_52, %mul3A_133] : memref<4x21x131072xi32, #tpu.memory_space<hbm>> -> memref<1x1x16384xi32, #tpu.memory_space<hbm>>
          %dma_start3A_137 = tpu.memref_squeeze %dma_start3A_136 : memref<1x1x16384xi32, #tpu.memory_space<hbm>> -> memref<16384xi32, #tpu.memory_space<hbm>>
          tpu.enqueue_dma source(%dma_start3A_137 : memref<16384xi32, #tpu.memory_space<hbm>>) target(%arg6 : memref<16384xi32, #tpu.memory_space<vmem>>) target_semaphore(%arg9 : memref<!tpu.dma_semaphore, #tpu.memory_space<semaphore_mem>>)
        } else {
        }
      }
      %scan3A_74 = arith.constant 4 : i32
      %scan3A_75 = arith.constant 0 : i32
      %scan3A_76 = arith.constant 0 : i32
      %scan3A_77 = arith.constant 128 : i32
      %scan3A_78 = arith.addi %scan3A_76, %scan3A_77 : i32
      %scan3A_79 = arith.constant 1 : i32
      scf.for %scan3A_92 = %scan3A_76 to %scan3A_78 step %scan3A_79  : i32 {
        %mul3A_93 = arith.constant 16 : i32
        %mul3A_94 = arith.muli %scan3A_92, %mul3A_93 : i32
        %broadcast_in_dim3A_95 = arith.constant 0 : i32
        %broadcast_in_dim3A_96 = vector.broadcast %broadcast_in_dim3A_95 : i32 to vector<16xi32>
        %add3A_97 = vector.broadcast %mul3A_94 : i32 to vector<16xi32>
        %add3A_98 = arith.addi %add3A_97, %iota3A : vector<16xi32>
        %shift_left3A = arith.constant 4 : i32
        %shift_left3A_99 = vector.broadcast %shift_left3A : i32 to vector<16xi32>
        %shift_left3A_100 = arith.shli %add3A_98, %shift_left3A_99 : vector<16xi32>
        %add3A_101 = arith.constant 0 : i32
        %add3A_102 = vector.broadcast %add3A_101 : i32 to vector<16xi32>
        %add3A_103 = arith.addi %iota3A, %add3A_102 : vector<16xi32>
        %and3A_104 = arith.constant 15 : i32
        %and3A_105 = vector.broadcast %and3A_104 : i32 to vector<16xi32>
        %and3A_106 = arith.andi %add3A_103, %and3A_105 : vector<16xi32>
        %add3A_107 = arith.addi %shift_left3A_100, %and3A_106 : vector<16xi32>
        %gather3A = tpu.vector_load_idx %arg4[%add3A_107] : memref<32768xi32, #tpu.memory_space<vmem>>[vector<16xi32>], vector<16xi32>,
        %add3A_108 = arith.addi %broadcast_in_dim3A_96, %gather3A : vector<16xi32>
        %add3A_109 = arith.constant 1 : i32
        %add3A_110 = vector.broadcast %add3A_109 : i32 to vector<16xi32>
        %add3A_111 = arith.addi %iota3A, %add3A_110 : vector<16xi32>
        %and3A_112 = arith.constant 15 : i32
        %and3A_113 = vector.broadcast %and3A_112 : i32 to vector<16xi32>
        %and3A_114 = arith.andi %add3A_111, %and3A_113 : vector<16xi32>
        %add3A_115 = arith.addi %shift_left3A_100, %and3A_114 : vector<16xi32>
        %gather3A_116 = tpu.vector_load_idx %arg4[%add3A_115] : memref<32768xi32, #tpu.memory_space<vmem>>[vector<16xi32>], vector<16xi32>,
        %add3A_117 = arith.addi %add3A_108, %gather3A_116 : vector<16xi32>
        %add3A_118 = arith.constant 2 : i32
        %add3A_119 = vector.broadcast %add3A_118 : i32 to vector<16xi32>
        %add3A_120 = arith.addi %iota3A, %add3A_119 : vector<16xi32>
        %and3A_121 = arith.constant 15 : i32
        %and3A_122 = vector.broadcast %and3A_121 : i32 to vector<16xi32>
        %and3A_123 = arith.andi %add3A_120, %and3A_122 : vector<16xi32>
        %add3A_124 = arith.addi %shift_left3A_100, %and3A_123 : vector<16xi32>
        %gather3A_125 = tpu.vector_load_idx %arg4[%add3A_124] : memref<32768xi32, #tpu.memory_space<vmem>>[vector<16xi32>], vector<16xi32>,
        %add3A_126 = arith.addi %add3A_117, %gather3A_125 : vector<16xi32>
        %add3A_127 = arith.constant 3 : i32
        %add3A_128 = vector.broadcast %add3A_127 : i32 to vector<16xi32>
        %add3A_129 = arith.addi %iota3A, %add3A_128 : vector<16xi32>
        %and3A_130 = arith.constant 15 : i32
        %and3A_131 = vector.broadcast %and3A_130 : i32 to vector<16xi32>
        %and3A_132 = arith.andi %add3A_129, %and3A_131 : vector<16xi32>
        %add3A_133 = arith.addi %shift_left3A_100, %and3A_132 : vector<16xi32>
        %gather3A_134 = tpu.vector_load_idx %arg4[%add3A_133] : memref<32768xi32, #tpu.memory_space<vmem>>[vector<16xi32>], vector<16xi32>,
        %add3A_135 = arith.addi %add3A_126, %gather3A_134 : vector<16xi32>
        %add3A_136 = arith.constant 4 : i32
        %add3A_137 = vector.broadcast %add3A_136 : i32 to vector<16xi32>
        %add3A_138 = arith.addi %iota3A, %add3A_137 : vector<16xi32>
        %and3A_139 = arith.constant 15 : i32
        %and3A_140 = vector.broadcast %and3A_139 : i32 to vector<16xi32>
        %and3A_141 = arith.andi %add3A_138, %and3A_140 : vector<16xi32>
        %add3A_142 = arith.addi %shift_left3A_100, %and3A_141 : vector<16xi32>
        %gather3A_143 = tpu.vector_load_idx %arg4[%add3A_142] : memref<32768xi32, #tpu.memory_space<vmem>>[vector<16xi32>], vector<16xi32>,
        %add3A_144 = arith.addi %add3A_135, %gather3A_143 : vector<16xi32>
        %add3A_145 = arith.constant 5 : i32
        %add3A_146 = vector.broadcast %add3A_145 : i32 to vector<16xi32>
        %add3A_147 = arith.addi %iota3A, %add3A_146 : vector<16xi32>
        %and3A_148 = arith.constant 15 : i32
        %and3A_149 = vector.broadcast %and3A_148 : i32 to vector<16xi32>
        %and3A_150 = arith.andi %add3A_147, %and3A_149 : vector<16xi32>
        %add3A_151 = arith.addi %shift_left3A_100, %and3A_150 : vector<16xi32>
        %gather3A_152 = tpu.vector_load_idx %arg4[%add3A_151] : memref<32768xi32, #tpu.memory_space<vmem>>[vector<16xi32>], vector<16xi32>,
        %add3A_153 = arith.addi %add3A_144, %gather3A_152 : vector<16xi32>
        %add3A_154 = arith.constant 6 : i32
        %add3A_155 = vector.broadcast %add3A_154 : i32 to vector<16xi32>
        %add3A_156 = arith.addi %iota3A, %add3A_155 : vector<16xi32>
        %and3A_157 = arith.constant 15 : i32
        %and3A_158 = vector.broadcast %and3A_157 : i32 to vector<16xi32>
        %and3A_159 = arith.andi %add3A_156, %and3A_158 : vector<16xi32>
        %add3A_160 = arith.addi %shift_left3A_100, %and3A_159 : vector<16xi32>
        %gather3A_161 = tpu.vector_load_idx %arg4[%add3A_160] : memref<32768xi32, #tpu.memory_space<vmem>>[vector<16xi32>], vector<16xi32>,
        %add3A_162 = arith.addi %add3A_153, %gather3A_161 : vector<16xi32>
        %add3A_163 = arith.constant 7 : i32
        %add3A_164 = vector.broadcast %add3A_163 : i32 to vector<16xi32>
        %add3A_165 = arith.addi %iota3A, %add3A_164 : vector<16xi32>
        %and3A_166 = arith.constant 15 : i32
        %and3A_167 = vector.broadcast %and3A_166 : i32 to vector<16xi32>
        %and3A_168 = arith.andi %add3A_165, %and3A_167 : vector<16xi32>
        %add3A_169 = arith.addi %shift_left3A_100, %and3A_168 : vector<16xi32>
        %gather3A_170 = tpu.vector_load_idx %arg4[%add3A_169] : memref<32768xi32, #tpu.memory_space<vmem>>[vector<16xi32>], vector<16xi32>,
        %add3A_171 = arith.addi %add3A_162, %gather3A_170 : vector<16xi32>
        %add3A_172 = arith.constant 8 : i32
        %add3A_173 = vector.broadcast %add3A_172 : i32 to vector<16xi32>
        %add3A_174 = arith.addi %iota3A, %add3A_173 : vector<16xi32>
        %and3A_175 = arith.constant 15 : i32
        %and3A_176 = vector.broadcast %and3A_175 : i32 to vector<16xi32>
        %and3A_177 = arith.andi %add3A_174, %and3A_176 : vector<16xi32>
        %add3A_178 = arith.addi %shift_left3A_100, %and3A_177 : vector<16xi32>
        %gather3A_179 = tpu.vector_load_idx %arg4[%add3A_178] : memref<32768xi32, #tpu.memory_space<vmem>>[vector<16xi32>], vector<16xi32>,
        %add3A_180 = arith.addi %add3A_171, %gather3A_179 : vector<16xi32>
        %add3A_181 = arith.constant 9 : i32
        %add3A_182 = vector.broadcast %add3A_181 : i32 to vector<16xi32>
        %add3A_183 = arith.addi %iota3A, %add3A_182 : vector<16xi32>
        %and3A_184 = arith.constant 15 : i32
        %and3A_185 = vector.broadcast %and3A_184 : i32 to vector<16xi32>
        %and3A_186 = arith.andi %add3A_183, %and3A_185 : vector<16xi32>
        %add3A_187 = arith.addi %shift_left3A_100, %and3A_186 : vector<16xi32>
        %gather3A_188 = tpu.vector_load_idx %arg4[%add3A_187] : memref<32768xi32, #tpu.memory_space<vmem>>[vector<16xi32>], vector<16xi32>,
        %add3A_189 = arith.addi %add3A_180, %gather3A_188 : vector<16xi32>
        %add3A_190 = arith.constant 10 : i32
        %add3A_191 = vector.broadcast %add3A_190 : i32 to vector<16xi32>
        %add3A_192 = arith.addi %iota3A, %add3A_191 : vector<16xi32>
        %and3A_193 = arith.constant 15 : i32
        %and3A_194 = vector.broadcast %and3A_193 : i32 to vector<16xi32>
        %and3A_195 = arith.andi %add3A_192, %and3A_194 : vector<16xi32>
        %add3A_196 = arith.addi %shift_left3A_100, %and3A_195 : vector<16xi32>
        %gather3A_197 = tpu.vector_load_idx %arg4[%add3A_196] : memref<32768xi32, #tpu.memory_space<vmem>>[vector<16xi32>], vector<16xi32>,
        %add3A_198 = arith.addi %add3A_189, %gather3A_197 : vector<16xi32>
        %add3A_199 = arith.constant 11 : i32
        %add3A_200 = vector.broadcast %add3A_199 : i32 to vector<16xi32>
        %add3A_201 = arith.addi %iota3A, %add3A_200 : vector<16xi32>
        %and3A_202 = arith.constant 15 : i32
        %and3A_203 = vector.broadcast %and3A_202 : i32 to vector<16xi32>
        %and3A_204 = arith.andi %add3A_201, %and3A_203 : vector<16xi32>
        %add3A_205 = arith.addi %shift_left3A_100, %and3A_204 : vector<16xi32>
        %gather3A_206 = tpu.vector_load_idx %arg4[%add3A_205] : memref<32768xi32, #tpu.memory_space<vmem>>[vector<16xi32>], vector<16xi32>,
        %add3A_207 = arith.addi %add3A_198, %gather3A_206 : vector<16xi32>
        %add3A_208 = arith.constant 12 : i32
        %add3A_209 = vector.broadcast %add3A_208 : i32 to vector<16xi32>
        %add3A_210 = arith.addi %iota3A, %add3A_209 : vector<16xi32>
        %and3A_211 = arith.constant 15 : i32
        %and3A_212 = vector.broadcast %and3A_211 : i32 to vector<16xi32>
        %and3A_213 = arith.andi %add3A_210, %and3A_212 : vector<16xi32>
        %add3A_214 = arith.addi %shift_left3A_100, %and3A_213 : vector<16xi32>
        %gather3A_215 = tpu.vector_load_idx %arg4[%add3A_214] : memref<32768xi32, #tpu.memory_space<vmem>>[vector<16xi32>], vector<16xi32>,
        %add3A_216 = arith.addi %add3A_207, %gather3A_215 : vector<16xi32>
        %add3A_217 = arith.constant 13 : i32
        %add3A_218 = vector.broadcast %add3A_217 : i32 to vector<16xi32>
        %add3A_219 = arith.addi %iota3A, %add3A_218 : vector<16xi32>
        %and3A_220 = arith.constant 15 : i32
        %and3A_221 = vector.broadcast %and3A_220 : i32 to vector<16xi32>
        %and3A_222 = arith.andi %add3A_219, %and3A_221 : vector<16xi32>
        %add3A_223 = arith.addi %shift_left3A_100, %and3A_222 : vector<16xi32>
        %gather3A_224 = tpu.vector_load_idx %arg4[%add3A_223] : memref<32768xi32, #tpu.memory_space<vmem>>[vector<16xi32>], vector<16xi32>,
        %add3A_225 = arith.addi %add3A_216, %gather3A_224 : vector<16xi32>
        %add3A_226 = arith.constant 14 : i32
        %add3A_227 = vector.broadcast %add3A_226 : i32 to vector<16xi32>
        %add3A_228 = arith.addi %iota3A, %add3A_227 : vector<16xi32>
        %and3A_229 = arith.constant 15 : i32
        %and3A_230 = vector.broadcast %and3A_229 : i32 to vector<16xi32>
        %and3A_231 = arith.andi %add3A_228, %and3A_230 : vector<16xi32>
        %add3A_232 = arith.addi %shift_left3A_100, %and3A_231 : vector<16xi32>
        %gather3A_233 = tpu.vector_load_idx %arg4[%add3A_232] : memref<32768xi32, #tpu.memory_space<vmem>>[vector<16xi32>], vector<16xi32>,
        %add3A_234 = arith.addi %add3A_225, %gather3A_233 : vector<16xi32>
        %add3A_235 = arith.constant 15 : i32
        %add3A_236 = vector.broadcast %add3A_235 : i32 to vector<16xi32>
        %add3A_237 = arith.addi %iota3A, %add3A_236 : vector<16xi32>
        %and3A_238 = arith.constant 15 : i32
        %and3A_239 = vector.broadcast %and3A_238 : i32 to vector<16xi32>
        %and3A_240 = arith.andi %add3A_237, %and3A_239 : vector<16xi32>
        %add3A_241 = arith.addi %shift_left3A_100, %and3A_240 : vector<16xi32>
        %gather3A_242 = tpu.vector_load_idx %arg4[%add3A_241] : memref<32768xi32, #tpu.memory_space<vmem>>[vector<16xi32>], vector<16xi32>,
        %add3A_243 = arith.addi %add3A_234, %gather3A_242 : vector<16xi32>
        %swap3A = arith.index_cast %mul3A_94 : i32 to index
        %swap3A_244 = tpu.vector_load %arg7[%swap3A] {strides = array<i32>} : memref<2048xi32, #tpu.memory_space<vmem>>, vector<16xi32>,
        tpu.vector_store %arg7[%swap3A], %add3A_243 {strides = array<i32>} : memref<2048xi32, #tpu.memory_space<vmem>>, vector<16xi32>,
      }
      %scan3A_80 = arith.constant 128 : i32
      %dma_start3A_81 = arith.constant 0 : i32
      %dma_start3A_82 = tpu.memref_slice %arg3[%add3A_16, %dma_start3A_81] : memref<84x2048xi32, #tpu.memory_space<hbm>> -> memref<1x2048xi32, #tpu.memory_space<hbm>>
      %dma_start3A_83 = tpu.memref_squeeze %dma_start3A_82 : memref<1x2048xi32, #tpu.memory_space<hbm>> -> memref<2048xi32, #tpu.memory_space<hbm>>
      %dma_start3A_84 = arith.constant 0 : i32
      %dma_start3A_85 = tpu.memref_slice %arg3[%add3A_16, %dma_start3A_84] : memref<84x2048xi32, #tpu.memory_space<hbm>> -> memref<1x2048xi32, #tpu.memory_space<hbm>>
      %dma_start3A_86 = tpu.memref_squeeze %dma_start3A_85 : memref<1x2048xi32, #tpu.memory_space<hbm>> -> memref<2048xi32, #tpu.memory_space<hbm>>
      tpu.enqueue_dma source(%arg7 : memref<2048xi32, #tpu.memory_space<vmem>>) target(%dma_start3A_86 : memref<2048xi32, #tpu.memory_space<hbm>>) target_semaphore(%arg10 : memref<!tpu.dma_semaphore, #tpu.memory_space<semaphore_mem>>)
      %dma_wait3A = arith.constant 0 : i32
      %dma_wait3A_87 = tpu.memref_slice %arg3[%add3A_16, %dma_wait3A] : memref<84x2048xi32, #tpu.memory_space<hbm>> -> memref<1x2048xi32, #tpu.memory_space<hbm>>
      %dma_wait3A_88 = tpu.memref_squeeze %dma_wait3A_87 : memref<1x2048xi32, #tpu.memory_space<hbm>> -> memref<2048xi32, #tpu.memory_space<hbm>>
      %dma_wait3A_89 = arith.constant 0 : i32
      %dma_wait3A_90 = tpu.memref_slice %arg3[%add3A_16, %dma_wait3A_89] : memref<84x2048xi32, #tpu.memory_space<hbm>> -> memref<1x2048xi32, #tpu.memory_space<hbm>>
      %dma_wait3A_91 = tpu.memref_squeeze %dma_wait3A_90 : memref<1x2048xi32, #tpu.memory_space<hbm>> -> memref<2048xi32, #tpu.memory_space<hbm>>
      tpu.wait_dma2 semaphore(%arg10 : memref<!tpu.dma_semaphore, #tpu.memory_space<semaphore_mem>>) src(%arg7 : memref<2048xi32, #tpu.memory_space<vmem>>) dst(%dma_wait3A_91 : memref<2048xi32, #tpu.memory_space<hbm>>)
    } else {
    }
    return
  }
}

module attributes {stable_mosaic.version = 14 : i64} {
  func.func @_bucketize_body(%arg0: i32, %arg1: memref<21x4x8192xf32, #tpu.memory_space<vmem>>, %arg2: memref<4x8192xi32, #tpu.memory_space<vmem>>, %arg3: memref<4x21x8192xi32, #tpu.memory_space<vmem>>) attributes {dimension_semantics = [#tpu.dimension_semantics<arbitrary>], iteration_bounds = array<i64: 16>, scalar_prefetch = 0 : i64, scratch_operands = 0 : i64, tpu.core_type = #tpu.core_type<tc>, window_params = [{transform_indices = @transform_0, window_bounds = array<i64: 21, 4, 8192>}, {transform_indices = @transform_1, window_bounds = array<i64: 4, 8192>}, {transform_indices = @transform_2, window_bounds = array<i64: 4, 21, 8192>}]} {
    %get3A = arith.constant 0 : index
    %get3A_0 = arith.constant 0 : index
    %get3A_1 = arith.constant 0 : index
    %get3A_2 = vector.load %arg1[%get3A, %get3A_0, %get3A_1] : memref<21x4x8192xf32, #tpu.memory_space<vmem>>, vector<21x4x8192xf32>
    %get3A_3 = arith.constant 0 : index
    %get3A_4 = arith.constant 0 : index
    %get3A_5 = vector.load %arg2[%get3A_3, %get3A_4] : memref<4x8192xi32, #tpu.memory_space<vmem>>, vector<4x8192xi32>
    %iota3A = tpu.iota {dimensions = array<i32: 0>} : vector<21x8192xi32>
    %iota3A_6 = tpu.iota {dimensions = array<i32: 1>} : vector<21x8192xi32>
    %and3A = arith.constant 15 : i32
    %and3A_7 = vector.broadcast %and3A : i32 to vector<21x8192xi32>
    %and3A_8 = arith.andi %iota3A_6, %and3A_7 : vector<21x8192xi32>
    %slice3A = vector.extract_strided_slice %get3A_2 {offsets = [0, 0, 0], sizes = [21, 1, 8192], strides = [1, 1, 1]} : vector<21x4x8192xf32> to vector<21x1x8192xf32>
    %squeeze3A = vector.shape_cast %slice3A : vector<21x1x8192xf32> to vector<21x8192xf32>
    %exp3A = math.exp %squeeze3A : vector<21x8192xf32>
    %reduce_sum3A = arith.constant dense<0.000000e+00> : vector<8192xf32>
    %reduce_sum3A_9 = vector.multi_reduction <add>, %exp3A, %reduce_sum3A [0] : vector<21x8192xf32> to vector<8192xf32>
    %broadcast_in_dim3A = vector.shape_cast %reduce_sum3A_9 : vector<8192xf32> to vector<1x8192xf32>
    %div3A = arith.constant 1.024000e+03 : f32
    %div3A_10 = vector.broadcast %div3A : f32 to vector<1x8192xf32>
    %div3A_11 = arith.divf %div3A_10, %broadcast_in_dim3A : vector<1x8192xf32>
    %slice3A_12 = vector.extract_strided_slice %get3A_5 {offsets = [0, 0], sizes = [1, 8192], strides = [1, 1]} : vector<4x8192xi32> to vector<1x8192xi32>
    %eq3A = vector.broadcast %slice3A_12 : vector<1x8192xi32> to vector<21x8192xi32>
    %eq3A_13 = arith.cmpi eq, %eq3A, %iota3A : vector<21x8192xi32>
    %mul3A = vector.broadcast %div3A_11 : vector<1x8192xf32> to vector<21x8192xf32>
    %mul3A_14 = arith.mulf %exp3A, %mul3A : vector<21x8192xf32>
    %sub3A = arith.constant 1.024000e+03 : f32
    %sub3A_15 = vector.broadcast %sub3A : f32 to vector<21x8192xf32>
    %sub3A_16 = arith.subf %sub3A_15, %mul3A_14 : vector<21x8192xf32>
    %mul3A_17 = vector.broadcast %div3A_11 : vector<1x8192xf32> to vector<21x8192xf32>
    %mul3A_18 = arith.mulf %exp3A, %mul3A_17 : vector<21x8192xf32>
    %select_n3A = arith.select %eq3A_13, %sub3A_16, %mul3A_18 : vector<21x8192xi1>, vector<21x8192xf32>
    %convert_element_type3A = arith.fptosi %select_n3A : vector<21x8192xf32> to vector<21x8192xi32>
    %min3A = arith.constant 1023 : i32
    %min3A_19 = vector.broadcast %min3A : i32 to vector<21x8192xi32>
    %min3A_20 = arith.minsi %convert_element_type3A, %min3A_19 : vector<21x8192xi32>
    %jit3A = arith.constant 1024 : i32
    %jit3A_21 = arith.constant 0 : i32
    %broadcast_in_dim3A_22 = vector.broadcast %jit3A : i32 to vector<21x8192xi32>
    %broadcast_in_dim3A_23 = vector.broadcast %jit3A_21 : i32 to vector<21x8192xi32>
    %select_n3A_24 = arith.select %eq3A_13, %broadcast_in_dim3A_22, %broadcast_in_dim3A_23 : vector<21x8192xi1>, vector<21x8192xi32>
    %add3A = arith.addi %min3A_20, %select_n3A_24 : vector<21x8192xi32>
    %shift_left3A = arith.constant 4 : i32
    %shift_left3A_25 = vector.broadcast %shift_left3A : i32 to vector<21x8192xi32>
    %shift_left3A_26 = arith.shli %add3A, %shift_left3A_25 : vector<21x8192xi32>
    %add3A_27 = arith.addi %shift_left3A_26, %and3A_8 : vector<21x8192xi32>
    %swap3A = arith.constant 0 : index
    %swap3A_28 = arith.constant 0 : index
    %swap3A_29 = arith.constant 0 : index
    %swap3A_30 = vector.load %arg3[%swap3A, %swap3A_28, %swap3A_29] : memref<4x21x8192xi32, #tpu.memory_space<vmem>>, vector<1x21x8192xi32>
    %swap3A_31 = vector.shape_cast %swap3A_30 : vector<1x21x8192xi32> to vector<21x8192xi32>
    %swap3A_32 = vector.shape_cast %add3A_27 : vector<21x8192xi32> to vector<1x21x8192xi32>
    tpu.vector_store %arg3[%swap3A, %swap3A_28, %swap3A_29], %swap3A_32 {strides = array<i32>} : memref<4x21x8192xi32, #tpu.memory_space<vmem>>, vector<1x21x8192xi32>,
    %slice3A_33 = vector.extract_strided_slice %get3A_2 {offsets = [0, 1, 0], sizes = [21, 1, 8192], strides = [1, 1, 1]} : vector<21x4x8192xf32> to vector<21x1x8192xf32>
    %squeeze3A_34 = vector.shape_cast %slice3A_33 : vector<21x1x8192xf32> to vector<21x8192xf32>
    %exp3A_35 = math.exp %squeeze3A_34 : vector<21x8192xf32>
    %reduce_sum3A_36 = arith.constant dense<0.000000e+00> : vector<8192xf32>
    %reduce_sum3A_37 = vector.multi_reduction <add>, %exp3A_35, %reduce_sum3A_36 [0] : vector<21x8192xf32> to vector<8192xf32>
    %broadcast_in_dim3A_38 = vector.shape_cast %reduce_sum3A_37 : vector<8192xf32> to vector<1x8192xf32>
    %div3A_39 = arith.constant 1.024000e+03 : f32
    %div3A_40 = vector.broadcast %div3A_39 : f32 to vector<1x8192xf32>
    %div3A_41 = arith.divf %div3A_40, %broadcast_in_dim3A_38 : vector<1x8192xf32>
    %slice3A_42 = vector.extract_strided_slice %get3A_5 {offsets = [1, 0], sizes = [1, 8192], strides = [1, 1]} : vector<4x8192xi32> to vector<1x8192xi32>
    %eq3A_43 = vector.broadcast %slice3A_42 : vector<1x8192xi32> to vector<21x8192xi32>
    %eq3A_44 = arith.cmpi eq, %eq3A_43, %iota3A : vector<21x8192xi32>
    %mul3A_45 = vector.broadcast %div3A_41 : vector<1x8192xf32> to vector<21x8192xf32>
    %mul3A_46 = arith.mulf %exp3A_35, %mul3A_45 : vector<21x8192xf32>
    %sub3A_47 = arith.constant 1.024000e+03 : f32
    %sub3A_48 = vector.broadcast %sub3A_47 : f32 to vector<21x8192xf32>
    %sub3A_49 = arith.subf %sub3A_48, %mul3A_46 : vector<21x8192xf32>
    %mul3A_50 = vector.broadcast %div3A_41 : vector<1x8192xf32> to vector<21x8192xf32>
    %mul3A_51 = arith.mulf %exp3A_35, %mul3A_50 : vector<21x8192xf32>
    %select_n3A_52 = arith.select %eq3A_44, %sub3A_49, %mul3A_51 : vector<21x8192xi1>, vector<21x8192xf32>
    %convert_element_type3A_53 = arith.fptosi %select_n3A_52 : vector<21x8192xf32> to vector<21x8192xi32>
    %min3A_54 = arith.constant 1023 : i32
    %min3A_55 = vector.broadcast %min3A_54 : i32 to vector<21x8192xi32>
    %min3A_56 = arith.minsi %convert_element_type3A_53, %min3A_55 : vector<21x8192xi32>
    %jit3A_57 = arith.constant 1024 : i32
    %jit3A_58 = arith.constant 0 : i32
    %broadcast_in_dim3A_59 = vector.broadcast %jit3A_57 : i32 to vector<21x8192xi32>
    %broadcast_in_dim3A_60 = vector.broadcast %jit3A_58 : i32 to vector<21x8192xi32>
    %select_n3A_61 = arith.select %eq3A_44, %broadcast_in_dim3A_59, %broadcast_in_dim3A_60 : vector<21x8192xi1>, vector<21x8192xi32>
    %add3A_62 = arith.addi %min3A_56, %select_n3A_61 : vector<21x8192xi32>
    %shift_left3A_63 = arith.constant 4 : i32
    %shift_left3A_64 = vector.broadcast %shift_left3A_63 : i32 to vector<21x8192xi32>
    %shift_left3A_65 = arith.shli %add3A_62, %shift_left3A_64 : vector<21x8192xi32>
    %add3A_66 = arith.addi %shift_left3A_65, %and3A_8 : vector<21x8192xi32>
    %swap3A_67 = arith.constant 1 : index
    %swap3A_68 = arith.constant 0 : index
    %swap3A_69 = arith.constant 0 : index
    %swap3A_70 = vector.load %arg3[%swap3A_67, %swap3A_68, %swap3A_69] : memref<4x21x8192xi32, #tpu.memory_space<vmem>>, vector<1x21x8192xi32>
    %swap3A_71 = vector.shape_cast %swap3A_70 : vector<1x21x8192xi32> to vector<21x8192xi32>
    %swap3A_72 = vector.shape_cast %add3A_66 : vector<21x8192xi32> to vector<1x21x8192xi32>
    tpu.vector_store %arg3[%swap3A_67, %swap3A_68, %swap3A_69], %swap3A_72 {strides = array<i32>} : memref<4x21x8192xi32, #tpu.memory_space<vmem>>, vector<1x21x8192xi32>,
    %slice3A_73 = vector.extract_strided_slice %get3A_2 {offsets = [0, 2, 0], sizes = [21, 1, 8192], strides = [1, 1, 1]} : vector<21x4x8192xf32> to vector<21x1x8192xf32>
    %squeeze3A_74 = vector.shape_cast %slice3A_73 : vector<21x1x8192xf32> to vector<21x8192xf32>
    %exp3A_75 = math.exp %squeeze3A_74 : vector<21x8192xf32>
    %reduce_sum3A_76 = arith.constant dense<0.000000e+00> : vector<8192xf32>
    %reduce_sum3A_77 = vector.multi_reduction <add>, %exp3A_75, %reduce_sum3A_76 [0] : vector<21x8192xf32> to vector<8192xf32>
    %broadcast_in_dim3A_78 = vector.shape_cast %reduce_sum3A_77 : vector<8192xf32> to vector<1x8192xf32>
    %div3A_79 = arith.constant 1.024000e+03 : f32
    %div3A_80 = vector.broadcast %div3A_79 : f32 to vector<1x8192xf32>
    %div3A_81 = arith.divf %div3A_80, %broadcast_in_dim3A_78 : vector<1x8192xf32>
    %slice3A_82 = vector.extract_strided_slice %get3A_5 {offsets = [2, 0], sizes = [1, 8192], strides = [1, 1]} : vector<4x8192xi32> to vector<1x8192xi32>
    %eq3A_83 = vector.broadcast %slice3A_82 : vector<1x8192xi32> to vector<21x8192xi32>
    %eq3A_84 = arith.cmpi eq, %eq3A_83, %iota3A : vector<21x8192xi32>
    %mul3A_85 = vector.broadcast %div3A_81 : vector<1x8192xf32> to vector<21x8192xf32>
    %mul3A_86 = arith.mulf %exp3A_75, %mul3A_85 : vector<21x8192xf32>
    %sub3A_87 = arith.constant 1.024000e+03 : f32
    %sub3A_88 = vector.broadcast %sub3A_87 : f32 to vector<21x8192xf32>
    %sub3A_89 = arith.subf %sub3A_88, %mul3A_86 : vector<21x8192xf32>
    %mul3A_90 = vector.broadcast %div3A_81 : vector<1x8192xf32> to vector<21x8192xf32>
    %mul3A_91 = arith.mulf %exp3A_75, %mul3A_90 : vector<21x8192xf32>
    %select_n3A_92 = arith.select %eq3A_84, %sub3A_89, %mul3A_91 : vector<21x8192xi1>, vector<21x8192xf32>
    %convert_element_type3A_93 = arith.fptosi %select_n3A_92 : vector<21x8192xf32> to vector<21x8192xi32>
    %min3A_94 = arith.constant 1023 : i32
    %min3A_95 = vector.broadcast %min3A_94 : i32 to vector<21x8192xi32>
    %min3A_96 = arith.minsi %convert_element_type3A_93, %min3A_95 : vector<21x8192xi32>
    %jit3A_97 = arith.constant 1024 : i32
    %jit3A_98 = arith.constant 0 : i32
    %broadcast_in_dim3A_99 = vector.broadcast %jit3A_97 : i32 to vector<21x8192xi32>
    %broadcast_in_dim3A_100 = vector.broadcast %jit3A_98 : i32 to vector<21x8192xi32>
    %select_n3A_101 = arith.select %eq3A_84, %broadcast_in_dim3A_99, %broadcast_in_dim3A_100 : vector<21x8192xi1>, vector<21x8192xi32>
    %add3A_102 = arith.addi %min3A_96, %select_n3A_101 : vector<21x8192xi32>
    %shift_left3A_103 = arith.constant 4 : i32
    %shift_left3A_104 = vector.broadcast %shift_left3A_103 : i32 to vector<21x8192xi32>
    %shift_left3A_105 = arith.shli %add3A_102, %shift_left3A_104 : vector<21x8192xi32>
    %add3A_106 = arith.addi %shift_left3A_105, %and3A_8 : vector<21x8192xi32>
    %swap3A_107 = arith.constant 2 : index
    %swap3A_108 = arith.constant 0 : index
    %swap3A_109 = arith.constant 0 : index
    %swap3A_110 = vector.load %arg3[%swap3A_107, %swap3A_108, %swap3A_109] : memref<4x21x8192xi32, #tpu.memory_space<vmem>>, vector<1x21x8192xi32>
    %swap3A_111 = vector.shape_cast %swap3A_110 : vector<1x21x8192xi32> to vector<21x8192xi32>
    %swap3A_112 = vector.shape_cast %add3A_106 : vector<21x8192xi32> to vector<1x21x8192xi32>
    tpu.vector_store %arg3[%swap3A_107, %swap3A_108, %swap3A_109], %swap3A_112 {strides = array<i32>} : memref<4x21x8192xi32, #tpu.memory_space<vmem>>, vector<1x21x8192xi32>,
    %slice3A_113 = vector.extract_strided_slice %get3A_2 {offsets = [0, 3, 0], sizes = [21, 1, 8192], strides = [1, 1, 1]} : vector<21x4x8192xf32> to vector<21x1x8192xf32>
    %squeeze3A_114 = vector.shape_cast %slice3A_113 : vector<21x1x8192xf32> to vector<21x8192xf32>
    %exp3A_115 = math.exp %squeeze3A_114 : vector<21x8192xf32>
    %reduce_sum3A_116 = arith.constant dense<0.000000e+00> : vector<8192xf32>
    %reduce_sum3A_117 = vector.multi_reduction <add>, %exp3A_115, %reduce_sum3A_116 [0] : vector<21x8192xf32> to vector<8192xf32>
    %broadcast_in_dim3A_118 = vector.shape_cast %reduce_sum3A_117 : vector<8192xf32> to vector<1x8192xf32>
    %div3A_119 = arith.constant 1.024000e+03 : f32
    %div3A_120 = vector.broadcast %div3A_119 : f32 to vector<1x8192xf32>
    %div3A_121 = arith.divf %div3A_120, %broadcast_in_dim3A_118 : vector<1x8192xf32>
    %slice3A_122 = vector.extract_strided_slice %get3A_5 {offsets = [3, 0], sizes = [1, 8192], strides = [1, 1]} : vector<4x8192xi32> to vector<1x8192xi32>
    %eq3A_123 = vector.broadcast %slice3A_122 : vector<1x8192xi32> to vector<21x8192xi32>
    %eq3A_124 = arith.cmpi eq, %eq3A_123, %iota3A : vector<21x8192xi32>
    %mul3A_125 = vector.broadcast %div3A_121 : vector<1x8192xf32> to vector<21x8192xf32>
    %mul3A_126 = arith.mulf %exp3A_115, %mul3A_125 : vector<21x8192xf32>
    %sub3A_127 = arith.constant 1.024000e+03 : f32
    %sub3A_128 = vector.broadcast %sub3A_127 : f32 to vector<21x8192xf32>
    %sub3A_129 = arith.subf %sub3A_128, %mul3A_126 : vector<21x8192xf32>
    %mul3A_130 = vector.broadcast %div3A_121 : vector<1x8192xf32> to vector<21x8192xf32>
    %mul3A_131 = arith.mulf %exp3A_115, %mul3A_130 : vector<21x8192xf32>
    %select_n3A_132 = arith.select %eq3A_124, %sub3A_129, %mul3A_131 : vector<21x8192xi1>, vector<21x8192xf32>
    %convert_element_type3A_133 = arith.fptosi %select_n3A_132 : vector<21x8192xf32> to vector<21x8192xi32>
    %min3A_134 = arith.constant 1023 : i32
    %min3A_135 = vector.broadcast %min3A_134 : i32 to vector<21x8192xi32>
    %min3A_136 = arith.minsi %convert_element_type3A_133, %min3A_135 : vector<21x8192xi32>
    %jit3A_137 = arith.constant 1024 : i32
    %jit3A_138 = arith.constant 0 : i32
    %broadcast_in_dim3A_139 = vector.broadcast %jit3A_137 : i32 to vector<21x8192xi32>
    %broadcast_in_dim3A_140 = vector.broadcast %jit3A_138 : i32 to vector<21x8192xi32>
    %select_n3A_141 = arith.select %eq3A_124, %broadcast_in_dim3A_139, %broadcast_in_dim3A_140 : vector<21x8192xi1>, vector<21x8192xi32>
    %add3A_142 = arith.addi %min3A_136, %select_n3A_141 : vector<21x8192xi32>
    %shift_left3A_143 = arith.constant 4 : i32
    %shift_left3A_144 = vector.broadcast %shift_left3A_143 : i32 to vector<21x8192xi32>
    %shift_left3A_145 = arith.shli %add3A_142, %shift_left3A_144 : vector<21x8192xi32>
    %add3A_146 = arith.addi %shift_left3A_145, %and3A_8 : vector<21x8192xi32>
    %swap3A_147 = arith.constant 3 : index
    %swap3A_148 = arith.constant 0 : index
    %swap3A_149 = arith.constant 0 : index
    %swap3A_150 = vector.load %arg3[%swap3A_147, %swap3A_148, %swap3A_149] : memref<4x21x8192xi32, #tpu.memory_space<vmem>>, vector<1x21x8192xi32>
    %swap3A_151 = vector.shape_cast %swap3A_150 : vector<1x21x8192xi32> to vector<21x8192xi32>
    %swap3A_152 = vector.shape_cast %add3A_146 : vector<21x8192xi32> to vector<1x21x8192xi32>
    tpu.vector_store %arg3[%swap3A_147, %swap3A_148, %swap3A_149], %swap3A_152 {strides = array<i32>} : memref<4x21x8192xi32, #tpu.memory_space<vmem>>, vector<1x21x8192xi32>,
    return
  }
  func.func @transform_0(%arg0: i32) -> (i32, i32, i32) {
    %add3A = arith.constant 16 : i32
    %add3A_0 = arith.addi %arg0, %add3A : i32
    %c0_i32 = arith.constant 0 : i32
    %c0_i32_1 = arith.constant 0 : i32
    %c0_i32_2 = arith.constant 0 : i32
    return %c0_i32, %c0_i32_1, %add3A_0 : i32, i32, i32
  }
  func.func @transform_1(%arg0: i32) -> (i32, i32) {
    %add3A = arith.constant 16 : i32
    %add3A_0 = arith.addi %arg0, %add3A : i32
    %c0_i32 = arith.constant 0 : i32
    %c0_i32_1 = arith.constant 0 : i32
    return %c0_i32, %add3A_0 : i32, i32
  }
  func.func @transform_2(%arg0: i32) -> (i32, i32, i32) {
    %c0_i32 = arith.constant 0 : i32
    %c0_i32_0 = arith.constant 0 : i32
    %c0_i32_1 = arith.constant 0 : i32
    return %c0_i32, %c0_i32_0, %arg0 : i32, i32, i32
  }
}

module attributes {stable_mosaic.version = 14 : i64} {
  func.func @_bucketize_body(%arg0: i32, %arg1: memref<21x4x8192xf32, #tpu.memory_space<vmem>>, %arg2: memref<4x8192xi32, #tpu.memory_space<vmem>>, %arg3: memref<4x21x8192xi32, #tpu.memory_space<vmem>>) attributes {dimension_semantics = [#tpu.dimension_semantics<arbitrary>], iteration_bounds = array<i64: 16>, scalar_prefetch = 0 : i64, scratch_operands = 0 : i64, tpu.core_type = #tpu.core_type<tc>, window_params = [{transform_indices = @transform_0, window_bounds = array<i64: 21, 4, 8192>}, {transform_indices = @transform_1, window_bounds = array<i64: 4, 8192>}, {transform_indices = @transform_2, window_bounds = array<i64: 4, 21, 8192>}]} {
    %get3A = arith.constant 0 : index
    %get3A_0 = arith.constant 0 : index
    %get3A_1 = arith.constant 0 : index
    %get3A_2 = vector.load %arg1[%get3A, %get3A_0, %get3A_1] : memref<21x4x8192xf32, #tpu.memory_space<vmem>>, vector<21x4x8192xf32>
    %get3A_3 = arith.constant 0 : index
    %get3A_4 = arith.constant 0 : index
    %get3A_5 = vector.load %arg2[%get3A_3, %get3A_4] : memref<4x8192xi32, #tpu.memory_space<vmem>>, vector<4x8192xi32>
    %iota3A = tpu.iota {dimensions = array<i32: 0>} : vector<21x8192xi32>
    %iota3A_6 = tpu.iota {dimensions = array<i32: 1>} : vector<21x8192xi32>
    %and3A = arith.constant 15 : i32
    %and3A_7 = vector.broadcast %and3A : i32 to vector<21x8192xi32>
    %and3A_8 = arith.andi %iota3A_6, %and3A_7 : vector<21x8192xi32>
    %slice3A = vector.extract_strided_slice %get3A_2 {offsets = [0, 0, 0], sizes = [21, 1, 8192], strides = [1, 1, 1]} : vector<21x4x8192xf32> to vector<21x1x8192xf32>
    %squeeze3A = vector.shape_cast %slice3A : vector<21x1x8192xf32> to vector<21x8192xf32>
    %exp3A = math.exp %squeeze3A : vector<21x8192xf32>
    %reduce_sum3A = arith.constant dense<0.000000e+00> : vector<8192xf32>
    %reduce_sum3A_9 = vector.multi_reduction <add>, %exp3A, %reduce_sum3A [0] : vector<21x8192xf32> to vector<8192xf32>
    %broadcast_in_dim3A = vector.shape_cast %reduce_sum3A_9 : vector<8192xf32> to vector<1x8192xf32>
    %div3A = arith.constant 1.024000e+03 : f32
    %div3A_10 = vector.broadcast %div3A : f32 to vector<1x8192xf32>
    %div3A_11 = arith.divf %div3A_10, %broadcast_in_dim3A : vector<1x8192xf32>
    %slice3A_12 = vector.extract_strided_slice %get3A_5 {offsets = [0, 0], sizes = [1, 8192], strides = [1, 1]} : vector<4x8192xi32> to vector<1x8192xi32>
    %eq3A = vector.broadcast %slice3A_12 : vector<1x8192xi32> to vector<21x8192xi32>
    %eq3A_13 = arith.cmpi eq, %eq3A, %iota3A : vector<21x8192xi32>
    %mul3A = vector.broadcast %div3A_11 : vector<1x8192xf32> to vector<21x8192xf32>
    %mul3A_14 = arith.mulf %exp3A, %mul3A : vector<21x8192xf32>
    %sub3A = arith.constant 1.024000e+03 : f32
    %sub3A_15 = vector.broadcast %sub3A : f32 to vector<21x8192xf32>
    %sub3A_16 = arith.subf %sub3A_15, %mul3A_14 : vector<21x8192xf32>
    %mul3A_17 = vector.broadcast %div3A_11 : vector<1x8192xf32> to vector<21x8192xf32>
    %mul3A_18 = arith.mulf %exp3A, %mul3A_17 : vector<21x8192xf32>
    %select_n3A = arith.select %eq3A_13, %sub3A_16, %mul3A_18 : vector<21x8192xi1>, vector<21x8192xf32>
    %convert_element_type3A = arith.fptosi %select_n3A : vector<21x8192xf32> to vector<21x8192xi32>
    %min3A = arith.constant 1023 : i32
    %min3A_19 = vector.broadcast %min3A : i32 to vector<21x8192xi32>
    %min3A_20 = arith.minsi %convert_element_type3A, %min3A_19 : vector<21x8192xi32>
    %jit3A = arith.constant 1024 : i32
    %jit3A_21 = arith.constant 0 : i32
    %broadcast_in_dim3A_22 = vector.broadcast %jit3A : i32 to vector<21x8192xi32>
    %broadcast_in_dim3A_23 = vector.broadcast %jit3A_21 : i32 to vector<21x8192xi32>
    %select_n3A_24 = arith.select %eq3A_13, %broadcast_in_dim3A_22, %broadcast_in_dim3A_23 : vector<21x8192xi1>, vector<21x8192xi32>
    %add3A = arith.addi %min3A_20, %select_n3A_24 : vector<21x8192xi32>
    %shift_left3A = arith.constant 4 : i32
    %shift_left3A_25 = vector.broadcast %shift_left3A : i32 to vector<21x8192xi32>
    %shift_left3A_26 = arith.shli %add3A, %shift_left3A_25 : vector<21x8192xi32>
    %add3A_27 = arith.addi %shift_left3A_26, %and3A_8 : vector<21x8192xi32>
    %swap3A = arith.constant 0 : index
    %swap3A_28 = arith.constant 0 : index
    %swap3A_29 = arith.constant 0 : index
    %swap3A_30 = vector.load %arg3[%swap3A, %swap3A_28, %swap3A_29] : memref<4x21x8192xi32, #tpu.memory_space<vmem>>, vector<1x21x8192xi32>
    %swap3A_31 = vector.shape_cast %swap3A_30 : vector<1x21x8192xi32> to vector<21x8192xi32>
    %swap3A_32 = vector.shape_cast %add3A_27 : vector<21x8192xi32> to vector<1x21x8192xi32>
    tpu.vector_store %arg3[%swap3A, %swap3A_28, %swap3A_29], %swap3A_32 {strides = array<i32>} : memref<4x21x8192xi32, #tpu.memory_space<vmem>>, vector<1x21x8192xi32>,
    %slice3A_33 = vector.extract_strided_slice %get3A_2 {offsets = [0, 1, 0], sizes = [21, 1, 8192], strides = [1, 1, 1]} : vector<21x4x8192xf32> to vector<21x1x8192xf32>
    %squeeze3A_34 = vector.shape_cast %slice3A_33 : vector<21x1x8192xf32> to vector<21x8192xf32>
    %exp3A_35 = math.exp %squeeze3A_34 : vector<21x8192xf32>
    %reduce_sum3A_36 = arith.constant dense<0.000000e+00> : vector<8192xf32>
    %reduce_sum3A_37 = vector.multi_reduction <add>, %exp3A_35, %reduce_sum3A_36 [0] : vector<21x8192xf32> to vector<8192xf32>
    %broadcast_in_dim3A_38 = vector.shape_cast %reduce_sum3A_37 : vector<8192xf32> to vector<1x8192xf32>
    %div3A_39 = arith.constant 1.024000e+03 : f32
    %div3A_40 = vector.broadcast %div3A_39 : f32 to vector<1x8192xf32>
    %div3A_41 = arith.divf %div3A_40, %broadcast_in_dim3A_38 : vector<1x8192xf32>
    %slice3A_42 = vector.extract_strided_slice %get3A_5 {offsets = [1, 0], sizes = [1, 8192], strides = [1, 1]} : vector<4x8192xi32> to vector<1x8192xi32>
    %eq3A_43 = vector.broadcast %slice3A_42 : vector<1x8192xi32> to vector<21x8192xi32>
    %eq3A_44 = arith.cmpi eq, %eq3A_43, %iota3A : vector<21x8192xi32>
    %mul3A_45 = vector.broadcast %div3A_41 : vector<1x8192xf32> to vector<21x8192xf32>
    %mul3A_46 = arith.mulf %exp3A_35, %mul3A_45 : vector<21x8192xf32>
    %sub3A_47 = arith.constant 1.024000e+03 : f32
    %sub3A_48 = vector.broadcast %sub3A_47 : f32 to vector<21x8192xf32>
    %sub3A_49 = arith.subf %sub3A_48, %mul3A_46 : vector<21x8192xf32>
    %mul3A_50 = vector.broadcast %div3A_41 : vector<1x8192xf32> to vector<21x8192xf32>
    %mul3A_51 = arith.mulf %exp3A_35, %mul3A_50 : vector<21x8192xf32>
    %select_n3A_52 = arith.select %eq3A_44, %sub3A_49, %mul3A_51 : vector<21x8192xi1>, vector<21x8192xf32>
    %convert_element_type3A_53 = arith.fptosi %select_n3A_52 : vector<21x8192xf32> to vector<21x8192xi32>
    %min3A_54 = arith.constant 1023 : i32
    %min3A_55 = vector.broadcast %min3A_54 : i32 to vector<21x8192xi32>
    %min3A_56 = arith.minsi %convert_element_type3A_53, %min3A_55 : vector<21x8192xi32>
    %jit3A_57 = arith.constant 1024 : i32
    %jit3A_58 = arith.constant 0 : i32
    %broadcast_in_dim3A_59 = vector.broadcast %jit3A_57 : i32 to vector<21x8192xi32>
    %broadcast_in_dim3A_60 = vector.broadcast %jit3A_58 : i32 to vector<21x8192xi32>
    %select_n3A_61 = arith.select %eq3A_44, %broadcast_in_dim3A_59, %broadcast_in_dim3A_60 : vector<21x8192xi1>, vector<21x8192xi32>
    %add3A_62 = arith.addi %min3A_56, %select_n3A_61 : vector<21x8192xi32>
    %shift_left3A_63 = arith.constant 4 : i32
    %shift_left3A_64 = vector.broadcast %shift_left3A_63 : i32 to vector<21x8192xi32>
    %shift_left3A_65 = arith.shli %add3A_62, %shift_left3A_64 : vector<21x8192xi32>
    %add3A_66 = arith.addi %shift_left3A_65, %and3A_8 : vector<21x8192xi32>
    %swap3A_67 = arith.constant 1 : index
    %swap3A_68 = arith.constant 0 : index
    %swap3A_69 = arith.constant 0 : index
    %swap3A_70 = vector.load %arg3[%swap3A_67, %swap3A_68, %swap3A_69] : memref<4x21x8192xi32, #tpu.memory_space<vmem>>, vector<1x21x8192xi32>
    %swap3A_71 = vector.shape_cast %swap3A_70 : vector<1x21x8192xi32> to vector<21x8192xi32>
    %swap3A_72 = vector.shape_cast %add3A_66 : vector<21x8192xi32> to vector<1x21x8192xi32>
    tpu.vector_store %arg3[%swap3A_67, %swap3A_68, %swap3A_69], %swap3A_72 {strides = array<i32>} : memref<4x21x8192xi32, #tpu.memory_space<vmem>>, vector<1x21x8192xi32>,
    %slice3A_73 = vector.extract_strided_slice %get3A_2 {offsets = [0, 2, 0], sizes = [21, 1, 8192], strides = [1, 1, 1]} : vector<21x4x8192xf32> to vector<21x1x8192xf32>
    %squeeze3A_74 = vector.shape_cast %slice3A_73 : vector<21x1x8192xf32> to vector<21x8192xf32>
    %exp3A_75 = math.exp %squeeze3A_74 : vector<21x8192xf32>
    %reduce_sum3A_76 = arith.constant dense<0.000000e+00> : vector<8192xf32>
    %reduce_sum3A_77 = vector.multi_reduction <add>, %exp3A_75, %reduce_sum3A_76 [0] : vector<21x8192xf32> to vector<8192xf32>
    %broadcast_in_dim3A_78 = vector.shape_cast %reduce_sum3A_77 : vector<8192xf32> to vector<1x8192xf32>
    %div3A_79 = arith.constant 1.024000e+03 : f32
    %div3A_80 = vector.broadcast %div3A_79 : f32 to vector<1x8192xf32>
    %div3A_81 = arith.divf %div3A_80, %broadcast_in_dim3A_78 : vector<1x8192xf32>
    %slice3A_82 = vector.extract_strided_slice %get3A_5 {offsets = [2, 0], sizes = [1, 8192], strides = [1, 1]} : vector<4x8192xi32> to vector<1x8192xi32>
    %eq3A_83 = vector.broadcast %slice3A_82 : vector<1x8192xi32> to vector<21x8192xi32>
    %eq3A_84 = arith.cmpi eq, %eq3A_83, %iota3A : vector<21x8192xi32>
    %mul3A_85 = vector.broadcast %div3A_81 : vector<1x8192xf32> to vector<21x8192xf32>
    %mul3A_86 = arith.mulf %exp3A_75, %mul3A_85 : vector<21x8192xf32>
    %sub3A_87 = arith.constant 1.024000e+03 : f32
    %sub3A_88 = vector.broadcast %sub3A_87 : f32 to vector<21x8192xf32>
    %sub3A_89 = arith.subf %sub3A_88, %mul3A_86 : vector<21x8192xf32>
    %mul3A_90 = vector.broadcast %div3A_81 : vector<1x8192xf32> to vector<21x8192xf32>
    %mul3A_91 = arith.mulf %exp3A_75, %mul3A_90 : vector<21x8192xf32>
    %select_n3A_92 = arith.select %eq3A_84, %sub3A_89, %mul3A_91 : vector<21x8192xi1>, vector<21x8192xf32>
    %convert_element_type3A_93 = arith.fptosi %select_n3A_92 : vector<21x8192xf32> to vector<21x8192xi32>
    %min3A_94 = arith.constant 1023 : i32
    %min3A_95 = vector.broadcast %min3A_94 : i32 to vector<21x8192xi32>
    %min3A_96 = arith.minsi %convert_element_type3A_93, %min3A_95 : vector<21x8192xi32>
    %jit3A_97 = arith.constant 1024 : i32
    %jit3A_98 = arith.constant 0 : i32
    %broadcast_in_dim3A_99 = vector.broadcast %jit3A_97 : i32 to vector<21x8192xi32>
    %broadcast_in_dim3A_100 = vector.broadcast %jit3A_98 : i32 to vector<21x8192xi32>
    %select_n3A_101 = arith.select %eq3A_84, %broadcast_in_dim3A_99, %broadcast_in_dim3A_100 : vector<21x8192xi1>, vector<21x8192xi32>
    %add3A_102 = arith.addi %min3A_96, %select_n3A_101 : vector<21x8192xi32>
    %shift_left3A_103 = arith.constant 4 : i32
    %shift_left3A_104 = vector.broadcast %shift_left3A_103 : i32 to vector<21x8192xi32>
    %shift_left3A_105 = arith.shli %add3A_102, %shift_left3A_104 : vector<21x8192xi32>
    %add3A_106 = arith.addi %shift_left3A_105, %and3A_8 : vector<21x8192xi32>
    %swap3A_107 = arith.constant 2 : index
    %swap3A_108 = arith.constant 0 : index
    %swap3A_109 = arith.constant 0 : index
    %swap3A_110 = vector.load %arg3[%swap3A_107, %swap3A_108, %swap3A_109] : memref<4x21x8192xi32, #tpu.memory_space<vmem>>, vector<1x21x8192xi32>
    %swap3A_111 = vector.shape_cast %swap3A_110 : vector<1x21x8192xi32> to vector<21x8192xi32>
    %swap3A_112 = vector.shape_cast %add3A_106 : vector<21x8192xi32> to vector<1x21x8192xi32>
    tpu.vector_store %arg3[%swap3A_107, %swap3A_108, %swap3A_109], %swap3A_112 {strides = array<i32>} : memref<4x21x8192xi32, #tpu.memory_space<vmem>>, vector<1x21x8192xi32>,
    %slice3A_113 = vector.extract_strided_slice %get3A_2 {offsets = [0, 3, 0], sizes = [21, 1, 8192], strides = [1, 1, 1]} : vector<21x4x8192xf32> to vector<21x1x8192xf32>
    %squeeze3A_114 = vector.shape_cast %slice3A_113 : vector<21x1x8192xf32> to vector<21x8192xf32>
    %exp3A_115 = math.exp %squeeze3A_114 : vector<21x8192xf32>
    %reduce_sum3A_116 = arith.constant dense<0.000000e+00> : vector<8192xf32>
    %reduce_sum3A_117 = vector.multi_reduction <add>, %exp3A_115, %reduce_sum3A_116 [0] : vector<21x8192xf32> to vector<8192xf32>
    %broadcast_in_dim3A_118 = vector.shape_cast %reduce_sum3A_117 : vector<8192xf32> to vector<1x8192xf32>
    %div3A_119 = arith.constant 1.024000e+03 : f32
    %div3A_120 = vector.broadcast %div3A_119 : f32 to vector<1x8192xf32>
    %div3A_121 = arith.divf %div3A_120, %broadcast_in_dim3A_118 : vector<1x8192xf32>
    %slice3A_122 = vector.extract_strided_slice %get3A_5 {offsets = [3, 0], sizes = [1, 8192], strides = [1, 1]} : vector<4x8192xi32> to vector<1x8192xi32>
    %eq3A_123 = vector.broadcast %slice3A_122 : vector<1x8192xi32> to vector<21x8192xi32>
    %eq3A_124 = arith.cmpi eq, %eq3A_123, %iota3A : vector<21x8192xi32>
    %mul3A_125 = vector.broadcast %div3A_121 : vector<1x8192xf32> to vector<21x8192xf32>
    %mul3A_126 = arith.mulf %exp3A_115, %mul3A_125 : vector<21x8192xf32>
    %sub3A_127 = arith.constant 1.024000e+03 : f32
    %sub3A_128 = vector.broadcast %sub3A_127 : f32 to vector<21x8192xf32>
    %sub3A_129 = arith.subf %sub3A_128, %mul3A_126 : vector<21x8192xf32>
    %mul3A_130 = vector.broadcast %div3A_121 : vector<1x8192xf32> to vector<21x8192xf32>
    %mul3A_131 = arith.mulf %exp3A_115, %mul3A_130 : vector<21x8192xf32>
    %select_n3A_132 = arith.select %eq3A_124, %sub3A_129, %mul3A_131 : vector<21x8192xi1>, vector<21x8192xf32>
    %convert_element_type3A_133 = arith.fptosi %select_n3A_132 : vector<21x8192xf32> to vector<21x8192xi32>
    %min3A_134 = arith.constant 1023 : i32
    %min3A_135 = vector.broadcast %min3A_134 : i32 to vector<21x8192xi32>
    %min3A_136 = arith.minsi %convert_element_type3A_133, %min3A_135 : vector<21x8192xi32>
    %jit3A_137 = arith.constant 1024 : i32
    %jit3A_138 = arith.constant 0 : i32
    %broadcast_in_dim3A_139 = vector.broadcast %jit3A_137 : i32 to vector<21x8192xi32>
    %broadcast_in_dim3A_140 = vector.broadcast %jit3A_138 : i32 to vector<21x8192xi32>
    %select_n3A_141 = arith.select %eq3A_124, %broadcast_in_dim3A_139, %broadcast_in_dim3A_140 : vector<21x8192xi1>, vector<21x8192xi32>
    %add3A_142 = arith.addi %min3A_136, %select_n3A_141 : vector<21x8192xi32>
    %shift_left3A_143 = arith.constant 4 : i32
    %shift_left3A_144 = vector.broadcast %shift_left3A_143 : i32 to vector<21x8192xi32>
    %shift_left3A_145 = arith.shli %add3A_142, %shift_left3A_144 : vector<21x8192xi32>
    %add3A_146 = arith.addi %shift_left3A_145, %and3A_8 : vector<21x8192xi32>
    %swap3A_147 = arith.constant 3 : index
    %swap3A_148 = arith.constant 0 : index
    %swap3A_149 = arith.constant 0 : index
    %swap3A_150 = vector.load %arg3[%swap3A_147, %swap3A_148, %swap3A_149] : memref<4x21x8192xi32, #tpu.memory_space<vmem>>, vector<1x21x8192xi32>
    %swap3A_151 = vector.shape_cast %swap3A_150 : vector<1x21x8192xi32> to vector<21x8192xi32>
    %swap3A_152 = vector.shape_cast %add3A_146 : vector<21x8192xi32> to vector<1x21x8192xi32>
    tpu.vector_store %arg3[%swap3A_147, %swap3A_148, %swap3A_149], %swap3A_152 {strides = array<i32>} : memref<4x21x8192xi32, #tpu.memory_space<vmem>>, vector<1x21x8192xi32>,
    return
  }
  func.func @transform_0(%arg0: i32) -> (i32, i32, i32) {
    %add3A = arith.constant 0 : i32
    %add3A_0 = arith.addi %arg0, %add3A : i32
    %c0_i32 = arith.constant 0 : i32
    %c0_i32_1 = arith.constant 0 : i32
    %c0_i32_2 = arith.constant 0 : i32
    return %c0_i32, %c0_i32_1, %add3A_0 : i32, i32, i32
  }
  func.func @transform_1(%arg0: i32) -> (i32, i32) {
    %add3A = arith.constant 0 : i32
    %add3A_0 = arith.addi %arg0, %add3A : i32
    %c0_i32 = arith.constant 0 : i32
    %c0_i32_1 = arith.constant 0 : i32
    return %c0_i32, %add3A_0 : i32, i32
  }
  func.func @transform_2(%arg0: i32) -> (i32, i32, i32) {
    %c0_i32 = arith.constant 0 : i32
    %c0_i32_0 = arith.constant 0 : i32
    %c0_i32_1 = arith.constant 0 : i32
    return %c0_i32, %c0_i32_0, %arg0 : i32, i32, i32
  }
}

module attributes {stable_mosaic.version = 14 : i64} {
  func.func @_combine_body(%arg0: memref<84x2048xi32, #tpu.memory_space<vmem>>, %arg1: memref<84x2048xi32, #tpu.memory_space<vmem>>, %arg2: memref<1x1xf32, #tpu.memory_space<vmem>>) attributes {dimension_semantics = [], scalar_prefetch = 0 : i64, scratch_operands = 0 : i64, tpu.core_type = #tpu.core_type<tc>} {
    %get3A = arith.constant 0 : index
    %get3A_0 = arith.constant 0 : index
    %get3A_1 = vector.load %arg0[%get3A, %get3A_0] : memref<84x2048xi32, #tpu.memory_space<vmem>>, vector<84x2048xi32>
    %get3A_2 = arith.constant 0 : index
    %get3A_3 = arith.constant 0 : index
    %get3A_4 = vector.load %arg1[%get3A_2, %get3A_3] : memref<84x2048xi32, #tpu.memory_space<vmem>>, vector<84x2048xi32>
    %add3A = arith.addi %get3A_1, %get3A_4 : vector<84x2048xi32>
    %convert_element_type3A = arith.sitofp %add3A : vector<84x2048xi32> to vector<84x2048xf32>
    %slice3A = vector.extract_strided_slice %convert_element_type3A {offsets = [0, 0], sizes = [84, 1024], strides = [1, 1]} : vector<84x2048xf32> to vector<84x1024xf32>
    %slice3A_5 = vector.extract_strided_slice %convert_element_type3A {offsets = [0, 1024], sizes = [84, 1024], strides = [1, 1]} : vector<84x2048xf32> to vector<84x1024xf32>
    %iota3A = tpu.iota {dimensions = array<i32: 0>} : vector<1024x1024xi32>
    %iota3A_6 = tpu.iota {dimensions = array<i32: 1>} : vector<1024x1024xi32>
    %le3A = arith.cmpi sle, %iota3A, %iota3A_6 : vector<1024x1024xi32>
    %convert_element_type3A_7 = arith.extui %le3A : vector<1024x1024xi1> to vector<1024x1024xi32>
    %convert_element_type3A_8 = arith.sitofp %convert_element_type3A_7 : vector<1024x1024xi32> to vector<1024x1024xf32>
    %dot_general3A = arith.constant dense<0.000000e+00> : vector<84x1024xf32>
    %dot_general3A_9 = tpu.matmul %slice3A_5, %convert_element_type3A_8, %dot_general3A {dimension_numbers = #tpu.dot_dimension_numbers<[1], [0], [0], [1], [0, 0, 1, 1], [], []>, precision = #tpu.contract_precision<fp32>, transpose_lhs_hint = false} : vector<84x1024xf32>, vector<1024x1024xf32>, vector<84x1024xf32> -> vector<84x1024xf32>
    %dot_general3A_10 = arith.constant dense<0.000000e+00> : vector<84x1024xf32>
    %dot_general3A_11 = tpu.matmul %slice3A, %convert_element_type3A_8, %dot_general3A_10 {dimension_numbers = #tpu.dot_dimension_numbers<[1], [0], [0], [1], [0, 0, 1, 1], [], []>, precision = #tpu.contract_precision<fp32>, transpose_lhs_hint = false} : vector<84x1024xf32>, vector<1024x1024xf32>, vector<84x1024xf32> -> vector<84x1024xf32>
    %iota3A_12 = tpu.iota {dimensions = array<i32: 1>} : vector<84x1024xi32>
    %convert_element_type3A_13 = arith.sitofp %iota3A_12 : vector<84x1024xi32> to vector<84x1024xf32>
    %add3A_14 = arith.constant 5.000000e-01 : f32
    %add3A_15 = vector.broadcast %add3A_14 : f32 to vector<84x1024xf32>
    %add3A_16 = arith.addf %convert_element_type3A_13, %add3A_15 : vector<84x1024xf32>
    %div3A = arith.constant 1.024000e+03 : f32
    %div3A_17 = vector.broadcast %div3A : f32 to vector<84x1024xf32>
    %div3A_18 = arith.divf %add3A_16, %div3A_17 : vector<84x1024xf32>
    %sub3A = arith.constant 2.621440e+05 : f32
    %sub3A_19 = vector.broadcast %sub3A : f32 to vector<84x1024xf32>
    %sub3A_20 = arith.subf %sub3A_19, %dot_general3A_11 : vector<84x1024xf32>
    %add3A_21 = arith.addf %sub3A_20, %slice3A : vector<84x1024xf32>
    %max3A = arith.constant 1.000000e+00 : f32
    %max3A_22 = vector.broadcast %max3A : f32 to vector<84x1024xf32>
    %max3A_23 = arith.maximumf %sub3A_20, %max3A_22 : vector<84x1024xf32>
    %div3A_24 = arith.divf %dot_general3A_9, %max3A_23 : vector<84x1024xf32>
    %sub3A_25 = arith.subf %dot_general3A_9, %slice3A_5 : vector<84x1024xf32>
    %max3A_26 = arith.constant 1.000000e+00 : f32
    %max3A_27 = vector.broadcast %max3A_26 : f32 to vector<84x1024xf32>
    %max3A_28 = arith.maximumf %add3A_21, %max3A_27 : vector<84x1024xf32>
    %div3A_29 = arith.divf %sub3A_25, %max3A_28 : vector<84x1024xf32>
    %sub3A_30 = arith.subf %div3A_24, %div3A_29 : vector<84x1024xf32>
    %mul3A = arith.mulf %div3A_18, %sub3A_30 : vector<84x1024xf32>
    %reduce_sum3A = arith.constant dense<0.000000e+00> : vector<84xf32>
    %reduce_sum3A_31 = vector.multi_reduction <add>, %mul3A, %reduce_sum3A [1] : vector<84x1024xf32> to vector<84xf32>
    %broadcast_in_dim3A = vector.shape_cast %reduce_sum3A_31 : vector<84xf32> to vector<84x1xf32>
    %slice3A_32 = vector.extract_strided_slice %dot_general3A_9 {offsets = [0, 1023], sizes = [84, 1], strides = [1, 1]} : vector<84x1024xf32> to vector<84x1xf32>
    %gt3A = arith.constant 0.000000e+00 : f32
    %gt3A_33 = vector.broadcast %gt3A : f32 to vector<84x1xf32>
    %gt3A_34 = arith.cmpf ogt, %slice3A_32, %gt3A_33 : vector<84x1xf32>
    %convert_element_type3A_35 = arith.extui %gt3A_34 : vector<84x1xi1> to vector<84x1xi32>
    %convert_element_type3A_36 = arith.sitofp %convert_element_type3A_35 : vector<84x1xi32> to vector<84x1xf32>
    %mul3A_37 = arith.mulf %broadcast_in_dim3A, %convert_element_type3A_36 : vector<84x1xf32>
    %reduce_sum3A_38 = vector.shape_cast %mul3A_37 : vector<84x1xf32> to vector<1x84x1xf32>
    %reduce_sum3A_39 = arith.constant dense<0.000000e+00> : vector<1xf32>
    %reduce_sum3A_40 = vector.multi_reduction <add>, %reduce_sum3A_38, %reduce_sum3A_39 [1, 2] : vector<1x84x1xf32> to vector<1xf32>
    %reduce_sum3A_41 = vector.shape_cast %reduce_sum3A_40 : vector<1xf32> to vector<1x1x1xf32>
    %reduce_sum3A_42 = vector.extract %reduce_sum3A_41[0, 0, 0] : f32 from vector<1x1x1xf32>
    %reduce_sum3A_43 = vector.shape_cast %convert_element_type3A_36 : vector<84x1xf32> to vector<1x84x1xf32>
    %reduce_sum3A_44 = arith.constant dense<0.000000e+00> : vector<1xf32>
    %reduce_sum3A_45 = vector.multi_reduction <add>, %reduce_sum3A_43, %reduce_sum3A_44 [1, 2] : vector<1x84x1xf32> to vector<1xf32>
    %reduce_sum3A_46 = vector.shape_cast %reduce_sum3A_45 : vector<1xf32> to vector<1x1x1xf32>
    %reduce_sum3A_47 = vector.extract %reduce_sum3A_46[0, 0, 0] : f32 from vector<1x1x1xf32>
    %gt3A_48 = arith.constant 0.000000e+00 : f32
    %gt3A_49 = arith.cmpf ogt, %reduce_sum3A_47, %gt3A_48 : f32
    %div3A_50 = arith.divf %reduce_sum3A_42, %reduce_sum3A_47 : f32
    %jit3A = arith.constant 0.000000e+00 : f32
    %select_n3A = arith.select %gt3A_49, %div3A_50, %jit3A : f32
    %broadcast_in_dim3A_51 = vector.broadcast %select_n3A : f32 to vector<1x1xf32>
    %swap3A = arith.constant 0 : index
    %swap3A_52 = arith.constant 0 : index
    %swap3A_53 = vector.load %arg2[%swap3A, %swap3A_52] : memref<1x1xf32, #tpu.memory_space<vmem>>, vector<1x1xf32>
    tpu.vector_store %arg2[%swap3A, %swap3A_52], %broadcast_in_dim3A_51 {strides = array<i32>} : memref<1x1xf32, #tpu.memory_space<vmem>>, vector<1x1xf32>,
    return
  }
}

</mosaic_0001>

<sc_bundles>
// kernel: kernel.10.cloned.1.call-start
scs
__scs_entry_jumppad:
0x0: {  	(pc) =	sbr.rel $0x88, $3  }
0x1: {  	(tag) =	ssettag $0x0;
	lr =	simm.s32 $0x1  }
0x2: {  	[smem:$0x3F9F] =	sst lr;
	_ =	strace $0xD0000000  }
0x3: {  	_ = 	snop  }
0x4: {  	_ = 	snop  }
0x5: {  	_ = 	snop  }
0x6: {  	_ = 	snop  }
0x7: {  	_ = 	snop  }
__scs_overlays_trampoline_lowered:
0x8: {  	[smem:$0x3FAE] =	sst s0  }
0x9: {  	[smem:$0x3FAF] =	sst s1  }
0xa: {  	[smem:$0x3FB0] =	sst s2  }
0xb: {  	[smem:$0x3FB1] =	sst s3  }
0xc: {  	[smem:$0x3FB2] =	sst s4  }
0xd: {  	[smem:$0x3FB3] =	sst s5  }
0xe: {  	[smem:$0x3FB4] =	sst s6  }
0xf: {  	[smem:$0x3FB5] =	sst s7  }
0x10: {  	[smem:$0x3FB6] =	sst s8  }
0x11: {  	[smem:$0x3FB7] =	sst s9;
	s0 =	simm.s32 @!p0 $0x0  }
0x12: {  	s1 =	sld [smem:$0x3F9D];
	s0 =	simm.s32 @p0 $0x1  }
0x13: {  	[smem:$0x3FB8] =	sst s0;
	s0 =	simm.s32 @!p1 $0x0  }
0x14: {  	s2 =	sld [smem:$0x3F9C];
	s0 =	simm.s32 @p1 $0x1  }
0x15: {  	[smem:$0x3FB9] =	sst s0;
	s0 =	simm.s32 @!p2 $0x0  }
0x16: {  	s3 =	sld [smem:$0x3FDB];
	s0 =	simm.s32 @p2 $0x1  }
0x17: {  	s4 =	simm.s32 $0x1BF5;
	[smem:$0x3FBB] =	sst s0  }
0x18: {  	s0 =	sld [smem:$0x3F9E];
	_ =	swait.ge [sflag:s4], $0x0  }
0x19: {  	s7 =	sld [smem:$0x3F9F]  }
0x1a: {  	s8 =	sadd.s32 $0xFFFFE003, lr  }
0x1b: {  	s9 =	sadd.s32 $0xFFFFFEF7, lr;
	s5 =	simm.s32 $0xFFFFFFFF;
	p2 =	slt.u32 s8, $0xFFFFF086  }
0x1c: {  	p1 =	slt.u32 s9, $0xF7A;
	s5 =	simm.s32 @!p2 $0x0  }
0x1d: {  	s5 =	simm.s32 @p1 $0x1;
	p0 =	seq.s32 s7, s2  }
0x1e: {  	s7 =	smul.u32 @!p0 $0xF7A, s2;
	p2 =	seq.s32 @!p0 s5, $0x0  }
0x1f: {  	s9 =	smul.u32 $0xF7A, s1;
	s8 =	simm.s32 @!p0 $0x1BF5;
	p2 =	por !p2, p0  }
0x20: {  	[sflag:s8] =	ssyncset.s32 @!p0 $0xFFFFF086;
	s6 =	sadd.s32 @!p0 s3, s7;
	s7 =	simm.s32 @!p0 $0x108  }
0x21: {  	s3 =	sadd.s32 s3, s9;
	s6 =	sadd.s32 @!p0 $0x88, s6;
	s7 =	simm.s32 @p2 $0x1082  }
0x22: {  	[simem:s7], [sflag:s8] =	dma.local @!p0 [hbm:s6], $0xF7A  }
0x23: {  	s9 =	sor.u32 $0xD0000000, s2;
	s6 =	simm.s32 $0x108;
	_ =	swait.ge @!p0 [sflag:s8], $0x0  }
0x24: {  	s3 =	sadd.s32 $0x88, s3;
	s6 =	simm.s32 @!p1 $0x1082;
	[sflag:s4] =	ssyncset.s32 $0xFFFFF086  }
0x25: {  	[simem:s6], [sflag:s4] =	dma.local [hbm:s3], $0xF7A  }
0x26: {  	[smem:$0x3F9F] =	sst s1;
	(tag) =	ssettag s2;
	_ =	strace s9  }
0x27: {  	s1 =	sld [smem:$0x3FAF]  }
0x28: {  	s2 =	sld [smem:$0x3FB0]  }
0x29: {  	s4 =	sld [smem:$0x3FB2]  }
0x2a: {  	p0 =	seq.s32 s5, $0x0;
	s5 =	sld [smem:$0x3FB3]  }
0x2b: {  	s6 =	sld [smem:$0x3FB4]  }
0x2c: {  	s7 =	sld [smem:$0x3FB5]  }
0x2d: {  	s3 =	simm.s32 $0x108;
	s8 =	sld [smem:$0x3FB6]  }
0x2e: {  	s3 =	simm.s32 @!p0 $0x1082;
	s9 =	sld [smem:$0x3FB7]  }
0x2f: {  	lr =	sadd.s32 s0, s3;
	s0 =	sld [smem:$0x3FAE]  }
0x30: {  	s3 =	sld [smem:$0x3FB1]  }
0x31: {  	[smem:$0x3FBA] =	sst s10  }
0x32: {  	s10 =	sld [smem:$0x3FB8];
	_ =	sdelay $0x3  }
0x33: {  	p0 =	seq.s32 s10, $0x1;
	s10 =	sld [smem:$0x3FBA];
	_ =	sdelay $0x3  }
0x34: {  	[smem:$0x3FBA] =	sst s10  }
0x35: {  	s10 =	sld [smem:$0x3FB9];
	_ =	sdelay $0x3  }
0x36: {  	p1 =	seq.s32 s10, $0x1;
	s10 =	sld [smem:$0x3FBA];
	_ =	sdelay $0x3  }
0x37: {  	[smem:$0x3FBA] =	sst s10  }
0x38: {  	s10 =	sld [smem:$0x3FBB]  }
0x39: {  	_ = 	snop;
	(pc) =	sbr.ind lr, $3  }
0x3a: {  	_ = 	snop  }
0x3b: {  	_ = 	snop  }
0x3c: {  	p2 =	seq.s32 s10, $0x1;
	s10 =	sld [smem:$0x3FBA]  }
0x3d: {  	_ =	shalt  }
0x3e: {  	_ =	shalt  }
0x3f: {  	_ =	shalt  }
0x40: {  	_ =	shalt  }
0x41: {  	_ =	shalt  }
0x42: {  	_ =	shalt  }
0x43: {  	_ =	shalt  }
0x44: {  	_ =	shalt  }
0x45: {  	_ =	shalt  }
0x46: {  	_ =	shalt  }
0x47: {  	_ =	shalt  }
0x48: {  	_ =	shalt  }
0x49: {  	_ =	shalt  }
0x4a: {  	_ =	shalt  }
0x4b: {  	_ =	shalt  }
0x4c: {  	_ =	shalt  }
0x4d: {  	_ =	shalt  }
0x4e: {  	_ =	shalt  }
0x4f: {  	_ =	shalt  }
0x50: {  	_ =	shalt  }
0x51: {  	_ =	shalt  }
0x52: {  	_ =	shalt  }
0x53: {  	_ =	shalt  }
0x54: {  	_ =	shalt  }
0x55: {  	_ =	shalt  }
0x56: {  	_ =	shalt  }
0x57: {  	_ =	shalt  }
0x58: {  	_ =	shalt  }
0x59: {  	_ =	shalt  }
0x5a: {  	_ =	shalt  }
0x5b: {  	_ =	shalt  }
0x5c: {  	_ =	shalt  }
0x5d: {  	_ =	shalt  }
0x5e: {  	_ =	shalt  }
0x5f: {  	_ =	shalt  }
0x60: {  	_ =	shalt  }
0x61: {  	_ =	shalt  }
0x62: {  	_ =	shalt  }
0x63: {  	_ =	shalt  }
0x64: {  	_ =	shalt  }
0x65: {  	_ =	shalt  }
0x66: {  	_ =	shalt  }
0x67: {  	_ =	shalt  }
0x68: {  	_ =	shalt  }
0x69: {  	_ =	shalt  }
0x6a: {  	_ =	shalt  }
0x6b: {  	_ =	shalt  }
0x6c: {  	_ =	shalt  }
0x6d: {  	_ =	shalt  }
0x6e: {  	_ =	shalt  }
0x6f: {  	_ =	shalt  }
0x70: {  	_ =	shalt  }
0x71: {  	_ =	shalt  }
0x72: {  	_ =	shalt  }
0x73: {  	_ =	shalt  }
0x74: {  	_ =	shalt  }
0x75: {  	_ =	shalt  }
0x76: {  	_ =	shalt  }
0x77: {  	_ =	shalt  }
0x78: {  	_ =	shalt  }
0x79: {  	_ =	shalt  }
0x7a: {  	_ =	shalt  }
0x7b: {  	_ =	shalt  }
0x7c: {  	_ =	shalt  }
0x7d: {  	_ =	shalt  }
0x7e: {  	_ =	shalt  }
0x7f: {  	_ =	shalt  }
0x80: {  	_ =	shalt  }
0x81: {  	_ =	shalt  }
0x82: {  	_ =	shalt  }
0x83: {  	_ =	shalt  }
0x84: {  	_ =	shalt  }
0x85: {  	_ =	shalt  }
0x86: {  	_ =	shalt  }
0x87: {  	_ =	shalt  }
.Lfunc_end0:
.L_simem_size_0:
called_computation.1_lowered:
.L_overlay_start_0:
0x88: {  	s2 =	sld [smem:$0x3FD9]  }
0x89: {  	s3 =	sld [smem:$0x3FFE];
	_ =	sdelay $0x1  }
0x8a: {  	s1 =	srdreg.scid  }
0x8b: {  	s0 =	sand.u32 $0x1, s1  }
0x8c: {  	s16 =	sshll.u32 s0, $0xA;
	s2 =	sadd.s32 s3, s2  }
0x8d: {  	s2 =	sadd.s32 s2, s16  }
0x8e: {  	[smem:$0x3FC6] =	sst s2  }
0x8f: {  	_ = 	snop  }
0x90: {  	(tm) =	ssettm $0x1  }
0x91: {  	s17 =	sld [smem:$0x3FFB];
	_ =	sdelay $0x3  }
0x92: {  	_ =	strace s17  }
0x93: {  	s2 =	sld [smem:$0x3FFC];
	_ =	sdelay $0x3  }
0x94: {  	_ =	strace s2  }
0x95: {  	s2 =	sld [smem:$0x3FFD];
	_ =	sdelay $0x3  }
0x96: {  	_ =	strace s2  }
0x97: {  	_ =	strace $0x8FFFFFFF  }
0x98: {  	s18 =	sld [smem:$0x3FDB];
	_ =	sdelay $0x1  }
0x99: {  	s19 =	simm.s32 $_scs_section_size  }
0x9a: {  	s4 =	simm.s32 $_size__tile_overlayer_lowered;
	s5 =	simm.s32 $_tile_overlayer_lowered  }
0x9b: {  	s22 =	simm.s32 $0x1BFF;
	s21 =	sshll.u32 s5, $0x1;
	s2 =	sadd.s32 s19, s18  }
0x9c: {  	s6 =	simm.s32 $0x0;
	s20 =	sshll.u32 s4, $0x1;
	s4 =	sadd.s32 s21, s2  }
0x9d: {  	[timem:s6], [sflag:s22] =	dma.local [hbm:s4], s20  }
0x9e: {  	_ =	swait.ge [sflag:s22], s20  }
0x9f: {  	s3 =	ssub.s32 $0x0, s20;
	[sflag:s22] =	ssyncset.done $0x0  }
0xa0: {  	[sflag:s22] =	ssyncadd.s32 s3;
	_ =	sdelay $0x1  }
0xa1: {  	s23 =	simm.s32 $0x1B8B  }
0xa2: {  	_ =	swait.ge [sflag:s23], $0x1  }
0xa3: {  	[sflag:s23] =	ssyncset.done $0x0  }
0xa4: {  	s25 =	simm.s32 $0x1B8E;
	s24 =	sld [smem:$0x3FFE];
	[sflag:s23] =	ssyncadd.s32 $0xFFFFFFFF  }
0xa5: {  	s26 =	simm.s32 $execute0_lowered;
	[smem:$0x3FD2] =	sst s25  }
0xa6: {  	s4 =	sshll.u32 s26, $0x1;
	_ =	strace $0x80000046;
	[dreg:$0x1] =	wrdreg $0xFFFFFFFF  }
0xa7: {  	s28 =	simm.s32 $_size_execute0_lowered;
	s2 =	sadd.s32 s2, s4;
	[dreg:$0x0] =	wrdreg $0x0  }
0xa8: {  	s4 =	sshll.u32 s28, $0x1;
	[dreg:$0x2] =	wrdreg s2  }
0xa9: {  	[dreg:$0x3] =	wrdreg s4  }
0xaa: {  	[dreg:$0x4] =	wrdreg $0xC0  }
0xab: {  	_ =	task [dreg:s6], $0x5FFFF  }
0xac: {  	[dreg:$0x1] =	wrdreg $0xFFFFFFFF  }
0xad: {  	[dreg:$0x0] =	wrdreg $0x60  }
0xae: {  	[dreg:$0x2] =	wrdreg s24  }
0xaf: {  	[dreg:$0x3] =	wrdreg $0xA  }
0xb0: {  	_ =	task.clear_ibuf [dreg:s6], $0x4FFFF;
	_ =	strace $0x90000046  }
0xb1: {  	s29 =	simm.s32 $0xA;
	_ =	strace $0x80000048  }
0xb2: {  	_ =	swait.ge [sflag:s29], $0x1  }
0xb3: {  	[sflag:s29] =	ssyncadd.s32 $0xFFFFFFFF  }
0xb4: {  	_ =	strace $0x90000048  }
0xb5: {  	_ =	sfence  }
0xb6: {  	s30 =	sld [smem:$0x0];
	_ =	sdelay $0x2  }
0xb7: {  	s31 =	sshll.u32 s1, $0xD;
	s1 =	sshrl.u32 s1, $0x2  }
0xb8: {  	s3 =	sand.u32 $0x4000, s31;
	s1 =	sadd.s32 s1, s30  }
0xb9: {  	s0 =	sor.u32 s3, s0;
	s1 =	sshll.u32 s1, $0x11  }
0xba: {  	s0 =	sor.u32 s1, s0  }
0xbb: {  	s0 =	sadd.s32 $0x8F2B, s0  }
0xbc: {  	[sflag:s0] =	ssyncadd.remote.s32 $0x1  }
0xbd: {  	_ =	sfence.sel $0xFFFF  }
0xbe: {  	[dreg:$0x0] =	wrdreg $0xFFFFFFFF;
	(pc) =	sbr.abs _section_cstart, $3  }
0xbf: {  	[dreg:$0x1] =	wrdreg $0xFFFFFFFF  }
0xc0: {  	_ =	task.clear_ibuf [dreg:s6], $0x2FFFF;
	_ =	strace $0x9FFFFFFF  }
0xc1: {  	(tm) =	ssettm $0x7FFFFFFF  }
tec
execute0_lowered:
.L_overlay_start_1:
0x0: {  	(tag) =	ssettag $0x1  }
0x1: {  	s0 =	rddreg [dreg:$0x0]  }
0x2: {  	s2 =	simm.s32 $0x0;
	s1 =	srdreg.scid;
	s26 =	stileid.u32  }
0x3: {  	s28 =	simm.s32 $0x3;
	s29 =	simm.s32 $0x0;
	[smem:$0x7FF] =	sst s2  }
0x4: {  	s1 =	sand.u32 $0x1, s1;
	s3 =	sadd.s32 $0xE00, s0;
	s5 =	sshll.u32 s26, $0x1  }
0x5: {  	s18 =	sadd.s32 $0x180E00, s0;
	s15 =	sadd.s32 $0x4E00, s0;
	s31 =	sshll.u32 s26, $0xC  }
0x6: {  	_ =	strace $0x80000047;
	s4 =	ssub.s32 $0x2, s1;
	s1 =	sor.u32 s1, s5  }
0x7: {  	s6 =	sshrl.u32 s4, $0x1;
	s20 =	sadd.s32 $0xFFFFFFEB, s1;
	s11 =	sor.u32 $0x20, s1  }
0x8: {  	p0 =	sgt.u32 s1, $0x14;
	s13 =	sor.u32 $0x40, s1;
	s19 =	ssub.s32 s4, s6  }
0x9: {  	v2 =	vimm.s32 $0xFEDCBA9;
	s4 =	smin.u32 s1, s20;
	s21 =	sand.u32 $0xFF, s11;
	s6 =	simm.s32 $0x300000  }
0xa: {  	v5 =	vimm.s32 $0x87654321;
	v6 =	vimm.s32 $0x98765432;
	s24 =	sand.u32 $0xFF, s13;
	s1 =	sshll.u32 s1, $0x7;
	s7 =	sshll.u32 s4, $0x11  }
0xb: {  	v7 =	vimm.s32 $0x210FEDCB;
	v8 =	vimm.s32 $0xA9876543;
	s5 =	smul.u32 $0x87, s21;
	s6 =	simm.s32 @!p0 $0x0;
	s4 =	sshll.u32 s4, $0x7  }
0xc: {  	v18 =	vimm.s32 $0xCBA98765;
	v20 =	vimm.s32 $0x6543210F;
	s9 =	smul.u32 $0x87, s24;
	s19 =	smax.u32 s19, $0x1;
	p0 =	sgt.u32 s26, $0x9  }
0xd: {  	v0 =	vimm.s32 $0x0;
	v1 =	vlaneseq.u32;
	v21 =	vimm.s32 $0xEDCBA987;
	s26 =	simm.s32 $0x10000;
	s7 =	sand.u32 $0x300000, s7;
	s4 =	sand.u32 $0x380, s4  }
0xe: {  	v22 =	vimm.s32 $0xFEDCBA98;
	v23 =	vimm.s32 $0x76543210;
	v4 =	vunpack.c.l.s4.s8 v2;
	s6 =	sadd.s32 s6, s7;
	s8 =	sshrl.u32 s5, $0x8;
	s30 =	sshrl.u32 s9, $0x8  }
0xf: {  	v2 =	vimm.s32 $0x1;
	v3 =	vmul.u32 $0x10, v1;
	v6 =	vunpack.c.l.s4.s8 v6;
	s9 =	sand.u32 $0xC000, s31;
	s7 =	sor.u32 s4, s6;
	s22 =	ssub.s32 s11, s8  }
0x10: {  	v7 =	vunpack.c.l.s4.s8 v7;
	v20 =	vunpack.c.l.s4.s8 v20;
	v21 =	vunpack.c.l.s4.s8 v21;
	s16 =	ssub.s32 s13, s30;
	s23 =	sshrl.u32 s7, $0x3;
	s4 =	sand.u32 $0xFE, s22  }
0x11: {  	v22 =	vunpack.c.l.s4.s8 v22;
	v10 =	vunpack.c.0.s8.s32 v4;
	v4 =	vunpack.c.l.s4.s8 v5;
	s6 =	sor.u32 $0x40000, s7;
	s14 =	sand.u32 $0xFE, s16;
	s25 =	sshrl.u32 s4, $0x1  }
0x12: {  	v5 =	vimm.s32 $0x10FEDCBA;
	v13 =	vunpack.c.0.s8.s32 v6;
	v14 =	vunpack.c.0.s8.s32 v7;
	s7 =	sor.u32 $0x60000, s7;
	s16 =	sshll.u32 s11, $0xB;
	s0 =	sadd.s32 s8, s25  }
0x13: {  	v20 =	vunpack.c.0.s8.s32 v20;
	v21 =	vunpack.c.0.s8.s32 v21;
	v5 =	vunpack.c.l.s4.s8 v5;
	s4 =	sadd.s32 s3, s23;
	s5 =	sadd.s32 s23, s15;
	s0 =	sand.u32 $0xF0, s0  }
0x14: {  	v22 =	vunpack.c.0.s8.s32 v22;
	v11 =	vunpack.c.0.s8.s32 v4;
	v4 =	vunpack.c.l.s4.s8 v8;
	s17 =	sshrl.u32 s14, $0x1;
	s16 =	sand.u32 $0x1C000, s16;
	s10 =	sshrl.u32 s0, $0x4  }
0x15: {  	v26 =	vcombine.low v21, v20;
	v12 =	vunpack.c.0.s8.s32 v5;
	v5 =	vimm.s32 $0x3210FEDC;
	s0 =	sand.u32 $0x380, s1;
	s1 =	sadd.s32 s30, s17;
	s12 =	smul.u32 $0x15, s10  }
0x16: {  	v22 =	vand.u32 $0xF, v22;
	v15 =	vunpack.c.0.s8.s32 v4;
	v4 =	vunpack.c.l.s4.s8 v5;
	s17 =	sshll.u32 s13, $0xB;
	s9 =	sor.u32 s9, s0;
	s20 =	smul.u32 $0x300000, s10  }
0x17: {  	v5 =	vimm.s32 $0xBA987654;
	v6 =	vcombine.low v11, v10;
	v63 =	vcombine.low v10, v11;
	s1 =	sand.u32 $0xF0, s1;
	s24 =	sor.u32 s0, s16;
	s17 =	sand.u32 $0x2C000, s17  }
0x18: {  	v11 =	vand.u32 $0xF, v26;
	v7 =	vcombine.low v13, v12;
	v5 =	vunpack.c.l.s4.s8 v5;
	s1 =	sshrl.u32 s1, $0x4;
	s9 =	sshrl.u32 s9, $0x3;
	s12 =	ssub.s32 s11, s12  }
0x19: {  	v13 =	vcombine.low v12, v13;
	v8 =	vcombine.low v15, v14;
	v16 =	vunpack.c.0.s8.s32 v4;
	s0 =	sor.u32 s0, s17;
	s1 =	smul.u32 $0x15, s1;
	s21 =	sshll.u32 s12, $0x11  }
0x1a: {  	v4 =	vimm.s32 $0x43210FED;
	v14 =	vcombine.low v14, v15;
	v17 =	vunpack.c.0.s8.s32 v5;
	s0 =	sshrl.u32 s0, $0x3;
	s12 =	sshll.u32 s12, $0x7;
	s10 =	sand.u32 $0x300000, s21  }
0x1b: {  	v9 =	vunpack.c.l.s4.s8 v4;
	v5 =	vand.u32 $0xF, v7;
	v7 =	vunpack.c.l.s4.s8 v18;
	s22 =	sand.u32 $0x380, s12;
	s1 =	ssub.s32 s13, s1;
	s21 =	simm.s32 $0x400  }
0x1c: {  	v12 =	vand.u32 $0xF, v63;
	v4 =	vand.u32 $0xF, v6;
	v13 =	vand.u32 $0xF, v13;
	s8 =	sadd.s32 s20, s10;
	s23 =	sand.u32 $0x7, s1;
	s1 =	sshll.u32 s1, $0x11  }
0x1d: {  	v6 =	vand.u32 $0xF, v8;
	v18 =	vunpack.c.0.s8.s32 v9;
	v19 =	vunpack.c.0.s8.s32 v7;
	s20 =	simm.s32 $0x80;
	s12 =	sor.u32 s22, s8;
	s8 =	sadd.s32 s18, s9  }
0x1e: {  	v7 =	vimm.s32 $0x543210FE;
	v9 =	vimm.s32 $0xDCBA9876;
	v15 =	vcombine.low v16, v17;
	s14 =	sshll.u32 s23, $0x7;
	s22 =	simm.s32 $0x8000;
	s23 =	simm.s32 $0xC000  }
0x1f: {  	v14 =	vand.u32 $0xF, v14;
	v7 =	vunpack.c.l.s4.s8 v7;
	v9 =	vunpack.c.l.s4.s8 v9;
	s10 =	sshrl.u32 s12, $0x3;
	s11 =	sor.u32 $0x40000, s12;
	s1 =	sor.u32 s14, s1  }
0x20: {  	v8 =	vcombine.low v17, v16;
	v16 =	vcombine.low v18, v19;
	v15 =	vand.u32 $0xF, v15;
	s12 =	sor.u32 $0x60000, s12;
	s14 =	sshrl.u32 s24, $0x3;
	s1 =	sand.u32 $0x300380, s1  }
.Ltmp0:
0x21: {  	v24 =	vunpack.c.0.s8.s32 v7;
	v25 =	vunpack.c.0.s8.s32 v9;
	v9 =	vunpack.c.l.s4.s8 v23;
	s24 =	simm.s32 $0x1;
	s25 =	sadd.s32 $0x900000, s1;
	(pc) =	sbr.rel .LBB2_1-.Ltmp0, $4  }
0x22: {  	v7 =	vand.u32 $0xF, v8;
	v8 =	vcombine.low v19, v18;
	v18 =	vcombine.low v20, v21;
	s9 =	sadd.s32 s3, s10;
	s10 =	sadd.s32 s10, s15;
	s16 =	sshrl.u32 s25, $0x3  }
0x23: {  	v9 =	vunpack.c.0.s8.s32 v9;
	v62 =	vcombine.low v25, v24;
	v17 =	vcombine.low v24, v25;
	s13 =	sadd.s32 s18, s14;
	s18 =	sadd.s32 s18, s0;
	s30 =	sadd.s32 s3, s16  }
0x24: {  	v16 =	vand.u32 $0xF, v16;
	v8 =	vand.u32 $0xF, v8;
	v18 =	vand.u32 $0xF, v18;
	s17 =	sadd.s32 $0x960000, s1;
	s31 =	sadd.s32 s16, s15;
	[dreg:$0x2] =	wrdreg s30  }
0x25: {  	v9 =	vcombine.low v22, v9;
	v10 =	vand.u32 $0xF, v62;
	v17 =	vand.u32 $0xF, v17;
	s25 =	simm.s32 $0x2;
	s16 =	sadd.s32 $0x940000, s1;
	[dreg:$0x3] =	wrdreg s31  }
.LBB2_33:
0x26: {  	s29 =	sadd.s32 $0x1, s29  }
0x27: {  	p1 =	sne.s32 s29, s19  }
.Ltmp1:
0x28: {  	_ = 	snop;
	(pc) =	sbr.rel @!p1 .LBB2_34-.Ltmp1, $1  }
0x29: {  	_ =	sdelay $0x3  }
.LBB2_1:
0x2a: {  	s0 =	simm.s32 $0x0;
	s1 =	simm.s32 $0x400  }
.LBB2_2:
0x2b: {  	p1 =	sne.s32 s1, $0x1FC00;
	[tilespmem:s0+$0xF0] =	vst v0  }
0x2c: {  	[tilespmem:s0+$0x0] =	vst v0  }
0x2d: {  	[tilespmem:s0+$0x10] =	vst v0  }
0x2e: {  	[tilespmem:s0+$0x20] =	vst v0  }
0x2f: {  	[tilespmem:s0+$0x30] =	vst v0  }
0x30: {  	[tilespmem:s0+$0x40] =	vst v0  }
0x31: {  	[tilespmem:s0+$0x50] =	vst v0  }
0x32: {  	[tilespmem:s0+$0x60] =	vst v0  }
0x33: {  	[tilespmem:s0+$0x70] =	vst v0  }
0x34: {  	[tilespmem:s0+$0x80] =	vst v0  }
0x35: {  	[tilespmem:s0+$0x90] =	vst v0  }
.Ltmp2:
0x36: {  	[tilespmem:s0+$0xA0] =	vst v0;
	(pc) =	sbr.rel @p1 .LBB2_2-.Ltmp2, $4  }
0x37: {  	[tilespmem:s0+$0xB0] =	vst v0  }
0x38: {  	[tilespmem:s0+$0xC0] =	vst v0  }
0x39: {  	[tilespmem:s0+$0xD0] =	vst v0  }
0x3a: {  	[tilespmem:s0+$0xE0] =	vst v0;
	s0 =	sshra.s32 s1, $0x2;
	s1 =	sadd.s32 $0x400, s1  }
0x3b: {  	[tilespmem:s0+$0xF0] =	vst v0  }
0x3c: {  	[tilespmem:s0+$0x0] =	vst v0  }
0x3d: {  	[tilespmem:s0+$0x10] =	vst v0  }
0x3e: {  	[tilespmem:s0+$0x20] =	vst v0  }
0x3f: {  	[tilespmem:s0+$0x30] =	vst v0  }
0x40: {  	[tilespmem:s0+$0x40] =	vst v0  }
0x41: {  	[tilespmem:s0+$0x50] =	vst v0  }
0x42: {  	[tilespmem:s0+$0x60] =	vst v0  }
0x43: {  	[tilespmem:s0+$0x70] =	vst v0  }
0x44: {  	[tilespmem:s0+$0x80] =	vst v0  }
0x45: {  	[tilespmem:s0+$0x90] =	vst v0  }
0x46: {  	[tilespmem:s0+$0xA0] =	vst v0  }
0x47: {  	[tilespmem:s0+$0xB0] =	vst v0  }
0x48: {  	[tilespmem:s0+$0xC0] =	vst v0  }
0x49: {  	[tilespmem:s0+$0xD0] =	vst v0  }
0x4a: {  	[tilespmem:s0+$0xE0] =	vst v0  }
0x4b: {  	[tilespmem:s22], [sflag:$0x1] =	stream.strided.gather [hbm4b:s4+s20], $0x4000, s21, s20, $0x38;
	[tilespmem:$0x10800] =	vst v63  }
0x4c: {  	s30 =	simm.s32 $0x0  }
0x4d: {  	[tilespmem:s23], [sflag:$0x2] =	stream.strided.gather [hbm4b:s5+s20], $0x4000, s21, s20, $0x38;
	[tilespmem:$0x10800] =	vst v63  }
.LBB2_4:
0x4e: {  	_ =	swait.ge [sflag:s24], $0x4000  }
0x4f: {  	[sflag:s24] =	ssyncset.done $0x0  }
0x50: {  	s31 =	simm.s32 $0x8080;
	[sflag:s24] =	ssyncadd.s32 $0xFFFFC000  }
0x51: {  	v20 =	vld [tilespmem:s31+$0x30]  }
0x52: {  	v21 =	vld [tilespmem:s31+$0x40]  }
0x53: {  	v19 =	vld [tilespmem:s31+$0xFFFFFF80]  }
0x54: {  	v22 =	vld [tilespmem:s31+$0x70]  }
0x55: {  	v23 =	vld [tilespmem:s31+$0xFFFFFFD0]  }
0x56: {  	v24 =	vld [tilespmem:s31+$0xFFFFFFE0]  }
0x57: {  	v25 =	vld [tilespmem:s31+$0xFFFFFFF0]  }
0x58: {  	v26 =	vld [tilespmem:s31+$0x0]  }
0x59: {  	v27 =	vld [tilespmem:s31+$0x60]  }
0x5a: {  	v28 =	vld [tilespmem:s31+$0x50]  }
0x5b: {  	v62 =	vld [tilespmem:s31+$0xFFFFFFA0]  }
0x5c: {  	v29 =	vld [tilespmem:s31+$0x20]  }
0x5d: {  	v30 =	vld [tilespmem:s31+$0x10]  }
0x5e: {  	v63 =	vld [tilespmem:s31+$0xFFFFFFB0]  }
0x5f: {  	[tilespmem:v19+s2+$0x0] =	vst.idx.add.s32.msk $0xffff, v2  }
0x60: {  	[tilespmem:v22+s2+$0x0] =	vst.idx.add.s32.msk $0xffff, v2  }
0x61: {  	v19 =	vld [tilespmem:s31+$0xFFFFFF90]  }
0x62: {  	[tilespmem:v27+s2+$0x0] =	vst.idx.add.s32.msk $0xffff, v2  }
0x63: {  	[tilespmem:v28+s2+$0x0] =	vst.idx.add.s32.msk $0xffff, v2  }
0x64: {  	[tilespmem:v21+s2+$0x0] =	vst.idx.add.s32.msk $0xffff, v2  }
0x65: {  	[tilespmem:v20+s2+$0x0] =	vst.idx.add.s32.msk $0xffff, v2  }
0x66: {  	v20 =	vld [tilespmem:s31+$0xFFFFFFC0]  }
0x67: {  	[tilespmem:v29+s2+$0x0] =	vst.idx.add.s32.msk $0xffff, v2  }
0x68: {  	[tilespmem:v30+s2+$0x0] =	vst.idx.add.s32.msk $0xffff, v2  }
0x69: {  	[tilespmem:v26+s2+$0x0] =	vst.idx.add.s32.msk $0xffff, v2  }
0x6a: {  	[tilespmem:v25+s2+$0x0] =	vst.idx.add.s32.msk $0xffff, v2  }
0x6b: {  	[tilespmem:v24+s2+$0x0] =	vst.idx.add.s32.msk $0xffff, v2  }
0x6c: {  	[tilespmem:v23+s2+$0x0] =	vst.idx.add.s32.msk $0xffff, v2  }
0x6d: {  	[tilespmem:v63+s2+$0x0] =	vst.idx.add.s32.msk $0xffff, v2  }
0x6e: {  	[tilespmem:v62+s2+$0x0] =	vst.idx.add.s32.msk $0xffff, v2  }
0x6f: {  	s0 =	simm.s32 $0x0;
	[tilespmem:v20+s2+$0x0] =	vst.idx.add.s32.msk $0xffff, v2  }
.LBB2_5:
0x70: {  	s0 =	sadd.s32 $0x10, s0;
	[tilespmem:v19+s2+$0x0] =	vst.idx.add.s32.msk $0xffff, v2;
	s31 =	sadd.s32 $0x100, s31  }
0x71: {  	v20 =	vld [tilespmem:s31+$0x30];
	p1 =	slt.u32 s0, $0x3F0  }
0x72: {  	v21 =	vld [tilespmem:s31+$0x40]  }
0x73: {  	v19 =	vld [tilespmem:s31+$0xFFFFFF80]  }
0x74: {  	v22 =	vld [tilespmem:s31+$0x70]  }
0x75: {  	v23 =	vld [tilespmem:s31+$0xFFFFFFD0]  }
0x76: {  	v24 =	vld [tilespmem:s31+$0xFFFFFFE0]  }
0x77: {  	v25 =	vld [tilespmem:s31+$0xFFFFFFF0]  }
0x78: {  	v26 =	vld [tilespmem:s31+$0x0]  }
0x79: {  	v27 =	vld [tilespmem:s31+$0x60]  }
0x7a: {  	v28 =	vld [tilespmem:s31+$0x50]  }
0x7b: {  	[tilespmem:v19+s2+$0x0] =	vst.idx.add.s32.msk $0xffff, v2  }
0x7c: {  	[tilespmem:v22+s2+$0x0] =	vst.idx.add.s32.msk $0xffff, v2  }
0x7d: {  	v19 =	vld [tilespmem:s31+$0xFFFFFF90]  }
0x7e: {  	v22 =	vld [tilespmem:s31+$0xFFFFFFA0]  }
0x7f: {  	v29 =	vld [tilespmem:s31+$0x20]  }
0x80: {  	v30 =	vld [tilespmem:s31+$0x10]  }
0x81: {  	[tilespmem:v27+s2+$0x0] =	vst.idx.add.s32.msk $0xffff, v2  }
0x82: {  	[tilespmem:v28+s2+$0x0] =	vst.idx.add.s32.msk $0xffff, v2  }
0x83: {  	[tilespmem:v21+s2+$0x0] =	vst.idx.add.s32.msk $0xffff, v2  }
0x84: {  	[tilespmem:v20+s2+$0x0] =	vst.idx.add.s32.msk $0xffff, v2  }
0x85: {  	v20 =	vld [tilespmem:s31+$0xFFFFFFC0]  }
0x86: {  	v21 =	vld [tilespmem:s31+$0xFFFFFFB0]  }
0x87: {  	[tilespmem:v29+s2+$0x0] =	vst.idx.add.s32.msk $0xffff, v2  }
0x88: {  	[tilespmem:v30+s2+$0x0] =	vst.idx.add.s32.msk $0xffff, v2  }
0x89: {  	[tilespmem:v26+s2+$0x0] =	vst.idx.add.s32.msk $0xffff, v2  }
0x8a: {  	[tilespmem:v25+s2+$0x0] =	vst.idx.add.s32.msk $0xffff, v2  }
.Ltmp3:
0x8b: {  	[tilespmem:v24+s2+$0x0] =	vst.idx.add.s32.msk $0xffff, v2;
	(pc) =	sbr.rel @p1 .LBB2_5-.Ltmp3, $4  }
0x8c: {  	[tilespmem:v23+s2+$0x0] =	vst.idx.add.s32.msk $0xffff, v2  }
0x8d: {  	[tilespmem:v20+s2+$0x0] =	vst.idx.add.s32.msk $0xffff, v2  }
0x8e: {  	[tilespmem:v21+s2+$0x0] =	vst.idx.add.s32.msk $0xffff, v2  }
0x8f: {  	[tilespmem:v22+s2+$0x0] =	vst.idx.add.s32.msk $0xffff, v2  }
0x90: {  	_ = 	snop  }
0x91: {  	s31 =	sshll.u32 s30, $0x12;
	p1 =	seq.s32 s30, $0x3  }
0x92: {  	s0 =	sadd.s32 @!p1 s31, s6  }
0x93: {  	s1 =	simm.s32 @!p1 $0x80;
	s0 =	sshrl.u32 @!p1 s0, $0x3  }
0x94: {  	[tilespmem:v19+s2+$0x0] =	vst.idx.add.s32.msk $0xffff, v2;
	s14 =	simm.s32 @!p1 $0x400;
	s15 =	simm.s32 @!p1 $0x8000;
	s0 =	sadd.s32 @!p1 s3, s0  }
0x95: {  	[tilespmem:s15], [sflag:$0x1] =	stream.strided.gather @!p1 [hbm4b:s0+s1], $0x4000, s14, s1, $0x38;
	[tilespmem:$0x10800] =	vst v63  }
0x96: {  	_ =	swait.ge [sflag:s25], $0x4000  }
0x97: {  	[sflag:s25] =	ssyncset.done $0x0  }
0x98: {  	s0 =	simm.s32 $0xC080;
	[sflag:s25] =	ssyncadd.s32 $0xFFFFC000  }
0x99: {  	v20 =	vld [tilespmem:s0+$0x30]  }
0x9a: {  	v21 =	vld [tilespmem:s0+$0x40]  }
0x9b: {  	v19 =	vld [tilespmem:s0+$0xFFFFFF80]  }
0x9c: {  	v22 =	vld [tilespmem:s0+$0x70]  }
0x9d: {  	v23 =	vld [tilespmem:s0+$0xFFFFFFD0]  }
0x9e: {  	v24 =	vld [tilespmem:s0+$0xFFFFFFE0]  }
0x9f: {  	v25 =	vld [tilespmem:s0+$0xFFFFFFF0]  }
0xa0: {  	v26 =	vld [tilespmem:s0+$0x0]  }
0xa1: {  	v27 =	vld [tilespmem:s0+$0x60]  }
0xa2: {  	v28 =	vld [tilespmem:s0+$0x50]  }
0xa3: {  	v62 =	vld [tilespmem:s0+$0xFFFFFFA0]  }
0xa4: {  	v29 =	vld [tilespmem:s0+$0x20]  }
0xa5: {  	v30 =	vld [tilespmem:s0+$0x10]  }
0xa6: {  	v63 =	vld [tilespmem:s0+$0xFFFFFFB0]  }
0xa7: {  	[tilespmem:v19+s2+$0x0] =	vst.idx.add.s32.msk $0xffff, v2  }
0xa8: {  	[tilespmem:v22+s2+$0x0] =	vst.idx.add.s32.msk $0xffff, v2  }
0xa9: {  	v19 =	vld [tilespmem:s0+$0xFFFFFF90]  }
0xaa: {  	[tilespmem:v27+s2+$0x0] =	vst.idx.add.s32.msk $0xffff, v2  }
0xab: {  	[tilespmem:v28+s2+$0x0] =	vst.idx.add.s32.msk $0xffff, v2  }
0xac: {  	[tilespmem:v21+s2+$0x0] =	vst.idx.add.s32.msk $0xffff, v2  }
0xad: {  	[tilespmem:v20+s2+$0x0] =	vst.idx.add.s32.msk $0xffff, v2  }
0xae: {  	v20 =	vld [tilespmem:s0+$0xFFFFFFC0]  }
0xaf: {  	[tilespmem:v29+s2+$0x0] =	vst.idx.add.s32.msk $0xffff, v2  }
0xb0: {  	[tilespmem:v30+s2+$0x0] =	vst.idx.add.s32.msk $0xffff, v2  }
0xb1: {  	[tilespmem:v26+s2+$0x0] =	vst.idx.add.s32.msk $0xffff, v2  }
0xb2: {  	[tilespmem:v25+s2+$0x0] =	vst.idx.add.s32.msk $0xffff, v2  }
0xb3: {  	[tilespmem:v24+s2+$0x0] =	vst.idx.add.s32.msk $0xffff, v2  }
0xb4: {  	[tilespmem:v23+s2+$0x0] =	vst.idx.add.s32.msk $0xffff, v2  }
0xb5: {  	[tilespmem:v63+s2+$0x0] =	vst.idx.add.s32.msk $0xffff, v2  }
0xb6: {  	[tilespmem:v62+s2+$0x0] =	vst.idx.add.s32.msk $0xffff, v2  }
0xb7: {  	s1 =	simm.s32 $0x0;
	[tilespmem:v20+s2+$0x0] =	vst.idx.add.s32.msk $0xffff, v2  }
.LBB2_7:
0xb8: {  	s1 =	sadd.s32 $0x10, s1;
	[tilespmem:v19+s2+$0x0] =	vst.idx.add.s32.msk $0xffff, v2;
	s0 =	sadd.s32 $0x100, s0  }
0xb9: {  	v20 =	vld [tilespmem:s0+$0x30];
	p2 =	slt.u32 s1, $0x3F0  }
0xba: {  	v21 =	vld [tilespmem:s0+$0x40]  }
0xbb: {  	v19 =	vld [tilespmem:s0+$0xFFFFFF80]  }
0xbc: {  	v22 =	vld [tilespmem:s0+$0x70]  }
0xbd: {  	v23 =	vld [tilespmem:s0+$0xFFFFFFD0]  }
0xbe: {  	v24 =	vld [tilespmem:s0+$0xFFFFFFE0]  }
0xbf: {  	v25 =	vld [tilespmem:s0+$0xFFFFFFF0]  }
0xc0: {  	v26 =	vld [tilespmem:s0+$0x0]  }
0xc1: {  	v27 =	vld [tilespmem:s0+$0x60]  }
0xc2: {  	v28 =	vld [tilespmem:s0+$0x50]  }
0xc3: {  	[tilespmem:v19+s2+$0x0] =	vst.idx.add.s32.msk $0xffff, v2  }
0xc4: {  	[tilespmem:v22+s2+$0x0] =	vst.idx.add.s32.msk $0xffff, v2  }
0xc5: {  	v19 =	vld [tilespmem:s0+$0xFFFFFF90]  }
0xc6: {  	v22 =	vld [tilespmem:s0+$0xFFFFFFA0]  }
0xc7: {  	v29 =	vld [tilespmem:s0+$0x20]  }
0xc8: {  	v30 =	vld [tilespmem:s0+$0x10]  }
0xc9: {  	[tilespmem:v27+s2+$0x0] =	vst.idx.add.s32.msk $0xffff, v2  }
0xca: {  	[tilespmem:v28+s2+$0x0] =	vst.idx.add.s32.msk $0xffff, v2  }
0xcb: {  	[tilespmem:v21+s2+$0x0] =	vst.idx.add.s32.msk $0xffff, v2  }
0xcc: {  	[tilespmem:v20+s2+$0x0] =	vst.idx.add.s32.msk $0xffff, v2  }
0xcd: {  	v20 =	vld [tilespmem:s0+$0xFFFFFFC0]  }
0xce: {  	v21 =	vld [tilespmem:s0+$0xFFFFFFB0]  }
0xcf: {  	[tilespmem:v29+s2+$0x0] =	vst.idx.add.s32.msk $0xffff, v2  }
0xd0: {  	[tilespmem:v30+s2+$0x0] =	vst.idx.add.s32.msk $0xffff, v2  }
0xd1: {  	[tilespmem:v26+s2+$0x0] =	vst.idx.add.s32.msk $0xffff, v2  }
0xd2: {  	[tilespmem:v25+s2+$0x0] =	vst.idx.add.s32.msk $0xffff, v2  }
.Ltmp4:
0xd3: {  	[tilespmem:v24+s2+$0x0] =	vst.idx.add.s32.msk $0xffff, v2;
	(pc) =	sbr.rel @p2 .LBB2_7-.Ltmp4, $4  }
0xd4: {  	[tilespmem:v23+s2+$0x0] =	vst.idx.add.s32.msk $0xffff, v2  }
0xd5: {  	[tilespmem:v20+s2+$0x0] =	vst.idx.add.s32.msk $0xffff, v2  }
0xd6: {  	[tilespmem:v21+s2+$0x0] =	vst.idx.add.s32.msk $0xffff, v2  }
0xd7: {  	[tilespmem:v22+s2+$0x0] =	vst.idx.add.s32.msk $0xffff, v2  }
.Ltmp5:
0xd8: {  	_ = 	snop;
	(pc) =	sbr.rel @p1 .LBB2_9-.Ltmp5, $2  }
0xd9: {  	_ =	sdelay $0x2  }
0xda: {  	[tilespmem:v19+s2+$0x0] =	vst.idx.add.s32.msk $0xffff, v2  }
.Ltmp6:
0xdb: {  	(pc) =	sbr.rel .LBB2_4-.Ltmp6, $4  }
0xdc: {  	s0 =	sadd.s32 s31, s7  }
0xdd: {  	s0 =	sshrl.u32 s0, $0x3  }
0xde: {  	s30 =	sadd.s32 $0x1, s30;
	s0 =	sadd.s32 s3, s0  }
0xdf: {  	[tilespmem:s23], [sflag:$0x2] =	stream.strided.gather [hbm4b:s0+s20], $0x4000, s21, s20, $0x38;
	[tilespmem:$0x10800] =	vst v63  }
.LBB2_9:
0xe0: {  	s0 =	simm.s32 $0x0  }
0xe1: {  	v19 =	vmov s0  }
0xe2: {  	v19 =	vshll.u32 v19, $0x4  }
0xe3: {  	v19 =	vor.u32 v3, v19  }
0xe4: {  	v20 =	vor.u32 v4, v19  }
0xe5: {  	v21 =	vor.u32 v1, v19  }
0xe6: {  	v22 =	vor.u32 v5, v19  }
0xe7: {  	v23 =	vor.u32 v6, v19  }
0xe8: {  	v24 =	vor.u32 v7, v19  }
0xe9: {  	v25 =	vor.u32 v8, v19;
	v20 =	vld.idx.msk [tilespmem:v20+s2+$0x0], $0xffff  }
0xea: {  	v26 =	vor.u32 v10, v19;
	v21 =	vld.idx.msk [tilespmem:v21+s2+$0x0], $0xffff  }
0xeb: {  	v27 =	vor.u32 v11, v19;
	v22 =	vld.idx.msk [tilespmem:v22+s2+$0x0], $0xffff  }
0xec: {  	v28 =	vor.u32 v9, v19;
	v23 =	vld.idx.msk [tilespmem:v23+s2+$0x0], $0xffff  }
0xed: {  	v29 =	vor.u32 v12, v19;
	v24 =	vld.idx.msk [tilespmem:v24+s2+$0x0], $0xffff  }
0xee: {  	v30 =	vor.u32 v13, v19;
	v25 =	vld.idx.msk [tilespmem:v25+s2+$0x0], $0xffff  }
0xef: {  	v31 =	vor.u32 v14, v19;
	v26 =	vld.idx.msk [tilespmem:v26+s2+$0x0], $0xffff;
	v20 =	vadd.s32 v21, v20  }
0xf0: {  	v21 =	vld.idx.msk [tilespmem:v27+s2+$0x0], $0xffff;
	v27 =	vor.u32 v15, v19;
	v20 =	vadd.s32 v22, v20  }
0xf1: {  	v58 =	vor.u32 v16, v19;
	v22 =	vld.idx.msk [tilespmem:v28+s2+$0x0], $0xffff;
	v20 =	vadd.s32 v23, v20  }
0xf2: {  	v59 =	vor.u32 v17, v19;
	v23 =	vld.idx.msk [tilespmem:v29+s2+$0x0], $0xffff;
	v20 =	vadd.s32 v24, v20  }
0xf3: {  	v19 =	vor.u32 v18, v19;
	v24 =	vld.idx.msk [tilespmem:v30+s2+$0x0], $0xffff;
	v20 =	vadd.s32 v25, v20  }
0xf4: {  	v25 =	vld.idx.msk [tilespmem:v31+s2+$0x0], $0xffff;
	v20 =	vadd.s32 v26, v20  }
0xf5: {  	v26 =	vld.idx.msk [tilespmem:v27+s2+$0x0], $0xffff;
	v20 =	vadd.s32 v21, v20  }
0xf6: {  	s15 =	simm.s32 $0x10;
	v21 =	vld.idx.msk [tilespmem:v58+s2+$0x0], $0xffff;
	v20 =	vadd.s32 v22, v20  }
0xf7: {  	v27 =	vmov s15;
	v22 =	vld.idx.msk [tilespmem:v59+s2+$0x0], $0xffff;
	v20 =	vadd.s32 v23, v20  }
0xf8: {  	v19 =	vld.idx.msk [tilespmem:v19+s2+$0x0], $0xffff;
	v23 =	vshll.u32 v27, $0x4;
	v20 =	vadd.s32 v24, v20  }
0xf9: {  	v23 =	vor.u32 v3, v23;
	v20 =	vadd.s32 v25, v20  }
0xfa: {  	v24 =	vor.u32 v4, v23;
	v20 =	vadd.s32 v26, v20  }
0xfb: {  	v25 =	vor.u32 v1, v23;
	v20 =	vadd.s32 v21, v20  }
0xfc: {  	v21 =	vor.u32 v5, v23;
	v20 =	vadd.s32 v22, v20  }
0xfd: {  	s30 =	simm.s32 $0x10000;
	v22 =	vor.u32 v6, v23;
	v19 =	vadd.s32 v19, v20  }
0xfe: {  	v20 =	vor.u32 v7, v23;
	[tilespmem:s30+$0x0] =	vst v19  }
0xff: {  	v19 =	vld.idx.msk [tilespmem:v24+s2+$0x0], $0xffff;
	v24 =	vor.u32 v8, v23  }
0x100: {  	v26 =	vor.u32 v10, v23;
	v25 =	vld.idx.msk [tilespmem:v25+s2+$0x0], $0xffff  }
0x101: {  	v27 =	vor.u32 v11, v23;
	v21 =	vld.idx.msk [tilespmem:v21+s2+$0x0], $0xffff  }
0x102: {  	v60 =	vor.u32 v9, v23;
	v22 =	vld.idx.msk [tilespmem:v22+s2+$0x0], $0xffff  }
0x103: {  	v61 =	vor.u32 v12, v23;
	v20 =	vld.idx.msk [tilespmem:v20+s2+$0x0], $0xffff  }
0x104: {  	v62 =	vor.u32 v13, v23;
	v24 =	vld.idx.msk [tilespmem:v24+s2+$0x0], $0xffff  }
0x105: {  	v63 =	vor.u32 v14, v23;
	v26 =	vld.idx.msk [tilespmem:v26+s2+$0x0], $0xffff;
	v19 =	vadd.s32 v25, v19  }
0x106: {  	v25 =	vld.idx.msk [tilespmem:v27+s2+$0x0], $0xffff;
	v27 =	vor.u32 v15, v23;
	v19 =	vadd.s32 v21, v19  }
0x107: {  	v28 =	vld.idx.msk [tilespmem:v60+s2+$0x0], $0xffff;
	v21 =	vor.u32 v16, v23;
	v19 =	vadd.s32 v22, v19  }
0x108: {  	v29 =	vld.idx.msk [tilespmem:v61+s2+$0x0], $0xffff;
	v22 =	vor.u32 v17, v23;
	v19 =	vadd.s32 v20, v19  }
0x109: {  	v30 =	vld.idx.msk [tilespmem:v62+s2+$0x0], $0xffff;
	v23 =	vor.u32 v18, v23;
	v20 =	vadd.s32 v24, v19  }
0x10a: {  	v19 =	vld.idx.msk [tilespmem:v63+s2+$0x0], $0xffff;
	v24 =	vadd.s32 v26, v20  }
0x10b: {  	v20 =	vld.idx.msk [tilespmem:v27+s2+$0x0], $0xffff;
	v24 =	vadd.s32 v25, v24  }
0x10c: {  	s31 =	simm.s32 $0x20;
	v21 =	vld.idx.msk [tilespmem:v21+s2+$0x0], $0xffff;
	v24 =	vadd.s32 v28, v24  }
0x10d: {  	v22 =	vld.idx.msk [tilespmem:v22+s2+$0x0], $0xffff;
	v25 =	vmov s31;
	v26 =	vadd.s32 v29, v24  }
0x10e: {  	s0 =	simm.s32 $0x30;
	v23 =	vld.idx.msk [tilespmem:v23+s2+$0x0], $0xffff;
	v24 =	vshll.u32 v25, $0x4;
	v25 =	vadd.s32 v30, v26  }
.LBB2_10:
0x10f: {  	p1 =	sne.s32 s0, $0x7F0;
	v24 =	vor.u32 v3, v24;
	v19 =	vadd.s32 v19, v25  }
0x110: {  	v25 =	vor.u32 v4, v24;
	v19 =	vadd.s32 v20, v19  }
0x111: {  	v20 =	vor.u32 v1, v24;
	v19 =	vadd.s32 v21, v19  }
0x112: {  	v21 =	vor.u32 v5, v24;
	v19 =	vadd.s32 v22, v19  }
0x113: {  	s30 =	sadd.s32 $0x10, s30;
	v22 =	vor.u32 v6, v24;
	v19 =	vadd.s32 v23, v19  }
0x114: {  	v23 =	vor.u32 v7, v24;
	[tilespmem:s30+$0x0] =	vst v19  }
0x115: {  	v19 =	vld.idx.msk [tilespmem:v25+s2+$0x0], $0xffff;
	v25 =	vor.u32 v8, v24  }
0x116: {  	v26 =	vor.u32 v10, v24;
	v20 =	vld.idx.msk [tilespmem:v20+s2+$0x0], $0xffff  }
0x117: {  	v27 =	vor.u32 v11, v24;
	v21 =	vld.idx.msk [tilespmem:v21+s2+$0x0], $0xffff  }
0x118: {  	v28 =	vor.u32 v9, v24;
	v22 =	vld.idx.msk [tilespmem:v22+s2+$0x0], $0xffff  }
0x119: {  	v29 =	vor.u32 v12, v24;
	v23 =	vld.idx.msk [tilespmem:v23+s2+$0x0], $0xffff  }
0x11a: {  	v30 =	vor.u32 v13, v24;
	v25 =	vld.idx.msk [tilespmem:v25+s2+$0x0], $0xffff  }
0x11b: {  	v31 =	vor.u32 v14, v24;
	v26 =	vld.idx.msk [tilespmem:v26+s2+$0x0], $0xffff  }
0x11c: {  	v19 =	vadd.s32 v20, v19;
	v20 =	vor.u32 v15, v24;
	v27 =	vld.idx.msk [tilespmem:v27+s2+$0x0], $0xffff  }
0x11d: {  	v19 =	vadd.s32 v21, v19;
	v21 =	vor.u32 v16, v24;
	v28 =	vld.idx.msk [tilespmem:v28+s2+$0x0], $0xffff  }
0x11e: {  	v19 =	vadd.s32 v22, v19;
	v22 =	vor.u32 v17, v24;
	v29 =	vld.idx.msk [tilespmem:v29+s2+$0x0], $0xffff  }
0x11f: {  	v19 =	vadd.s32 v23, v19;
	v23 =	vor.u32 v18, v24;
	v30 =	vld.idx.msk [tilespmem:v30+s2+$0x0], $0xffff  }
0x120: {  	v24 =	vadd.s32 v25, v19;
	v19 =	vld.idx.msk [tilespmem:v31+s2+$0x0], $0xffff  }
.Ltmp7:
0x121: {  	v24 =	vadd.s32 v26, v24;
	v20 =	vld.idx.msk [tilespmem:v20+s2+$0x0], $0xffff;
	(pc) =	sbr.rel @p1 .LBB2_10-.Ltmp7, $4  }
0x122: {  	v24 =	vadd.s32 v27, v24;
	v21 =	vld.idx.msk [tilespmem:v21+s2+$0x0], $0xffff  }
0x123: {  	v24 =	vadd.s32 v28, v24;
	v22 =	vld.idx.msk [tilespmem:v22+s2+$0x0], $0xffff  }
0x124: {  	v25 =	vmov s0;
	v26 =	vadd.s32 v29, v24;
	v23 =	vld.idx.msk [tilespmem:v23+s2+$0x0], $0xffff  }
0x125: {  	s0 =	sadd.s32 $0x10, s0;
	v24 =	vshll.u32 v25, $0x4;
	v25 =	vadd.s32 v30, v26  }
0x126: {  	v24 =	vor.u32 v3, v24;
	v19 =	vadd.s32 v19, v25  }
0x127: {  	v49 =	vor.u32 v4, v24;
	v19 =	vadd.s32 v20, v19  }
0x128: {  	v20 =	vor.u32 v1, v24;
	v19 =	vadd.s32 v21, v19  }
0x129: {  	v50 =	vor.u32 v5, v24;
	v19 =	vadd.s32 v22, v19  }
0x12a: {  	s0 =	sadd.s32 $0x10, s30;
	v51 =	vor.u32 v6, v24;
	v19 =	vadd.s32 v23, v19  }
0x12b: {  	v52 =	vor.u32 v7, v24;
	[tilespmem:s0+$0x0] =	vst v19  }
0x12c: {  	v53 =	vor.u32 v8, v24;
	v19 =	vld.idx.msk [tilespmem:v49+s2+$0x0], $0xffff  }
0x12d: {  	v26 =	vor.u32 v10, v24;
	v20 =	vld.idx.msk [tilespmem:v20+s2+$0x0], $0xffff  }
0x12e: {  	v27 =	vor.u32 v11, v24;
	v21 =	vld.idx.msk [tilespmem:v50+s2+$0x0], $0xffff  }
0x12f: {  	v28 =	vor.u32 v9, v24;
	v22 =	vld.idx.msk [tilespmem:v51+s2+$0x0], $0xffff  }
0x130: {  	v29 =	vor.u32 v12, v24;
	v23 =	vld.idx.msk [tilespmem:v52+s2+$0x0], $0xffff  }
0x131: {  	v30 =	vor.u32 v13, v24;
	v25 =	vld.idx.msk [tilespmem:v53+s2+$0x0], $0xffff  }
0x132: {  	v31 =	vor.u32 v14, v24;
	v26 =	vld.idx.msk [tilespmem:v26+s2+$0x0], $0xffff;
	v19 =	vadd.s32 v20, v19  }
0x133: {  	v54 =	vor.u32 v15, v24;
	v20 =	vld.idx.msk [tilespmem:v27+s2+$0x0], $0xffff;
	v19 =	vadd.s32 v21, v19  }
0x134: {  	v56 =	vor.u32 v16, v24;
	v55 =	vld.idx.msk [tilespmem:v28+s2+$0x0], $0xffff;
	v19 =	vadd.s32 v22, v19  }
0x135: {  	v58 =	vor.u32 v17, v24;
	v57 =	vld.idx.msk [tilespmem:v29+s2+$0x0], $0xffff;
	v19 =	vadd.s32 v23, v19  }
0x136: {  	v24 =	vor.u32 v18, v24;
	v59 =	vld.idx.msk [tilespmem:v30+s2+$0x0], $0xffff;
	v19 =	vadd.s32 v25, v19  }
0x137: {  	v60 =	vld.idx.msk [tilespmem:v31+s2+$0x0], $0xffff;
	v19 =	vadd.s32 v26, v19  }
0x138: {  	v61 =	vld.idx.msk [tilespmem:v54+s2+$0x0], $0xffff;
	v19 =	vadd.s32 v20, v19  }
0x139: {  	v20 =	vld.idx.msk [tilespmem:v56+s2+$0x0], $0xffff;
	v19 =	vadd.s32 v55, v19  }
0x13a: {  	v62 =	vld.idx.msk [tilespmem:v58+s2+$0x0], $0xffff;
	v19 =	vadd.s32 v57, v19  }
0x13b: {  	v63 =	vld.idx.msk [tilespmem:v24+s2+$0x0], $0xffff;
	v19 =	vadd.s32 v59, v19  }
0x13c: {  	v19 =	vadd.s32 v60, v19  }
0x13d: {  	v19 =	vadd.s32 v61, v19  }
0x13e: {  	v19 =	vadd.s32 v20, v19  }
0x13f: {  	v19 =	vadd.s32 v62, v19  }
0x140: {  	s0 =	sadd.s32 $0x10, s0;
	v19 =	vadd.s32 v63, v19  }
0x141: {  	[tilespmem:s0+$0x0] =	vst v19  }
0x142: {  	[hbm4b:s8+s20] =	stream.strided.scatter [tilespmem:s26], [sflag:$0x3], $0x800, s21, s20, $0x38;
	[tilespmem:$0x10800] =	vst v63  }
0x143: {  	_ =	swait.ge [sflag:s28], $0x800  }
0x144: {  	[sflag:s28] =	ssyncset.done $0x0  }
0x145: {  	s1 =	simm.s32 $0x400;
	s0 =	simm.s32 $0x0;
	[sflag:s28] =	ssyncadd.s32 $0xFFFFF800  }
.LBB2_12:
0x146: {  	p1 =	sne.s32 s1, $0x1FC00;
	[tilespmem:s0+$0xF0] =	vst v0  }
0x147: {  	[tilespmem:s0+$0x0] =	vst v0  }
0x148: {  	[tilespmem:s0+$0x10] =	vst v0  }
0x149: {  	[tilespmem:s0+$0x20] =	vst v0  }
0x14a: {  	[tilespmem:s0+$0x30] =	vst v0  }
0x14b: {  	[tilespmem:s0+$0x40] =	vst v0  }
0x14c: {  	[tilespmem:s0+$0x50] =	vst v0  }
0x14d: {  	[tilespmem:s0+$0x60] =	vst v0  }
0x14e: {  	[tilespmem:s0+$0x70] =	vst v0  }
0x14f: {  	[tilespmem:s0+$0x80] =	vst v0  }
0x150: {  	[tilespmem:s0+$0x90] =	vst v0  }
.Ltmp8:
0x151: {  	[tilespmem:s0+$0xA0] =	vst v0;
	(pc) =	sbr.rel @p1 .LBB2_12-.Ltmp8, $4  }
0x152: {  	[tilespmem:s0+$0xB0] =	vst v0  }
0x153: {  	[tilespmem:s0+$0xC0] =	vst v0  }
0x154: {  	[tilespmem:s0+$0xD0] =	vst v0  }
0x155: {  	[tilespmem:s0+$0xE0] =	vst v0;
	s0 =	sshra.s32 s1, $0x2;
	s1 =	sadd.s32 $0x400, s1  }
0x156: {  	[tilespmem:s0+$0xF0] =	vst v0  }
0x157: {  	[tilespmem:s0+$0x0] =	vst v0  }
0x158: {  	[tilespmem:s0+$0x10] =	vst v0  }
0x159: {  	[tilespmem:s0+$0x20] =	vst v0  }
0x15a: {  	[tilespmem:s0+$0x30] =	vst v0  }
0x15b: {  	[tilespmem:s0+$0x40] =	vst v0  }
0x15c: {  	[tilespmem:s0+$0x50] =	vst v0  }
0x15d: {  	[tilespmem:s0+$0x60] =	vst v0  }
0x15e: {  	[tilespmem:s0+$0x70] =	vst v0  }
0x15f: {  	[tilespmem:s0+$0x80] =	vst v0  }
0x160: {  	[tilespmem:s0+$0x90] =	vst v0  }
0x161: {  	[tilespmem:s0+$0xA0] =	vst v0  }
0x162: {  	[tilespmem:s0+$0xB0] =	vst v0  }
0x163: {  	[tilespmem:s0+$0xC0] =	vst v0  }
0x164: {  	[tilespmem:s0+$0xD0] =	vst v0  }
0x165: {  	[tilespmem:s0+$0xE0] =	vst v0  }
0x166: {  	[tilespmem:s22], [sflag:$0x1] =	stream.strided.gather [hbm4b:s9+s20], $0x4000, s21, s20, $0x38;
	[tilespmem:$0x10800] =	vst v63  }
0x167: {  	s30 =	simm.s32 $0x0  }
0x168: {  	[tilespmem:s23], [sflag:$0x2] =	stream.strided.gather [hbm4b:s10+s20], $0x4000, s21, s20, $0x38;
	[tilespmem:$0x10800] =	vst v63  }
.LBB2_14:
0x169: {  	_ =	swait.ge [sflag:s24], $0x4000  }
0x16a: {  	[sflag:s24] =	ssyncset.done $0x0  }
0x16b: {  	s0 =	simm.s32 $0x8080;
	[sflag:s24] =	ssyncadd.s32 $0xFFFFC000  }
0x16c: {  	v20 =	vld [tilespmem:s0+$0x30]  }
0x16d: {  	v21 =	vld [tilespmem:s0+$0x40]  }
0x16e: {  	v19 =	vld [tilespmem:s0+$0xFFFFFF80]  }
0x16f: {  	v22 =	vld [tilespmem:s0+$0x70]  }
0x170: {  	v23 =	vld [tilespmem:s0+$0xFFFFFFD0]  }
0x171: {  	v24 =	vld [tilespmem:s0+$0xFFFFFFE0]  }
0x172: {  	v25 =	vld [tilespmem:s0+$0xFFFFFFF0]  }
0x173: {  	v26 =	vld [tilespmem:s0+$0x0]  }
0x174: {  	v27 =	vld [tilespmem:s0+$0x60]  }
0x175: {  	v28 =	vld [tilespmem:s0+$0x50]  }
0x176: {  	v62 =	vld [tilespmem:s0+$0xFFFFFFA0]  }
0x177: {  	v29 =	vld [tilespmem:s0+$0x20]  }
0x178: {  	v30 =	vld [tilespmem:s0+$0x10]  }
0x179: {  	v63 =	vld [tilespmem:s0+$0xFFFFFFB0]  }
0x17a: {  	[tilespmem:v19+s2+$0x0] =	vst.idx.add.s32.msk $0xffff, v2  }
0x17b: {  	[tilespmem:v22+s2+$0x0] =	vst.idx.add.s32.msk $0xffff, v2  }
0x17c: {  	v19 =	vld [tilespmem:s0+$0xFFFFFF90]  }
0x17d: {  	[tilespmem:v27+s2+$0x0] =	vst.idx.add.s32.msk $0xffff, v2  }
0x17e: {  	[tilespmem:v28+s2+$0x0] =	vst.idx.add.s32.msk $0xffff, v2  }
0x17f: {  	[tilespmem:v21+s2+$0x0] =	vst.idx.add.s32.msk $0xffff, v2  }
0x180: {  	[tilespmem:v20+s2+$0x0] =	vst.idx.add.s32.msk $0xffff, v2  }
0x181: {  	v20 =	vld [tilespmem:s0+$0xFFFFFFC0]  }
0x182: {  	[tilespmem:v29+s2+$0x0] =	vst.idx.add.s32.msk $0xffff, v2  }
0x183: {  	[tilespmem:v30+s2+$0x0] =	vst.idx.add.s32.msk $0xffff, v2  }
0x184: {  	[tilespmem:v26+s2+$0x0] =	vst.idx.add.s32.msk $0xffff, v2  }
0x185: {  	[tilespmem:v25+s2+$0x0] =	vst.idx.add.s32.msk $0xffff, v2  }
0x186: {  	[tilespmem:v24+s2+$0x0] =	vst.idx.add.s32.msk $0xffff, v2  }
0x187: {  	[tilespmem:v23+s2+$0x0] =	vst.idx.add.s32.msk $0xffff, v2  }
0x188: {  	[tilespmem:v63+s2+$0x0] =	vst.idx.add.s32.msk $0xffff, v2  }
0x189: {  	[tilespmem:v62+s2+$0x0] =	vst.idx.add.s32.msk $0xffff, v2  }
0x18a: {  	s1 =	simm.s32 $0x0;
	[tilespmem:v20+s2+$0x0] =	vst.idx.add.s32.msk $0xffff, v2  }
.LBB2_15:
0x18b: {  	s1 =	sadd.s32 $0x10, s1;
	[tilespmem:v19+s2+$0x0] =	vst.idx.add.s32.msk $0xffff, v2;
	s0 =	sadd.s32 $0x100, s0  }
0x18c: {  	v20 =	vld [tilespmem:s0+$0x30];
	p1 =	slt.u32 s1, $0x3F0  }
0x18d: {  	v21 =	vld [tilespmem:s0+$0x40]  }
0x18e: {  	v19 =	vld [tilespmem:s0+$0xFFFFFF80]  }
0x18f: {  	v22 =	vld [tilespmem:s0+$0x70]  }
0x190: {  	v23 =	vld [tilespmem:s0+$0xFFFFFFD0]  }
0x191: {  	v24 =	vld [tilespmem:s0+$0xFFFFFFE0]  }
0x192: {  	v25 =	vld [tilespmem:s0+$0xFFFFFFF0]  }
0x193: {  	v26 =	vld [tilespmem:s0+$0x0]  }
0x194: {  	v27 =	vld [tilespmem:s0+$0x60]  }
0x195: {  	v28 =	vld [tilespmem:s0+$0x50]  }
0x196: {  	[tilespmem:v19+s2+$0x0] =	vst.idx.add.s32.msk $0xffff, v2  }
0x197: {  	[tilespmem:v22+s2+$0x0] =	vst.idx.add.s32.msk $0xffff, v2  }
0x198: {  	v19 =	vld [tilespmem:s0+$0xFFFFFF90]  }
0x199: {  	v22 =	vld [tilespmem:s0+$0xFFFFFFA0]  }
0x19a: {  	v29 =	vld [tilespmem:s0+$0x20]  }
0x19b: {  	v30 =	vld [tilespmem:s0+$0x10]  }
0x19c: {  	[tilespmem:v27+s2+$0x0] =	vst.idx.add.s32.msk $0xffff, v2  }
0x19d: {  	[tilespmem:v28+s2+$0x0] =	vst.idx.add.s32.msk $0xffff, v2  }
0x19e: {  	[tilespmem:v21+s2+$0x0] =	vst.idx.add.s32.msk $0xffff, v2  }
0x19f: {  	[tilespmem:v20+s2+$0x0] =	vst.idx.add.s32.msk $0xffff, v2  }
0x1a0: {  	v20 =	vld [tilespmem:s0+$0xFFFFFFC0]  }
0x1a1: {  	v21 =	vld [tilespmem:s0+$0xFFFFFFB0]  }
0x1a2: {  	[tilespmem:v29+s2+$0x0] =	vst.idx.add.s32.msk $0xffff, v2  }
0x1a3: {  	[tilespmem:v30+s2+$0x0] =	vst.idx.add.s32.msk $0xffff, v2  }
0x1a4: {  	[tilespmem:v26+s2+$0x0] =	vst.idx.add.s32.msk $0xffff, v2  }
0x1a5: {  	[tilespmem:v25+s2+$0x0] =	vst.idx.add.s32.msk $0xffff, v2  }
.Ltmp9:
0x1a6: {  	[tilespmem:v24+s2+$0x0] =	vst.idx.add.s32.msk $0xffff, v2;
	(pc) =	sbr.rel @p1 .LBB2_15-.Ltmp9, $4  }
0x1a7: {  	[tilespmem:v23+s2+$0x0] =	vst.idx.add.s32.msk $0xffff, v2  }
0x1a8: {  	[tilespmem:v20+s2+$0x0] =	vst.idx.add.s32.msk $0xffff, v2  }
0x1a9: {  	[tilespmem:v21+s2+$0x0] =	vst.idx.add.s32.msk $0xffff, v2  }
0x1aa: {  	[tilespmem:v22+s2+$0x0] =	vst.idx.add.s32.msk $0xffff, v2  }
0x1ab: {  	_ = 	snop  }
0x1ac: {  	s31 =	sshll.u32 s30, $0x12;
	p1 =	seq.s32 s30, $0x3  }
0x1ad: {  	s0 =	sadd.s32 @!p1 s31, s11  }
0x1ae: {  	s1 =	simm.s32 @!p1 $0x80;
	s0 =	sshrl.u32 @!p1 s0, $0x3  }
0x1af: {  	[tilespmem:v19+s2+$0x0] =	vst.idx.add.s32.msk $0xffff, v2;
	s14 =	simm.s32 @!p1 $0x400;
	s15 =	simm.s32 @!p1 $0x8000;
	s0 =	sadd.s32 @!p1 s3, s0  }
0x1b0: {  	[tilespmem:s15], [sflag:$0x1] =	stream.strided.gather @!p1 [hbm4b:s0+s1], $0x4000, s14, s1, $0x38;
	[tilespmem:$0x10800] =	vst v63  }
0x1b1: {  	_ =	swait.ge [sflag:s25], $0x4000  }
0x1b2: {  	[sflag:s25] =	ssyncset.done $0x0  }
0x1b3: {  	s0 =	simm.s32 $0xC080;
	[sflag:s25] =	ssyncadd.s32 $0xFFFFC000  }
0x1b4: {  	v20 =	vld [tilespmem:s0+$0x30]  }
0x1b5: {  	v21 =	vld [tilespmem:s0+$0x40]  }
0x1b6: {  	v19 =	vld [tilespmem:s0+$0xFFFFFF80]  }
0x1b7: {  	v22 =	vld [tilespmem:s0+$0x70]  }
0x1b8: {  	v23 =	vld [tilespmem:s0+$0xFFFFFFD0]  }
0x1b9: {  	v24 =	vld [tilespmem:s0+$0xFFFFFFE0]  }
0x1ba: {  	v25 =	vld [tilespmem:s0+$0xFFFFFFF0]  }
0x1bb: {  	v26 =	vld [tilespmem:s0+$0x0]  }
0x1bc: {  	v27 =	vld [tilespmem:s0+$0x60]  }
0x1bd: {  	v28 =	vld [tilespmem:s0+$0x50]  }
0x1be: {  	v62 =	vld [tilespmem:s0+$0xFFFFFFA0]  }
0x1bf: {  	v29 =	vld [tilespmem:s0+$0x20]  }
0x1c0: {  	v30 =	vld [tilespmem:s0+$0x10]  }
0x1c1: {  	v63 =	vld [tilespmem:s0+$0xFFFFFFB0]  }
0x1c2: {  	[tilespmem:v19+s2+$0x0] =	vst.idx.add.s32.msk $0xffff, v2  }
0x1c3: {  	[tilespmem:v22+s2+$0x0] =	vst.idx.add.s32.msk $0xffff, v2  }
0x1c4: {  	v19 =	vld [tilespmem:s0+$0xFFFFFF90]  }
0x1c5: {  	[tilespmem:v27+s2+$0x0] =	vst.idx.add.s32.msk $0xffff, v2  }
0x1c6: {  	[tilespmem:v28+s2+$0x0] =	vst.idx.add.s32.msk $0xffff, v2  }
0x1c7: {  	[tilespmem:v21+s2+$0x0] =	vst.idx.add.s32.msk $0xffff, v2  }
0x1c8: {  	[tilespmem:v20+s2+$0x0] =	vst.idx.add.s32.msk $0xffff, v2  }
0x1c9: {  	v20 =	vld [tilespmem:s0+$0xFFFFFFC0]  }
0x1ca: {  	[tilespmem:v29+s2+$0x0] =	vst.idx.add.s32.msk $0xffff, v2  }
0x1cb: {  	[tilespmem:v30+s2+$0x0] =	vst.idx.add.s32.msk $0xffff, v2  }
0x1cc: {  	[tilespmem:v26+s2+$0x0] =	vst.idx.add.s32.msk $0xffff, v2  }
0x1cd: {  	[tilespmem:v25+s2+$0x0] =	vst.idx.add.s32.msk $0xffff, v2  }
0x1ce: {  	[tilespmem:v24+s2+$0x0] =	vst.idx.add.s32.msk $0xffff, v2  }
0x1cf: {  	[tilespmem:v23+s2+$0x0] =	vst.idx.add.s32.msk $0xffff, v2  }
0x1d0: {  	[tilespmem:v63+s2+$0x0] =	vst.idx.add.s32.msk $0xffff, v2  }
0x1d1: {  	[tilespmem:v62+s2+$0x0] =	vst.idx.add.s32.msk $0xffff, v2  }
0x1d2: {  	s1 =	simm.s32 $0x0;
	[tilespmem:v20+s2+$0x0] =	vst.idx.add.s32.msk $0xffff, v2  }
.LBB2_17:
0x1d3: {  	s1 =	sadd.s32 $0x10, s1;
	[tilespmem:v19+s2+$0x0] =	vst.idx.add.s32.msk $0xffff, v2;
	s0 =	sadd.s32 $0x100, s0  }
0x1d4: {  	v20 =	vld [tilespmem:s0+$0x30];
	p2 =	slt.u32 s1, $0x3F0  }
0x1d5: {  	v21 =	vld [tilespmem:s0+$0x40]  }
0x1d6: {  	v19 =	vld [tilespmem:s0+$0xFFFFFF80]  }
0x1d7: {  	v22 =	vld [tilespmem:s0+$0x70]  }
0x1d8: {  	v23 =	vld [tilespmem:s0+$0xFFFFFFD0]  }
0x1d9: {  	v24 =	vld [tilespmem:s0+$0xFFFFFFE0]  }
0x1da: {  	v25 =	vld [tilespmem:s0+$0xFFFFFFF0]  }
0x1db: {  	v26 =	vld [tilespmem:s0+$0x0]  }
0x1dc: {  	v27 =	vld [tilespmem:s0+$0x60]  }
0x1dd: {  	v28 =	vld [tilespmem:s0+$0x50]  }
0x1de: {  	[tilespmem:v19+s2+$0x0] =	vst.idx.add.s32.msk $0xffff, v2  }
0x1df: {  	[tilespmem:v22+s2+$0x0] =	vst.idx.add.s32.msk $0xffff, v2  }
0x1e0: {  	v19 =	vld [tilespmem:s0+$0xFFFFFF90]  }
0x1e1: {  	v22 =	vld [tilespmem:s0+$0xFFFFFFA0]  }
0x1e2: {  	v29 =	vld [tilespmem:s0+$0x20]  }
0x1e3: {  	v30 =	vld [tilespmem:s0+$0x10]  }
0x1e4: {  	[tilespmem:v27+s2+$0x0] =	vst.idx.add.s32.msk $0xffff, v2  }
0x1e5: {  	[tilespmem:v28+s2+$0x0] =	vst.idx.add.s32.msk $0xffff, v2  }
0x1e6: {  	[tilespmem:v21+s2+$0x0] =	vst.idx.add.s32.msk $0xffff, v2  }
0x1e7: {  	[tilespmem:v20+s2+$0x0] =	vst.idx.add.s32.msk $0xffff, v2  }
0x1e8: {  	v20 =	vld [tilespmem:s0+$0xFFFFFFC0]  }
0x1e9: {  	v21 =	vld [tilespmem:s0+$0xFFFFFFB0]  }
0x1ea: {  	[tilespmem:v29+s2+$0x0] =	vst.idx.add.s32.msk $0xffff, v2  }
0x1eb: {  	[tilespmem:v30+s2+$0x0] =	vst.idx.add.s32.msk $0xffff, v2  }
0x1ec: {  	[tilespmem:v26+s2+$0x0] =	vst.idx.add.s32.msk $0xffff, v2  }
0x1ed: {  	[tilespmem:v25+s2+$0x0] =	vst.idx.add.s32.msk $0xffff, v2  }
.Ltmp10:
0x1ee: {  	[tilespmem:v24+s2+$0x0] =	vst.idx.add.s32.msk $0xffff, v2;
	(pc) =	sbr.rel @p2 .LBB2_17-.Ltmp10, $4  }
0x1ef: {  	[tilespmem:v23+s2+$0x0] =	vst.idx.add.s32.msk $0xffff, v2  }
0x1f0: {  	[tilespmem:v20+s2+$0x0] =	vst.idx.add.s32.msk $0xffff, v2  }
0x1f1: {  	[tilespmem:v21+s2+$0x0] =	vst.idx.add.s32.msk $0xffff, v2  }
0x1f2: {  	[tilespmem:v22+s2+$0x0] =	vst.idx.add.s32.msk $0xffff, v2  }
.Ltmp11:
0x1f3: {  	_ = 	snop;
	(pc) =	sbr.rel @p1 .LBB2_19-.Ltmp11, $2  }
0x1f4: {  	_ =	sdelay $0x2  }
0x1f5: {  	[tilespmem:v19+s2+$0x0] =	vst.idx.add.s32.msk $0xffff, v2  }
.Ltmp12:
0x1f6: {  	(pc) =	sbr.rel .LBB2_14-.Ltmp12, $4  }
0x1f7: {  	s0 =	sadd.s32 s31, s12  }
0x1f8: {  	s0 =	sshrl.u32 s0, $0x3  }
0x1f9: {  	s30 =	sadd.s32 $0x1, s30;
	s0 =	sadd.s32 s3, s0  }
0x1fa: {  	[tilespmem:s23], [sflag:$0x2] =	stream.strided.gather [hbm4b:s0+s20], $0x4000, s21, s20, $0x38;
	[tilespmem:$0x10800] =	vst v63  }
.LBB2_19:
0x1fb: {  	s0 =	simm.s32 $0x0  }
0x1fc: {  	v19 =	vmov s0  }
0x1fd: {  	v19 =	vshll.u32 v19, $0x4  }
0x1fe: {  	v19 =	vor.u32 v3, v19  }
0x1ff: {  	v20 =	vor.u32 v4, v19  }
0x200: {  	v21 =	vor.u32 v1, v19  }
0x201: {  	v22 =	vor.u32 v5, v19  }
0x202: {  	v23 =	vor.u32 v6, v19  }
0x203: {  	v24 =	vor.u32 v7, v19  }
0x204: {  	v25 =	vor.u32 v8, v19;
	v20 =	vld.idx.msk [tilespmem:v20+s2+$0x0], $0xffff  }
0x205: {  	v26 =	vor.u32 v10, v19;
	v21 =	vld.idx.msk [tilespmem:v21+s2+$0x0], $0xffff  }
0x206: {  	v27 =	vor.u32 v11, v19;
	v22 =	vld.idx.msk [tilespmem:v22+s2+$0x0], $0xffff  }
0x207: {  	v28 =	vor.u32 v9, v19;
	v23 =	vld.idx.msk [tilespmem:v23+s2+$0x0], $0xffff  }
0x208: {  	v29 =	vor.u32 v12, v19;
	v24 =	vld.idx.msk [tilespmem:v24+s2+$0x0], $0xffff  }
0x209: {  	v30 =	vor.u32 v13, v19;
	v25 =	vld.idx.msk [tilespmem:v25+s2+$0x0], $0xffff  }
0x20a: {  	v31 =	vor.u32 v14, v19;
	v26 =	vld.idx.msk [tilespmem:v26+s2+$0x0], $0xffff;
	v20 =	vadd.s32 v21, v20  }
0x20b: {  	v21 =	vld.idx.msk [tilespmem:v27+s2+$0x0], $0xffff;
	v27 =	vor.u32 v15, v19;
	v20 =	vadd.s32 v22, v20  }
0x20c: {  	v58 =	vor.u32 v16, v19;
	v22 =	vld.idx.msk [tilespmem:v28+s2+$0x0], $0xffff;
	v20 =	vadd.s32 v23, v20  }
0x20d: {  	v59 =	vor.u32 v17, v19;
	v23 =	vld.idx.msk [tilespmem:v29+s2+$0x0], $0xffff;
	v20 =	vadd.s32 v24, v20  }
0x20e: {  	v19 =	vor.u32 v18, v19;
	v24 =	vld.idx.msk [tilespmem:v30+s2+$0x0], $0xffff;
	v20 =	vadd.s32 v25, v20  }
0x20f: {  	v25 =	vld.idx.msk [tilespmem:v31+s2+$0x0], $0xffff;
	v20 =	vadd.s32 v26, v20  }
0x210: {  	v26 =	vld.idx.msk [tilespmem:v27+s2+$0x0], $0xffff;
	v20 =	vadd.s32 v21, v20  }
0x211: {  	s15 =	simm.s32 $0x10;
	v21 =	vld.idx.msk [tilespmem:v58+s2+$0x0], $0xffff;
	v20 =	vadd.s32 v22, v20  }
0x212: {  	v27 =	vmov s15;
	v22 =	vld.idx.msk [tilespmem:v59+s2+$0x0], $0xffff;
	v20 =	vadd.s32 v23, v20  }
0x213: {  	v19 =	vld.idx.msk [tilespmem:v19+s2+$0x0], $0xffff;
	v23 =	vshll.u32 v27, $0x4;
	v20 =	vadd.s32 v24, v20  }
0x214: {  	v23 =	vor.u32 v3, v23;
	v20 =	vadd.s32 v25, v20  }
0x215: {  	v24 =	vor.u32 v4, v23;
	v20 =	vadd.s32 v26, v20  }
0x216: {  	v25 =	vor.u32 v1, v23;
	v20 =	vadd.s32 v21, v20  }
0x217: {  	v21 =	vor.u32 v5, v23;
	v20 =	vadd.s32 v22, v20  }
0x218: {  	s30 =	simm.s32 $0x10000;
	v22 =	vor.u32 v6, v23;
	v19 =	vadd.s32 v19, v20  }
0x219: {  	v20 =	vor.u32 v7, v23;
	[tilespmem:s30+$0x0] =	vst v19  }
0x21a: {  	v19 =	vld.idx.msk [tilespmem:v24+s2+$0x0], $0xffff;
	v24 =	vor.u32 v8, v23  }
0x21b: {  	v26 =	vor.u32 v10, v23;
	v25 =	vld.idx.msk [tilespmem:v25+s2+$0x0], $0xffff  }
0x21c: {  	v27 =	vor.u32 v11, v23;
	v21 =	vld.idx.msk [tilespmem:v21+s2+$0x0], $0xffff  }
0x21d: {  	v60 =	vor.u32 v9, v23;
	v22 =	vld.idx.msk [tilespmem:v22+s2+$0x0], $0xffff  }
0x21e: {  	v61 =	vor.u32 v12, v23;
	v20 =	vld.idx.msk [tilespmem:v20+s2+$0x0], $0xffff  }
0x21f: {  	v62 =	vor.u32 v13, v23;
	v24 =	vld.idx.msk [tilespmem:v24+s2+$0x0], $0xffff  }
0x220: {  	v63 =	vor.u32 v14, v23;
	v26 =	vld.idx.msk [tilespmem:v26+s2+$0x0], $0xffff;
	v19 =	vadd.s32 v25, v19  }
0x221: {  	v25 =	vld.idx.msk [tilespmem:v27+s2+$0x0], $0xffff;
	v27 =	vor.u32 v15, v23;
	v19 =	vadd.s32 v21, v19  }
0x222: {  	v28 =	vld.idx.msk [tilespmem:v60+s2+$0x0], $0xffff;
	v21 =	vor.u32 v16, v23;
	v19 =	vadd.s32 v22, v19  }
0x223: {  	v29 =	vld.idx.msk [tilespmem:v61+s2+$0x0], $0xffff;
	v22 =	vor.u32 v17, v23;
	v19 =	vadd.s32 v20, v19  }
0x224: {  	v30 =	vld.idx.msk [tilespmem:v62+s2+$0x0], $0xffff;
	v23 =	vor.u32 v18, v23;
	v20 =	vadd.s32 v24, v19  }
0x225: {  	v19 =	vld.idx.msk [tilespmem:v63+s2+$0x0], $0xffff;
	v24 =	vadd.s32 v26, v20  }
0x226: {  	v20 =	vld.idx.msk [tilespmem:v27+s2+$0x0], $0xffff;
	v24 =	vadd.s32 v25, v24  }
0x227: {  	s31 =	simm.s32 $0x20;
	v21 =	vld.idx.msk [tilespmem:v21+s2+$0x0], $0xffff;
	v24 =	vadd.s32 v28, v24  }
0x228: {  	v22 =	vld.idx.msk [tilespmem:v22+s2+$0x0], $0xffff;
	v25 =	vmov s31;
	v26 =	vadd.s32 v29, v24  }
0x229: {  	s0 =	simm.s32 $0x30;
	v23 =	vld.idx.msk [tilespmem:v23+s2+$0x0], $0xffff;
	v24 =	vshll.u32 v25, $0x4;
	v25 =	vadd.s32 v30, v26  }
.LBB2_20:
0x22a: {  	p1 =	sne.s32 s0, $0x7F0;
	v24 =	vor.u32 v3, v24;
	v19 =	vadd.s32 v19, v25  }
0x22b: {  	v25 =	vor.u32 v4, v24;
	v19 =	vadd.s32 v20, v19  }
0x22c: {  	v20 =	vor.u32 v1, v24;
	v19 =	vadd.s32 v21, v19  }
0x22d: {  	v21 =	vor.u32 v5, v24;
	v19 =	vadd.s32 v22, v19  }
0x22e: {  	s30 =	sadd.s32 $0x10, s30;
	v22 =	vor.u32 v6, v24;
	v19 =	vadd.s32 v23, v19  }
0x22f: {  	v23 =	vor.u32 v7, v24;
	[tilespmem:s30+$0x0] =	vst v19  }
0x230: {  	v19 =	vld.idx.msk [tilespmem:v25+s2+$0x0], $0xffff;
	v25 =	vor.u32 v8, v24  }
0x231: {  	v26 =	vor.u32 v10, v24;
	v20 =	vld.idx.msk [tilespmem:v20+s2+$0x0], $0xffff  }
0x232: {  	v27 =	vor.u32 v11, v24;
	v21 =	vld.idx.msk [tilespmem:v21+s2+$0x0], $0xffff  }
0x233: {  	v28 =	vor.u32 v9, v24;
	v22 =	vld.idx.msk [tilespmem:v22+s2+$0x0], $0xffff  }
0x234: {  	v29 =	vor.u32 v12, v24;
	v23 =	vld.idx.msk [tilespmem:v23+s2+$0x0], $0xffff  }
0x235: {  	v30 =	vor.u32 v13, v24;
	v25 =	vld.idx.msk [tilespmem:v25+s2+$0x0], $0xffff  }
0x236: {  	v31 =	vor.u32 v14, v24;
	v26 =	vld.idx.msk [tilespmem:v26+s2+$0x0], $0xffff  }
0x237: {  	v19 =	vadd.s32 v20, v19;
	v20 =	vor.u32 v15, v24;
	v27 =	vld.idx.msk [tilespmem:v27+s2+$0x0], $0xffff  }
0x238: {  	v19 =	vadd.s32 v21, v19;
	v21 =	vor.u32 v16, v24;
	v28 =	vld.idx.msk [tilespmem:v28+s2+$0x0], $0xffff  }
0x239: {  	v19 =	vadd.s32 v22, v19;
	v22 =	vor.u32 v17, v24;
	v29 =	vld.idx.msk [tilespmem:v29+s2+$0x0], $0xffff  }
0x23a: {  	v19 =	vadd.s32 v23, v19;
	v23 =	vor.u32 v18, v24;
	v30 =	vld.idx.msk [tilespmem:v30+s2+$0x0], $0xffff  }
0x23b: {  	v24 =	vadd.s32 v25, v19;
	v19 =	vld.idx.msk [tilespmem:v31+s2+$0x0], $0xffff  }
.Ltmp13:
0x23c: {  	v24 =	vadd.s32 v26, v24;
	v20 =	vld.idx.msk [tilespmem:v20+s2+$0x0], $0xffff;
	(pc) =	sbr.rel @p1 .LBB2_20-.Ltmp13, $4  }
0x23d: {  	v24 =	vadd.s32 v27, v24;
	v21 =	vld.idx.msk [tilespmem:v21+s2+$0x0], $0xffff  }
0x23e: {  	v24 =	vadd.s32 v28, v24;
	v22 =	vld.idx.msk [tilespmem:v22+s2+$0x0], $0xffff  }
0x23f: {  	v25 =	vmov s0;
	v26 =	vadd.s32 v29, v24;
	v23 =	vld.idx.msk [tilespmem:v23+s2+$0x0], $0xffff  }
0x240: {  	s0 =	sadd.s32 $0x10, s0;
	v24 =	vshll.u32 v25, $0x4;
	v25 =	vadd.s32 v30, v26  }
0x241: {  	v24 =	vor.u32 v3, v24;
	v19 =	vadd.s32 v19, v25  }
0x242: {  	v49 =	vor.u32 v4, v24;
	v19 =	vadd.s32 v20, v19  }
0x243: {  	v20 =	vor.u32 v1, v24;
	v19 =	vadd.s32 v21, v19  }
0x244: {  	v50 =	vor.u32 v5, v24;
	v19 =	vadd.s32 v22, v19  }
0x245: {  	s0 =	sadd.s32 $0x10, s30;
	v51 =	vor.u32 v6, v24;
	v19 =	vadd.s32 v23, v19  }
0x246: {  	v52 =	vor.u32 v7, v24;
	[tilespmem:s0+$0x0] =	vst v19  }
0x247: {  	v53 =	vor.u32 v8, v24;
	v19 =	vld.idx.msk [tilespmem:v49+s2+$0x0], $0xffff  }
0x248: {  	v26 =	vor.u32 v10, v24;
	v20 =	vld.idx.msk [tilespmem:v20+s2+$0x0], $0xffff  }
0x249: {  	v27 =	vor.u32 v11, v24;
	v21 =	vld.idx.msk [tilespmem:v50+s2+$0x0], $0xffff  }
0x24a: {  	v28 =	vor.u32 v9, v24;
	v22 =	vld.idx.msk [tilespmem:v51+s2+$0x0], $0xffff  }
0x24b: {  	v29 =	vor.u32 v12, v24;
	v23 =	vld.idx.msk [tilespmem:v52+s2+$0x0], $0xffff  }
0x24c: {  	v30 =	vor.u32 v13, v24;
	v25 =	vld.idx.msk [tilespmem:v53+s2+$0x0], $0xffff  }
0x24d: {  	v31 =	vor.u32 v14, v24;
	v26 =	vld.idx.msk [tilespmem:v26+s2+$0x0], $0xffff;
	v19 =	vadd.s32 v20, v19  }
0x24e: {  	v54 =	vor.u32 v15, v24;
	v20 =	vld.idx.msk [tilespmem:v27+s2+$0x0], $0xffff;
	v19 =	vadd.s32 v21, v19  }
0x24f: {  	v56 =	vor.u32 v16, v24;
	v55 =	vld.idx.msk [tilespmem:v28+s2+$0x0], $0xffff;
	v19 =	vadd.s32 v22, v19  }
0x250: {  	v58 =	vor.u32 v17, v24;
	v57 =	vld.idx.msk [tilespmem:v29+s2+$0x0], $0xffff;
	v19 =	vadd.s32 v23, v19  }
0x251: {  	v24 =	vor.u32 v18, v24;
	v59 =	vld.idx.msk [tilespmem:v30+s2+$0x0], $0xffff;
	v19 =	vadd.s32 v25, v19  }
0x252: {  	v60 =	vld.idx.msk [tilespmem:v31+s2+$0x0], $0xffff;
	v19 =	vadd.s32 v26, v19  }
0x253: {  	v61 =	vld.idx.msk [tilespmem:v54+s2+$0x0], $0xffff;
	v19 =	vadd.s32 v20, v19  }
0x254: {  	v20 =	vld.idx.msk [tilespmem:v56+s2+$0x0], $0xffff;
	v19 =	vadd.s32 v55, v19  }
0x255: {  	v62 =	vld.idx.msk [tilespmem:v58+s2+$0x0], $0xffff;
	v19 =	vadd.s32 v57, v19  }
0x256: {  	v63 =	vld.idx.msk [tilespmem:v24+s2+$0x0], $0xffff;
	v19 =	vadd.s32 v59, v19  }
0x257: {  	v19 =	vadd.s32 v60, v19  }
0x258: {  	v19 =	vadd.s32 v61, v19  }
0x259: {  	v19 =	vadd.s32 v20, v19  }
0x25a: {  	v19 =	vadd.s32 v62, v19  }
0x25b: {  	s0 =	sadd.s32 $0x10, s0;
	v19 =	vadd.s32 v63, v19  }
.Ltmp14:
0x25c: {  	[tilespmem:s0+$0x0] =	vst v19;
	(pc) =	sbr.rel @p0 .LBB2_33-.Ltmp14, $4  }
0x25d: {  	[hbm4b:s13+s20] =	stream.strided.scatter [tilespmem:s26], [sflag:$0x3], $0x800, s21, s20, $0x38;
	[tilespmem:$0x10800] =	vst v63  }
0x25e: {  	_ =	swait.ge [sflag:s28], $0x800  }
0x25f: {  	[sflag:s28] =	ssyncset.done $0x0  }
0x260: {  	s1 =	simm.s32 $0x0;
	[sflag:s28] =	ssyncadd.s32 $0xFFFFF800  }
0x261: {  	s0 =	sshra.s32 s1, $0x2;
	s1 =	sadd.s32 $0x400, s1  }
.LBB2_23:
0x262: {  	p1 =	sne.s32 s1, $0x1FC00;
	[tilespmem:s0+$0xF0] =	vst v0  }
0x263: {  	[tilespmem:s0+$0x0] =	vst v0  }
0x264: {  	[tilespmem:s0+$0x10] =	vst v0  }
0x265: {  	[tilespmem:s0+$0x20] =	vst v0  }
0x266: {  	[tilespmem:s0+$0x30] =	vst v0  }
0x267: {  	[tilespmem:s0+$0x40] =	vst v0  }
0x268: {  	[tilespmem:s0+$0x50] =	vst v0  }
0x269: {  	[tilespmem:s0+$0x60] =	vst v0  }
0x26a: {  	[tilespmem:s0+$0x70] =	vst v0  }
0x26b: {  	[tilespmem:s0+$0x80] =	vst v0  }
0x26c: {  	[tilespmem:s0+$0x90] =	vst v0  }
.Ltmp15:
0x26d: {  	[tilespmem:s0+$0xA0] =	vst v0;
	(pc) =	sbr.rel @p1 .LBB2_23-.Ltmp15, $4  }
0x26e: {  	[tilespmem:s0+$0xB0] =	vst v0  }
0x26f: {  	[tilespmem:s0+$0xC0] =	vst v0  }
0x270: {  	[tilespmem:s0+$0xD0] =	vst v0  }
0x271: {  	[tilespmem:s0+$0xE0] =	vst v0;
	s0 =	sshra.s32 s1, $0x2;
	s1 =	sadd.s32 $0x400, s1  }
0x272: {  	[tilespmem:s0+$0xF0] =	vst v0  }
0x273: {  	[tilespmem:s0+$0x0] =	vst v0  }
0x274: {  	[tilespmem:s0+$0x10] =	vst v0  }
0x275: {  	[tilespmem:s0+$0x20] =	vst v0  }
0x276: {  	[tilespmem:s0+$0x30] =	vst v0  }
0x277: {  	[tilespmem:s0+$0x40] =	vst v0  }
0x278: {  	[tilespmem:s0+$0x50] =	vst v0  }
0x279: {  	[tilespmem:s0+$0x60] =	vst v0  }
0x27a: {  	[tilespmem:s0+$0x70] =	vst v0  }
0x27b: {  	[tilespmem:s0+$0x80] =	vst v0  }
0x27c: {  	[tilespmem:s0+$0x90] =	vst v0  }
0x27d: {  	[tilespmem:s0+$0xA0] =	vst v0  }
0x27e: {  	[tilespmem:s0+$0xB0] =	vst v0  }
0x27f: {  	[tilespmem:s0+$0xC0] =	vst v0  }
0x280: {  	[tilespmem:s0+$0xD0] =	vst v0  }
0x281: {  	[tilespmem:s0+$0xE0] =	vst v0;
	s15 =	rddreg [dreg:$0x2]  }
0x282: {  	[tilespmem:s22], [sflag:$0x1] =	stream.strided.gather [hbm4b:s15+s20], $0x4000, s21, s20, $0x38;
	[tilespmem:$0x10800] =	vst v63  }
0x283: {  	s31 =	rddreg [dreg:$0x3];
	s30 =	simm.s32 $0x0  }
0x284: {  	[tilespmem:s23], [sflag:$0x2] =	stream.strided.gather [hbm4b:s31+s20], $0x4000, s21, s20, $0x38;
	[tilespmem:$0x10800] =	vst v63  }
.LBB2_25:
0x285: {  	_ =	swait.ge [sflag:s24], $0x4000  }
0x286: {  	[sflag:s24] =	ssyncset.done $0x0  }
0x287: {  	s0 =	simm.s32 $0x8080;
	[sflag:s24] =	ssyncadd.s32 $0xFFFFC000  }
0x288: {  	v20 =	vld [tilespmem:s0+$0x30]  }
0x289: {  	v21 =	vld [tilespmem:s0+$0x40]  }
0x28a: {  	v19 =	vld [tilespmem:s0+$0xFFFFFF80]  }
0x28b: {  	v22 =	vld [tilespmem:s0+$0x70]  }
0x28c: {  	v23 =	vld [tilespmem:s0+$0xFFFFFFD0]  }
0x28d: {  	v24 =	vld [tilespmem:s0+$0xFFFFFFE0]  }
0x28e: {  	v25 =	vld [tilespmem:s0+$0xFFFFFFF0]  }
0x28f: {  	v26 =	vld [tilespmem:s0+$0x0]  }
0x290: {  	v27 =	vld [tilespmem:s0+$0x60]  }
0x291: {  	v28 =	vld [tilespmem:s0+$0x50]  }
0x292: {  	v62 =	vld [tilespmem:s0+$0xFFFFFFA0]  }
0x293: {  	v29 =	vld [tilespmem:s0+$0x20]  }
0x294: {  	v30 =	vld [tilespmem:s0+$0x10]  }
0x295: {  	v63 =	vld [tilespmem:s0+$0xFFFFFFB0]  }
0x296: {  	[tilespmem:v19+s2+$0x0] =	vst.idx.add.s32.msk $0xffff, v2  }
0x297: {  	[tilespmem:v22+s2+$0x0] =	vst.idx.add.s32.msk $0xffff, v2  }
0x298: {  	v19 =	vld [tilespmem:s0+$0xFFFFFF90]  }
0x299: {  	[tilespmem:v27+s2+$0x0] =	vst.idx.add.s32.msk $0xffff, v2  }
0x29a: {  	[tilespmem:v28+s2+$0x0] =	vst.idx.add.s32.msk $0xffff, v2  }
0x29b: {  	[tilespmem:v21+s2+$0x0] =	vst.idx.add.s32.msk $0xffff, v2  }
0x29c: {  	[tilespmem:v20+s2+$0x0] =	vst.idx.add.s32.msk $0xffff, v2  }
0x29d: {  	v20 =	vld [tilespmem:s0+$0xFFFFFFC0]  }
0x29e: {  	[tilespmem:v29+s2+$0x0] =	vst.idx.add.s32.msk $0xffff, v2  }
0x29f: {  	[tilespmem:v30+s2+$0x0] =	vst.idx.add.s32.msk $0xffff, v2  }
0x2a0: {  	[tilespmem:v26+s2+$0x0] =	vst.idx.add.s32.msk $0xffff, v2  }
0x2a1: {  	[tilespmem:v25+s2+$0x0] =	vst.idx.add.s32.msk $0xffff, v2  }
0x2a2: {  	[tilespmem:v24+s2+$0x0] =	vst.idx.add.s32.msk $0xffff, v2  }
0x2a3: {  	[tilespmem:v23+s2+$0x0] =	vst.idx.add.s32.msk $0xffff, v2  }
0x2a4: {  	[tilespmem:v63+s2+$0x0] =	vst.idx.add.s32.msk $0xffff, v2  }
0x2a5: {  	[tilespmem:v62+s2+$0x0] =	vst.idx.add.s32.msk $0xffff, v2  }
0x2a6: {  	s1 =	simm.s32 $0x0;
	[tilespmem:v20+s2+$0x0] =	vst.idx.add.s32.msk $0xffff, v2  }
.LBB2_26:
0x2a7: {  	s1 =	sadd.s32 $0x10, s1;
	[tilespmem:v19+s2+$0x0] =	vst.idx.add.s32.msk $0xffff, v2;
	s0 =	sadd.s32 $0x100, s0  }
0x2a8: {  	v20 =	vld [tilespmem:s0+$0x30];
	p1 =	slt.u32 s1, $0x3F0  }
0x2a9: {  	v21 =	vld [tilespmem:s0+$0x40]  }
0x2aa: {  	v19 =	vld [tilespmem:s0+$0xFFFFFF80]  }
0x2ab: {  	v22 =	vld [tilespmem:s0+$0x70]  }
0x2ac: {  	v23 =	vld [tilespmem:s0+$0xFFFFFFD0]  }
0x2ad: {  	v24 =	vld [tilespmem:s0+$0xFFFFFFE0]  }
0x2ae: {  	v25 =	vld [tilespmem:s0+$0xFFFFFFF0]  }
0x2af: {  	v26 =	vld [tilespmem:s0+$0x0]  }
0x2b0: {  	v27 =	vld [tilespmem:s0+$0x60]  }
0x2b1: {  	v28 =	vld [tilespmem:s0+$0x50]  }
0x2b2: {  	[tilespmem:v19+s2+$0x0] =	vst.idx.add.s32.msk $0xffff, v2  }
0x2b3: {  	[tilespmem:v22+s2+$0x0] =	vst.idx.add.s32.msk $0xffff, v2  }
0x2b4: {  	v19 =	vld [tilespmem:s0+$0xFFFFFF90]  }
0x2b5: {  	v22 =	vld [tilespmem:s0+$0xFFFFFFA0]  }
0x2b6: {  	v29 =	vld [tilespmem:s0+$0x20]  }
0x2b7: {  	v30 =	vld [tilespmem:s0+$0x10]  }
0x2b8: {  	[tilespmem:v27+s2+$0x0] =	vst.idx.add.s32.msk $0xffff, v2  }
0x2b9: {  	[tilespmem:v28+s2+$0x0] =	vst.idx.add.s32.msk $0xffff, v2  }
0x2ba: {  	[tilespmem:v21+s2+$0x0] =	vst.idx.add.s32.msk $0xffff, v2  }
0x2bb: {  	[tilespmem:v20+s2+$0x0] =	vst.idx.add.s32.msk $0xffff, v2  }
0x2bc: {  	v20 =	vld [tilespmem:s0+$0xFFFFFFC0]  }
0x2bd: {  	v21 =	vld [tilespmem:s0+$0xFFFFFFB0]  }
0x2be: {  	[tilespmem:v29+s2+$0x0] =	vst.idx.add.s32.msk $0xffff, v2  }
0x2bf: {  	[tilespmem:v30+s2+$0x0] =	vst.idx.add.s32.msk $0xffff, v2  }
0x2c0: {  	[tilespmem:v26+s2+$0x0] =	vst.idx.add.s32.msk $0xffff, v2  }
0x2c1: {  	[tilespmem:v25+s2+$0x0] =	vst.idx.add.s32.msk $0xffff, v2  }
.Ltmp16:
0x2c2: {  	[tilespmem:v24+s2+$0x0] =	vst.idx.add.s32.msk $0xffff, v2;
	(pc) =	sbr.rel @p1 .LBB2_26-.Ltmp16, $4  }
0x2c3: {  	[tilespmem:v23+s2+$0x0] =	vst.idx.add.s32.msk $0xffff, v2  }
0x2c4: {  	[tilespmem:v20+s2+$0x0] =	vst.idx.add.s32.msk $0xffff, v2  }
0x2c5: {  	[tilespmem:v21+s2+$0x0] =	vst.idx.add.s32.msk $0xffff, v2  }
0x2c6: {  	[tilespmem:v22+s2+$0x0] =	vst.idx.add.s32.msk $0xffff, v2  }
0x2c7: {  	_ = 	snop  }
0x2c8: {  	s31 =	sshll.u32 s30, $0x12;
	p1 =	seq.s32 s30, $0x3  }
0x2c9: {  	s0 =	sadd.s32 @!p1 s31, s16  }
0x2ca: {  	s1 =	simm.s32 @!p1 $0x80;
	s0 =	sshrl.u32 @!p1 s0, $0x3  }
0x2cb: {  	[tilespmem:v19+s2+$0x0] =	vst.idx.add.s32.msk $0xffff, v2;
	s14 =	simm.s32 @!p1 $0x400;
	s15 =	simm.s32 @!p1 $0x8000;
	s0 =	sadd.s32 @!p1 s3, s0  }
0x2cc: {  	[tilespmem:s15], [sflag:$0x1] =	stream.strided.gather @!p1 [hbm4b:s0+s1], $0x4000, s14, s1, $0x38;
	[tilespmem:$0x10800] =	vst v63  }
0x2cd: {  	_ =	swait.ge [sflag:s25], $0x4000  }
0x2ce: {  	[sflag:s25] =	ssyncset.done $0x0  }
0x2cf: {  	s0 =	simm.s32 $0xC080;
	[sflag:s25] =	ssyncadd.s32 $0xFFFFC000  }
0x2d0: {  	v20 =	vld [tilespmem:s0+$0x30]  }
0x2d1: {  	v21 =	vld [tilespmem:s0+$0x40]  }
0x2d2: {  	v19 =	vld [tilespmem:s0+$0xFFFFFF80]  }
0x2d3: {  	v22 =	vld [tilespmem:s0+$0x70]  }
0x2d4: {  	v23 =	vld [tilespmem:s0+$0xFFFFFFD0]  }
0x2d5: {  	v24 =	vld [tilespmem:s0+$0xFFFFFFE0]  }
0x2d6: {  	v25 =	vld [tilespmem:s0+$0xFFFFFFF0]  }
0x2d7: {  	v26 =	vld [tilespmem:s0+$0x0]  }
0x2d8: {  	v27 =	vld [tilespmem:s0+$0x60]  }
0x2d9: {  	v28 =	vld [tilespmem:s0+$0x50]  }
0x2da: {  	v62 =	vld [tilespmem:s0+$0xFFFFFFA0]  }
0x2db: {  	v29 =	vld [tilespmem:s0+$0x20]  }
0x2dc: {  	v30 =	vld [tilespmem:s0+$0x10]  }
0x2dd: {  	v63 =	vld [tilespmem:s0+$0xFFFFFFB0]  }
0x2de: {  	[tilespmem:v19+s2+$0x0] =	vst.idx.add.s32.msk $0xffff, v2  }
0x2df: {  	[tilespmem:v22+s2+$0x0] =	vst.idx.add.s32.msk $0xffff, v2  }
0x2e0: {  	v19 =	vld [tilespmem:s0+$0xFFFFFF90]  }
0x2e1: {  	[tilespmem:v27+s2+$0x0] =	vst.idx.add.s32.msk $0xffff, v2  }
0x2e2: {  	[tilespmem:v28+s2+$0x0] =	vst.idx.add.s32.msk $0xffff, v2  }
0x2e3: {  	[tilespmem:v21+s2+$0x0] =	vst.idx.add.s32.msk $0xffff, v2  }
0x2e4: {  	[tilespmem:v20+s2+$0x0] =	vst.idx.add.s32.msk $0xffff, v2  }
0x2e5: {  	v20 =	vld [tilespmem:s0+$0xFFFFFFC0]  }
0x2e6: {  	[tilespmem:v29+s2+$0x0] =	vst.idx.add.s32.msk $0xffff, v2  }
0x2e7: {  	[tilespmem:v30+s2+$0x0] =	vst.idx.add.s32.msk $0xffff, v2  }
0x2e8: {  	[tilespmem:v26+s2+$0x0] =	vst.idx.add.s32.msk $0xffff, v2  }
0x2e9: {  	[tilespmem:v25+s2+$0x0] =	vst.idx.add.s32.msk $0xffff, v2  }
0x2ea: {  	[tilespmem:v24+s2+$0x0] =	vst.idx.add.s32.msk $0xffff, v2  }
0x2eb: {  	[tilespmem:v23+s2+$0x0] =	vst.idx.add.s32.msk $0xffff, v2  }
0x2ec: {  	[tilespmem:v63+s2+$0x0] =	vst.idx.add.s32.msk $0xffff, v2  }
0x2ed: {  	[tilespmem:v62+s2+$0x0] =	vst.idx.add.s32.msk $0xffff, v2  }
0x2ee: {  	s1 =	simm.s32 $0x0;
	[tilespmem:v20+s2+$0x0] =	vst.idx.add.s32.msk $0xffff, v2  }
.LBB2_28:
0x2ef: {  	s1 =	sadd.s32 $0x10, s1;
	[tilespmem:v19+s2+$0x0] =	vst.idx.add.s32.msk $0xffff, v2;
	s0 =	sadd.s32 $0x100, s0  }
0x2f0: {  	v20 =	vld [tilespmem:s0+$0x30];
	p2 =	slt.u32 s1, $0x3F0  }
0x2f1: {  	v21 =	vld [tilespmem:s0+$0x40]  }
0x2f2: {  	v19 =	vld [tilespmem:s0+$0xFFFFFF80]  }
0x2f3: {  	v22 =	vld [tilespmem:s0+$0x70]  }
0x2f4: {  	v23 =	vld [tilespmem:s0+$0xFFFFFFD0]  }
0x2f5: {  	v24 =	vld [tilespmem:s0+$0xFFFFFFE0]  }
0x2f6: {  	v25 =	vld [tilespmem:s0+$0xFFFFFFF0]  }
0x2f7: {  	v26 =	vld [tilespmem:s0+$0x0]  }
0x2f8: {  	v27 =	vld [tilespmem:s0+$0x60]  }
0x2f9: {  	v28 =	vld [tilespmem:s0+$0x50]  }
0x2fa: {  	[tilespmem:v19+s2+$0x0] =	vst.idx.add.s32.msk $0xffff, v2  }
0x2fb: {  	[tilespmem:v22+s2+$0x0] =	vst.idx.add.s32.msk $0xffff, v2  }
0x2fc: {  	v19 =	vld [tilespmem:s0+$0xFFFFFF90]  }
0x2fd: {  	v22 =	vld [tilespmem:s0+$0xFFFFFFA0]  }
0x2fe: {  	v29 =	vld [tilespmem:s0+$0x20]  }
0x2ff: {  	v30 =	vld [tilespmem:s0+$0x10]  }
0x300: {  	[tilespmem:v27+s2+$0x0] =	vst.idx.add.s32.msk $0xffff, v2  }
0x301: {  	[tilespmem:v28+s2+$0x0] =	vst.idx.add.s32.msk $0xffff, v2  }
0x302: {  	[tilespmem:v21+s2+$0x0] =	vst.idx.add.s32.msk $0xffff, v2  }
0x303: {  	[tilespmem:v20+s2+$0x0] =	vst.idx.add.s32.msk $0xffff, v2  }
0x304: {  	v20 =	vld [tilespmem:s0+$0xFFFFFFC0]  }
0x305: {  	v21 =	vld [tilespmem:s0+$0xFFFFFFB0]  }
0x306: {  	[tilespmem:v29+s2+$0x0] =	vst.idx.add.s32.msk $0xffff, v2  }
0x307: {  	[tilespmem:v30+s2+$0x0] =	vst.idx.add.s32.msk $0xffff, v2  }
0x308: {  	[tilespmem:v26+s2+$0x0] =	vst.idx.add.s32.msk $0xffff, v2  }
0x309: {  	[tilespmem:v25+s2+$0x0] =	vst.idx.add.s32.msk $0xffff, v2  }
.Ltmp17:
0x30a: {  	[tilespmem:v24+s2+$0x0] =	vst.idx.add.s32.msk $0xffff, v2;
	(pc) =	sbr.rel @p2 .LBB2_28-.Ltmp17, $4  }
0x30b: {  	[tilespmem:v23+s2+$0x0] =	vst.idx.add.s32.msk $0xffff, v2  }
0x30c: {  	[tilespmem:v20+s2+$0x0] =	vst.idx.add.s32.msk $0xffff, v2  }
0x30d: {  	[tilespmem:v21+s2+$0x0] =	vst.idx.add.s32.msk $0xffff, v2  }
0x30e: {  	[tilespmem:v22+s2+$0x0] =	vst.idx.add.s32.msk $0xffff, v2  }
.Ltmp18:
0x30f: {  	_ = 	snop;
	(pc) =	sbr.rel @p1 .LBB2_30-.Ltmp18, $2  }
0x310: {  	_ =	sdelay $0x2  }
0x311: {  	[tilespmem:v19+s2+$0x0] =	vst.idx.add.s32.msk $0xffff, v2  }
.Ltmp19:
0x312: {  	(pc) =	sbr.rel .LBB2_25-.Ltmp19, $4  }
0x313: {  	s0 =	sadd.s32 s31, s17  }
0x314: {  	s0 =	sshrl.u32 s0, $0x3  }
0x315: {  	s30 =	sadd.s32 $0x1, s30;
	s0 =	sadd.s32 s3, s0  }
0x316: {  	[tilespmem:s23], [sflag:$0x2] =	stream.strided.gather [hbm4b:s0+s20], $0x4000, s21, s20, $0x38;
	[tilespmem:$0x10800] =	vst v63  }
.LBB2_30:
0x317: {  	s0 =	simm.s32 $0x0  }
0x318: {  	v19 =	vmov s0  }
0x319: {  	v19 =	vshll.u32 v19, $0x4  }
0x31a: {  	v19 =	vor.u32 v3, v19  }
0x31b: {  	v20 =	vor.u32 v4, v19  }
0x31c: {  	v21 =	vor.u32 v1, v19  }
0x31d: {  	v22 =	vor.u32 v5, v19  }
0x31e: {  	v23 =	vor.u32 v6, v19  }
0x31f: {  	v24 =	vor.u32 v7, v19  }
0x320: {  	v25 =	vor.u32 v8, v19;
	v20 =	vld.idx.msk [tilespmem:v20+s2+$0x0], $0xffff  }
0x321: {  	v26 =	vor.u32 v10, v19;
	v21 =	vld.idx.msk [tilespmem:v21+s2+$0x0], $0xffff  }
0x322: {  	v27 =	vor.u32 v11, v19;
	v22 =	vld.idx.msk [tilespmem:v22+s2+$0x0], $0xffff  }
0x323: {  	v28 =	vor.u32 v9, v19;
	v23 =	vld.idx.msk [tilespmem:v23+s2+$0x0], $0xffff  }
0x324: {  	v29 =	vor.u32 v12, v19;
	v24 =	vld.idx.msk [tilespmem:v24+s2+$0x0], $0xffff  }
0x325: {  	v30 =	vor.u32 v13, v19;
	v25 =	vld.idx.msk [tilespmem:v25+s2+$0x0], $0xffff  }
0x326: {  	v31 =	vor.u32 v14, v19;
	v26 =	vld.idx.msk [tilespmem:v26+s2+$0x0], $0xffff;
	v20 =	vadd.s32 v21, v20  }
0x327: {  	v21 =	vld.idx.msk [tilespmem:v27+s2+$0x0], $0xffff;
	v27 =	vor.u32 v15, v19;
	v20 =	vadd.s32 v22, v20  }
0x328: {  	v58 =	vor.u32 v16, v19;
	v22 =	vld.idx.msk [tilespmem:v28+s2+$0x0], $0xffff;
	v20 =	vadd.s32 v23, v20  }
0x329: {  	v59 =	vor.u32 v17, v19;
	v23 =	vld.idx.msk [tilespmem:v29+s2+$0x0], $0xffff;
	v20 =	vadd.s32 v24, v20  }
0x32a: {  	v19 =	vor.u32 v18, v19;
	v24 =	vld.idx.msk [tilespmem:v30+s2+$0x0], $0xffff;
	v20 =	vadd.s32 v25, v20  }
0x32b: {  	v25 =	vld.idx.msk [tilespmem:v31+s2+$0x0], $0xffff;
	v20 =	vadd.s32 v26, v20  }
0x32c: {  	v26 =	vld.idx.msk [tilespmem:v27+s2+$0x0], $0xffff;
	v20 =	vadd.s32 v21, v20  }
0x32d: {  	s15 =	simm.s32 $0x10;
	v21 =	vld.idx.msk [tilespmem:v58+s2+$0x0], $0xffff;
	v20 =	vadd.s32 v22, v20  }
0x32e: {  	v27 =	vmov s15;
	v22 =	vld.idx.msk [tilespmem:v59+s2+$0x0], $0xffff;
	v20 =	vadd.s32 v23, v20  }
0x32f: {  	v19 =	vld.idx.msk [tilespmem:v19+s2+$0x0], $0xffff;
	v23 =	vshll.u32 v27, $0x4;
	v20 =	vadd.s32 v24, v20  }
0x330: {  	v23 =	vor.u32 v3, v23;
	v20 =	vadd.s32 v25, v20  }
0x331: {  	v24 =	vor.u32 v4, v23;
	v20 =	vadd.s32 v26, v20  }
0x332: {  	v25 =	vor.u32 v1, v23;
	v20 =	vadd.s32 v21, v20  }
0x333: {  	v21 =	vor.u32 v5, v23;
	v20 =	vadd.s32 v22, v20  }
0x334: {  	s30 =	simm.s32 $0x10000;
	v22 =	vor.u32 v6, v23;
	v19 =	vadd.s32 v19, v20  }
0x335: {  	v20 =	vor.u32 v7, v23;
	[tilespmem:s30+$0x0] =	vst v19  }
0x336: {  	v19 =	vld.idx.msk [tilespmem:v24+s2+$0x0], $0xffff;
	v24 =	vor.u32 v8, v23  }
0x337: {  	v26 =	vor.u32 v10, v23;
	v25 =	vld.idx.msk [tilespmem:v25+s2+$0x0], $0xffff  }
0x338: {  	v27 =	vor.u32 v11, v23;
	v21 =	vld.idx.msk [tilespmem:v21+s2+$0x0], $0xffff  }
0x339: {  	v60 =	vor.u32 v9, v23;
	v22 =	vld.idx.msk [tilespmem:v22+s2+$0x0], $0xffff  }
0x33a: {  	v61 =	vor.u32 v12, v23;
	v20 =	vld.idx.msk [tilespmem:v20+s2+$0x0], $0xffff  }
0x33b: {  	v62 =	vor.u32 v13, v23;
	v24 =	vld.idx.msk [tilespmem:v24+s2+$0x0], $0xffff  }
0x33c: {  	v63 =	vor.u32 v14, v23;
	v26 =	vld.idx.msk [tilespmem:v26+s2+$0x0], $0xffff;
	v19 =	vadd.s32 v25, v19  }
0x33d: {  	v25 =	vld.idx.msk [tilespmem:v27+s2+$0x0], $0xffff;
	v27 =	vor.u32 v15, v23;
	v19 =	vadd.s32 v21, v19  }
0x33e: {  	v28 =	vld.idx.msk [tilespmem:v60+s2+$0x0], $0xffff;
	v21 =	vor.u32 v16, v23;
	v19 =	vadd.s32 v22, v19  }
0x33f: {  	v29 =	vld.idx.msk [tilespmem:v61+s2+$0x0], $0xffff;
	v22 =	vor.u32 v17, v23;
	v19 =	vadd.s32 v20, v19  }
0x340: {  	v30 =	vld.idx.msk [tilespmem:v62+s2+$0x0], $0xffff;
	v23 =	vor.u32 v18, v23;
	v20 =	vadd.s32 v24, v19  }
0x341: {  	v19 =	vld.idx.msk [tilespmem:v63+s2+$0x0], $0xffff;
	v24 =	vadd.s32 v26, v20  }
0x342: {  	v20 =	vld.idx.msk [tilespmem:v27+s2+$0x0], $0xffff;
	v24 =	vadd.s32 v25, v24  }
0x343: {  	s31 =	simm.s32 $0x20;
	v21 =	vld.idx.msk [tilespmem:v21+s2+$0x0], $0xffff;
	v24 =	vadd.s32 v28, v24  }
0x344: {  	v22 =	vld.idx.msk [tilespmem:v22+s2+$0x0], $0xffff;
	v25 =	vmov s31;
	v26 =	vadd.s32 v29, v24  }
0x345: {  	s0 =	simm.s32 $0x30;
	v23 =	vld.idx.msk [tilespmem:v23+s2+$0x0], $0xffff;
	v24 =	vshll.u32 v25, $0x4;
	v25 =	vadd.s32 v30, v26  }
.LBB2_31:
0x346: {  	p1 =	sne.s32 s0, $0x7F0;
	v24 =	vor.u32 v3, v24;
	v19 =	vadd.s32 v19, v25  }
0x347: {  	v25 =	vor.u32 v4, v24;
	v19 =	vadd.s32 v20, v19  }
0x348: {  	v20 =	vor.u32 v1, v24;
	v19 =	vadd.s32 v21, v19  }
0x349: {  	v21 =	vor.u32 v5, v24;
	v19 =	vadd.s32 v22, v19  }
0x34a: {  	s30 =	sadd.s32 $0x10, s30;
	v22 =	vor.u32 v6, v24;
	v19 =	vadd.s32 v23, v19  }
0x34b: {  	v23 =	vor.u32 v7, v24;
	[tilespmem:s30+$0x0] =	vst v19  }
0x34c: {  	v19 =	vld.idx.msk [tilespmem:v25+s2+$0x0], $0xffff;
	v25 =	vor.u32 v8, v24  }
0x34d: {  	v26 =	vor.u32 v10, v24;
	v20 =	vld.idx.msk [tilespmem:v20+s2+$0x0], $0xffff  }
0x34e: {  	v27 =	vor.u32 v11, v24;
	v21 =	vld.idx.msk [tilespmem:v21+s2+$0x0], $0xffff  }
0x34f: {  	v28 =	vor.u32 v9, v24;
	v22 =	vld.idx.msk [tilespmem:v22+s2+$0x0], $0xffff  }
0x350: {  	v29 =	vor.u32 v12, v24;
	v23 =	vld.idx.msk [tilespmem:v23+s2+$0x0], $0xffff  }
0x351: {  	v30 =	vor.u32 v13, v24;
	v25 =	vld.idx.msk [tilespmem:v25+s2+$0x0], $0xffff  }
0x352: {  	v31 =	vor.u32 v14, v24;
	v26 =	vld.idx.msk [tilespmem:v26+s2+$0x0], $0xffff  }
0x353: {  	v19 =	vadd.s32 v20, v19;
	v20 =	vor.u32 v15, v24;
	v27 =	vld.idx.msk [tilespmem:v27+s2+$0x0], $0xffff  }
0x354: {  	v19 =	vadd.s32 v21, v19;
	v21 =	vor.u32 v16, v24;
	v28 =	vld.idx.msk [tilespmem:v28+s2+$0x0], $0xffff  }
0x355: {  	v19 =	vadd.s32 v22, v19;
	v22 =	vor.u32 v17, v24;
	v29 =	vld.idx.msk [tilespmem:v29+s2+$0x0], $0xffff  }
0x356: {  	v19 =	vadd.s32 v23, v19;
	v23 =	vor.u32 v18, v24;
	v30 =	vld.idx.msk [tilespmem:v30+s2+$0x0], $0xffff  }
0x357: {  	v24 =	vadd.s32 v25, v19;
	v19 =	vld.idx.msk [tilespmem:v31+s2+$0x0], $0xffff  }
.Ltmp20:
0x358: {  	v24 =	vadd.s32 v26, v24;
	v20 =	vld.idx.msk [tilespmem:v20+s2+$0x0], $0xffff;
	(pc) =	sbr.rel @p1 .LBB2_31-.Ltmp20, $4  }
0x359: {  	v24 =	vadd.s32 v27, v24;
	v21 =	vld.idx.msk [tilespmem:v21+s2+$0x0], $0xffff  }
0x35a: {  	v24 =	vadd.s32 v28, v24;
	v22 =	vld.idx.msk [tilespmem:v22+s2+$0x0], $0xffff  }
0x35b: {  	v25 =	vmov s0;
	v26 =	vadd.s32 v29, v24;
	v23 =	vld.idx.msk [tilespmem:v23+s2+$0x0], $0xffff  }
0x35c: {  	s0 =	sadd.s32 $0x10, s0;
	v24 =	vshll.u32 v25, $0x4;
	v25 =	vadd.s32 v30, v26  }
0x35d: {  	v24 =	vor.u32 v3, v24;
	v19 =	vadd.s32 v19, v25  }
0x35e: {  	v49 =	vor.u32 v4, v24;
	v19 =	vadd.s32 v20, v19  }
0x35f: {  	v20 =	vor.u32 v1, v24;
	v19 =	vadd.s32 v21, v19  }
0x360: {  	v50 =	vor.u32 v5, v24;
	v19 =	vadd.s32 v22, v19  }
0x361: {  	s0 =	sadd.s32 $0x10, s30;
	v51 =	vor.u32 v6, v24;
	v19 =	vadd.s32 v23, v19  }
0x362: {  	v52 =	vor.u32 v7, v24;
	[tilespmem:s0+$0x0] =	vst v19  }
0x363: {  	v53 =	vor.u32 v8, v24;
	v19 =	vld.idx.msk [tilespmem:v49+s2+$0x0], $0xffff  }
0x364: {  	v26 =	vor.u32 v10, v24;
	v20 =	vld.idx.msk [tilespmem:v20+s2+$0x0], $0xffff  }
0x365: {  	v27 =	vor.u32 v11, v24;
	v21 =	vld.idx.msk [tilespmem:v50+s2+$0x0], $0xffff  }
0x366: {  	v28 =	vor.u32 v9, v24;
	v22 =	vld.idx.msk [tilespmem:v51+s2+$0x0], $0xffff  }
0x367: {  	v29 =	vor.u32 v12, v24;
	v23 =	vld.idx.msk [tilespmem:v52+s2+$0x0], $0xffff  }
0x368: {  	v30 =	vor.u32 v13, v24;
	v25 =	vld.idx.msk [tilespmem:v53+s2+$0x0], $0xffff  }
0x369: {  	v31 =	vor.u32 v14, v24;
	v26 =	vld.idx.msk [tilespmem:v26+s2+$0x0], $0xffff;
	v19 =	vadd.s32 v20, v19  }
0x36a: {  	v54 =	vor.u32 v15, v24;
	v20 =	vld.idx.msk [tilespmem:v27+s2+$0x0], $0xffff;
	v19 =	vadd.s32 v21, v19  }
0x36b: {  	v56 =	vor.u32 v16, v24;
	v55 =	vld.idx.msk [tilespmem:v28+s2+$0x0], $0xffff;
	v19 =	vadd.s32 v22, v19  }
0x36c: {  	v58 =	vor.u32 v17, v24;
	v57 =	vld.idx.msk [tilespmem:v29+s2+$0x0], $0xffff;
	v19 =	vadd.s32 v23, v19  }
0x36d: {  	v24 =	vor.u32 v18, v24;
	v59 =	vld.idx.msk [tilespmem:v30+s2+$0x0], $0xffff;
	v19 =	vadd.s32 v25, v19  }
0x36e: {  	v60 =	vld.idx.msk [tilespmem:v31+s2+$0x0], $0xffff;
	v19 =	vadd.s32 v26, v19  }
0x36f: {  	v61 =	vld.idx.msk [tilespmem:v54+s2+$0x0], $0xffff;
	v19 =	vadd.s32 v20, v19  }
0x370: {  	v20 =	vld.idx.msk [tilespmem:v56+s2+$0x0], $0xffff;
	v19 =	vadd.s32 v55, v19  }
0x371: {  	v62 =	vld.idx.msk [tilespmem:v58+s2+$0x0], $0xffff;
	v19 =	vadd.s32 v57, v19  }
0x372: {  	v63 =	vld.idx.msk [tilespmem:v24+s2+$0x0], $0xffff;
	v19 =	vadd.s32 v59, v19  }
0x373: {  	v19 =	vadd.s32 v60, v19  }
0x374: {  	v19 =	vadd.s32 v61, v19  }
0x375: {  	v19 =	vadd.s32 v20, v19  }
0x376: {  	v19 =	vadd.s32 v62, v19  }
0x377: {  	s0 =	sadd.s32 $0x10, s0;
	v19 =	vadd.s32 v63, v19  }
.Ltmp21:
0x378: {  	[tilespmem:s0+$0x0] =	vst v19;
	(pc) =	sbr.rel .LBB2_33-.Ltmp21, $4  }
0x379: {  	[hbm4b:s18+s20] =	stream.strided.scatter [tilespmem:s26], [sflag:$0x3], $0x800, s21, s20, $0x38;
	[tilespmem:$0x10800] =	vst v63  }
0x37a: {  	_ =	swait.ge [sflag:s28], $0x800  }
0x37b: {  	[sflag:s28] =	ssyncset.done $0x0  }
0x37c: {  	[sflag:s28] =	ssyncadd.s32 $0xFFFFF800  }
.LBB2_34:
0x37d: {  	_ =	sfence.sel $0x180000  }
0x37e: {  	[bflag:$0x0] =	sbarrier.arrive $0xFFFF  }
0x37f: {  	_ =	strace $0x90000047  }
0x380: {  	s0 =	stileid.u32;
	[bflag:$0x2] =	sbarrier.arrive $0xFFFF  }
0x381: {  	p0 =	sne.s32 s0, $0x0;
	s0 =	rddreg [dreg:$0x1]  }
0x382: {  	s0 =	sadd.s32 @!p0 $0x100000, s0  }
0x383: {  	[sflag:s0] =	ssyncadd.tile.s32 @!p0 $0x1;
	_ =	shalt  }
.Lfunc_end2:
_tile_overlayer_lowered:
.L_overlay_start_2:
0x384: {  	(tag) =	ssettag $0x2  }
0x385: {  	s0 =	rddreg [dreg:$0x0];
	s2 =	stileid.u32  }
0x386: {  	s1 =	rddreg [dreg:$0x1];
	p0 =	sne.s32 s2, $0x0  }
0x387: {  	s3 =	rddreg [dreg:$0x2];
	[bflag:$0x3] =	sbarrier.arrive $0xFFFF;
	s2 =	simm.s32 @!p0 $0x1C04  }
0x388: {  	[timem:s3], [sflag:s2] =	dma.local @!p0 [hbm:s0], s1  }
0x389: {  	s0 =	simm.s32 @!p0 $0x4  }
0x38a: {  	_ =	swait.ge @!p0 [sflag:s0], s1  }
0x38b: {  	s1 =	ssub.s32 @!p0 $0x0, s1;
	[sflag:s0] =	ssyncset.done @!p0 $0x0  }
0x38c: {  	[sflag:s0] =	ssyncadd.s32 @!p0 s1  }
0x38d: {  	[bflag:$0x3] =	sbarrier.arrive $0xFFFF  }
0x38e: {  	_ =	shalt  }

// kernel: kernel.7.cloned.1.call-start
scs
__scs_entry_jumppad:
0x0: {  	(pc) =	sbr.rel $0x88, $3  }
0x1: {  	(tag) =	ssettag $0x0;
	lr =	simm.s32 $0x1  }
0x2: {  	[smem:$0x3F9F] =	sst lr;
	_ =	strace $0xD0000000  }
0x3: {  	_ = 	snop  }
0x4: {  	_ = 	snop  }
0x5: {  	_ = 	snop  }
0x6: {  	_ = 	snop  }
0x7: {  	_ = 	snop  }
__scs_overlays_trampoline_lowered:
0x8: {  	[smem:$0x3FAE] =	sst s0  }
0x9: {  	[smem:$0x3FAF] =	sst s1  }
0xa: {  	[smem:$0x3FB0] =	sst s2  }
0xb: {  	[smem:$0x3FB1] =	sst s3  }
0xc: {  	[smem:$0x3FB2] =	sst s4  }
0xd: {  	[smem:$0x3FB3] =	sst s5  }
0xe: {  	[smem:$0x3FB4] =	sst s6  }
0xf: {  	[smem:$0x3FB5] =	sst s7  }
0x10: {  	[smem:$0x3FB6] =	sst s8  }
0x11: {  	[smem:$0x3FB7] =	sst s9;
	s0 =	simm.s32 @!p0 $0x0  }
0x12: {  	s1 =	sld [smem:$0x3F9D];
	s0 =	simm.s32 @p0 $0x1  }
0x13: {  	[smem:$0x3FB8] =	sst s0;
	s0 =	simm.s32 @!p1 $0x0  }
0x14: {  	s2 =	sld [smem:$0x3F9C];
	s0 =	simm.s32 @p1 $0x1  }
0x15: {  	[smem:$0x3FB9] =	sst s0;
	s0 =	simm.s32 @!p2 $0x0  }
0x16: {  	s3 =	sld [smem:$0x3FDB];
	s0 =	simm.s32 @p2 $0x1  }
0x17: {  	s4 =	simm.s32 $0x1BF5;
	[smem:$0x3FBB] =	sst s0  }
0x18: {  	s0 =	sld [smem:$0x3F9E];
	_ =	swait.ge [sflag:s4], $0x0  }
0x19: {  	s7 =	sld [smem:$0x3F9F]  }
0x1a: {  	s8 =	sadd.s32 $0xFFFFE003, lr  }
0x1b: {  	s9 =	sadd.s32 $0xFFFFFEF7, lr;
	s5 =	simm.s32 $0xFFFFFFFF;
	p2 =	slt.u32 s8, $0xFFFFF086  }
0x1c: {  	p1 =	slt.u32 s9, $0xF7A;
	s5 =	simm.s32 @!p2 $0x0  }
0x1d: {  	s5 =	simm.s32 @p1 $0x1;
	p0 =	seq.s32 s7, s2  }
0x1e: {  	s7 =	smul.u32 @!p0 $0xF7A, s2;
	p2 =	seq.s32 @!p0 s5, $0x0  }
0x1f: {  	s9 =	smul.u32 $0xF7A, s1;
	s8 =	simm.s32 @!p0 $0x1BF5;
	p2 =	por !p2, p0  }
0x20: {  	[sflag:s8] =	ssyncset.s32 @!p0 $0xFFFFF086;
	s6 =	sadd.s32 @!p0 s3, s7;
	s7 =	simm.s32 @!p0 $0x108  }
0x21: {  	s3 =	sadd.s32 s3, s9;
	s6 =	sadd.s32 @!p0 $0x88, s6;
	s7 =	simm.s32 @p2 $0x1082  }
0x22: {  	[simem:s7], [sflag:s8] =	dma.local @!p0 [hbm:s6], $0xF7A  }
0x23: {  	s9 =	sor.u32 $0xD0000000, s2;
	s6 =	simm.s32 $0x108;
	_ =	swait.ge @!p0 [sflag:s8], $0x0  }
0x24: {  	s3 =	sadd.s32 $0x88, s3;
	s6 =	simm.s32 @!p1 $0x1082;
	[sflag:s4] =	ssyncset.s32 $0xFFFFF086  }
0x25: {  	[simem:s6], [sflag:s4] =	dma.local [hbm:s3], $0xF7A  }
0x26: {  	[smem:$0x3F9F] =	sst s1;
	(tag) =	ssettag s2;
	_ =	strace s9  }
0x27: {  	s1 =	sld [smem:$0x3FAF]  }
0x28: {  	s2 =	sld [smem:$0x3FB0]  }
0x29: {  	s4 =	sld [smem:$0x3FB2]  }
0x2a: {  	p0 =	seq.s32 s5, $0x0;
	s5 =	sld [smem:$0x3FB3]  }
0x2b: {  	s6 =	sld [smem:$0x3FB4]  }
0x2c: {  	s7 =	sld [smem:$0x3FB5]  }
0x2d: {  	s3 =	simm.s32 $0x108;
	s8 =	sld [smem:$0x3FB6]  }
0x2e: {  	s3 =	simm.s32 @!p0 $0x1082;
	s9 =	sld [smem:$0x3FB7]  }
0x2f: {  	lr =	sadd.s32 s0, s3;
	s0 =	sld [smem:$0x3FAE]  }
0x30: {  	s3 =	sld [smem:$0x3FB1]  }
0x31: {  	[smem:$0x3FBA] =	sst s10  }
0x32: {  	s10 =	sld [smem:$0x3FB8];
	_ =	sdelay $0x3  }
0x33: {  	p0 =	seq.s32 s10, $0x1;
	s10 =	sld [smem:$0x3FBA];
	_ =	sdelay $0x3  }
0x34: {  	[smem:$0x3FBA] =	sst s10  }
0x35: {  	s10 =	sld [smem:$0x3FB9];
	_ =	sdelay $0x3  }
0x36: {  	p1 =	seq.s32 s10, $0x1;
	s10 =	sld [smem:$0x3FBA];
	_ =	sdelay $0x3  }
0x37: {  	[smem:$0x3FBA] =	sst s10  }
0x38: {  	s10 =	sld [smem:$0x3FBB]  }
0x39: {  	_ = 	snop;
	(pc) =	sbr.ind lr, $3  }
0x3a: {  	_ = 	snop  }
0x3b: {  	_ = 	snop  }
0x3c: {  	p2 =	seq.s32 s10, $0x1;
	s10 =	sld [smem:$0x3FBA]  }
0x3d: {  	_ =	shalt  }
0x3e: {  	_ =	shalt  }
0x3f: {  	_ =	shalt  }
0x40: {  	_ =	shalt  }
0x41: {  	_ =	shalt  }
0x42: {  	_ =	shalt  }
0x43: {  	_ =	shalt  }
0x44: {  	_ =	shalt  }
0x45: {  	_ =	shalt  }
0x46: {  	_ =	shalt  }
0x47: {  	_ =	shalt  }
0x48: {  	_ =	shalt  }
0x49: {  	_ =	shalt  }
0x4a: {  	_ =	shalt  }
0x4b: {  	_ =	shalt  }
0x4c: {  	_ =	shalt  }
0x4d: {  	_ =	shalt  }
0x4e: {  	_ =	shalt  }
0x4f: {  	_ =	shalt  }
0x50: {  	_ =	shalt  }
0x51: {  	_ =	shalt  }
0x52: {  	_ =	shalt  }
0x53: {  	_ =	shalt  }
0x54: {  	_ =	shalt  }
0x55: {  	_ =	shalt  }
0x56: {  	_ =	shalt  }
0x57: {  	_ =	shalt  }
0x58: {  	_ =	shalt  }
0x59: {  	_ =	shalt  }
0x5a: {  	_ =	shalt  }
0x5b: {  	_ =	shalt  }
0x5c: {  	_ =	shalt  }
0x5d: {  	_ =	shalt  }
0x5e: {  	_ =	shalt  }
0x5f: {  	_ =	shalt  }
0x60: {  	_ =	shalt  }
0x61: {  	_ =	shalt  }
0x62: {  	_ =	shalt  }
0x63: {  	_ =	shalt  }
0x64: {  	_ =	shalt  }
0x65: {  	_ =	shalt  }
0x66: {  	_ =	shalt  }
0x67: {  	_ =	shalt  }
0x68: {  	_ =	shalt  }
0x69: {  	_ =	shalt  }
0x6a: {  	_ =	shalt  }
0x6b: {  	_ =	shalt  }
0x6c: {  	_ =	shalt  }
0x6d: {  	_ =	shalt  }
0x6e: {  	_ =	shalt  }
0x6f: {  	_ =	shalt  }
0x70: {  	_ =	shalt  }
0x71: {  	_ =	shalt  }
0x72: {  	_ =	shalt  }
0x73: {  	_ =	shalt  }
0x74: {  	_ =	shalt  }
0x75: {  	_ =	shalt  }
0x76: {  	_ =	shalt  }
0x77: {  	_ =	shalt  }
0x78: {  	_ =	shalt  }
0x79: {  	_ =	shalt  }
0x7a: {  	_ =	shalt  }
0x7b: {  	_ =	shalt  }
0x7c: {  	_ =	shalt  }
0x7d: {  	_ =	shalt  }
0x7e: {  	_ =	shalt  }
0x7f: {  	_ =	shalt  }
0x80: {  	_ =	shalt  }
0x81: {  	_ =	shalt  }
0x82: {  	_ =	shalt  }
0x83: {  	_ =	shalt  }
0x84: {  	_ =	shalt  }
0x85: {  	_ =	shalt  }
0x86: {  	_ =	shalt  }
0x87: {  	_ =	shalt  }
.Lfunc_end0:
.L_simem_size_0:
called_computation_lowered:
.L_overlay_start_0:
0x88: {  	s2 =	sld [smem:$0x3FD9]  }
0x89: {  	s3 =	sld [smem:$0x3FFE];
	_ =	sdelay $0x1  }
0x8a: {  	s1 =	srdreg.scid  }
0x8b: {  	s0 =	sand.u32 $0x1, s1  }
0x8c: {  	s17 =	sshll.u32 s0, $0xA;
	s2 =	sadd.s32 s3, s2  }
0x8d: {  	s2 =	sadd.s32 s2, s17  }
0x8e: {  	[smem:$0x3FC6] =	sst s2  }
0x8f: {  	_ = 	snop  }
0x90: {  	(tm) =	ssettm $0x1  }
0x91: {  	s18 =	sld [smem:$0x3FFB];
	_ =	sdelay $0x3  }
0x92: {  	_ =	strace s18  }
0x93: {  	s2 =	sld [smem:$0x3FFC];
	_ =	sdelay $0x3  }
0x94: {  	_ =	strace s2  }
0x95: {  	s2 =	sld [smem:$0x3FFD];
	_ =	sdelay $0x3  }
0x96: {  	_ =	strace s2  }
0x97: {  	_ =	strace $0x8FFFFFFF  }
0x98: {  	s19 =	sld [smem:$0x3FDB];
	_ =	sdelay $0x1  }
0x99: {  	s20 =	simm.s32 $_scs_section_size  }
0x9a: {  	s4 =	simm.s32 $_size__tile_overlayer_lowered;
	s5 =	simm.s32 $_tile_overlayer_lowered  }
0x9b: {  	s6 =	simm.s32 $0x1BFF;
	s21 =	sshll.u32 s5, $0x1;
	s3 =	sadd.s32 s20, s19  }
0x9c: {  	s22 =	simm.s32 $0x0;
	s4 =	sshll.u32 s4, $0x1;
	s5 =	sadd.s32 s21, s3  }
0x9d: {  	[timem:s22], [sflag:s6] =	dma.local [hbm:s5], s4  }
0x9e: {  	_ =	swait.ge [sflag:s6], s4  }
0x9f: {  	s4 =	ssub.s32 $0x0, s4;
	[sflag:s6] =	ssyncset.done $0x0  }
0xa0: {  	[sflag:s6] =	ssyncadd.s32 s4;
	_ =	sdelay $0x1  }
0xa1: {  	s23 =	simm.s32 $0x1B8B  }
0xa2: {  	_ =	swait.ge [sflag:s23], $0x1  }
0xa3: {  	[sflag:s23] =	ssyncset.done $0x0  }
0xa4: {  	[sflag:s23] =	ssyncadd.s32 $0xFFFFFFFF  }
0xa5: {  	s4 =	sld [smem:$0x0]  }
0xa6: {  	s5 =	sand.u32 $0xFFFFFFFE, s1  }
0xa7: {  	p0 =	sne.s32 s1, s5  }
0xa8: {  	s5 =	sshll.u32 @p0 s5, $0xE  }
0xa9: {  	s5 =	sadd.s32 @p0 $0x11B8D, s5;
	s6 =	sshll.u32 @p0 s4, $0x11  }
0xaa: {  	s5 =	sor.u32 @p0 s6, s5  }
0xab: {  	[sflag:s5] =	ssyncadd.remote.s32 @p0 $0x1;
	_ =	sdelay $0x1  }
0xac: {  	s5 =	simm.s32 @p0 $0x1B8D  }
0xad: {  	_ =	swait.eq @p0 [sflag:s5], $0x1  }
0xae: {  	[sflag:s5] =	ssyncadd.s32 @p0 $0xFFFFFFFF  }
0xaf: {  	s6 =	sshll.u32 @!p0 s1, $0xE  }
0xb0: {  	s6 =	sor.u32 @!p0 $0x4000, s6;
	s5 =	simm.s32 @!p0 $0x1B8D  }
0xb1: {  	s4 =	sshll.u32 @!p0 s4, $0x11;
	s6 =	sadd.s32 @!p0 $0x11B8D, s6;
	_ =	swait.eq @!p0 [sflag:s5], $0x1  }
0xb2: {  	s4 =	sor.u32 @!p0 s4, s6;
	[sflag:s5] =	ssyncadd.s32 @!p0 $0xFFFFFFFF  }
0xb3: {  	s25 =	simm.s32 $0x1B8E;
	s24 =	sld [smem:$0x3FFE];
	[sflag:s4] =	ssyncadd.remote.s32 @!p0 $0x1  }
0xb4: {  	s26 =	simm.s32 $execute0_lowered;
	[smem:$0x3FD2] =	sst s25  }
0xb5: {  	s5 =	sshll.u32 s26, $0x1;
	_ =	strace $0x80000049;
	[dreg:$0x1] =	wrdreg $0xFFFFFFFF  }
0xb6: {  	s28 =	simm.s32 $_size_execute0_lowered;
	s3 =	sadd.s32 s3, s5;
	[dreg:$0x0] =	wrdreg $0x0  }
0xb7: {  	s5 =	sshll.u32 s28, $0x1;
	[dreg:$0x2] =	wrdreg s3  }
0xb8: {  	[dreg:$0x3] =	wrdreg s5  }
0xb9: {  	[dreg:$0x4] =	wrdreg $0xC0  }
0xba: {  	_ =	task [dreg:s22], $0x5FFFF  }
0xbb: {  	[dreg:$0x1] =	wrdreg $0xFFFFFFFF  }
0xbc: {  	[dreg:$0x0] =	wrdreg $0x60  }
0xbd: {  	[dreg:$0x2] =	wrdreg s24  }
0xbe: {  	[dreg:$0x3] =	wrdreg $0x9  }
0xbf: {  	_ =	task.clear_ibuf [dreg:s22], $0x4FFFF;
	_ =	strace $0x90000049  }
0xc0: {  	s29 =	simm.s32 $0x9;
	_ =	strace $0x8000004B  }
0xc1: {  	_ =	swait.ge [sflag:s29], $0x1  }
0xc2: {  	[sflag:s29] =	ssyncadd.s32 $0xFFFFFFFF  }
0xc3: {  	_ =	strace $0x9000004B  }
0xc4: {  	_ =	sfence  }
0xc5: {  	s30 =	sld [smem:$0x0];
	_ =	sdelay $0x2  }
0xc6: {  	s31 =	sshll.u32 s1, $0xD;
	s1 =	sshrl.u32 s1, $0x2  }
0xc7: {  	s4 =	sand.u32 $0x4000, s31;
	s1 =	sadd.s32 s1, s30  }
0xc8: {  	s0 =	sor.u32 s4, s0;
	s1 =	sshll.u32 s1, $0x11  }
0xc9: {  	s0 =	sor.u32 s1, s0  }
0xca: {  	s0 =	sadd.s32 $0x8F2B, s0  }
0xcb: {  	[sflag:s0] =	ssyncadd.remote.s32 $0x1  }
0xcc: {  	_ =	sfence.sel $0xFFFF  }
0xcd: {  	[dreg:$0x0] =	wrdreg $0xFFFFFFFF;
	(pc) =	sbr.abs _section_cstart, $3  }
0xce: {  	[dreg:$0x1] =	wrdreg $0xFFFFFFFF  }
0xcf: {  	_ =	task.clear_ibuf [dreg:s22], $0x2FFFF;
	_ =	strace $0x9FFFFFFF  }
0xd0: {  	(tm) =	ssettm $0x7FFFFFFF  }
0xd1: {  	_ =	shalt  }
tec
execute0_lowered:
.L_overlay_start_1:
0x0: {  	(tag) =	ssettag $0x1  }
0x1: {  	s0 =	rddreg [dreg:$0x0]  }
0x2: {  	s2 =	simm.s32 $0x0;
	s1 =	srdreg.scid;
	s26 =	stileid.u32  }
0x3: {  	s28 =	simm.s32 $0x3;
	s29 =	simm.s32 $0x0;
	[smem:$0x7FF] =	sst s2  }
0x4: {  	s1 =	sand.u32 $0x1, s1;
	s3 =	sadd.s32 $0x186600, s0;
	s18 =	sadd.s32 $0x306600, s0  }
0x5: {  	s5 =	sshll.u32 s26, $0x1;
	s15 =	sadd.s32 $0x18A600, s0;
	s31 =	sshll.u32 s26, $0xC  }
0x6: {  	_ =	strace $0x8000004A;
	s4 =	ssub.s32 $0x2, s1;
	s1 =	sor.u32 s1, s5  }
0x7: {  	s6 =	sshrl.u32 s4, $0x1;
	s20 =	sadd.s32 $0xFFFFFFEB, s1;
	s11 =	sor.u32 $0x20, s1  }
0x8: {  	p0 =	sgt.u32 s1, $0x14;
	s13 =	sor.u32 $0x40, s1;
	s19 =	ssub.s32 s4, s6  }
0x9: {  	v2 =	vimm.s32 $0xFEDCBA9;
	s4 =	smin.u32 s1, s20;
	s21 =	sand.u32 $0xFF, s11;
	s6 =	simm.s32 $0x300000  }
0xa: {  	v5 =	vimm.s32 $0x87654321;
	v6 =	vimm.s32 $0x98765432;
	s24 =	sand.u32 $0xFF, s13;
	s1 =	sshll.u32 s1, $0x7;
	s7 =	sshll.u32 s4, $0x11  }
0xb: {  	v7 =	vimm.s32 $0x210FEDCB;
	v8 =	vimm.s32 $0xA9876543;
	s5 =	smul.u32 $0x87, s21;
	s6 =	simm.s32 @!p0 $0x0;
	s4 =	sshll.u32 s4, $0x7  }
0xc: {  	v18 =	vimm.s32 $0xCBA98765;
	v20 =	vimm.s32 $0x6543210F;
	s9 =	smul.u32 $0x87, s24;
	s19 =	smax.u32 s19, $0x1;
	p0 =	sgt.u32 s26, $0x9  }
0xd: {  	v0 =	vimm.s32 $0x0;
	v1 =	vlaneseq.u32;
	v21 =	vimm.s32 $0xEDCBA987;
	s26 =	simm.s32 $0x10000;
	s7 =	sand.u32 $0x300000, s7;
	s4 =	sand.u32 $0x380, s4  }
0xe: {  	v22 =	vimm.s32 $0xFEDCBA98;
	v23 =	vimm.s32 $0x76543210;
	v4 =	vunpack.c.l.s4.s8 v2;
	s6 =	sadd.s32 s6, s7;
	s8 =	sshrl.u32 s5, $0x8;
	s30 =	sshrl.u32 s9, $0x8  }
0xf: {  	v2 =	vimm.s32 $0x1;
	v3 =	vmul.u32 $0x10, v1;
	v6 =	vunpack.c.l.s4.s8 v6;
	s9 =	sand.u32 $0xC000, s31;
	s7 =	sor.u32 s4, s6;
	s22 =	ssub.s32 s11, s8  }
0x10: {  	v7 =	vunpack.c.l.s4.s8 v7;
	v20 =	vunpack.c.l.s4.s8 v20;
	v21 =	vunpack.c.l.s4.s8 v21;
	s16 =	ssub.s32 s13, s30;
	s23 =	sand.u32 $0xFE, s22;
	s25 =	sshrl.u32 s7, $0x3  }
0x11: {  	v22 =	vunpack.c.l.s4.s8 v22;
	v10 =	vunpack.c.0.s8.s32 v4;
	v4 =	vunpack.c.l.s4.s8 v5;
	s6 =	sor.u32 $0x40000, s7;
	s14 =	sand.u32 $0xFE, s16;
	s0 =	sshrl.u32 s23, $0x1  }
0x12: {  	v5 =	vimm.s32 $0x10FEDCBA;
	v13 =	vunpack.c.0.s8.s32 v6;
	v14 =	vunpack.c.0.s8.s32 v7;
	s7 =	sor.u32 $0x60000, s7;
	s16 =	sshll.u32 s11, $0xB;
	s0 =	sadd.s32 s8, s0  }
0x13: {  	v20 =	vunpack.c.0.s8.s32 v20;
	v21 =	vunpack.c.0.s8.s32 v21;
	v5 =	vunpack.c.l.s4.s8 v5;
	s4 =	sadd.s32 s3, s25;
	s5 =	sadd.s32 s25, s15;
	s0 =	sand.u32 $0xF0, s0  }
0x14: {  	v22 =	vunpack.c.0.s8.s32 v22;
	v11 =	vunpack.c.0.s8.s32 v4;
	v4 =	vunpack.c.l.s4.s8 v8;
	s17 =	sshrl.u32 s14, $0x1;
	s16 =	sand.u32 $0x1C000, s16;
	s10 =	sshrl.u32 s0, $0x4  }
0x15: {  	v26 =	vcombine.low v21, v20;
	v12 =	vunpack.c.0.s8.s32 v5;
	v5 =	vimm.s32 $0x3210FEDC;
	s0 =	sand.u32 $0x380, s1;
	s1 =	sadd.s32 s30, s17;
	s12 =	smul.u32 $0x15, s10  }
0x16: {  	v22 =	vand.u32 $0xF, v22;
	v15 =	vunpack.c.0.s8.s32 v4;
	v4 =	vunpack.c.l.s4.s8 v5;
	s17 =	sshll.u32 s13, $0xB;
	s9 =	sor.u32 s9, s0;
	s20 =	smul.u32 $0x300000, s10  }
0x17: {  	v5 =	vimm.s32 $0xBA987654;
	v6 =	vcombine.low v11, v10;
	v63 =	vcombine.low v10, v11;
	s1 =	sand.u32 $0xF0, s1;
	s24 =	sor.u32 s0, s16;
	s17 =	sand.u32 $0x2C000, s17  }
0x18: {  	v11 =	vand.u32 $0xF, v26;
	v7 =	vcombine.low v13, v12;
	v5 =	vunpack.c.l.s4.s8 v5;
	s1 =	sshrl.u32 s1, $0x4;
	s9 =	sshrl.u32 s9, $0x3;
	s12 =	ssub.s32 s11, s12  }
0x19: {  	v13 =	vcombine.low v12, v13;
	v8 =	vcombine.low v15, v14;
	v16 =	vunpack.c.0.s8.s32 v4;
	s0 =	sor.u32 s0, s17;
	s1 =	smul.u32 $0x15, s1;
	s21 =	sshll.u32 s12, $0x11  }
0x1a: {  	v4 =	vimm.s32 $0x43210FED;
	v14 =	vcombine.low v14, v15;
	v17 =	vunpack.c.0.s8.s32 v5;
	s0 =	sshrl.u32 s0, $0x3;
	s12 =	sshll.u32 s12, $0x7;
	s10 =	sand.u32 $0x300000, s21  }
0x1b: {  	v9 =	vunpack.c.l.s4.s8 v4;
	v5 =	vand.u32 $0xF, v7;
	v7 =	vunpack.c.l.s4.s8 v18;
	s22 =	sand.u32 $0x380, s12;
	s1 =	ssub.s32 s13, s1;
	s21 =	simm.s32 $0x400  }
0x1c: {  	v12 =	vand.u32 $0xF, v63;
	v4 =	vand.u32 $0xF, v6;
	v13 =	vand.u32 $0xF, v13;
	s8 =	sadd.s32 s20, s10;
	s23 =	sand.u32 $0x7, s1;
	s1 =	sshll.u32 s1, $0x11  }
0x1d: {  	v6 =	vand.u32 $0xF, v8;
	v18 =	vunpack.c.0.s8.s32 v9;
	v19 =	vunpack.c.0.s8.s32 v7;
	s20 =	simm.s32 $0x80;
	s12 =	sor.u32 s22, s8;
	s8 =	sadd.s32 s18, s9  }
0x1e: {  	v7 =	vimm.s32 $0x543210FE;
	v9 =	vimm.s32 $0xDCBA9876;
	v15 =	vcombine.low v16, v17;
	s14 =	sshll.u32 s23, $0x7;
	s22 =	simm.s32 $0x8000;
	s23 =	simm.s32 $0xC000  }
0x1f: {  	v14 =	vand.u32 $0xF, v14;
	v7 =	vunpack.c.l.s4.s8 v7;
	v9 =	vunpack.c.l.s4.s8 v9;
	s10 =	sshrl.u32 s12, $0x3;
	s11 =	sor.u32 $0x40000, s12;
	s1 =	sor.u32 s14, s1  }
0x20: {  	v8 =	vcombine.low v17, v16;
	v16 =	vcombine.low v18, v19;
	v15 =	vand.u32 $0xF, v15;
	s12 =	sor.u32 $0x60000, s12;
	s14 =	sshrl.u32 s24, $0x3;
	s1 =	sand.u32 $0x300380, s1  }
.Ltmp0:
0x21: {  	v24 =	vunpack.c.0.s8.s32 v7;
	v25 =	vunpack.c.0.s8.s32 v9;
	v9 =	vunpack.c.l.s4.s8 v23;
	s24 =	simm.s32 $0x1;
	s25 =	sadd.s32 $0x900000, s1;
	(pc) =	sbr.rel .LBB2_1-.Ltmp0, $4  }
0x22: {  	v7 =	vand.u32 $0xF, v8;
	v8 =	vcombine.low v19, v18;
	v18 =	vcombine.low v20, v21;
	s9 =	sadd.s32 s3, s10;
	s10 =	sadd.s32 s10, s15;
	s16 =	sshrl.u32 s25, $0x3  }
0x23: {  	v9 =	vunpack.c.0.s8.s32 v9;
	v62 =	vcombine.low v25, v24;
	v17 =	vcombine.low v24, v25;
	s13 =	sadd.s32 s18, s14;
	s18 =	sadd.s32 s18, s0;
	s30 =	sadd.s32 s3, s16  }
0x24: {  	v16 =	vand.u32 $0xF, v16;
	v8 =	vand.u32 $0xF, v8;
	v18 =	vand.u32 $0xF, v18;
	s17 =	sadd.s32 $0x960000, s1;
	s31 =	sadd.s32 s16, s15;
	[dreg:$0x2] =	wrdreg s30  }
0x25: {  	v9 =	vcombine.low v22, v9;
	v10 =	vand.u32 $0xF, v62;
	v17 =	vand.u32 $0xF, v17;
	s25 =	simm.s32 $0x2;
	s16 =	sadd.s32 $0x940000, s1;
	[dreg:$0x3] =	wrdreg s31  }
.LBB2_33:
0x26: {  	s29 =	sadd.s32 $0x1, s29  }
0x27: {  	p1 =	sne.s32 s29, s19  }
.Ltmp1:
0x28: {  	_ = 	snop;
	(pc) =	sbr.rel @!p1 .LBB2_34-.Ltmp1, $1  }
0x29: {  	_ =	sdelay $0x3  }
.LBB2_1:
0x2a: {  	s0 =	simm.s32 $0x0;
	s1 =	simm.s32 $0x400  }
.LBB2_2:
0x2b: {  	p1 =	sne.s32 s1, $0x1FC00;
	[tilespmem:s0+$0xF0] =	vst v0  }
0x2c: {  	[tilespmem:s0+$0x0] =	vst v0  }
0x2d: {  	[tilespmem:s0+$0x10] =	vst v0  }
0x2e: {  	[tilespmem:s0+$0x20] =	vst v0  }
0x2f: {  	[tilespmem:s0+$0x30] =	vst v0  }
0x30: {  	[tilespmem:s0+$0x40] =	vst v0  }
0x31: {  	[tilespmem:s0+$0x50] =	vst v0  }
0x32: {  	[tilespmem:s0+$0x60] =	vst v0  }
0x33: {  	[tilespmem:s0+$0x70] =	vst v0  }
0x34: {  	[tilespmem:s0+$0x80] =	vst v0  }
0x35: {  	[tilespmem:s0+$0x90] =	vst v0  }
.Ltmp2:
0x36: {  	[tilespmem:s0+$0xA0] =	vst v0;
	(pc) =	sbr.rel @p1 .LBB2_2-.Ltmp2, $4  }
0x37: {  	[tilespmem:s0+$0xB0] =	vst v0  }
0x38: {  	[tilespmem:s0+$0xC0] =	vst v0  }
0x39: {  	[tilespmem:s0+$0xD0] =	vst v0  }
0x3a: {  	[tilespmem:s0+$0xE0] =	vst v0;
	s0 =	sshra.s32 s1, $0x2;
	s1 =	sadd.s32 $0x400, s1  }
0x3b: {  	[tilespmem:s0+$0xF0] =	vst v0  }
0x3c: {  	[tilespmem:s0+$0x0] =	vst v0  }
0x3d: {  	[tilespmem:s0+$0x10] =	vst v0  }
0x3e: {  	[tilespmem:s0+$0x20] =	vst v0  }
0x3f: {  	[tilespmem:s0+$0x30] =	vst v0  }
0x40: {  	[tilespmem:s0+$0x40] =	vst v0  }
0x41: {  	[tilespmem:s0+$0x50] =	vst v0  }
0x42: {  	[tilespmem:s0+$0x60] =	vst v0  }
0x43: {  	[tilespmem:s0+$0x70] =	vst v0  }
0x44: {  	[tilespmem:s0+$0x80] =	vst v0  }
0x45: {  	[tilespmem:s0+$0x90] =	vst v0  }
0x46: {  	[tilespmem:s0+$0xA0] =	vst v0  }
0x47: {  	[tilespmem:s0+$0xB0] =	vst v0  }
0x48: {  	[tilespmem:s0+$0xC0] =	vst v0  }
0x49: {  	[tilespmem:s0+$0xD0] =	vst v0  }
0x4a: {  	[tilespmem:s0+$0xE0] =	vst v0  }
0x4b: {  	[tilespmem:s22], [sflag:$0x1] =	stream.strided.gather [hbm4b:s4+s20], $0x4000, s21, s20, $0x38;
	[tilespmem:$0x10800] =	vst v63  }
0x4c: {  	s30 =	simm.s32 $0x0  }
0x4d: {  	[tilespmem:s23], [sflag:$0x2] =	stream.strided.gather [hbm4b:s5+s20], $0x4000, s21, s20, $0x38;
	[tilespmem:$0x10800] =	vst v63  }
.LBB2_4:
0x4e: {  	_ =	swait.ge [sflag:s24], $0x4000  }
0x4f: {  	[sflag:s24] =	ssyncset.done $0x0  }
0x50: {  	s31 =	simm.s32 $0x8080;
	[sflag:s24] =	ssyncadd.s32 $0xFFFFC000  }
0x51: {  	v20 =	vld [tilespmem:s31+$0x30]  }
0x52: {  	v21 =	vld [tilespmem:s31+$0x40]  }
0x53: {  	v19 =	vld [tilespmem:s31+$0xFFFFFF80]  }
0x54: {  	v22 =	vld [tilespmem:s31+$0x70]  }
0x55: {  	v23 =	vld [tilespmem:s31+$0xFFFFFFD0]  }
0x56: {  	v24 =	vld [tilespmem:s31+$0xFFFFFFE0]  }
0x57: {  	v25 =	vld [tilespmem:s31+$0xFFFFFFF0]  }
0x58: {  	v26 =	vld [tilespmem:s31+$0x0]  }
0x59: {  	v27 =	vld [tilespmem:s31+$0x60]  }
0x5a: {  	v28 =	vld [tilespmem:s31+$0x50]  }
0x5b: {  	v62 =	vld [tilespmem:s31+$0xFFFFFFA0]  }
0x5c: {  	v29 =	vld [tilespmem:s31+$0x20]  }
0x5d: {  	v30 =	vld [tilespmem:s31+$0x10]  }
0x5e: {  	v63 =	vld [tilespmem:s31+$0xFFFFFFB0]  }
0x5f: {  	[tilespmem:v19+s2+$0x0] =	vst.idx.add.s32.msk $0xffff, v2  }
0x60: {  	[tilespmem:v22+s2+$0x0] =	vst.idx.add.s32.msk $0xffff, v2  }
0x61: {  	v19 =	vld [tilespmem:s31+$0xFFFFFF90]  }
0x62: {  	[tilespmem:v27+s2+$0x0] =	vst.idx.add.s32.msk $0xffff, v2  }
0x63: {  	[tilespmem:v28+s2+$0x0] =	vst.idx.add.s32.msk $0xffff, v2  }
0x64: {  	[tilespmem:v21+s2+$0x0] =	vst.idx.add.s32.msk $0xffff, v2  }
0x65: {  	[tilespmem:v20+s2+$0x0] =	vst.idx.add.s32.msk $0xffff, v2  }
0x66: {  	v20 =	vld [tilespmem:s31+$0xFFFFFFC0]  }
0x67: {  	[tilespmem:v29+s2+$0x0] =	vst.idx.add.s32.msk $0xffff, v2  }
0x68: {  	[tilespmem:v30+s2+$0x0] =	vst.idx.add.s32.msk $0xffff, v2  }
0x69: {  	[tilespmem:v26+s2+$0x0] =	vst.idx.add.s32.msk $0xffff, v2  }
0x6a: {  	[tilespmem:v25+s2+$0x0] =	vst.idx.add.s32.msk $0xffff, v2  }
0x6b: {  	[tilespmem:v24+s2+$0x0] =	vst.idx.add.s32.msk $0xffff, v2  }
0x6c: {  	[tilespmem:v23+s2+$0x0] =	vst.idx.add.s32.msk $0xffff, v2  }
0x6d: {  	[tilespmem:v63+s2+$0x0] =	vst.idx.add.s32.msk $0xffff, v2  }
0x6e: {  	[tilespmem:v62+s2+$0x0] =	vst.idx.add.s32.msk $0xffff, v2  }
0x6f: {  	s0 =	simm.s32 $0x0;
	[tilespmem:v20+s2+$0x0] =	vst.idx.add.s32.msk $0xffff, v2  }
.LBB2_5:
0x70: {  	s0 =	sadd.s32 $0x10, s0;
	[tilespmem:v19+s2+$0x0] =	vst.idx.add.s32.msk $0xffff, v2;
	s31 =	sadd.s32 $0x100, s31  }
0x71: {  	v20 =	vld [tilespmem:s31+$0x30];
	p1 =	slt.u32 s0, $0x3F0  }
0x72: {  	v21 =	vld [tilespmem:s31+$0x40]  }
0x73: {  	v19 =	vld [tilespmem:s31+$0xFFFFFF80]  }
0x74: {  	v22 =	vld [tilespmem:s31+$0x70]  }
0x75: {  	v23 =	vld [tilespmem:s31+$0xFFFFFFD0]  }
0x76: {  	v24 =	vld [tilespmem:s31+$0xFFFFFFE0]  }
0x77: {  	v25 =	vld [tilespmem:s31+$0xFFFFFFF0]  }
0x78: {  	v26 =	vld [tilespmem:s31+$0x0]  }
0x79: {  	v27 =	vld [tilespmem:s31+$0x60]  }
0x7a: {  	v28 =	vld [tilespmem:s31+$0x50]  }
0x7b: {  	[tilespmem:v19+s2+$0x0] =	vst.idx.add.s32.msk $0xffff, v2  }
0x7c: {  	[tilespmem:v22+s2+$0x0] =	vst.idx.add.s32.msk $0xffff, v2  }
0x7d: {  	v19 =	vld [tilespmem:s31+$0xFFFFFF90]  }
0x7e: {  	v22 =	vld [tilespmem:s31+$0xFFFFFFA0]  }
0x7f: {  	v29 =	vld [tilespmem:s31+$0x20]  }
0x80: {  	v30 =	vld [tilespmem:s31+$0x10]  }
0x81: {  	[tilespmem:v27+s2+$0x0] =	vst.idx.add.s32.msk $0xffff, v2  }
0x82: {  	[tilespmem:v28+s2+$0x0] =	vst.idx.add.s32.msk $0xffff, v2  }
0x83: {  	[tilespmem:v21+s2+$0x0] =	vst.idx.add.s32.msk $0xffff, v2  }
0x84: {  	[tilespmem:v20+s2+$0x0] =	vst.idx.add.s32.msk $0xffff, v2  }
0x85: {  	v20 =	vld [tilespmem:s31+$0xFFFFFFC0]  }
0x86: {  	v21 =	vld [tilespmem:s31+$0xFFFFFFB0]  }
0x87: {  	[tilespmem:v29+s2+$0x0] =	vst.idx.add.s32.msk $0xffff, v2  }
0x88: {  	[tilespmem:v30+s2+$0x0] =	vst.idx.add.s32.msk $0xffff, v2  }
0x89: {  	[tilespmem:v26+s2+$0x0] =	vst.idx.add.s32.msk $0xffff, v2  }
0x8a: {  	[tilespmem:v25+s2+$0x0] =	vst.idx.add.s32.msk $0xffff, v2  }
.Ltmp3:
0x8b: {  	[tilespmem:v24+s2+$0x0] =	vst.idx.add.s32.msk $0xffff, v2;
	(pc) =	sbr.rel @p1 .LBB2_5-.Ltmp3, $4  }
0x8c: {  	[tilespmem:v23+s2+$0x0] =	vst.idx.add.s32.msk $0xffff, v2  }
0x8d: {  	[tilespmem:v20+s2+$0x0] =	vst.idx.add.s32.msk $0xffff, v2  }
0x8e: {  	[tilespmem:v21+s2+$0x0] =	vst.idx.add.s32.msk $0xffff, v2  }
0x8f: {  	[tilespmem:v22+s2+$0x0] =	vst.idx.add.s32.msk $0xffff, v2  }
0x90: {  	_ = 	snop  }
0x91: {  	s31 =	sshll.u32 s30, $0x12;
	p1 =	seq.s32 s30, $0x3  }
0x92: {  	s0 =	sadd.s32 @!p1 s31, s6  }
0x93: {  	s1 =	simm.s32 @!p1 $0x80;
	s0 =	sshrl.u32 @!p1 s0, $0x3  }
0x94: {  	[tilespmem:v19+s2+$0x0] =	vst.idx.add.s32.msk $0xffff, v2;
	s14 =	simm.s32 @!p1 $0x400;
	s15 =	simm.s32 @!p1 $0x8000;
	s0 =	sadd.s32 @!p1 s3, s0  }
0x95: {  	[tilespmem:s15], [sflag:$0x1] =	stream.strided.gather @!p1 [hbm4b:s0+s1], $0x4000, s14, s1, $0x38;
	[tilespmem:$0x10800] =	vst v63  }
0x96: {  	_ =	swait.ge [sflag:s25], $0x4000  }
0x97: {  	[sflag:s25] =	ssyncset.done $0x0  }
0x98: {  	s0 =	simm.s32 $0xC080;
	[sflag:s25] =	ssyncadd.s32 $0xFFFFC000  }
0x99: {  	v20 =	vld [tilespmem:s0+$0x30]  }
0x9a: {  	v21 =	vld [tilespmem:s0+$0x40]  }
0x9b: {  	v19 =	vld [tilespmem:s0+$0xFFFFFF80]  }
0x9c: {  	v22 =	vld [tilespmem:s0+$0x70]  }
0x9d: {  	v23 =	vld [tilespmem:s0+$0xFFFFFFD0]  }
0x9e: {  	v24 =	vld [tilespmem:s0+$0xFFFFFFE0]  }
0x9f: {  	v25 =	vld [tilespmem:s0+$0xFFFFFFF0]  }
0xa0: {  	v26 =	vld [tilespmem:s0+$0x0]  }
0xa1: {  	v27 =	vld [tilespmem:s0+$0x60]  }
0xa2: {  	v28 =	vld [tilespmem:s0+$0x50]  }
0xa3: {  	v62 =	vld [tilespmem:s0+$0xFFFFFFA0]  }
0xa4: {  	v29 =	vld [tilespmem:s0+$0x20]  }
0xa5: {  	v30 =	vld [tilespmem:s0+$0x10]  }
0xa6: {  	v63 =	vld [tilespmem:s0+$0xFFFFFFB0]  }
0xa7: {  	[tilespmem:v19+s2+$0x0] =	vst.idx.add.s32.msk $0xffff, v2  }
0xa8: {  	[tilespmem:v22+s2+$0x0] =	vst.idx.add.s32.msk $0xffff, v2  }
0xa9: {  	v19 =	vld [tilespmem:s0+$0xFFFFFF90]  }
0xaa: {  	[tilespmem:v27+s2+$0x0] =	vst.idx.add.s32.msk $0xffff, v2  }
0xab: {  	[tilespmem:v28+s2+$0x0] =	vst.idx.add.s32.msk $0xffff, v2  }
0xac: {  	[tilespmem:v21+s2+$0x0] =	vst.idx.add.s32.msk $0xffff, v2  }
0xad: {  	[tilespmem:v20+s2+$0x0] =	vst.idx.add.s32.msk $0xffff, v2  }
0xae: {  	v20 =	vld [tilespmem:s0+$0xFFFFFFC0]  }
0xaf: {  	[tilespmem:v29+s2+$0x0] =	vst.idx.add.s32.msk $0xffff, v2  }
0xb0: {  	[tilespmem:v30+s2+$0x0] =	vst.idx.add.s32.msk $0xffff, v2  }
0xb1: {  	[tilespmem:v26+s2+$0x0] =	vst.idx.add.s32.msk $0xffff, v2  }
0xb2: {  	[tilespmem:v25+s2+$0x0] =	vst.idx.add.s32.msk $0xffff, v2  }
0xb3: {  	[tilespmem:v24+s2+$0x0] =	vst.idx.add.s32.msk $0xffff, v2  }
0xb4: {  	[tilespmem:v23+s2+$0x0] =	vst.idx.add.s32.msk $0xffff, v2  }
0xb5: {  	[tilespmem:v63+s2+$0x0] =	vst.idx.add.s32.msk $0xffff, v2  }
0xb6: {  	[tilespmem:v62+s2+$0x0] =	vst.idx.add.s32.msk $0xffff, v2  }
0xb7: {  	s1 =	simm.s32 $0x0;
	[tilespmem:v20+s2+$0x0] =	vst.idx.add.s32.msk $0xffff, v2  }
.LBB2_7:
0xb8: {  	s1 =	sadd.s32 $0x10, s1;
	[tilespmem:v19+s2+$0x0] =	vst.idx.add.s32.msk $0xffff, v2;
	s0 =	sadd.s32 $0x100, s0  }
0xb9: {  	v20 =	vld [tilespmem:s0+$0x30];
	p2 =	slt.u32 s1, $0x3F0  }
0xba: {  	v21 =	vld [tilespmem:s0+$0x40]  }
0xbb: {  	v19 =	vld [tilespmem:s0+$0xFFFFFF80]  }
0xbc: {  	v22 =	vld [tilespmem:s0+$0x70]  }
0xbd: {  	v23 =	vld [tilespmem:s0+$0xFFFFFFD0]  }
0xbe: {  	v24 =	vld [tilespmem:s0+$0xFFFFFFE0]  }
0xbf: {  	v25 =	vld [tilespmem:s0+$0xFFFFFFF0]  }
0xc0: {  	v26 =	vld [tilespmem:s0+$0x0]  }
0xc1: {  	v27 =	vld [tilespmem:s0+$0x60]  }
0xc2: {  	v28 =	vld [tilespmem:s0+$0x50]  }
0xc3: {  	[tilespmem:v19+s2+$0x0] =	vst.idx.add.s32.msk $0xffff, v2  }
0xc4: {  	[tilespmem:v22+s2+$0x0] =	vst.idx.add.s32.msk $0xffff, v2  }
0xc5: {  	v19 =	vld [tilespmem:s0+$0xFFFFFF90]  }
0xc6: {  	v22 =	vld [tilespmem:s0+$0xFFFFFFA0]  }
0xc7: {  	v29 =	vld [tilespmem:s0+$0x20]  }
0xc8: {  	v30 =	vld [tilespmem:s0+$0x10]  }
0xc9: {  	[tilespmem:v27+s2+$0x0] =	vst.idx.add.s32.msk $0xffff, v2  }
0xca: {  	[tilespmem:v28+s2+$0x0] =	vst.idx.add.s32.msk $0xffff, v2  }
0xcb: {  	[tilespmem:v21+s2+$0x0] =	vst.idx.add.s32.msk $0xffff, v2  }
0xcc: {  	[tilespmem:v20+s2+$0x0] =	vst.idx.add.s32.msk $0xffff, v2  }
0xcd: {  	v20 =	vld [tilespmem:s0+$0xFFFFFFC0]  }
0xce: {  	v21 =	vld [tilespmem:s0+$0xFFFFFFB0]  }
0xcf: {  	[tilespmem:v29+s2+$0x0] =	vst.idx.add.s32.msk $0xffff, v2  }
0xd0: {  	[tilespmem:v30+s2+$0x0] =	vst.idx.add.s32.msk $0xffff, v2  }
0xd1: {  	[tilespmem:v26+s2+$0x0] =	vst.idx.add.s32.msk $0xffff, v2  }
0xd2: {  	[tilespmem:v25+s2+$0x0] =	vst.idx.add.s32.msk $0xffff, v2  }
.Ltmp4:
0xd3: {  	[tilespmem:v24+s2+$0x0] =	vst.idx.add.s32.msk $0xffff, v2;
	(pc) =	sbr.rel @p2 .LBB2_7-.Ltmp4, $4  }
0xd4: {  	[tilespmem:v23+s2+$0x0] =	vst.idx.add.s32.msk $0xffff, v2  }
0xd5: {  	[tilespmem:v20+s2+$0x0] =	vst.idx.add.s32.msk $0xffff, v2  }
0xd6: {  	[tilespmem:v21+s2+$0x0] =	vst.idx.add.s32.msk $0xffff, v2  }
0xd7: {  	[tilespmem:v22+s2+$0x0] =	vst.idx.add.s32.msk $0xffff, v2  }
.Ltmp5:
0xd8: {  	_ = 	snop;
	(pc) =	sbr.rel @p1 .LBB2_9-.Ltmp5, $2  }
0xd9: {  	_ =	sdelay $0x2  }
0xda: {  	[tilespmem:v19+s2+$0x0] =	vst.idx.add.s32.msk $0xffff, v2  }
.Ltmp6:
0xdb: {  	(pc) =	sbr.rel .LBB2_4-.Ltmp6, $4  }
0xdc: {  	s0 =	sadd.s32 s31, s7  }
0xdd: {  	s0 =	sshrl.u32 s0, $0x3  }
0xde: {  	s30 =	sadd.s32 $0x1, s30;
	s0 =	sadd.s32 s3, s0  }
0xdf: {  	[tilespmem:s23], [sflag:$0x2] =	stream.strided.gather [hbm4b:s0+s20], $0x4000, s21, s20, $0x38;
	[tilespmem:$0x10800] =	vst v63  }
.LBB2_9:
0xe0: {  	s0 =	simm.s32 $0x0  }
0xe1: {  	v19 =	vmov s0  }
0xe2: {  	v19 =	vshll.u32 v19, $0x4  }
0xe3: {  	v19 =	vor.u32 v3, v19  }
0xe4: {  	v20 =	vor.u32 v4, v19  }
0xe5: {  	v21 =	vor.u32 v1, v19  }
0xe6: {  	v22 =	vor.u32 v5, v19  }
0xe7: {  	v23 =	vor.u32 v6, v19  }
0xe8: {  	v24 =	vor.u32 v7, v19  }
0xe9: {  	v25 =	vor.u32 v8, v19;
	v20 =	vld.idx.msk [tilespmem:v20+s2+$0x0], $0xffff  }
0xea: {  	v26 =	vor.u32 v10, v19;
	v21 =	vld.idx.msk [tilespmem:v21+s2+$0x0], $0xffff  }
0xeb: {  	v27 =	vor.u32 v11, v19;
	v22 =	vld.idx.msk [tilespmem:v22+s2+$0x0], $0xffff  }
0xec: {  	v28 =	vor.u32 v9, v19;
	v23 =	vld.idx.msk [tilespmem:v23+s2+$0x0], $0xffff  }
0xed: {  	v29 =	vor.u32 v12, v19;
	v24 =	vld.idx.msk [tilespmem:v24+s2+$0x0], $0xffff  }
0xee: {  	v30 =	vor.u32 v13, v19;
	v25 =	vld.idx.msk [tilespmem:v25+s2+$0x0], $0xffff  }
0xef: {  	v31 =	vor.u32 v14, v19;
	v26 =	vld.idx.msk [tilespmem:v26+s2+$0x0], $0xffff;
	v20 =	vadd.s32 v21, v20  }
0xf0: {  	v21 =	vld.idx.msk [tilespmem:v27+s2+$0x0], $0xffff;
	v27 =	vor.u32 v15, v19;
	v20 =	vadd.s32 v22, v20  }
0xf1: {  	v58 =	vor.u32 v16, v19;
	v22 =	vld.idx.msk [tilespmem:v28+s2+$0x0], $0xffff;
	v20 =	vadd.s32 v23, v20  }
0xf2: {  	v59 =	vor.u32 v17, v19;
	v23 =	vld.idx.msk [tilespmem:v29+s2+$0x0], $0xffff;
	v20 =	vadd.s32 v24, v20  }
0xf3: {  	v19 =	vor.u32 v18, v19;
	v24 =	vld.idx.msk [tilespmem:v30+s2+$0x0], $0xffff;
	v20 =	vadd.s32 v25, v20  }
0xf4: {  	v25 =	vld.idx.msk [tilespmem:v31+s2+$0x0], $0xffff;
	v20 =	vadd.s32 v26, v20  }
0xf5: {  	v26 =	vld.idx.msk [tilespmem:v27+s2+$0x0], $0xffff;
	v20 =	vadd.s32 v21, v20  }
0xf6: {  	s15 =	simm.s32 $0x10;
	v21 =	vld.idx.msk [tilespmem:v58+s2+$0x0], $0xffff;
	v20 =	vadd.s32 v22, v20  }
0xf7: {  	v27 =	vmov s15;
	v22 =	vld.idx.msk [tilespmem:v59+s2+$0x0], $0xffff;
	v20 =	vadd.s32 v23, v20  }
0xf8: {  	v19 =	vld.idx.msk [tilespmem:v19+s2+$0x0], $0xffff;
	v23 =	vshll.u32 v27, $0x4;
	v20 =	vadd.s32 v24, v20  }
0xf9: {  	v23 =	vor.u32 v3, v23;
	v20 =	vadd.s32 v25, v20  }
0xfa: {  	v24 =	vor.u32 v4, v23;
	v20 =	vadd.s32 v26, v20  }
0xfb: {  	v25 =	vor.u32 v1, v23;
	v20 =	vadd.s32 v21, v20  }
0xfc: {  	v21 =	vor.u32 v5, v23;
	v20 =	vadd.s32 v22, v20  }
0xfd: {  	s30 =	simm.s32 $0x10000;
	v22 =	vor.u32 v6, v23;
	v19 =	vadd.s32 v19, v20  }
0xfe: {  	v20 =	vor.u32 v7, v23;
	[tilespmem:s30+$0x0] =	vst v19  }
0xff: {  	v19 =	vld.idx.msk [tilespmem:v24+s2+$0x0], $0xffff;
	v24 =	vor.u32 v8, v23  }
0x100: {  	v26 =	vor.u32 v10, v23;
	v25 =	vld.idx.msk [tilespmem:v25+s2+$0x0], $0xffff  }
0x101: {  	v27 =	vor.u32 v11, v23;
	v21 =	vld.idx.msk [tilespmem:v21+s2+$0x0], $0xffff  }
0x102: {  	v60 =	vor.u32 v9, v23;
	v22 =	vld.idx.msk [tilespmem:v22+s2+$0x0], $0xffff  }
0x103: {  	v61 =	vor.u32 v12, v23;
	v20 =	vld.idx.msk [tilespmem:v20+s2+$0x0], $0xffff  }
0x104: {  	v62 =	vor.u32 v13, v23;
	v24 =	vld.idx.msk [tilespmem:v24+s2+$0x0], $0xffff  }
0x105: {  	v63 =	vor.u32 v14, v23;
	v26 =	vld.idx.msk [tilespmem:v26+s2+$0x0], $0xffff;
	v19 =	vadd.s32 v25, v19  }
0x106: {  	v25 =	vld.idx.msk [tilespmem:v27+s2+$0x0], $0xffff;
	v27 =	vor.u32 v15, v23;
	v19 =	vadd.s32 v21, v19  }
0x107: {  	v28 =	vld.idx.msk [tilespmem:v60+s2+$0x0], $0xffff;
	v21 =	vor.u32 v16, v23;
	v19 =	vadd.s32 v22, v19  }
0x108: {  	v29 =	vld.idx.msk [tilespmem:v61+s2+$0x0], $0xffff;
	v22 =	vor.u32 v17, v23;
	v19 =	vadd.s32 v20, v19  }
0x109: {  	v30 =	vld.idx.msk [tilespmem:v62+s2+$0x0], $0xffff;
	v23 =	vor.u32 v18, v23;
	v20 =	vadd.s32 v24, v19  }
0x10a: {  	v19 =	vld.idx.msk [tilespmem:v63+s2+$0x0], $0xffff;
	v24 =	vadd.s32 v26, v20  }
0x10b: {  	v20 =	vld.idx.msk [tilespmem:v27+s2+$0x0], $0xffff;
	v24 =	vadd.s32 v25, v24  }
0x10c: {  	s31 =	simm.s32 $0x20;
	v21 =	vld.idx.msk [tilespmem:v21+s2+$0x0], $0xffff;
	v24 =	vadd.s32 v28, v24  }
0x10d: {  	v22 =	vld.idx.msk [tilespmem:v22+s2+$0x0], $0xffff;
	v25 =	vmov s31;
	v26 =	vadd.s32 v29, v24  }
0x10e: {  	s0 =	simm.s32 $0x30;
	v23 =	vld.idx.msk [tilespmem:v23+s2+$0x0], $0xffff;
	v24 =	vshll.u32 v25, $0x4;
	v25 =	vadd.s32 v30, v26  }
.LBB2_10:
0x10f: {  	p1 =	sne.s32 s0, $0x7F0;
	v24 =	vor.u32 v3, v24;
	v19 =	vadd.s32 v19, v25  }
0x110: {  	v25 =	vor.u32 v4, v24;
	v19 =	vadd.s32 v20, v19  }
0x111: {  	v20 =	vor.u32 v1, v24;
	v19 =	vadd.s32 v21, v19  }
0x112: {  	v21 =	vor.u32 v5, v24;
	v19 =	vadd.s32 v22, v19  }
0x113: {  	s30 =	sadd.s32 $0x10, s30;
	v22 =	vor.u32 v6, v24;
	v19 =	vadd.s32 v23, v19  }
0x114: {  	v23 =	vor.u32 v7, v24;
	[tilespmem:s30+$0x0] =	vst v19  }
0x115: {  	v19 =	vld.idx.msk [tilespmem:v25+s2+$0x0], $0xffff;
	v25 =	vor.u32 v8, v24  }
0x116: {  	v26 =	vor.u32 v10, v24;
	v20 =	vld.idx.msk [tilespmem:v20+s2+$0x0], $0xffff  }
0x117: {  	v27 =	vor.u32 v11, v24;
	v21 =	vld.idx.msk [tilespmem:v21+s2+$0x0], $0xffff  }
0x118: {  	v28 =	vor.u32 v9, v24;
	v22 =	vld.idx.msk [tilespmem:v22+s2+$0x0], $0xffff  }
0x119: {  	v29 =	vor.u32 v12, v24;
	v23 =	vld.idx.msk [tilespmem:v23+s2+$0x0], $0xffff  }
0x11a: {  	v30 =	vor.u32 v13, v24;
	v25 =	vld.idx.msk [tilespmem:v25+s2+$0x0], $0xffff  }
0x11b: {  	v31 =	vor.u32 v14, v24;
	v26 =	vld.idx.msk [tilespmem:v26+s2+$0x0], $0xffff  }
0x11c: {  	v19 =	vadd.s32 v20, v19;
	v20 =	vor.u32 v15, v24;
	v27 =	vld.idx.msk [tilespmem:v27+s2+$0x0], $0xffff  }
0x11d: {  	v19 =	vadd.s32 v21, v19;
	v21 =	vor.u32 v16, v24;
	v28 =	vld.idx.msk [tilespmem:v28+s2+$0x0], $0xffff  }
0x11e: {  	v19 =	vadd.s32 v22, v19;
	v22 =	vor.u32 v17, v24;
	v29 =	vld.idx.msk [tilespmem:v29+s2+$0x0], $0xffff  }
0x11f: {  	v19 =	vadd.s32 v23, v19;
	v23 =	vor.u32 v18, v24;
	v30 =	vld.idx.msk [tilespmem:v30+s2+$0x0], $0xffff  }
0x120: {  	v24 =	vadd.s32 v25, v19;
	v19 =	vld.idx.msk [tilespmem:v31+s2+$0x0], $0xffff  }
.Ltmp7:
0x121: {  	v24 =	vadd.s32 v26, v24;
	v20 =	vld.idx.msk [tilespmem:v20+s2+$0x0], $0xffff;
	(pc) =	sbr.rel @p1 .LBB2_10-.Ltmp7, $4  }
0x122: {  	v24 =	vadd.s32 v27, v24;
	v21 =	vld.idx.msk [tilespmem:v21+s2+$0x0], $0xffff  }
0x123: {  	v24 =	vadd.s32 v28, v24;
	v22 =	vld.idx.msk [tilespmem:v22+s2+$0x0], $0xffff  }
0x124: {  	v25 =	vmov s0;
	v26 =	vadd.s32 v29, v24;
	v23 =	vld.idx.msk [tilespmem:v23+s2+$0x0], $0xffff  }
0x125: {  	s0 =	sadd.s32 $0x10, s0;
	v24 =	vshll.u32 v25, $0x4;
	v25 =	vadd.s32 v30, v26  }
0x126: {  	v24 =	vor.u32 v3, v24;
	v19 =	vadd.s32 v19, v25  }
0x127: {  	v49 =	vor.u32 v4, v24;
	v19 =	vadd.s32 v20, v19  }
0x128: {  	v20 =	vor.u32 v1, v24;
	v19 =	vadd.s32 v21, v19  }
0x129: {  	v50 =	vor.u32 v5, v24;
	v19 =	vadd.s32 v22, v19  }
0x12a: {  	s0 =	sadd.s32 $0x10, s30;
	v51 =	vor.u32 v6, v24;
	v19 =	vadd.s32 v23, v19  }
0x12b: {  	v52 =	vor.u32 v7, v24;
	[tilespmem:s0+$0x0] =	vst v19  }
0x12c: {  	v53 =	vor.u32 v8, v24;
	v19 =	vld.idx.msk [tilespmem:v49+s2+$0x0], $0xffff  }
0x12d: {  	v26 =	vor.u32 v10, v24;
	v20 =	vld.idx.msk [tilespmem:v20+s2+$0x0], $0xffff  }
0x12e: {  	v27 =	vor.u32 v11, v24;
	v21 =	vld.idx.msk [tilespmem:v50+s2+$0x0], $0xffff  }
0x12f: {  	v28 =	vor.u32 v9, v24;
	v22 =	vld.idx.msk [tilespmem:v51+s2+$0x0], $0xffff  }
0x130: {  	v29 =	vor.u32 v12, v24;
	v23 =	vld.idx.msk [tilespmem:v52+s2+$0x0], $0xffff  }
0x131: {  	v30 =	vor.u32 v13, v24;
	v25 =	vld.idx.msk [tilespmem:v53+s2+$0x0], $0xffff  }
0x132: {  	v31 =	vor.u32 v14, v24;
	v26 =	vld.idx.msk [tilespmem:v26+s2+$0x0], $0xffff;
	v19 =	vadd.s32 v20, v19  }
0x133: {  	v54 =	vor.u32 v15, v24;
	v20 =	vld.idx.msk [tilespmem:v27+s2+$0x0], $0xffff;
	v19 =	vadd.s32 v21, v19  }
0x134: {  	v56 =	vor.u32 v16, v24;
	v55 =	vld.idx.msk [tilespmem:v28+s2+$0x0], $0xffff;
	v19 =	vadd.s32 v22, v19  }
0x135: {  	v58 =	vor.u32 v17, v24;
	v57 =	vld.idx.msk [tilespmem:v29+s2+$0x0], $0xffff;
	v19 =	vadd.s32 v23, v19  }
0x136: {  	v24 =	vor.u32 v18, v24;
	v59 =	vld.idx.msk [tilespmem:v30+s2+$0x0], $0xffff;
	v19 =	vadd.s32 v25, v19  }
0x137: {  	v60 =	vld.idx.msk [tilespmem:v31+s2+$0x0], $0xffff;
	v19 =	vadd.s32 v26, v19  }
0x138: {  	v61 =	vld.idx.msk [tilespmem:v54+s2+$0x0], $0xffff;
	v19 =	vadd.s32 v20, v19  }
0x139: {  	v20 =	vld.idx.msk [tilespmem:v56+s2+$0x0], $0xffff;
	v19 =	vadd.s32 v55, v19  }
0x13a: {  	v62 =	vld.idx.msk [tilespmem:v58+s2+$0x0], $0xffff;
	v19 =	vadd.s32 v57, v19  }
0x13b: {  	v63 =	vld.idx.msk [tilespmem:v24+s2+$0x0], $0xffff;
	v19 =	vadd.s32 v59, v19  }
0x13c: {  	v19 =	vadd.s32 v60, v19  }
0x13d: {  	v19 =	vadd.s32 v61, v19  }
0x13e: {  	v19 =	vadd.s32 v20, v19  }
0x13f: {  	v19 =	vadd.s32 v62, v19  }
0x140: {  	s0 =	sadd.s32 $0x10, s0;
	v19 =	vadd.s32 v63, v19  }
0x141: {  	[tilespmem:s0+$0x0] =	vst v19  }
0x142: {  	[hbm4b:s8+s20] =	stream.strided.scatter [tilespmem:s26], [sflag:$0x3], $0x800, s21, s20, $0x38;
	[tilespmem:$0x10800] =	vst v63  }
0x143: {  	_ =	swait.ge [sflag:s28], $0x800  }
0x144: {  	[sflag:s28] =	ssyncset.done $0x0  }
0x145: {  	s1 =	simm.s32 $0x400;
	s0 =	simm.s32 $0x0;
	[sflag:s28] =	ssyncadd.s32 $0xFFFFF800  }
.LBB2_12:
0x146: {  	p1 =	sne.s32 s1, $0x1FC00;
	[tilespmem:s0+$0xF0] =	vst v0  }
0x147: {  	[tilespmem:s0+$0x0] =	vst v0  }
0x148: {  	[tilespmem:s0+$0x10] =	vst v0  }
0x149: {  	[tilespmem:s0+$0x20] =	vst v0  }
0x14a: {  	[tilespmem:s0+$0x30] =	vst v0  }
0x14b: {  	[tilespmem:s0+$0x40] =	vst v0  }
0x14c: {  	[tilespmem:s0+$0x50] =	vst v0  }
0x14d: {  	[tilespmem:s0+$0x60] =	vst v0  }
0x14e: {  	[tilespmem:s0+$0x70] =	vst v0  }
0x14f: {  	[tilespmem:s0+$0x80] =	vst v0  }
0x150: {  	[tilespmem:s0+$0x90] =	vst v0  }
.Ltmp8:
0x151: {  	[tilespmem:s0+$0xA0] =	vst v0;
	(pc) =	sbr.rel @p1 .LBB2_12-.Ltmp8, $4  }
0x152: {  	[tilespmem:s0+$0xB0] =	vst v0  }
0x153: {  	[tilespmem:s0+$0xC0] =	vst v0  }
0x154: {  	[tilespmem:s0+$0xD0] =	vst v0  }
0x155: {  	[tilespmem:s0+$0xE0] =	vst v0;
	s0 =	sshra.s32 s1, $0x2;
	s1 =	sadd.s32 $0x400, s1  }
0x156: {  	[tilespmem:s0+$0xF0] =	vst v0  }
0x157: {  	[tilespmem:s0+$0x0] =	vst v0  }
0x158: {  	[tilespmem:s0+$0x10] =	vst v0  }
0x159: {  	[tilespmem:s0+$0x20] =	vst v0  }
0x15a: {  	[tilespmem:s0+$0x30] =	vst v0  }
0x15b: {  	[tilespmem:s0+$0x40] =	vst v0  }
0x15c: {  	[tilespmem:s0+$0x50] =	vst v0  }
0x15d: {  	[tilespmem:s0+$0x60] =	vst v0  }
0x15e: {  	[tilespmem:s0+$0x70] =	vst v0  }
0x15f: {  	[tilespmem:s0+$0x80] =	vst v0  }
0x160: {  	[tilespmem:s0+$0x90] =	vst v0  }
0x161: {  	[tilespmem:s0+$0xA0] =	vst v0  }
0x162: {  	[tilespmem:s0+$0xB0] =	vst v0  }
0x163: {  	[tilespmem:s0+$0xC0] =	vst v0  }
0x164: {  	[tilespmem:s0+$0xD0] =	vst v0  }
0x165: {  	[tilespmem:s0+$0xE0] =	vst v0  }
0x166: {  	[tilespmem:s22], [sflag:$0x1] =	stream.strided.gather [hbm4b:s9+s20], $0x4000, s21, s20, $0x38;
	[tilespmem:$0x10800] =	vst v63  }
0x167: {  	s30 =	simm.s32 $0x0  }
0x168: {  	[tilespmem:s23], [sflag:$0x2] =	stream.strided.gather [hbm4b:s10+s20], $0x4000, s21, s20, $0x38;
	[tilespmem:$0x10800] =	vst v63  }
.LBB2_14:
0x169: {  	_ =	swait.ge [sflag:s24], $0x4000  }
0x16a: {  	[sflag:s24] =	ssyncset.done $0x0  }
0x16b: {  	s0 =	simm.s32 $0x8080;
	[sflag:s24] =	ssyncadd.s32 $0xFFFFC000  }
0x16c: {  	v20 =	vld [tilespmem:s0+$0x30]  }
0x16d: {  	v21 =	vld [tilespmem:s0+$0x40]  }
0x16e: {  	v19 =	vld [tilespmem:s0+$0xFFFFFF80]  }
0x16f: {  	v22 =	vld [tilespmem:s0+$0x70]  }
0x170: {  	v23 =	vld [tilespmem:s0+$0xFFFFFFD0]  }
0x171: {  	v24 =	vld [tilespmem:s0+$0xFFFFFFE0]  }
0x172: {  	v25 =	vld [tilespmem:s0+$0xFFFFFFF0]  }
0x173: {  	v26 =	vld [tilespmem:s0+$0x0]  }
0x174: {  	v27 =	vld [tilespmem:s0+$0x60]  }
0x175: {  	v28 =	vld [tilespmem:s0+$0x50]  }
0x176: {  	v62 =	vld [tilespmem:s0+$0xFFFFFFA0]  }
0x177: {  	v29 =	vld [tilespmem:s0+$0x20]  }
0x178: {  	v30 =	vld [tilespmem:s0+$0x10]  }
0x179: {  	v63 =	vld [tilespmem:s0+$0xFFFFFFB0]  }
0x17a: {  	[tilespmem:v19+s2+$0x0] =	vst.idx.add.s32.msk $0xffff, v2  }
0x17b: {  	[tilespmem:v22+s2+$0x0] =	vst.idx.add.s32.msk $0xffff, v2  }
0x17c: {  	v19 =	vld [tilespmem:s0+$0xFFFFFF90]  }
0x17d: {  	[tilespmem:v27+s2+$0x0] =	vst.idx.add.s32.msk $0xffff, v2  }
0x17e: {  	[tilespmem:v28+s2+$0x0] =	vst.idx.add.s32.msk $0xffff, v2  }
0x17f: {  	[tilespmem:v21+s2+$0x0] =	vst.idx.add.s32.msk $0xffff, v2  }
0x180: {  	[tilespmem:v20+s2+$0x0] =	vst.idx.add.s32.msk $0xffff, v2  }
0x181: {  	v20 =	vld [tilespmem:s0+$0xFFFFFFC0]  }
0x182: {  	[tilespmem:v29+s2+$0x0] =	vst.idx.add.s32.msk $0xffff, v2  }
0x183: {  	[tilespmem:v30+s2+$0x0] =	vst.idx.add.s32.msk $0xffff, v2  }
0x184: {  	[tilespmem:v26+s2+$0x0] =	vst.idx.add.s32.msk $0xffff, v2  }
0x185: {  	[tilespmem:v25+s2+$0x0] =	vst.idx.add.s32.msk $0xffff, v2  }
0x186: {  	[tilespmem:v24+s2+$0x0] =	vst.idx.add.s32.msk $0xffff, v2  }
0x187: {  	[tilespmem:v23+s2+$0x0] =	vst.idx.add.s32.msk $0xffff, v2  }
0x188: {  	[tilespmem:v63+s2+$0x0] =	vst.idx.add.s32.msk $0xffff, v2  }
0x189: {  	[tilespmem:v62+s2+$0x0] =	vst.idx.add.s32.msk $0xffff, v2  }
0x18a: {  	s1 =	simm.s32 $0x0;
	[tilespmem:v20+s2+$0x0] =	vst.idx.add.s32.msk $0xffff, v2  }
.LBB2_15:
0x18b: {  	s1 =	sadd.s32 $0x10, s1;
	[tilespmem:v19+s2+$0x0] =	vst.idx.add.s32.msk $0xffff, v2;
	s0 =	sadd.s32 $0x100, s0  }
0x18c: {  	v20 =	vld [tilespmem:s0+$0x30];
	p1 =	slt.u32 s1, $0x3F0  }
0x18d: {  	v21 =	vld [tilespmem:s0+$0x40]  }
0x18e: {  	v19 =	vld [tilespmem:s0+$0xFFFFFF80]  }
0x18f: {  	v22 =	vld [tilespmem:s0+$0x70]  }
0x190: {  	v23 =	vld [tilespmem:s0+$0xFFFFFFD0]  }
0x191: {  	v24 =	vld [tilespmem:s0+$0xFFFFFFE0]  }
0x192: {  	v25 =	vld [tilespmem:s0+$0xFFFFFFF0]  }
0x193: {  	v26 =	vld [tilespmem:s0+$0x0]  }
0x194: {  	v27 =	vld [tilespmem:s0+$0x60]  }
0x195: {  	v28 =	vld [tilespmem:s0+$0x50]  }
0x196: {  	[tilespmem:v19+s2+$0x0] =	vst.idx.add.s32.msk $0xffff, v2  }
0x197: {  	[tilespmem:v22+s2+$0x0] =	vst.idx.add.s32.msk $0xffff, v2  }
0x198: {  	v19 =	vld [tilespmem:s0+$0xFFFFFF90]  }
0x199: {  	v22 =	vld [tilespmem:s0+$0xFFFFFFA0]  }
0x19a: {  	v29 =	vld [tilespmem:s0+$0x20]  }
0x19b: {  	v30 =	vld [tilespmem:s0+$0x10]  }
0x19c: {  	[tilespmem:v27+s2+$0x0] =	vst.idx.add.s32.msk $0xffff, v2  }
0x19d: {  	[tilespmem:v28+s2+$0x0] =	vst.idx.add.s32.msk $0xffff, v2  }
0x19e: {  	[tilespmem:v21+s2+$0x0] =	vst.idx.add.s32.msk $0xffff, v2  }
0x19f: {  	[tilespmem:v20+s2+$0x0] =	vst.idx.add.s32.msk $0xffff, v2  }
0x1a0: {  	v20 =	vld [tilespmem:s0+$0xFFFFFFC0]  }
0x1a1: {  	v21 =	vld [tilespmem:s0+$0xFFFFFFB0]  }
0x1a2: {  	[tilespmem:v29+s2+$0x0] =	vst.idx.add.s32.msk $0xffff, v2  }
0x1a3: {  	[tilespmem:v30+s2+$0x0] =	vst.idx.add.s32.msk $0xffff, v2  }
0x1a4: {  	[tilespmem:v26+s2+$0x0] =	vst.idx.add.s32.msk $0xffff, v2  }
0x1a5: {  	[tilespmem:v25+s2+$0x0] =	vst.idx.add.s32.msk $0xffff, v2  }
.Ltmp9:
0x1a6: {  	[tilespmem:v24+s2+$0x0] =	vst.idx.add.s32.msk $0xffff, v2;
	(pc) =	sbr.rel @p1 .LBB2_15-.Ltmp9, $4  }
0x1a7: {  	[tilespmem:v23+s2+$0x0] =	vst.idx.add.s32.msk $0xffff, v2  }
0x1a8: {  	[tilespmem:v20+s2+$0x0] =	vst.idx.add.s32.msk $0xffff, v2  }
0x1a9: {  	[tilespmem:v21+s2+$0x0] =	vst.idx.add.s32.msk $0xffff, v2  }
0x1aa: {  	[tilespmem:v22+s2+$0x0] =	vst.idx.add.s32.msk $0xffff, v2  }
0x1ab: {  	_ = 	snop  }
0x1ac: {  	s31 =	sshll.u32 s30, $0x12;
	p1 =	seq.s32 s30, $0x3  }
0x1ad: {  	s0 =	sadd.s32 @!p1 s31, s11  }
0x1ae: {  	s1 =	simm.s32 @!p1 $0x80;
	s0 =	sshrl.u32 @!p1 s0, $0x3  }
0x1af: {  	[tilespmem:v19+s2+$0x0] =	vst.idx.add.s32.msk $0xffff, v2;
	s14 =	simm.s32 @!p1 $0x400;
	s15 =	simm.s32 @!p1 $0x8000;
	s0 =	sadd.s32 @!p1 s3, s0  }
0x1b0: {  	[tilespmem:s15], [sflag:$0x1] =	stream.strided.gather @!p1 [hbm4b:s0+s1], $0x4000, s14, s1, $0x38;
	[tilespmem:$0x10800] =	vst v63  }
0x1b1: {  	_ =	swait.ge [sflag:s25], $0x4000  }
0x1b2: {  	[sflag:s25] =	ssyncset.done $0x0  }
0x1b3: {  	s0 =	simm.s32 $0xC080;
	[sflag:s25] =	ssyncadd.s32 $0xFFFFC000  }
0x1b4: {  	v20 =	vld [tilespmem:s0+$0x30]  }
0x1b5: {  	v21 =	vld [tilespmem:s0+$0x40]  }
0x1b6: {  	v19 =	vld [tilespmem:s0+$0xFFFFFF80]  }
0x1b7: {  	v22 =	vld [tilespmem:s0+$0x70]  }
0x1b8: {  	v23 =	vld [tilespmem:s0+$0xFFFFFFD0]  }
0x1b9: {  	v24 =	vld [tilespmem:s0+$0xFFFFFFE0]  }
0x1ba: {  	v25 =	vld [tilespmem:s0+$0xFFFFFFF0]  }
0x1bb: {  	v26 =	vld [tilespmem:s0+$0x0]  }
0x1bc: {  	v27 =	vld [tilespmem:s0+$0x60]  }
0x1bd: {  	v28 =	vld [tilespmem:s0+$0x50]  }
0x1be: {  	v62 =	vld [tilespmem:s0+$0xFFFFFFA0]  }
0x1bf: {  	v29 =	vld [tilespmem:s0+$0x20]  }
0x1c0: {  	v30 =	vld [tilespmem:s0+$0x10]  }
0x1c1: {  	v63 =	vld [tilespmem:s0+$0xFFFFFFB0]  }
0x1c2: {  	[tilespmem:v19+s2+$0x0] =	vst.idx.add.s32.msk $0xffff, v2  }
0x1c3: {  	[tilespmem:v22+s2+$0x0] =	vst.idx.add.s32.msk $0xffff, v2  }
0x1c4: {  	v19 =	vld [tilespmem:s0+$0xFFFFFF90]  }
0x1c5: {  	[tilespmem:v27+s2+$0x0] =	vst.idx.add.s32.msk $0xffff, v2  }
0x1c6: {  	[tilespmem:v28+s2+$0x0] =	vst.idx.add.s32.msk $0xffff, v2  }
0x1c7: {  	[tilespmem:v21+s2+$0x0] =	vst.idx.add.s32.msk $0xffff, v2  }
0x1c8: {  	[tilespmem:v20+s2+$0x0] =	vst.idx.add.s32.msk $0xffff, v2  }
0x1c9: {  	v20 =	vld [tilespmem:s0+$0xFFFFFFC0]  }
0x1ca: {  	[tilespmem:v29+s2+$0x0] =	vst.idx.add.s32.msk $0xffff, v2  }
0x1cb: {  	[tilespmem:v30+s2+$0x0] =	vst.idx.add.s32.msk $0xffff, v2  }
0x1cc: {  	[tilespmem:v26+s2+$0x0] =	vst.idx.add.s32.msk $0xffff, v2  }
0x1cd: {  	[tilespmem:v25+s2+$0x0] =	vst.idx.add.s32.msk $0xffff, v2  }
0x1ce: {  	[tilespmem:v24+s2+$0x0] =	vst.idx.add.s32.msk $0xffff, v2  }
0x1cf: {  	[tilespmem:v23+s2+$0x0] =	vst.idx.add.s32.msk $0xffff, v2  }
0x1d0: {  	[tilespmem:v63+s2+$0x0] =	vst.idx.add.s32.msk $0xffff, v2  }
0x1d1: {  	[tilespmem:v62+s2+$0x0] =	vst.idx.add.s32.msk $0xffff, v2  }
0x1d2: {  	s1 =	simm.s32 $0x0;
	[tilespmem:v20+s2+$0x0] =	vst.idx.add.s32.msk $0xffff, v2  }
.LBB2_17:
0x1d3: {  	s1 =	sadd.s32 $0x10, s1;
	[tilespmem:v19+s2+$0x0] =	vst.idx.add.s32.msk $0xffff, v2;
	s0 =	sadd.s32 $0x100, s0  }
0x1d4: {  	v20 =	vld [tilespmem:s0+$0x30];
	p2 =	slt.u32 s1, $0x3F0  }
0x1d5: {  	v21 =	vld [tilespmem:s0+$0x40]  }
0x1d6: {  	v19 =	vld [tilespmem:s0+$0xFFFFFF80]  }
0x1d7: {  	v22 =	vld [tilespmem:s0+$0x70]  }
0x1d8: {  	v23 =	vld [tilespmem:s0+$0xFFFFFFD0]  }
0x1d9: {  	v24 =	vld [tilespmem:s0+$0xFFFFFFE0]  }
0x1da: {  	v25 =	vld [tilespmem:s0+$0xFFFFFFF0]  }
0x1db: {  	v26 =	vld [tilespmem:s0+$0x0]  }
0x1dc: {  	v27 =	vld [tilespmem:s0+$0x60]  }
0x1dd: {  	v28 =	vld [tilespmem:s0+$0x50]  }
0x1de: {  	[tilespmem:v19+s2+$0x0] =	vst.idx.add.s32.msk $0xffff, v2  }
0x1df: {  	[tilespmem:v22+s2+$0x0] =	vst.idx.add.s32.msk $0xffff, v2  }
0x1e0: {  	v19 =	vld [tilespmem:s0+$0xFFFFFF90]  }
0x1e1: {  	v22 =	vld [tilespmem:s0+$0xFFFFFFA0]  }
0x1e2: {  	v29 =	vld [tilespmem:s0+$0x20]  }
0x1e3: {  	v30 =	vld [tilespmem:s0+$0x10]  }
0x1e4: {  	[tilespmem:v27+s2+$0x0] =	vst.idx.add.s32.msk $0xffff, v2  }
0x1e5: {  	[tilespmem:v28+s2+$0x0] =	vst.idx.add.s32.msk $0xffff, v2  }
0x1e6: {  	[tilespmem:v21+s2+$0x0] =	vst.idx.add.s32.msk $0xffff, v2  }
0x1e7: {  	[tilespmem:v20+s2+$0x0] =	vst.idx.add.s32.msk $0xffff, v2  }
0x1e8: {  	v20 =	vld [tilespmem:s0+$0xFFFFFFC0]  }
0x1e9: {  	v21 =	vld [tilespmem:s0+$0xFFFFFFB0]  }
0x1ea: {  	[tilespmem:v29+s2+$0x0] =	vst.idx.add.s32.msk $0xffff, v2  }
0x1eb: {  	[tilespmem:v30+s2+$0x0] =	vst.idx.add.s32.msk $0xffff, v2  }
0x1ec: {  	[tilespmem:v26+s2+$0x0] =	vst.idx.add.s32.msk $0xffff, v2  }
0x1ed: {  	[tilespmem:v25+s2+$0x0] =	vst.idx.add.s32.msk $0xffff, v2  }
.Ltmp10:
0x1ee: {  	[tilespmem:v24+s2+$0x0] =	vst.idx.add.s32.msk $0xffff, v2;
	(pc) =	sbr.rel @p2 .LBB2_17-.Ltmp10, $4  }
0x1ef: {  	[tilespmem:v23+s2+$0x0] =	vst.idx.add.s32.msk $0xffff, v2  }
0x1f0: {  	[tilespmem:v20+s2+$0x0] =	vst.idx.add.s32.msk $0xffff, v2  }
0x1f1: {  	[tilespmem:v21+s2+$0x0] =	vst.idx.add.s32.msk $0xffff, v2  }
0x1f2: {  	[tilespmem:v22+s2+$0x0] =	vst.idx.add.s32.msk $0xffff, v2  }
.Ltmp11:
0x1f3: {  	_ = 	snop;
	(pc) =	sbr.rel @p1 .LBB2_19-.Ltmp11, $2  }
0x1f4: {  	_ =	sdelay $0x2  }
0x1f5: {  	[tilespmem:v19+s2+$0x0] =	vst.idx.add.s32.msk $0xffff, v2  }
.Ltmp12:
0x1f6: {  	(pc) =	sbr.rel .LBB2_14-.Ltmp12, $4  }
0x1f7: {  	s0 =	sadd.s32 s31, s12  }
0x1f8: {  	s0 =	sshrl.u32 s0, $0x3  }
0x1f9: {  	s30 =	sadd.s32 $0x1, s30;
	s0 =	sadd.s32 s3, s0  }
0x1fa: {  	[tilespmem:s23], [sflag:$0x2] =	stream.strided.gather [hbm4b:s0+s20], $0x4000, s21, s20, $0x38;
	[tilespmem:$0x10800] =	vst v63  }
.LBB2_19:
0x1fb: {  	s0 =	simm.s32 $0x0  }
0x1fc: {  	v19 =	vmov s0  }
0x1fd: {  	v19 =	vshll.u32 v19, $0x4  }
0x1fe: {  	v19 =	vor.u32 v3, v19  }
0x1ff: {  	v20 =	vor.u32 v4, v19  }
0x200: {  	v21 =	vor.u32 v1, v19  }
0x201: {  	v22 =	vor.u32 v5, v19  }
0x202: {  	v23 =	vor.u32 v6, v19  }
0x203: {  	v24 =	vor.u32 v7, v19  }
0x204: {  	v25 =	vor.u32 v8, v19;
	v20 =	vld.idx.msk [tilespmem:v20+s2+$0x0], $0xffff  }
0x205: {  	v26 =	vor.u32 v10, v19;
	v21 =	vld.idx.msk [tilespmem:v21+s2+$0x0], $0xffff  }
0x206: {  	v27 =	vor.u32 v11, v19;
	v22 =	vld.idx.msk [tilespmem:v22+s2+$0x0], $0xffff  }
0x207: {  	v28 =	vor.u32 v9, v19;
	v23 =	vld.idx.msk [tilespmem:v23+s2+$0x0], $0xffff  }
0x208: {  	v29 =	vor.u32 v12, v19;
	v24 =	vld.idx.msk [tilespmem:v24+s2+$0x0], $0xffff  }
0x209: {  	v30 =	vor.u32 v13, v19;
	v25 =	vld.idx.msk [tilespmem:v25+s2+$0x0], $0xffff  }
0x20a: {  	v31 =	vor.u32 v14, v19;
	v26 =	vld.idx.msk [tilespmem:v26+s2+$0x0], $0xffff;
	v20 =	vadd.s32 v21, v20  }
0x20b: {  	v21 =	vld.idx.msk [tilespmem:v27+s2+$0x0], $0xffff;
	v27 =	vor.u32 v15, v19;
	v20 =	vadd.s32 v22, v20  }
0x20c: {  	v58 =	vor.u32 v16, v19;
	v22 =	vld.idx.msk [tilespmem:v28+s2+$0x0], $0xffff;
	v20 =	vadd.s32 v23, v20  }
0x20d: {  	v59 =	vor.u32 v17, v19;
	v23 =	vld.idx.msk [tilespmem:v29+s2+$0x0], $0xffff;
	v20 =	vadd.s32 v24, v20  }
0x20e: {  	v19 =	vor.u32 v18, v19;
	v24 =	vld.idx.msk [tilespmem:v30+s2+$0x0], $0xffff;
	v20 =	vadd.s32 v25, v20  }
0x20f: {  	v25 =	vld.idx.msk [tilespmem:v31+s2+$0x0], $0xffff;
	v20 =	vadd.s32 v26, v20  }
0x210: {  	v26 =	vld.idx.msk [tilespmem:v27+s2+$0x0], $0xffff;
	v20 =	vadd.s32 v21, v20  }
0x211: {  	s15 =	simm.s32 $0x10;
	v21 =	vld.idx.msk [tilespmem:v58+s2+$0x0], $0xffff;
	v20 =	vadd.s32 v22, v20  }
0x212: {  	v27 =	vmov s15;
	v22 =	vld.idx.msk [tilespmem:v59+s2+$0x0], $0xffff;
	v20 =	vadd.s32 v23, v20  }
0x213: {  	v19 =	vld.idx.msk [tilespmem:v19+s2+$0x0], $0xffff;
	v23 =	vshll.u32 v27, $0x4;
	v20 =	vadd.s32 v24, v20  }
0x214: {  	v23 =	vor.u32 v3, v23;
	v20 =	vadd.s32 v25, v20  }
0x215: {  	v24 =	vor.u32 v4, v23;
	v20 =	vadd.s32 v26, v20  }
0x216: {  	v25 =	vor.u32 v1, v23;
	v20 =	vadd.s32 v21, v20  }
0x217: {  	v21 =	vor.u32 v5, v23;
	v20 =	vadd.s32 v22, v20  }
0x218: {  	s30 =	simm.s32 $0x10000;
	v22 =	vor.u32 v6, v23;
	v19 =	vadd.s32 v19, v20  }
0x219: {  	v20 =	vor.u32 v7, v23;
	[tilespmem:s30+$0x0] =	vst v19  }
0x21a: {  	v19 =	vld.idx.msk [tilespmem:v24+s2+$0x0], $0xffff;
	v24 =	vor.u32 v8, v23  }
0x21b: {  	v26 =	vor.u32 v10, v23;
	v25 =	vld.idx.msk [tilespmem:v25+s2+$0x0], $0xffff  }
0x21c: {  	v27 =	vor.u32 v11, v23;
	v21 =	vld.idx.msk [tilespmem:v21+s2+$0x0], $0xffff  }
0x21d: {  	v60 =	vor.u32 v9, v23;
	v22 =	vld.idx.msk [tilespmem:v22+s2+$0x0], $0xffff  }
0x21e: {  	v61 =	vor.u32 v12, v23;
	v20 =	vld.idx.msk [tilespmem:v20+s2+$0x0], $0xffff  }
0x21f: {  	v62 =	vor.u32 v13, v23;
	v24 =	vld.idx.msk [tilespmem:v24+s2+$0x0], $0xffff  }
0x220: {  	v63 =	vor.u32 v14, v23;
	v26 =	vld.idx.msk [tilespmem:v26+s2+$0x0], $0xffff;
	v19 =	vadd.s32 v25, v19  }
0x221: {  	v25 =	vld.idx.msk [tilespmem:v27+s2+$0x0], $0xffff;
	v27 =	vor.u32 v15, v23;
	v19 =	vadd.s32 v21, v19  }
0x222: {  	v28 =	vld.idx.msk [tilespmem:v60+s2+$0x0], $0xffff;
	v21 =	vor.u32 v16, v23;
	v19 =	vadd.s32 v22, v19  }
0x223: {  	v29 =	vld.idx.msk [tilespmem:v61+s2+$0x0], $0xffff;
	v22 =	vor.u32 v17, v23;
	v19 =	vadd.s32 v20, v19  }
0x224: {  	v30 =	vld.idx.msk [tilespmem:v62+s2+$0x0], $0xffff;
	v23 =	vor.u32 v18, v23;
	v20 =	vadd.s32 v24, v19  }
0x225: {  	v19 =	vld.idx.msk [tilespmem:v63+s2+$0x0], $0xffff;
	v24 =	vadd.s32 v26, v20  }
0x226: {  	v20 =	vld.idx.msk [tilespmem:v27+s2+$0x0], $0xffff;
	v24 =	vadd.s32 v25, v24  }
0x227: {  	s31 =	simm.s32 $0x20;
	v21 =	vld.idx.msk [tilespmem:v21+s2+$0x0], $0xffff;
	v24 =	vadd.s32 v28, v24  }
0x228: {  	v22 =	vld.idx.msk [tilespmem:v22+s2+$0x0], $0xffff;
	v25 =	vmov s31;
	v26 =	vadd.s32 v29, v24  }
0x229: {  	s0 =	simm.s32 $0x30;
	v23 =	vld.idx.msk [tilespmem:v23+s2+$0x0], $0xffff;
	v24 =	vshll.u32 v25, $0x4;
	v25 =	vadd.s32 v30, v26  }
.LBB2_20:
0x22a: {  	p1 =	sne.s32 s0, $0x7F0;
	v24 =	vor.u32 v3, v24;
	v19 =	vadd.s32 v19, v25  }
0x22b: {  	v25 =	vor.u32 v4, v24;
	v19 =	vadd.s32 v20, v19  }
0x22c: {  	v20 =	vor.u32 v1, v24;
	v19 =	vadd.s32 v21, v19  }
0x22d: {  	v21 =	vor.u32 v5, v24;
	v19 =	vadd.s32 v22, v19  }
0x22e: {  	s30 =	sadd.s32 $0x10, s30;
	v22 =	vor.u32 v6, v24;
	v19 =	vadd.s32 v23, v19  }
0x22f: {  	v23 =	vor.u32 v7, v24;
	[tilespmem:s30+$0x0] =	vst v19  }
0x230: {  	v19 =	vld.idx.msk [tilespmem:v25+s2+$0x0], $0xffff;
	v25 =	vor.u32 v8, v24  }
0x231: {  	v26 =	vor.u32 v10, v24;
	v20 =	vld.idx.msk [tilespmem:v20+s2+$0x0], $0xffff  }
0x232: {  	v27 =	vor.u32 v11, v24;
	v21 =	vld.idx.msk [tilespmem:v21+s2+$0x0], $0xffff  }
0x233: {  	v28 =	vor.u32 v9, v24;
	v22 =	vld.idx.msk [tilespmem:v22+s2+$0x0], $0xffff  }
0x234: {  	v29 =	vor.u32 v12, v24;
	v23 =	vld.idx.msk [tilespmem:v23+s2+$0x0], $0xffff  }
0x235: {  	v30 =	vor.u32 v13, v24;
	v25 =	vld.idx.msk [tilespmem:v25+s2+$0x0], $0xffff  }
0x236: {  	v31 =	vor.u32 v14, v24;
	v26 =	vld.idx.msk [tilespmem:v26+s2+$0x0], $0xffff  }
0x237: {  	v19 =	vadd.s32 v20, v19;
	v20 =	vor.u32 v15, v24;
	v27 =	vld.idx.msk [tilespmem:v27+s2+$0x0], $0xffff  }
0x238: {  	v19 =	vadd.s32 v21, v19;
	v21 =	vor.u32 v16, v24;
	v28 =	vld.idx.msk [tilespmem:v28+s2+$0x0], $0xffff  }
0x239: {  	v19 =	vadd.s32 v22, v19;
	v22 =	vor.u32 v17, v24;
	v29 =	vld.idx.msk [tilespmem:v29+s2+$0x0], $0xffff  }
0x23a: {  	v19 =	vadd.s32 v23, v19;
	v23 =	vor.u32 v18, v24;
	v30 =	vld.idx.msk [tilespmem:v30+s2+$0x0], $0xffff  }
0x23b: {  	v24 =	vadd.s32 v25, v19;
	v19 =	vld.idx.msk [tilespmem:v31+s2+$0x0], $0xffff  }
.Ltmp13:
0x23c: {  	v24 =	vadd.s32 v26, v24;
	v20 =	vld.idx.msk [tilespmem:v20+s2+$0x0], $0xffff;
	(pc) =	sbr.rel @p1 .LBB2_20-.Ltmp13, $4  }
0x23d: {  	v24 =	vadd.s32 v27, v24;
	v21 =	vld.idx.msk [tilespmem:v21+s2+$0x0], $0xffff  }
0x23e: {  	v24 =	vadd.s32 v28, v24;
	v22 =	vld.idx.msk [tilespmem:v22+s2+$0x0], $0xffff  }
0x23f: {  	v25 =	vmov s0;
	v26 =	vadd.s32 v29, v24;
	v23 =	vld.idx.msk [tilespmem:v23+s2+$0x0], $0xffff  }
0x240: {  	s0 =	sadd.s32 $0x10, s0;
	v24 =	vshll.u32 v25, $0x4;
	v25 =	vadd.s32 v30, v26  }
0x241: {  	v24 =	vor.u32 v3, v24;
	v19 =	vadd.s32 v19, v25  }
0x242: {  	v49 =	vor.u32 v4, v24;
	v19 =	vadd.s32 v20, v19  }
0x243: {  	v20 =	vor.u32 v1, v24;
	v19 =	vadd.s32 v21, v19  }
0x244: {  	v50 =	vor.u32 v5, v24;
	v19 =	vadd.s32 v22, v19  }
0x245: {  	s0 =	sadd.s32 $0x10, s30;
	v51 =	vor.u32 v6, v24;
	v19 =	vadd.s32 v23, v19  }
0x246: {  	v52 =	vor.u32 v7, v24;
	[tilespmem:s0+$0x0] =	vst v19  }
0x247: {  	v53 =	vor.u32 v8, v24;
	v19 =	vld.idx.msk [tilespmem:v49+s2+$0x0], $0xffff  }
0x248: {  	v26 =	vor.u32 v10, v24;
	v20 =	vld.idx.msk [tilespmem:v20+s2+$0x0], $0xffff  }
0x249: {  	v27 =	vor.u32 v11, v24;
	v21 =	vld.idx.msk [tilespmem:v50+s2+$0x0], $0xffff  }
0x24a: {  	v28 =	vor.u32 v9, v24;
	v22 =	vld.idx.msk [tilespmem:v51+s2+$0x0], $0xffff  }
0x24b: {  	v29 =	vor.u32 v12, v24;
	v23 =	vld.idx.msk [tilespmem:v52+s2+$0x0], $0xffff  }
0x24c: {  	v30 =	vor.u32 v13, v24;
	v25 =	vld.idx.msk [tilespmem:v53+s2+$0x0], $0xffff  }
0x24d: {  	v31 =	vor.u32 v14, v24;
	v26 =	vld.idx.msk [tilespmem:v26+s2+$0x0], $0xffff;
	v19 =	vadd.s32 v20, v19  }
0x24e: {  	v54 =	vor.u32 v15, v24;
	v20 =	vld.idx.msk [tilespmem:v27+s2+$0x0], $0xffff;
	v19 =	vadd.s32 v21, v19  }
0x24f: {  	v56 =	vor.u32 v16, v24;
	v55 =	vld.idx.msk [tilespmem:v28+s2+$0x0], $0xffff;
	v19 =	vadd.s32 v22, v19  }
0x250: {  	v58 =	vor.u32 v17, v24;
	v57 =	vld.idx.msk [tilespmem:v29+s2+$0x0], $0xffff;
	v19 =	vadd.s32 v23, v19  }
0x251: {  	v24 =	vor.u32 v18, v24;
	v59 =	vld.idx.msk [tilespmem:v30+s2+$0x0], $0xffff;
	v19 =	vadd.s32 v25, v19  }
0x252: {  	v60 =	vld.idx.msk [tilespmem:v31+s2+$0x0], $0xffff;
	v19 =	vadd.s32 v26, v19  }
0x253: {  	v61 =	vld.idx.msk [tilespmem:v54+s2+$0x0], $0xffff;
	v19 =	vadd.s32 v20, v19  }
0x254: {  	v20 =	vld.idx.msk [tilespmem:v56+s2+$0x0], $0xffff;
	v19 =	vadd.s32 v55, v19  }
0x255: {  	v62 =	vld.idx.msk [tilespmem:v58+s2+$0x0], $0xffff;
	v19 =	vadd.s32 v57, v19  }
0x256: {  	v63 =	vld.idx.msk [tilespmem:v24+s2+$0x0], $0xffff;
	v19 =	vadd.s32 v59, v19  }
0x257: {  	v19 =	vadd.s32 v60, v19  }
0x258: {  	v19 =	vadd.s32 v61, v19  }
0x259: {  	v19 =	vadd.s32 v20, v19  }
0x25a: {  	v19 =	vadd.s32 v62, v19  }
0x25b: {  	s0 =	sadd.s32 $0x10, s0;
	v19 =	vadd.s32 v63, v19  }
.Ltmp14:
0x25c: {  	[tilespmem:s0+$0x0] =	vst v19;
	(pc) =	sbr.rel @p0 .LBB2_33-.Ltmp14, $4  }
0x25d: {  	[hbm4b:s13+s20] =	stream.strided.scatter [tilespmem:s26], [sflag:$0x3], $0x800, s21, s20, $0x38;
	[tilespmem:$0x10800] =	vst v63  }
0x25e: {  	_ =	swait.ge [sflag:s28], $0x800  }
0x25f: {  	[sflag:s28] =	ssyncset.done $0x0  }
0x260: {  	s1 =	simm.s32 $0x0;
	[sflag:s28] =	ssyncadd.s32 $0xFFFFF800  }
0x261: {  	s0 =	sshra.s32 s1, $0x2;
	s1 =	sadd.s32 $0x400, s1  }
.LBB2_23:
0x262: {  	p1 =	sne.s32 s1, $0x1FC00;
	[tilespmem:s0+$0xF0] =	vst v0  }
0x263: {  	[tilespmem:s0+$0x0] =	vst v0  }
0x264: {  	[tilespmem:s0+$0x10] =	vst v0  }
0x265: {  	[tilespmem:s0+$0x20] =	vst v0  }
0x266: {  	[tilespmem:s0+$0x30] =	vst v0  }
0x267: {  	[tilespmem:s0+$0x40] =	vst v0  }
0x268: {  	[tilespmem:s0+$0x50] =	vst v0  }
0x269: {  	[tilespmem:s0+$0x60] =	vst v0  }
0x26a: {  	[tilespmem:s0+$0x70] =	vst v0  }
0x26b: {  	[tilespmem:s0+$0x80] =	vst v0  }
0x26c: {  	[tilespmem:s0+$0x90] =	vst v0  }
.Ltmp15:
0x26d: {  	[tilespmem:s0+$0xA0] =	vst v0;
	(pc) =	sbr.rel @p1 .LBB2_23-.Ltmp15, $4  }
0x26e: {  	[tilespmem:s0+$0xB0] =	vst v0  }
0x26f: {  	[tilespmem:s0+$0xC0] =	vst v0  }
0x270: {  	[tilespmem:s0+$0xD0] =	vst v0  }
0x271: {  	[tilespmem:s0+$0xE0] =	vst v0;
	s0 =	sshra.s32 s1, $0x2;
	s1 =	sadd.s32 $0x400, s1  }
0x272: {  	[tilespmem:s0+$0xF0] =	vst v0  }
0x273: {  	[tilespmem:s0+$0x0] =	vst v0  }
0x274: {  	[tilespmem:s0+$0x10] =	vst v0  }
0x275: {  	[tilespmem:s0+$0x20] =	vst v0  }
0x276: {  	[tilespmem:s0+$0x30] =	vst v0  }
0x277: {  	[tilespmem:s0+$0x40] =	vst v0  }
0x278: {  	[tilespmem:s0+$0x50] =	vst v0  }
0x279: {  	[tilespmem:s0+$0x60] =	vst v0  }
0x27a: {  	[tilespmem:s0+$0x70] =	vst v0  }
0x27b: {  	[tilespmem:s0+$0x80] =	vst v0  }
0x27c: {  	[tilespmem:s0+$0x90] =	vst v0  }
0x27d: {  	[tilespmem:s0+$0xA0] =	vst v0  }
0x27e: {  	[tilespmem:s0+$0xB0] =	vst v0  }
0x27f: {  	[tilespmem:s0+$0xC0] =	vst v0  }
0x280: {  	[tilespmem:s0+$0xD0] =	vst v0  }
0x281: {  	[tilespmem:s0+$0xE0] =	vst v0;
	s15 =	rddreg [dreg:$0x2]  }
0x282: {  	[tilespmem:s22], [sflag:$0x1] =	stream.strided.gather [hbm4b:s15+s20], $0x4000, s21, s20, $0x38;
	[tilespmem:$0x10800] =	vst v63  }
0x283: {  	s31 =	rddreg [dreg:$0x3];
	s30 =	simm.s32 $0x0  }
0x284: {  	[tilespmem:s23], [sflag:$0x2] =	stream.strided.gather [hbm4b:s31+s20], $0x4000, s21, s20, $0x38;
	[tilespmem:$0x10800] =	vst v63  }
.LBB2_25:
0x285: {  	_ =	swait.ge [sflag:s24], $0x4000  }
0x286: {  	[sflag:s24] =	ssyncset.done $0x0  }
0x287: {  	s0 =	simm.s32 $0x8080;
	[sflag:s24] =	ssyncadd.s32 $0xFFFFC000  }
0x288: {  	v20 =	vld [tilespmem:s0+$0x30]  }
0x289: {  	v21 =	vld [tilespmem:s0+$0x40]  }
0x28a: {  	v19 =	vld [tilespmem:s0+$0xFFFFFF80]  }
0x28b: {  	v22 =	vld [tilespmem:s0+$0x70]  }
0x28c: {  	v23 =	vld [tilespmem:s0+$0xFFFFFFD0]  }
0x28d: {  	v24 =	vld [tilespmem:s0+$0xFFFFFFE0]  }
0x28e: {  	v25 =	vld [tilespmem:s0+$0xFFFFFFF0]  }
0x28f: {  	v26 =	vld [tilespmem:s0+$0x0]  }
0x290: {  	v27 =	vld [tilespmem:s0+$0x60]  }
0x291: {  	v28 =	vld [tilespmem:s0+$0x50]  }
0x292: {  	v62 =	vld [tilespmem:s0+$0xFFFFFFA0]  }
0x293: {  	v29 =	vld [tilespmem:s0+$0x20]  }
0x294: {  	v30 =	vld [tilespmem:s0+$0x10]  }
0x295: {  	v63 =	vld [tilespmem:s0+$0xFFFFFFB0]  }
0x296: {  	[tilespmem:v19+s2+$0x0] =	vst.idx.add.s32.msk $0xffff, v2  }
0x297: {  	[tilespmem:v22+s2+$0x0] =	vst.idx.add.s32.msk $0xffff, v2  }
0x298: {  	v19 =	vld [tilespmem:s0+$0xFFFFFF90]  }
0x299: {  	[tilespmem:v27+s2+$0x0] =	vst.idx.add.s32.msk $0xffff, v2  }
0x29a: {  	[tilespmem:v28+s2+$0x0] =	vst.idx.add.s32.msk $0xffff, v2  }
0x29b: {  	[tilespmem:v21+s2+$0x0] =	vst.idx.add.s32.msk $0xffff, v2  }
0x29c: {  	[tilespmem:v20+s2+$0x0] =	vst.idx.add.s32.msk $0xffff, v2  }
0x29d: {  	v20 =	vld [tilespmem:s0+$0xFFFFFFC0]  }
0x29e: {  	[tilespmem:v29+s2+$0x0] =	vst.idx.add.s32.msk $0xffff, v2  }
0x29f: {  	[tilespmem:v30+s2+$0x0] =	vst.idx.add.s32.msk $0xffff, v2  }
0x2a0: {  	[tilespmem:v26+s2+$0x0] =	vst.idx.add.s32.msk $0xffff, v2  }
0x2a1: {  	[tilespmem:v25+s2+$0x0] =	vst.idx.add.s32.msk $0xffff, v2  }
0x2a2: {  	[tilespmem:v24+s2+$0x0] =	vst.idx.add.s32.msk $0xffff, v2  }
0x2a3: {  	[tilespmem:v23+s2+$0x0] =	vst.idx.add.s32.msk $0xffff, v2  }
0x2a4: {  	[tilespmem:v63+s2+$0x0] =	vst.idx.add.s32.msk $0xffff, v2  }
0x2a5: {  	[tilespmem:v62+s2+$0x0] =	vst.idx.add.s32.msk $0xffff, v2  }
0x2a6: {  	s1 =	simm.s32 $0x0;
	[tilespmem:v20+s2+$0x0] =	vst.idx.add.s32.msk $0xffff, v2  }
.LBB2_26:
0x2a7: {  	s1 =	sadd.s32 $0x10, s1;
	[tilespmem:v19+s2+$0x0] =	vst.idx.add.s32.msk $0xffff, v2;
	s0 =	sadd.s32 $0x100, s0  }
0x2a8: {  	v20 =	vld [tilespmem:s0+$0x30];
	p1 =	slt.u32 s1, $0x3F0  }
0x2a9: {  	v21 =	vld [tilespmem:s0+$0x40]  }
0x2aa: {  	v19 =	vld [tilespmem:s0+$0xFFFFFF80]  }
0x2ab: {  	v22 =	vld [tilespmem:s0+$0x70]  }
0x2ac: {  	v23 =	vld [tilespmem:s0+$0xFFFFFFD0]  }
0x2ad: {  	v24 =	vld [tilespmem:s0+$0xFFFFFFE0]  }
0x2ae: {  	v25 =	vld [tilespmem:s0+$0xFFFFFFF0]  }
0x2af: {  	v26 =	vld [tilespmem:s0+$0x0]  }
0x2b0: {  	v27 =	vld [tilespmem:s0+$0x60]  }
0x2b1: {  	v28 =	vld [tilespmem:s0+$0x50]  }
0x2b2: {  	[tilespmem:v19+s2+$0x0] =	vst.idx.add.s32.msk $0xffff, v2  }
0x2b3: {  	[tilespmem:v22+s2+$0x0] =	vst.idx.add.s32.msk $0xffff, v2  }
0x2b4: {  	v19 =	vld [tilespmem:s0+$0xFFFFFF90]  }
0x2b5: {  	v22 =	vld [tilespmem:s0+$0xFFFFFFA0]  }
0x2b6: {  	v29 =	vld [tilespmem:s0+$0x20]  }
0x2b7: {  	v30 =	vld [tilespmem:s0+$0x10]  }
0x2b8: {  	[tilespmem:v27+s2+$0x0] =	vst.idx.add.s32.msk $0xffff, v2  }
0x2b9: {  	[tilespmem:v28+s2+$0x0] =	vst.idx.add.s32.msk $0xffff, v2  }
0x2ba: {  	[tilespmem:v21+s2+$0x0] =	vst.idx.add.s32.msk $0xffff, v2  }
0x2bb: {  	[tilespmem:v20+s2+$0x0] =	vst.idx.add.s32.msk $0xffff, v2  }
0x2bc: {  	v20 =	vld [tilespmem:s0+$0xFFFFFFC0]  }
0x2bd: {  	v21 =	vld [tilespmem:s0+$0xFFFFFFB0]  }
0x2be: {  	[tilespmem:v29+s2+$0x0] =	vst.idx.add.s32.msk $0xffff, v2  }
0x2bf: {  	[tilespmem:v30+s2+$0x0] =	vst.idx.add.s32.msk $0xffff, v2  }
0x2c0: {  	[tilespmem:v26+s2+$0x0] =	vst.idx.add.s32.msk $0xffff, v2  }
0x2c1: {  	[tilespmem:v25+s2+$0x0] =	vst.idx.add.s32.msk $0xffff, v2  }
.Ltmp16:
0x2c2: {  	[tilespmem:v24+s2+$0x0] =	vst.idx.add.s32.msk $0xffff, v2;
	(pc) =	sbr.rel @p1 .LBB2_26-.Ltmp16, $4  }
0x2c3: {  	[tilespmem:v23+s2+$0x0] =	vst.idx.add.s32.msk $0xffff, v2  }
0x2c4: {  	[tilespmem:v20+s2+$0x0] =	vst.idx.add.s32.msk $0xffff, v2  }
0x2c5: {  	[tilespmem:v21+s2+$0x0] =	vst.idx.add.s32.msk $0xffff, v2  }
0x2c6: {  	[tilespmem:v22+s2+$0x0] =	vst.idx.add.s32.msk $0xffff, v2  }
0x2c7: {  	_ = 	snop  }
0x2c8: {  	s31 =	sshll.u32 s30, $0x12;
	p1 =	seq.s32 s30, $0x3  }
0x2c9: {  	s0 =	sadd.s32 @!p1 s31, s16  }
0x2ca: {  	s1 =	simm.s32 @!p1 $0x80;
	s0 =	sshrl.u32 @!p1 s0, $0x3  }
0x2cb: {  	[tilespmem:v19+s2+$0x0] =	vst.idx.add.s32.msk $0xffff, v2;
	s14 =	simm.s32 @!p1 $0x400;
	s15 =	simm.s32 @!p1 $0x8000;
	s0 =	sadd.s32 @!p1 s3, s0  }
0x2cc: {  	[tilespmem:s15], [sflag:$0x1] =	stream.strided.gather @!p1 [hbm4b:s0+s1], $0x4000, s14, s1, $0x38;
	[tilespmem:$0x10800] =	vst v63  }
0x2cd: {  	_ =	swait.ge [sflag:s25], $0x4000  }
0x2ce: {  	[sflag:s25] =	ssyncset.done $0x0  }
0x2cf: {  	s0 =	simm.s32 $0xC080;
	[sflag:s25] =	ssyncadd.s32 $0xFFFFC000  }
0x2d0: {  	v20 =	vld [tilespmem:s0+$0x30]  }
0x2d1: {  	v21 =	vld [tilespmem:s0+$0x40]  }
0x2d2: {  	v19 =	vld [tilespmem:s0+$0xFFFFFF80]  }
0x2d3: {  	v22 =	vld [tilespmem:s0+$0x70]  }
0x2d4: {  	v23 =	vld [tilespmem:s0+$0xFFFFFFD0]  }
0x2d5: {  	v24 =	vld [tilespmem:s0+$0xFFFFFFE0]  }
0x2d6: {  	v25 =	vld [tilespmem:s0+$0xFFFFFFF0]  }
0x2d7: {  	v26 =	vld [tilespmem:s0+$0x0]  }
0x2d8: {  	v27 =	vld [tilespmem:s0+$0x60]  }
0x2d9: {  	v28 =	vld [tilespmem:s0+$0x50]  }
0x2da: {  	v62 =	vld [tilespmem:s0+$0xFFFFFFA0]  }
0x2db: {  	v29 =	vld [tilespmem:s0+$0x20]  }
0x2dc: {  	v30 =	vld [tilespmem:s0+$0x10]  }
0x2dd: {  	v63 =	vld [tilespmem:s0+$0xFFFFFFB0]  }
0x2de: {  	[tilespmem:v19+s2+$0x0] =	vst.idx.add.s32.msk $0xffff, v2  }
0x2df: {  	[tilespmem:v22+s2+$0x0] =	vst.idx.add.s32.msk $0xffff, v2  }
0x2e0: {  	v19 =	vld [tilespmem:s0+$0xFFFFFF90]  }
0x2e1: {  	[tilespmem:v27+s2+$0x0] =	vst.idx.add.s32.msk $0xffff, v2  }
0x2e2: {  	[tilespmem:v28+s2+$0x0] =	vst.idx.add.s32.msk $0xffff, v2  }
0x2e3: {  	[tilespmem:v21+s2+$0x0] =	vst.idx.add.s32.msk $0xffff, v2  }
0x2e4: {  	[tilespmem:v20+s2+$0x0] =	vst.idx.add.s32.msk $0xffff, v2  }
0x2e5: {  	v20 =	vld [tilespmem:s0+$0xFFFFFFC0]  }
0x2e6: {  	[tilespmem:v29+s2+$0x0] =	vst.idx.add.s32.msk $0xffff, v2  }
0x2e7: {  	[tilespmem:v30+s2+$0x0] =	vst.idx.add.s32.msk $0xffff, v2  }
0x2e8: {  	[tilespmem:v26+s2+$0x0] =	vst.idx.add.s32.msk $0xffff, v2  }
0x2e9: {  	[tilespmem:v25+s2+$0x0] =	vst.idx.add.s32.msk $0xffff, v2  }
0x2ea: {  	[tilespmem:v24+s2+$0x0] =	vst.idx.add.s32.msk $0xffff, v2  }
0x2eb: {  	[tilespmem:v23+s2+$0x0] =	vst.idx.add.s32.msk $0xffff, v2  }
0x2ec: {  	[tilespmem:v63+s2+$0x0] =	vst.idx.add.s32.msk $0xffff, v2  }
0x2ed: {  	[tilespmem:v62+s2+$0x0] =	vst.idx.add.s32.msk $0xffff, v2  }
0x2ee: {  	s1 =	simm.s32 $0x0;
	[tilespmem:v20+s2+$0x0] =	vst.idx.add.s32.msk $0xffff, v2  }
.LBB2_28:
0x2ef: {  	s1 =	sadd.s32 $0x10, s1;
	[tilespmem:v19+s2+$0x0] =	vst.idx.add.s32.msk $0xffff, v2;
	s0 =	sadd.s32 $0x100, s0  }
0x2f0: {  	v20 =	vld [tilespmem:s0+$0x30];
	p2 =	slt.u32 s1, $0x3F0  }
0x2f1: {  	v21 =	vld [tilespmem:s0+$0x40]  }
0x2f2: {  	v19 =	vld [tilespmem:s0+$0xFFFFFF80]  }
0x2f3: {  	v22 =	vld [tilespmem:s0+$0x70]  }
0x2f4: {  	v23 =	vld [tilespmem:s0+$0xFFFFFFD0]  }
0x2f5: {  	v24 =	vld [tilespmem:s0+$0xFFFFFFE0]  }
0x2f6: {  	v25 =	vld [tilespmem:s0+$0xFFFFFFF0]  }
0x2f7: {  	v26 =	vld [tilespmem:s0+$0x0]  }
0x2f8: {  	v27 =	vld [tilespmem:s0+$0x60]  }
0x2f9: {  	v28 =	vld [tilespmem:s0+$0x50]  }
0x2fa: {  	[tilespmem:v19+s2+$0x0] =	vst.idx.add.s32.msk $0xffff, v2  }
0x2fb: {  	[tilespmem:v22+s2+$0x0] =	vst.idx.add.s32.msk $0xffff, v2  }
0x2fc: {  	v19 =	vld [tilespmem:s0+$0xFFFFFF90]  }
0x2fd: {  	v22 =	vld [tilespmem:s0+$0xFFFFFFA0]  }
0x2fe: {  	v29 =	vld [tilespmem:s0+$0x20]  }
0x2ff: {  	v30 =	vld [tilespmem:s0+$0x10]  }
0x300: {  	[tilespmem:v27+s2+$0x0] =	vst.idx.add.s32.msk $0xffff, v2  }
0x301: {  	[tilespmem:v28+s2+$0x0] =	vst.idx.add.s32.msk $0xffff, v2  }
0x302: {  	[tilespmem:v21+s2+$0x0] =	vst.idx.add.s32.msk $0xffff, v2  }
0x303: {  	[tilespmem:v20+s2+$0x0] =	vst.idx.add.s32.msk $0xffff, v2  }
0x304: {  	v20 =	vld [tilespmem:s0+$0xFFFFFFC0]  }
0x305: {  	v21 =	vld [tilespmem:s0+$0xFFFFFFB0]  }
0x306: {  	[tilespmem:v29+s2+$0x0] =	vst.idx.add.s32.msk $0xffff, v2  }
0x307: {  	[tilespmem:v30+s2+$0x0] =	vst.idx.add.s32.msk $0xffff, v2  }
0x308: {  	[tilespmem:v26+s2+$0x0] =	vst.idx.add.s32.msk $0xffff, v2  }
0x309: {  	[tilespmem:v25+s2+$0x0] =	vst.idx.add.s32.msk $0xffff, v2  }
.Ltmp17:
0x30a: {  	[tilespmem:v24+s2+$0x0] =	vst.idx.add.s32.msk $0xffff, v2;
	(pc) =	sbr.rel @p2 .LBB2_28-.Ltmp17, $4  }
0x30b: {  	[tilespmem:v23+s2+$0x0] =	vst.idx.add.s32.msk $0xffff, v2  }
0x30c: {  	[tilespmem:v20+s2+$0x0] =	vst.idx.add.s32.msk $0xffff, v2  }
0x30d: {  	[tilespmem:v21+s2+$0x0] =	vst.idx.add.s32.msk $0xffff, v2  }
0x30e: {  	[tilespmem:v22+s2+$0x0] =	vst.idx.add.s32.msk $0xffff, v2  }
.Ltmp18:
0x30f: {  	_ = 	snop;
	(pc) =	sbr.rel @p1 .LBB2_30-.Ltmp18, $2  }
0x310: {  	_ =	sdelay $0x2  }
0x311: {  	[tilespmem:v19+s2+$0x0] =	vst.idx.add.s32.msk $0xffff, v2  }
.Ltmp19:
0x312: {  	(pc) =	sbr.rel .LBB2_25-.Ltmp19, $4  }
0x313: {  	s0 =	sadd.s32 s31, s17  }
0x314: {  	s0 =	sshrl.u32 s0, $0x3  }
0x315: {  	s30 =	sadd.s32 $0x1, s30;
	s0 =	sadd.s32 s3, s0  }
0x316: {  	[tilespmem:s23], [sflag:$0x2] =	stream.strided.gather [hbm4b:s0+s20], $0x4000, s21, s20, $0x38;
	[tilespmem:$0x10800] =	vst v63  }
.LBB2_30:
0x317: {  	s0 =	simm.s32 $0x0  }
0x318: {  	v19 =	vmov s0  }
0x319: {  	v19 =	vshll.u32 v19, $0x4  }
0x31a: {  	v19 =	vor.u32 v3, v19  }
0x31b: {  	v20 =	vor.u32 v4, v19  }
0x31c: {  	v21 =	vor.u32 v1, v19  }
0x31d: {  	v22 =	vor.u32 v5, v19  }
0x31e: {  	v23 =	vor.u32 v6, v19  }
0x31f: {  	v24 =	vor.u32 v7, v19  }
0x320: {  	v25 =	vor.u32 v8, v19;
	v20 =	vld.idx.msk [tilespmem:v20+s2+$0x0], $0xffff  }
0x321: {  	v26 =	vor.u32 v10, v19;
	v21 =	vld.idx.msk [tilespmem:v21+s2+$0x0], $0xffff  }
0x322: {  	v27 =	vor.u32 v11, v19;
	v22 =	vld.idx.msk [tilespmem:v22+s2+$0x0], $0xffff  }
0x323: {  	v28 =	vor.u32 v9, v19;
	v23 =	vld.idx.msk [tilespmem:v23+s2+$0x0], $0xffff  }
0x324: {  	v29 =	vor.u32 v12, v19;
	v24 =	vld.idx.msk [tilespmem:v24+s2+$0x0], $0xffff  }
0x325: {  	v30 =	vor.u32 v13, v19;
	v25 =	vld.idx.msk [tilespmem:v25+s2+$0x0], $0xffff  }
0x326: {  	v31 =	vor.u32 v14, v19;
	v26 =	vld.idx.msk [tilespmem:v26+s2+$0x0], $0xffff;
	v20 =	vadd.s32 v21, v20  }
0x327: {  	v21 =	vld.idx.msk [tilespmem:v27+s2+$0x0], $0xffff;
	v27 =	vor.u32 v15, v19;
	v20 =	vadd.s32 v22, v20  }
0x328: {  	v58 =	vor.u32 v16, v19;
	v22 =	vld.idx.msk [tilespmem:v28+s2+$0x0], $0xffff;
	v20 =	vadd.s32 v23, v20  }
0x329: {  	v59 =	vor.u32 v17, v19;
	v23 =	vld.idx.msk [tilespmem:v29+s2+$0x0], $0xffff;
	v20 =	vadd.s32 v24, v20  }
0x32a: {  	v19 =	vor.u32 v18, v19;
	v24 =	vld.idx.msk [tilespmem:v30+s2+$0x0], $0xffff;
	v20 =	vadd.s32 v25, v20  }
0x32b: {  	v25 =	vld.idx.msk [tilespmem:v31+s2+$0x0], $0xffff;
	v20 =	vadd.s32 v26, v20  }
0x32c: {  	v26 =	vld.idx.msk [tilespmem:v27+s2+$0x0], $0xffff;
	v20 =	vadd.s32 v21, v20  }
0x32d: {  	s15 =	simm.s32 $0x10;
	v21 =	vld.idx.msk [tilespmem:v58+s2+$0x0], $0xffff;
	v20 =	vadd.s32 v22, v20  }
0x32e: {  	v27 =	vmov s15;
	v22 =	vld.idx.msk [tilespmem:v59+s2+$0x0], $0xffff;
	v20 =	vadd.s32 v23, v20  }
0x32f: {  	v19 =	vld.idx.msk [tilespmem:v19+s2+$0x0], $0xffff;
	v23 =	vshll.u32 v27, $0x4;
	v20 =	vadd.s32 v24, v20  }
0x330: {  	v23 =	vor.u32 v3, v23;
	v20 =	vadd.s32 v25, v20  }
0x331: {  	v24 =	vor.u32 v4, v23;
	v20 =	vadd.s32 v26, v20  }
0x332: {  	v25 =	vor.u32 v1, v23;
	v20 =	vadd.s32 v21, v20  }
0x333: {  	v21 =	vor.u32 v5, v23;
	v20 =	vadd.s32 v22, v20  }
0x334: {  	s30 =	simm.s32 $0x10000;
	v22 =	vor.u32 v6, v23;
	v19 =	vadd.s32 v19, v20  }
0x335: {  	v20 =	vor.u32 v7, v23;
	[tilespmem:s30+$0x0] =	vst v19  }
0x336: {  	v19 =	vld.idx.msk [tilespmem:v24+s2+$0x0], $0xffff;
	v24 =	vor.u32 v8, v23  }
0x337: {  	v26 =	vor.u32 v10, v23;
	v25 =	vld.idx.msk [tilespmem:v25+s2+$0x0], $0xffff  }
0x338: {  	v27 =	vor.u32 v11, v23;
	v21 =	vld.idx.msk [tilespmem:v21+s2+$0x0], $0xffff  }
0x339: {  	v60 =	vor.u32 v9, v23;
	v22 =	vld.idx.msk [tilespmem:v22+s2+$0x0], $0xffff  }
0x33a: {  	v61 =	vor.u32 v12, v23;
	v20 =	vld.idx.msk [tilespmem:v20+s2+$0x0], $0xffff  }
0x33b: {  	v62 =	vor.u32 v13, v23;
	v24 =	vld.idx.msk [tilespmem:v24+s2+$0x0], $0xffff  }
0x33c: {  	v63 =	vor.u32 v14, v23;
	v26 =	vld.idx.msk [tilespmem:v26+s2+$0x0], $0xffff;
	v19 =	vadd.s32 v25, v19  }
0x33d: {  	v25 =	vld.idx.msk [tilespmem:v27+s2+$0x0], $0xffff;
	v27 =	vor.u32 v15, v23;
	v19 =	vadd.s32 v21, v19  }
0x33e: {  	v28 =	vld.idx.msk [tilespmem:v60+s2+$0x0], $0xffff;
	v21 =	vor.u32 v16, v23;
	v19 =	vadd.s32 v22, v19  }
0x33f: {  	v29 =	vld.idx.msk [tilespmem:v61+s2+$0x0], $0xffff;
	v22 =	vor.u32 v17, v23;
	v19 =	vadd.s32 v20, v19  }
0x340: {  	v30 =	vld.idx.msk [tilespmem:v62+s2+$0x0], $0xffff;
	v23 =	vor.u32 v18, v23;
	v20 =	vadd.s32 v24, v19  }
0x341: {  	v19 =	vld.idx.msk [tilespmem:v63+s2+$0x0], $0xffff;
	v24 =	vadd.s32 v26, v20  }
0x342: {  	v20 =	vld.idx.msk [tilespmem:v27+s2+$0x0], $0xffff;
	v24 =	vadd.s32 v25, v24  }
0x343: {  	s31 =	simm.s32 $0x20;
	v21 =	vld.idx.msk [tilespmem:v21+s2+$0x0], $0xffff;
	v24 =	vadd.s32 v28, v24  }
0x344: {  	v22 =	vld.idx.msk [tilespmem:v22+s2+$0x0], $0xffff;
	v25 =	vmov s31;
	v26 =	vadd.s32 v29, v24  }
0x345: {  	s0 =	simm.s32 $0x30;
	v23 =	vld.idx.msk [tilespmem:v23+s2+$0x0], $0xffff;
	v24 =	vshll.u32 v25, $0x4;
	v25 =	vadd.s32 v30, v26  }
.LBB2_31:
0x346: {  	p1 =	sne.s32 s0, $0x7F0;
	v24 =	vor.u32 v3, v24;
	v19 =	vadd.s32 v19, v25  }
0x347: {  	v25 =	vor.u32 v4, v24;
	v19 =	vadd.s32 v20, v19  }
0x348: {  	v20 =	vor.u32 v1, v24;
	v19 =	vadd.s32 v21, v19  }
0x349: {  	v21 =	vor.u32 v5, v24;
	v19 =	vadd.s32 v22, v19  }
0x34a: {  	s30 =	sadd.s32 $0x10, s30;
	v22 =	vor.u32 v6, v24;
	v19 =	vadd.s32 v23, v19  }
0x34b: {  	v23 =	vor.u32 v7, v24;
	[tilespmem:s30+$0x0] =	vst v19  }
0x34c: {  	v19 =	vld.idx.msk [tilespmem:v25+s2+$0x0], $0xffff;
	v25 =	vor.u32 v8, v24  }
0x34d: {  	v26 =	vor.u32 v10, v24;
	v20 =	vld.idx.msk [tilespmem:v20+s2+$0x0], $0xffff  }
0x34e: {  	v27 =	vor.u32 v11, v24;
	v21 =	vld.idx.msk [tilespmem:v21+s2+$0x0], $0xffff  }
0x34f: {  	v28 =	vor.u32 v9, v24;
	v22 =	vld.idx.msk [tilespmem:v22+s2+$0x0], $0xffff  }
0x350: {  	v29 =	vor.u32 v12, v24;
	v23 =	vld.idx.msk [tilespmem:v23+s2+$0x0], $0xffff  }
0x351: {  	v30 =	vor.u32 v13, v24;
	v25 =	vld.idx.msk [tilespmem:v25+s2+$0x0], $0xffff  }
0x352: {  	v31 =	vor.u32 v14, v24;
	v26 =	vld.idx.msk [tilespmem:v26+s2+$0x0], $0xffff  }
0x353: {  	v19 =	vadd.s32 v20, v19;
	v20 =	vor.u32 v15, v24;
	v27 =	vld.idx.msk [tilespmem:v27+s2+$0x0], $0xffff  }
0x354: {  	v19 =	vadd.s32 v21, v19;
	v21 =	vor.u32 v16, v24;
	v28 =	vld.idx.msk [tilespmem:v28+s2+$0x0], $0xffff  }
0x355: {  	v19 =	vadd.s32 v22, v19;
	v22 =	vor.u32 v17, v24;
	v29 =	vld.idx.msk [tilespmem:v29+s2+$0x0], $0xffff  }
0x356: {  	v19 =	vadd.s32 v23, v19;
	v23 =	vor.u32 v18, v24;
	v30 =	vld.idx.msk [tilespmem:v30+s2+$0x0], $0xffff  }
0x357: {  	v24 =	vadd.s32 v25, v19;
	v19 =	vld.idx.msk [tilespmem:v31+s2+$0x0], $0xffff  }
.Ltmp20:
0x358: {  	v24 =	vadd.s32 v26, v24;
	v20 =	vld.idx.msk [tilespmem:v20+s2+$0x0], $0xffff;
	(pc) =	sbr.rel @p1 .LBB2_31-.Ltmp20, $4  }
0x359: {  	v24 =	vadd.s32 v27, v24;
	v21 =	vld.idx.msk [tilespmem:v21+s2+$0x0], $0xffff  }
0x35a: {  	v24 =	vadd.s32 v28, v24;
	v22 =	vld.idx.msk [tilespmem:v22+s2+$0x0], $0xffff  }
0x35b: {  	v25 =	vmov s0;
	v26 =	vadd.s32 v29, v24;
	v23 =	vld.idx.msk [tilespmem:v23+s2+$0x0], $0xffff  }
0x35c: {  	s0 =	sadd.s32 $0x10, s0;
	v24 =	vshll.u32 v25, $0x4;
	v25 =	vadd.s32 v30, v26  }
0x35d: {  	v24 =	vor.u32 v3, v24;
	v19 =	vadd.s32 v19, v25  }
0x35e: {  	v49 =	vor.u32 v4, v24;
	v19 =	vadd.s32 v20, v19  }
0x35f: {  	v20 =	vor.u32 v1, v24;
	v19 =	vadd.s32 v21, v19  }
0x360: {  	v50 =	vor.u32 v5, v24;
	v19 =	vadd.s32 v22, v19  }
0x361: {  	s0 =	sadd.s32 $0x10, s30;
	v51 =	vor.u32 v6, v24;
	v19 =	vadd.s32 v23, v19  }
0x362: {  	v52 =	vor.u32 v7, v24;
	[tilespmem:s0+$0x0] =	vst v19  }
0x363: {  	v53 =	vor.u32 v8, v24;
	v19 =	vld.idx.msk [tilespmem:v49+s2+$0x0], $0xffff  }
0x364: {  	v26 =	vor.u32 v10, v24;
	v20 =	vld.idx.msk [tilespmem:v20+s2+$0x0], $0xffff  }
0x365: {  	v27 =	vor.u32 v11, v24;
	v21 =	vld.idx.msk [tilespmem:v50+s2+$0x0], $0xffff  }
0x366: {  	v28 =	vor.u32 v9, v24;
	v22 =	vld.idx.msk [tilespmem:v51+s2+$0x0], $0xffff  }
0x367: {  	v29 =	vor.u32 v12, v24;
	v23 =	vld.idx.msk [tilespmem:v52+s2+$0x0], $0xffff  }
0x368: {  	v30 =	vor.u32 v13, v24;
	v25 =	vld.idx.msk [tilespmem:v53+s2+$0x0], $0xffff  }
0x369: {  	v31 =	vor.u32 v14, v24;
	v26 =	vld.idx.msk [tilespmem:v26+s2+$0x0], $0xffff;
	v19 =	vadd.s32 v20, v19  }
0x36a: {  	v54 =	vor.u32 v15, v24;
	v20 =	vld.idx.msk [tilespmem:v27+s2+$0x0], $0xffff;
	v19 =	vadd.s32 v21, v19  }
0x36b: {  	v56 =	vor.u32 v16, v24;
	v55 =	vld.idx.msk [tilespmem:v28+s2+$0x0], $0xffff;
	v19 =	vadd.s32 v22, v19  }
0x36c: {  	v58 =	vor.u32 v17, v24;
	v57 =	vld.idx.msk [tilespmem:v29+s2+$0x0], $0xffff;
	v19 =	vadd.s32 v23, v19  }
0x36d: {  	v24 =	vor.u32 v18, v24;
	v59 =	vld.idx.msk [tilespmem:v30+s2+$0x0], $0xffff;
	v19 =	vadd.s32 v25, v19  }
0x36e: {  	v60 =	vld.idx.msk [tilespmem:v31+s2+$0x0], $0xffff;
	v19 =	vadd.s32 v26, v19  }
0x36f: {  	v61 =	vld.idx.msk [tilespmem:v54+s2+$0x0], $0xffff;
	v19 =	vadd.s32 v20, v19  }
0x370: {  	v20 =	vld.idx.msk [tilespmem:v56+s2+$0x0], $0xffff;
	v19 =	vadd.s32 v55, v19  }
0x371: {  	v62 =	vld.idx.msk [tilespmem:v58+s2+$0x0], $0xffff;
	v19 =	vadd.s32 v57, v19  }
0x372: {  	v63 =	vld.idx.msk [tilespmem:v24+s2+$0x0], $0xffff;
	v19 =	vadd.s32 v59, v19  }
0x373: {  	v19 =	vadd.s32 v60, v19  }
0x374: {  	v19 =	vadd.s32 v61, v19  }
0x375: {  	v19 =	vadd.s32 v20, v19  }
0x376: {  	v19 =	vadd.s32 v62, v19  }
0x377: {  	s0 =	sadd.s32 $0x10, s0;
	v19 =	vadd.s32 v63, v19  }
.Ltmp21:
0x378: {  	[tilespmem:s0+$0x0] =	vst v19;
	(pc) =	sbr.rel .LBB2_33-.Ltmp21, $4  }
0x379: {  	[hbm4b:s18+s20] =	stream.strided.scatter [tilespmem:s26], [sflag:$0x3], $0x800, s21, s20, $0x38;
	[tilespmem:$0x10800] =	vst v63  }
0x37a: {  	_ =	swait.ge [sflag:s28], $0x800  }
0x37b: {  	[sflag:s28] =	ssyncset.done $0x0  }
0x37c: {  	[sflag:s28] =	ssyncadd.s32 $0xFFFFF800  }
.LBB2_34:
0x37d: {  	_ =	sfence.sel $0x180000  }
0x37e: {  	[bflag:$0x0] =	sbarrier.arrive $0xFFFF  }
0x37f: {  	_ =	strace $0x9000004A  }
0x380: {  	s0 =	stileid.u32;
	[bflag:$0x2] =	sbarrier.arrive $0xFFFF  }
0x381: {  	p0 =	sne.s32 s0, $0x0;
	s0 =	rddreg [dreg:$0x1]  }
0x382: {  	s0 =	sadd.s32 @!p0 $0x100000, s0  }
0x383: {  	[sflag:s0] =	ssyncadd.tile.s32 @!p0 $0x1;
	_ =	shalt  }
.Lfunc_end2:
_tile_overlayer_lowered:
.L_overlay_start_2:
0x384: {  	(tag) =	ssettag $0x2  }
0x385: {  	s0 =	rddreg [dreg:$0x0];
	s2 =	stileid.u32  }
0x386: {  	s1 =	rddreg [dreg:$0x1];
	p0 =	sne.s32 s2, $0x0  }
0x387: {  	s3 =	rddreg [dreg:$0x2];
	[bflag:$0x3] =	sbarrier.arrive $0xFFFF;
	s2 =	simm.s32 @!p0 $0x1C04  }
0x388: {  	[timem:s3], [sflag:s2] =	dma.local @!p0 [hbm:s0], s1  }
0x389: {  	s0 =	simm.s32 @!p0 $0x4  }
0x38a: {  	_ =	swait.ge @!p0 [sflag:s0], s1  }
0x38b: {  	s1 =	ssub.s32 @!p0 $0x0, s1;
	[sflag:s0] =	ssyncset.done @!p0 $0x0  }
0x38c: {  	[sflag:s0] =	ssyncadd.s32 @!p0 s1  }
0x38d: {  	[bflag:$0x3] =	sbarrier.arrive $0xFFFF  }
0x38e: {  	_ =	shalt  }

</sc_bundles>
